<compile_context>
chip_gen: v7x
topology: tpu7x:2x2x1
jax: 0.10.2.dev20260603
libtpu: 0.0.44.dev20260713+nightly
codegen_flags: <defaults>
</compile_context>

<pallas_src>
import functools

import jax
import jax.numpy as jnp
from jax import lax
from jax.experimental import pallas as pl
from jax.experimental.pallas import tpu as pltpu
from jax.experimental.pallas import tpu_sc as plsc

N = 10000
E = 320000
D = 128
H = 128
L = 2
R = 4
NT = 4
NC = 10
G = 64

NP = 10000
NB = 1000
NBLK = NP // NB
TROWS = R * NP
FC = 4
FW = H // FC

NCORES = 2
NSUB = 16
CH = 128
EPT = E // NSUB
NCH = -(-EPT // CH)
NPAIR = NCH // 2
ZROWS = 250
NZ = TROWS // NSUB // ZROWS
DUMMY = TROWS
SROWS = TROWS + 64


def _hetero_body(x_ref, nt_ref, w_ref, b_ref,
                 wrel_ref, wroot_ref, bconv_ref, wf_ref, bf_ref,
                 h_ref, hc_ref, a_ref, bm_ref, c_ref):
  i = pl.program_id(0)

  @pl.when(i == 0)
  def _():
    for l in range(L):
      bacc = jnp.zeros((H, H), jnp.float32)
      cacc = bf_ref[...]
      for r in range(R):
        wfr = wf_ref[r * H:(r + 1) * H, :]
        a_ref[l, r] = jnp.dot(wrel_ref[l, r], wfr,
                              preferred_element_type=jnp.float32)
        bacc = bacc + jnp.dot(wroot_ref[l, r], wfr,
                              preferred_element_type=jnp.float32)
        bc = bconv_ref[l]
        cacc = cacc + jnp.dot(bc[r:r + 1, :], wfr,
                              preferred_element_type=jnp.float32)
      bm_ref[l] = bacc
      c_ref[l] = cacc

  x = x_ref[...]
  nt = nt_ref[...]
  acc = jnp.zeros((NB, H), jnp.float32)
  for t in range(NT):
    m = (nt == t).astype(jnp.float32)
    acc = acc + m * (jnp.dot(x, w_ref[t], preferred_element_type=jnp.float32)
                     + b_ref[t:t + 1, :])
  h_ref[...] = acc
  for f in range(FC):
    hc_ref[f] = acc[:, f * FW:(f + 1) * FW]


def _hetero(xp, ntp, w, b, wrel, wroot, bconv, wf, bf):
  whole = lambda shape: pl.BlockSpec(shape, lambda i: tuple(0 for _ in shape))
  return pl.pallas_call(
      _hetero_body,
      grid=(NBLK,),
      in_specs=[
          pl.BlockSpec((NB, D), lambda i: (i, 0)),
          pl.BlockSpec((NB, 1), lambda i: (i, 0)),
          whole((NT, D, H)),
          whole((NT, H)),
          whole((L, R, H, H)),
          whole((L, R, H, H)),
          whole((L, R, H)),
          whole((R * H, H)),
          whole((1, H)),
      ],
      out_specs=(
          pl.BlockSpec((NB, H), lambda i: (i, 0)),
          pl.BlockSpec((FC, NB, FW), lambda i: (0, i, 0)),
          whole((L, R, H, H)),
          whole((L, H, H)),
          whole((L, 1, H)),
      ),
      out_shape=(
          jax.ShapeDtypeStruct((NP, H), jnp.float32),
          jax.ShapeDtypeStruct((FC, NP, FW), jnp.float32),
          jax.ShapeDtypeStruct((L, R, H, H), jnp.float32),
          jax.ShapeDtypeStruct((L, H, H), jnp.float32),
          jax.ShapeDtypeStruct((L, 1, H), jnp.float32),
      ),
  )(xp, ntp, w, b, wrel, wroot, bconv, wf, bf)


def _conv_body(hcat, packed, z32_h, agg_out,
               ix_a, ix_b, rows_a, rows_b, zbuf, dbuf,
               agg_s, sem_a, sem_b):
  c = lax.axis_index("c")
  s = lax.axis_index("s")
  trow0 = s * (TROWS // NSUB)

  pltpu.sync_copy(z32_h, zbuf)

  for f_i in range(2):
    f = f_i * 2 + c

    def zero_body(j, _):
      pltpu.sync_copy(zbuf, agg_s.at[pl.ds(trow0 + j * ZROWS, ZROWS)])
      return 0
    lax.fori_loop(0, NZ, zero_body, 0)
    plsc.subcore_barrier()

    pltpu.sync_copy(packed.at[f, s, 0], ix_a)
    pltpu.async_copy(hcat.at[ix_a.at[0]], rows_a, sem_a)

    def pair_body(j, _):
      k0 = 2 * j
      pltpu.sync_copy(packed.at[f, s, k0 + 1], ix_b)
      gb = pltpu.async_copy(hcat.at[ix_b.at[0]], rows_b, sem_b)
      pltpu.make_async_copy(hcat.at[ix_a.at[0]], rows_a, sem_a).wait()
      pltpu.sync_copy(rows_a, agg_s.at[ix_a.at[1]], add=True)
      pltpu.sync_copy(packed.at[f, s, k0 + 2], ix_a)
      pltpu.async_copy(hcat.at[ix_a.at[0]], rows_a, sem_a)
      gb.wait()
      pltpu.sync_copy(rows_b, agg_s.at[ix_b.at[1]], add=True)
      return 0
    lax.fori_loop(0, NPAIR, pair_body, 0)
    pltpu.make_async_copy(hcat.at[ix_a.at[0]], rows_a, sem_a).wait()
    pltpu.sync_copy(rows_a, agg_s.at[ix_a.at[1]], add=True)
    plsc.subcore_barrier()

    def drain_body(j, _):
      r0 = trow0 + j * ZROWS
      pltpu.sync_copy(agg_s.at[pl.ds(r0, ZROWS)], dbuf)
      pltpu.sync_copy(dbuf, agg_out.at[f, pl.ds(r0, ZROWS)])
      return 0
    lax.fori_loop(0, NZ, drain_body, 0)


@functools.lru_cache(maxsize=None)
def _get_conv():
  scratch = [
      pltpu.VMEM((2, CH), jnp.int32),
      pltpu.VMEM((2, CH), jnp.int32),
      pltpu.VMEM((CH, FW), jnp.float32),
      pltpu.VMEM((CH, FW), jnp.float32),
      pltpu.VMEM((ZROWS, FW), jnp.float32),
      pltpu.VMEM((ZROWS, FW), jnp.float32),
      pltpu.VMEM_SHARED((SROWS, FW), jnp.float32),
      pltpu.SemaphoreType.DMA,
      pltpu.SemaphoreType.DMA,
  ]
  mesh = plsc.VectorSubcoreMesh(core_axis_name="c", subcore_axis_name="s",
                                num_cores=NCORES, num_subcores=NSUB)
  return pl.kernel(
      _conv_body,
      out_type=jax.ShapeDtypeStruct((FC, TROWS, FW), jnp.float32),
      mesh=mesh,
      scratch_types=scratch,
      compiler_params=pltpu.CompilerParams(use_tc_tiling_on_sc=False),
  )


def _conv(*args):
  return _get_conv()(*args)


ECT = E // (NCORES * NSUB)
NCCH = -(-ECT // CH)


def _cnt_body(didx_p, ones_h, z32_h, cnt_out,
              did_a, did_b, ones32, zbuf, dbuf, agg_s, sem_c):
  c = lax.axis_index("c")
  s = lax.axis_index("s")
  w = c * NSUB + s
  trow0 = s * (TROWS // NSUB)

  pltpu.sync_copy(ones_h, ones32)
  pltpu.sync_copy(z32_h, zbuf)

  def zero_body(j, _):
    pltpu.sync_copy(zbuf, agg_s.at[pl.ds(trow0 + j * ZROWS, ZROWS)])
    return 0
  lax.fori_loop(0, NZ, zero_body, 0)
  plsc.subcore_barrier()

  pltpu.sync_copy(didx_p.at[w, 0], did_a)

  def chunk_body(j, _):
    k0 = 2 * j
    sb = pltpu.async_copy(didx_p.at[w, k0 + 1], did_b, sem_c)
    pltpu.sync_copy(ones32, agg_s.at[did_a.at[0]], add=True)
    sb.wait()
    sa = pltpu.async_copy(didx_p.at[w, k0 + 2], did_a, sem_c)
    pltpu.sync_copy(ones32, agg_s.at[did_b.at[0]], add=True)
    sa.wait()
    return 0
  lax.fori_loop(0, NCCH // 2, chunk_body, 0)
  pltpu.sync_copy(ones32, agg_s.at[did_a.at[0]], add=True)
  plsc.subcore_barrier()

  def drain_body(j, _):
    r0 = trow0 + j * ZROWS
    pltpu.sync_copy(agg_s.at[pl.ds(r0, ZROWS)], cnt_out.at[c, pl.ds(r0, ZROWS)])
    return 0
  lax.fori_loop(0, NZ, drain_body, 0)


@functools.lru_cache(maxsize=None)
def _get_cnt():
  scratch = [
      pltpu.VMEM((1, CH), jnp.int32),
      pltpu.VMEM((1, CH), jnp.int32),
      pltpu.VMEM((CH, FW), jnp.float32),
      pltpu.VMEM((ZROWS, FW), jnp.float32),
      pltpu.VMEM((ZROWS, FW), jnp.float32),
      pltpu.VMEM_SHARED((SROWS, FW), jnp.float32),
      pltpu.SemaphoreType.DMA,
  ]
  mesh = plsc.VectorSubcoreMesh(core_axis_name="c", subcore_axis_name="s",
                                num_cores=NCORES, num_subcores=NSUB)
  return pl.kernel(
      _cnt_body,
      out_type=jax.ShapeDtypeStruct((NCORES, TROWS, FW), jnp.float32),
      mesh=mesh,
      scratch_types=scratch,
      compiler_params=pltpu.CompilerParams(use_tc_tiling_on_sc=False),
  )


def _cnt(*args):
  return _get_cnt()(*args)


def _layer_acc(agg_ref, cnt_ref, h_ref, a_ref, b_ref, c_ref):
  acc = jnp.dot(h_ref[...], b_ref[...], preferred_element_type=jnp.float32)
  acc = acc + c_ref[...]
  for r in range(R):
    cnt = cnt_ref[0, r, :, 0:1] + cnt_ref[1, r, :, 0:1]
    rec = 1.0 / jnp.maximum(cnt, 1.0)
    for f in range(FC):
      a = agg_ref[f, r] * rec
      acc = acc + jnp.dot(a, a_ref[r, f], preferred_element_type=jnp.float32)
  return jnp.maximum(acc, 0.0)


def _dense0_body(agg_ref, cnt_ref, h_ref, a_ref, b_ref, c_ref,
                 hout_ref, hc_ref):
  out = _layer_acc(agg_ref, cnt_ref, h_ref, a_ref, b_ref, c_ref)
  hout_ref[...] = out
  for f in range(FC):
    hc_ref[f] = out[:, f * FW:(f + 1) * FW]


def _dense0(agg, cnt, h, a4, bm, cm):
  return pl.pallas_call(
      _dense0_body,
      grid=(NBLK,),
      in_specs=[
          pl.BlockSpec((FC, R, NB, FW), lambda i: (0, 0, i, 0)),
          pl.BlockSpec((NCORES, R, NB, 8), lambda i: (0, 0, i, 0)),
          pl.BlockSpec((NB, H), lambda i: (i, 0)),
          pl.BlockSpec((R, FC, FW, H), lambda i: (0, 0, 0, 0)),
          pl.BlockSpec((H, H), lambda i: (0, 0)),
          pl.BlockSpec((1, H), lambda i: (0, 0)),
      ],
      out_specs=(
          pl.BlockSpec((NB, H), lambda i: (i, 0)),
          pl.BlockSpec((FC, NB, FW), lambda i: (0, i, 0)),
      ),
      out_shape=(
          jax.ShapeDtypeStruct((NP, H), jnp.float32),
          jax.ShapeDtypeStruct((FC, NP, FW), jnp.float32),
      ),
  )(agg, cnt, h, a4, bm, cm)


def _dense1_pool_body(agg_ref, cnt_ref, h_ref, a_ref, b_ref, c_ref,
                      batch_ref, wc_ref, bc_ref, emb_ref, log_ref,
                      acc_sum, acc_cnt):
  i = pl.program_id(0)

  @pl.when(i == 0)
  def _():
    acc_sum[...] = jnp.zeros((G, H), jnp.float32)
    acc_cnt[...] = jnp.zeros((G, H), jnp.float32)

  out = _layer_acc(agg_ref, cnt_ref, h_ref, a_ref, b_ref, c_ref)
  oh = (batch_ref[...] == lax.broadcasted_iota(jnp.int32, (1, G), 1))
  oh = oh.astype(jnp.float32)
  acc_sum[...] += lax.dot_general(oh, out, (((0,), (0,)), ((), ())),
                                  preferred_element_type=jnp.float32)
  acc_cnt[...] += lax.dot_general(oh, jnp.ones((NB, H), jnp.float32),
                                  (((0,), (0,)), ((), ())),
                                  preferred_element_type=jnp.float32)

  @pl.when(i == NBLK - 1)
  def _():
    emb = acc_sum[...] / jnp.maximum(acc_cnt[...], 1.0)
    emb_ref[...] = emb
    log_ref[...] = (jnp.dot(emb, wc_ref[...], preferred_element_type=jnp.float32)
                    + bc_ref[...])


def _dense1_pool(agg, cnt, h, a4, bm, cm, batchp, wc, bc):
  return pl.pallas_call(
      _dense1_pool_body,
      grid=(NBLK,),
      in_specs=[
          pl.BlockSpec((FC, R, NB, FW), lambda i: (0, 0, i, 0)),
          pl.BlockSpec((NCORES, R, NB, 8), lambda i: (0, 0, i, 0)),
          pl.BlockSpec((NB, H), lambda i: (i, 0)),
          pl.BlockSpec((R, FC, FW, H), lambda i: (0, 0, 0, 0)),
          pl.BlockSpec((H, H), lambda i: (0, 0)),
          pl.BlockSpec((1, H), lambda i: (0, 0)),
          pl.BlockSpec((NB, 1), lambda i: (i, 0)),
          pl.BlockSpec((H, H), lambda i: (0, 0)),
          pl.BlockSpec((1, H), lambda i: (0, 0)),
      ],
      out_specs=(
          pl.BlockSpec((G, H), lambda i: (0, 0)),
          pl.BlockSpec((G, H), lambda i: (0, 0)),
      ),
      out_shape=(
          jax.ShapeDtypeStruct((G, H), jnp.float32),
          jax.ShapeDtypeStruct((G, H), jnp.float32),
      ),
      scratch_shapes=[
          pltpu.VMEM((G, H), jnp.float32),
          pltpu.VMEM((G, H), jnp.float32),
      ],
  )(agg, cnt, h, a4, bm, cm, batchp, wc, bc)


def kernel(x, hetero_W, hetero_b, Wrel, Wroot, bconv, W_fuse, b_fuse,
           W_cls, b_cls, node_type, edge_index, edge_type, batch):
  x = x.astype(jnp.float32)
  src = edge_index[0].astype(jnp.int32)
  dst = edge_index[1].astype(jnp.int32)
  et = edge_type.astype(jnp.int32)

  didx = et * NP + dst
  npad = NCH * CH - EPT
  src_p = jnp.pad(src.reshape(NSUB, EPT), ((0, 0), (0, npad))
                  ).reshape(1, NSUB, NCH, 1, CH)
  didx_p = jnp.pad(didx.reshape(NSUB, EPT), ((0, 0), (0, npad)),
                   constant_values=DUMMY).reshape(1, NSUB, NCH, 1, CH)
  offs = (jnp.arange(FC, dtype=jnp.int32) * NP).reshape(FC, 1, 1, 1, 1)
  packed = jnp.concatenate(
      [jnp.broadcast_to(src_p + offs, (FC, NSUB, NCH, 1, CH)),
       jnp.broadcast_to(didx_p, (FC, NSUB, NCH, 1, CH))],
      axis=3).reshape(FC, NSUB, NCH, 2 * CH).reshape(FC, NSUB, NCH, 2, CH)
  cpad = NCCH * CH - ECT
  didx_c = jnp.pad(didx.reshape(NCORES * NSUB, ECT), ((0, 0), (0, cpad)),
                   constant_values=DUMMY).reshape(NCORES * NSUB, NCCH, 1, CH)

  xp = x
  ntp = node_type.astype(jnp.int32).reshape(NP, 1)
  batchp = batch.astype(jnp.int32).reshape(NP, 1)
  ones32 = jnp.ones((CH, FW), jnp.float32)
  z32 = jnp.zeros((ZROWS, FW), jnp.float32)
  wc = jnp.pad(W_cls.astype(jnp.float32), ((0, 0), (0, H - NC)))
  bc = jnp.pad(b_cls.astype(jnp.float32), (0, H - NC)).reshape(1, H)

  h0, hc0, a_f, b_f, c_f = _hetero(
      xp, ntp, hetero_W.astype(jnp.float32), hetero_b.astype(jnp.float32),
      Wrel.astype(jnp.float32), Wroot.astype(jnp.float32),
      bconv.astype(jnp.float32), W_fuse.astype(jnp.float32),
      b_fuse.astype(jnp.float32).reshape(1, H))
  a4 = a_f.reshape(L, R, FC, FW, H)

  cnt2 = _cnt(didx_c, ones32, z32).reshape(NCORES, R, NP, FW)[:, :, :, :8]
  agg0 = _conv(hc0.reshape(FC * NP, FW), packed, z32)
  h1, hc1 = _dense0(agg0.reshape(FC, R, NP, FW), cnt2,
                    h0, a4[0], b_f[0], c_f[0])

  agg1 = _conv(hc1.reshape(FC * NP, FW), packed, z32)
  emb, logp = _dense1_pool(agg1.reshape(FC, R, NP, FW), cnt2,
                           h1, a4[1], b_f[1], c_f[1], batchp, wc, bc)
  return emb, logp[:, :NC]

# --- scband reference (transcript-rebuilt; emitter-appended) ---
"""Pipeline reference for scband-cgcn-22024592294341 (READ-ONLY COPY).

The authoritative reference and input builder live on the scoring server;
editing this copy changes nothing except your own understanding.
"""

import jax, jax.numpy as jnp
import numpy as np

N = 10000
E = 320000
D = 128
H = 128
L = 2
R = 4
NT = 4
NC = 10
G = 64


def setup_inputs(seed: int = 0) -> dict:
    key = jax.random.key(seed)
    ks = jax.random.split(key, 12)
    x = jax.random.normal(ks[0], (N, D), dtype=jnp.float32)
    node_type = jax.random.randint(ks[1], (N,), 0, NT)
    edge_index = jax.random.randint(ks[2], (2, E), 0, N)
    edge_type = jax.random.randint(ks[3], (E,), 0, R)
    batch = jnp.sort(jax.random.randint(ks[4], (N,), 0, G))
    hetero_W = jax.random.normal(ks[5], (NT, D, H), dtype=jnp.float32) / np.sqrt(D)
    hetero_b = jnp.zeros((NT, H), dtype=jnp.float32)
    Wrel = jax.random.normal(ks[6], (L, R, H, H), dtype=jnp.float32) / np.sqrt(H)
    Wroot = jax.random.normal(ks[7], (L, R, H, H), dtype=jnp.float32) / np.sqrt(H)
    bconv = jnp.zeros((L, R, H), dtype=jnp.float32)
    W_fuse = jax.random.normal(ks[8], (H * R, H), dtype=jnp.float32) / np.sqrt(H * R)
    b_fuse = jnp.zeros((H,), dtype=jnp.float32)
    W_cls = jax.random.normal(ks[9], (H, NC), dtype=jnp.float32) / np.sqrt(H)
    b_cls = jnp.zeros((NC,), dtype=jnp.float32)
    return {"x": x, "hetero_W": hetero_W, "hetero_b": hetero_b, "Wrel": Wrel, "Wroot": Wroot, "bconv": bconv, "W_fuse": W_fuse, "b_fuse": b_fuse, "W_cls": W_cls, "b_cls": b_cls, "node_type": node_type, "edge_index": edge_index, "edge_type": edge_type, "batch": batch}


def _hetero_linear(x, node_type, W, b):
    # per-node-type linear: out_i = x_i @ W[node_type_i] + b[node_type_i]
    out = jnp.zeros((x.shape[0], W.shape[2]), dtype=x.dtype)
    for t in range(NT):
        m = (node_type == t).astype(x.dtype)[:, None]
        out = out + m * (x @ W[t] + b[t])
    return out


def _cr_conv(h, src, dst, emask, W_rel, W_root, b):
    # relational graph conv: scatter-mean of gathered src features over dst,
    # restricted to edges of the given relation (emask), plus root transform.
    msgs = h[src] * emask[:, None]
    agg = jax.ops.segment_sum(msgs, dst, num_segments=N)
    cnt = jax.ops.segment_sum(emask, dst, num_segments=N)
    agg = agg / jnp.clip(cnt, 1.0)[:, None]
    return agg @ W_rel + h @ W_root + b


def reference(x, hetero_W, hetero_b, Wrel, Wroot, bconv, W_fuse, b_fuse, W_cls, b_cls, node_type, edge_index, edge_type, batch):
    h = _hetero_linear(x, node_type, hetero_W, hetero_b)
    src = edge_index[0]
    dst = edge_index[1]
    for l in range(L):
        outs = []
        for r in range(R):
            emask = (edge_type == r).astype(h.dtype)
            outs.append(_cr_conv(h, src, dst, emask, Wrel[l, r], Wroot[l, r], bconv[l, r]))
        h = jax.nn.relu(jnp.concatenate(outs, axis=1) @ W_fuse + b_fuse)
    ones = jnp.ones((N,), dtype=h.dtype)
    cnt_g = jax.ops.segment_sum(ones, batch, num_segments=G)
    emb = jax.ops.segment_sum(h, batch, num_segments=G) / jnp.clip(cnt_g, 1.0)[:, None]
    logits = emb @ W_cls + b_cls
    return (emb, logits)

if __name__ == "__main__":
    import jax
    _d = setup_inputs()
    print(jax.jit(kernel)(*tuple(_d.values())))

</pallas_src>

<mosaic_0001>
#map = affine_map<(d0, d1) -> (0, 0)>
#map1 = affine_map<(d0, d1) -> (0, 0, 0, 0, 0)>
#map2 = affine_map<(d0, d1) -> (0, 0, 0)>
module attributes {stable_mosaic.version = 14 : i64} {
  func.func @_conv_body(%arg0: i32, %arg1: i32, %arg2: memref<40000x32xf32, #tpu.memory_space<hbm>>, %arg3: memref<4x16x157x2x128xi32, #tpu.memory_space<hbm>>, %arg4: memref<250x32xf32, #tpu.memory_space<hbm>>, %arg5: memref<4x40000x32xf32, #tpu.memory_space<hbm>>, %arg6: memref<2x128xi32, #tpu.memory_space<vmem>>, %arg7: memref<2x128xi32, #tpu.memory_space<vmem>>, %arg8: memref<128x32xf32, #tpu.memory_space<vmem>>, %arg9: memref<128x32xf32, #tpu.memory_space<vmem>>, %arg10: memref<250x32xf32, #tpu.memory_space<vmem>>, %arg11: memref<250x32xf32, #tpu.memory_space<vmem>>, %arg12: memref<40064x32xf32, #tpu.memory_space<vmem_shared>>, %arg13: memref<!tpu.dma_semaphore, #tpu.memory_space<semaphore_mem>>, %arg14: memref<!tpu.dma_semaphore, #tpu.memory_space<semaphore_mem>>) attributes {dimension_semantics = [#tpu.dimension_semantics<core_parallel>, #tpu.dimension_semantics<subcore_parallel>], iteration_bounds = array<i64: 2, 16>, scalar_prefetch = 0 : i64, scratch_operands = 9 : i64, tpu.core_type = #tpu.core_type<sc_vector_subcore>, window_params = [{transform_indices = #map}, {transform_indices = #map1}, {transform_indices = #map}, {transform_indices = #map2}]} {
    %mul3A = arith.constant 2500 : i32
    %mul3A_0 = arith.muli %arg1, %mul3A : i32
    "tpu.region"() ({
      %run_scoped3A_77 = tpu.sem_alloc : memref<!tpu.dma_semaphore, #tpu.memory_space<semaphore_mem>>
      tpu.enqueue_dma source(%arg4 : memref<250x32xf32, #tpu.memory_space<hbm>>) target(%arg10 : memref<250x32xf32, #tpu.memory_space<vmem>>) target_semaphore(%run_scoped3A_77 : memref<!tpu.dma_semaphore, #tpu.memory_space<semaphore_mem>>)
      tpu.wait_dma2 semaphore(%run_scoped3A_77 : memref<!tpu.dma_semaphore, #tpu.memory_space<semaphore_mem>>) src(%arg4 : memref<250x32xf32, #tpu.memory_space<hbm>>) dst(%arg10 : memref<250x32xf32, #tpu.memory_space<vmem>>)
      tpu.yield
    }) : () -> ()
    %add3A = arith.constant 0 : i32
    %add3A_1 = arith.addi %add3A, %arg0 : i32
    %scan3A = arith.constant 0 : i32
    %scan3A_2 = arith.constant 0 : i32
    %scan3A_3 = arith.constant 10 : i32
    %scan3A_4 = arith.addi %scan3A_2, %scan3A_3 : i32
    %scan3A_5 = arith.constant 1 : i32
    %scan3A_6 = scf.for %scan3A_77 = %scan3A_2 to %scan3A_4 step %scan3A_5 iter_args(%scan3A_78 = %scan3A) -> (i32)  : i32 {
      %mul3A_79 = arith.constant 250 : i32
      %mul3A_80 = arith.muli %scan3A_77, %mul3A_79 : i32
      %add3A_81 = arith.addi %mul3A_0, %mul3A_80 : i32
      "tpu.region"() ({
        %run_scoped3A_83 = tpu.sem_alloc : memref<!tpu.dma_semaphore, #tpu.memory_space<semaphore_mem>>
        %dma_start3A_84 = arith.constant 0 : i32
        %dma_start3A_85 = tpu.memref_slice %arg12[%add3A_81, %dma_start3A_84] : memref<40064x32xf32, #tpu.memory_space<vmem_shared>> -> memref<250x32xf32, #tpu.memory_space<vmem_shared>>
        %dma_start3A_86 = arith.constant 0 : i32
        %dma_start3A_87 = tpu.memref_slice %arg12[%add3A_81, %dma_start3A_86] : memref<40064x32xf32, #tpu.memory_space<vmem_shared>> -> memref<250x32xf32, #tpu.memory_space<vmem_shared>>
        tpu.enqueue_dma source(%arg10 : memref<250x32xf32, #tpu.memory_space<vmem>>) target(%dma_start3A_87 : memref<250x32xf32, #tpu.memory_space<vmem_shared>>) target_semaphore(%run_scoped3A_83 : memref<!tpu.dma_semaphore, #tpu.memory_space<semaphore_mem>>)
        %dma_wait3A_88 = arith.constant 0 : i32
        %dma_wait3A_89 = tpu.memref_slice %arg12[%add3A_81, %dma_wait3A_88] : memref<40064x32xf32, #tpu.memory_space<vmem_shared>> -> memref<250x32xf32, #tpu.memory_space<vmem_shared>>
        %dma_wait3A_90 = arith.constant 0 : i32
        %dma_wait3A_91 = tpu.memref_slice %arg12[%add3A_81, %dma_wait3A_90] : memref<40064x32xf32, #tpu.memory_space<vmem_shared>> -> memref<250x32xf32, #tpu.memory_space<vmem_shared>>
        tpu.wait_dma2 semaphore(%run_scoped3A_83 : memref<!tpu.dma_semaphore, #tpu.memory_space<semaphore_mem>>) src(%arg10 : memref<250x32xf32, #tpu.memory_space<vmem>>) dst(%dma_wait3A_91 : memref<250x32xf32, #tpu.memory_space<vmem_shared>>)
        tpu.yield
      }) : () -> ()
      %scan3A_82 = arith.constant 0 : i32
      scf.yield %scan3A_82 : i32
    }
    %scan3A_7 = arith.constant 10 : i32
    %barrier3A = arith.constant 0 : index
    tpu.barrier barrier_id(%barrier3A)
    %run_scoped3A = arith.constant 0 : i32
    "tpu.region"() ({
      %run_scoped3A_77 = tpu.sem_alloc : memref<!tpu.dma_semaphore, #tpu.memory_space<semaphore_mem>>
      %dma_start3A_78 = arith.constant 0 : i32
      %dma_start3A_79 = arith.constant 0 : i32
      %dma_start3A_80 = tpu.memref_slice %arg3[%add3A_1, %arg1, %run_scoped3A, %dma_start3A_78, %dma_start3A_79] : memref<4x16x157x2x128xi32, #tpu.memory_space<hbm>> -> memref<1x1x1x2x128xi32, #tpu.memory_space<hbm>>
      %dma_start3A_81 = tpu.memref_squeeze %dma_start3A_80 : memref<1x1x1x2x128xi32, #tpu.memory_space<hbm>> -> memref<2x128xi32, #tpu.memory_space<hbm>>
      %dma_start3A_82 = arith.constant 0 : i32
      %dma_start3A_83 = arith.constant 0 : i32
      %dma_start3A_84 = tpu.memref_slice %arg3[%add3A_1, %arg1, %run_scoped3A, %dma_start3A_82, %dma_start3A_83] : memref<4x16x157x2x128xi32, #tpu.memory_space<hbm>> -> memref<1x1x1x2x128xi32, #tpu.memory_space<hbm>>
      %dma_start3A_85 = tpu.memref_squeeze %dma_start3A_84 : memref<1x1x1x2x128xi32, #tpu.memory_space<hbm>> -> memref<2x128xi32, #tpu.memory_space<hbm>>
      tpu.enqueue_dma source(%dma_start3A_85 : memref<2x128xi32, #tpu.memory_space<hbm>>) target(%arg6 : memref<2x128xi32, #tpu.memory_space<vmem>>) target_semaphore(%run_scoped3A_77 : memref<!tpu.dma_semaphore, #tpu.memory_space<semaphore_mem>>)
      %dma_wait3A_86 = arith.constant 0 : i32
      %dma_wait3A_87 = arith.constant 0 : i32
      %dma_wait3A_88 = tpu.memref_slice %arg3[%add3A_1, %arg1, %run_scoped3A, %dma_wait3A_86, %dma_wait3A_87] : memref<4x16x157x2x128xi32, #tpu.memory_space<hbm>> -> memref<1x1x1x2x128xi32, #tpu.memory_space<hbm>>
      %dma_wait3A_89 = tpu.memref_squeeze %dma_wait3A_88 : memref<1x1x1x2x128xi32, #tpu.memory_space<hbm>> -> memref<2x128xi32, #tpu.memory_space<hbm>>
      %dma_wait3A_90 = arith.constant 0 : i32
      %dma_wait3A_91 = arith.constant 0 : i32
      %dma_wait3A_92 = tpu.memref_slice %arg3[%add3A_1, %arg1, %run_scoped3A, %dma_wait3A_90, %dma_wait3A_91] : memref<4x16x157x2x128xi32, #tpu.memory_space<hbm>> -> memref<1x1x1x2x128xi32, #tpu.memory_space<hbm>>
      %dma_wait3A_93 = tpu.memref_squeeze %dma_wait3A_92 : memref<1x1x1x2x128xi32, #tpu.memory_space<hbm>> -> memref<2x128xi32, #tpu.memory_space<hbm>>
      tpu.wait_dma2 semaphore(%run_scoped3A_77 : memref<!tpu.dma_semaphore, #tpu.memory_space<semaphore_mem>>) src(%dma_wait3A_93 : memref<2x128xi32, #tpu.memory_space<hbm>>) dst(%arg6 : memref<2x128xi32, #tpu.memory_space<vmem>>)
      tpu.yield
    }) : () -> ()
    %dma_start3A = arith.constant 0 : i32
    %dma_start3A_8 = arith.constant 0 : i32
    %dma_start3A_9 = tpu.memref_slice %arg6[%dma_start3A, %dma_start3A_8] : memref<2x128xi32, #tpu.memory_space<vmem>> -> memref<1x128xi32, #tpu.memory_space<vmem>>
    %dma_start3A_10 = tpu.memref_squeeze %dma_start3A_9 : memref<1x128xi32, #tpu.memory_space<vmem>> -> memref<128xi32, #tpu.memory_space<vmem>>
    %dma_start3A_11 = arith.constant 0 : i32
    %dma_start3A_12 = arith.constant 0 : i32
    %dma_start3A_13 = tpu.memref_slice %arg2[%dma_start3A_11, %dma_start3A_12] : memref<40000x32xf32, #tpu.memory_space<hbm>> -> memref<40000x32xf32, #tpu.memory_space<hbm>>
    tpu.enqueue_indirect_dma source(%dma_start3A_13 : memref<40000x32xf32, #tpu.memory_space<hbm>>) target(%arg8 : memref<128x32xf32, #tpu.memory_space<vmem>>) offsets(%dma_start3A_10 : memref<128xi32, #tpu.memory_space<vmem>>) semaphore(%arg13 : memref<!tpu.dma_semaphore, #tpu.memory_space<semaphore_mem>>)
    %scan3A_14 = arith.constant 0 : i32
    %scan3A_15 = arith.constant 0 : i32
    %scan3A_16 = arith.constant 78 : i32
    %scan3A_17 = arith.addi %scan3A_15, %scan3A_16 : i32
    %scan3A_18 = arith.constant 1 : i32
    %scan3A_19 = scf.for %scan3A_77 = %scan3A_15 to %scan3A_17 step %scan3A_18 iter_args(%scan3A_78 = %scan3A_14) -> (i32)  : i32 {
      %mul3A_79 = arith.constant 2 : i32
      %mul3A_80 = arith.muli %mul3A_79, %scan3A_77 : i32
      %add3A_81 = arith.constant 1 : i32
      %add3A_82 = arith.addi %mul3A_80, %add3A_81 : i32
      "tpu.region"() ({
        %run_scoped3A_116 = tpu.sem_alloc : memref<!tpu.dma_semaphore, #tpu.memory_space<semaphore_mem>>
        %dma_start3A_117 = arith.constant 0 : i32
        %dma_start3A_118 = arith.constant 0 : i32
        %dma_start3A_119 = tpu.memref_slice %arg3[%add3A_1, %arg1, %add3A_82, %dma_start3A_117, %dma_start3A_118] : memref<4x16x157x2x128xi32, #tpu.memory_space<hbm>> -> memref<1x1x1x2x128xi32, #tpu.memory_space<hbm>>
        %dma_start3A_120 = tpu.memref_squeeze %dma_start3A_119 : memref<1x1x1x2x128xi32, #tpu.memory_space<hbm>> -> memref<2x128xi32, #tpu.memory_space<hbm>>
        %dma_start3A_121 = arith.constant 0 : i32
        %dma_start3A_122 = arith.constant 0 : i32
        %dma_start3A_123 = tpu.memref_slice %arg3[%add3A_1, %arg1, %add3A_82, %dma_start3A_121, %dma_start3A_122] : memref<4x16x157x2x128xi32, #tpu.memory_space<hbm>> -> memref<1x1x1x2x128xi32, #tpu.memory_space<hbm>>
        %dma_start3A_124 = tpu.memref_squeeze %dma_start3A_123 : memref<1x1x1x2x128xi32, #tpu.memory_space<hbm>> -> memref<2x128xi32, #tpu.memory_space<hbm>>
        tpu.enqueue_dma source(%dma_start3A_124 : memref<2x128xi32, #tpu.memory_space<hbm>>) target(%arg7 : memref<2x128xi32, #tpu.memory_space<vmem>>) target_semaphore(%run_scoped3A_116 : memref<!tpu.dma_semaphore, #tpu.memory_space<semaphore_mem>>)
        %dma_wait3A_125 = arith.constant 0 : i32
        %dma_wait3A_126 = arith.constant 0 : i32
        %dma_wait3A_127 = tpu.memref_slice %arg3[%add3A_1, %arg1, %add3A_82, %dma_wait3A_125, %dma_wait3A_126] : memref<4x16x157x2x128xi32, #tpu.memory_space<hbm>> -> memref<1x1x1x2x128xi32, #tpu.memory_space<hbm>>
        %dma_wait3A_128 = tpu.memref_squeeze %dma_wait3A_127 : memref<1x1x1x2x128xi32, #tpu.memory_space<hbm>> -> memref<2x128xi32, #tpu.memory_space<hbm>>
        %dma_wait3A_129 = arith.constant 0 : i32
        %dma_wait3A_130 = arith.constant 0 : i32
        %dma_wait3A_131 = tpu.memref_slice %arg3[%add3A_1, %arg1, %add3A_82, %dma_wait3A_129, %dma_wait3A_130] : memref<4x16x157x2x128xi32, #tpu.memory_space<hbm>> -> memref<1x1x1x2x128xi32, #tpu.memory_space<hbm>>
        %dma_wait3A_132 = tpu.memref_squeeze %dma_wait3A_131 : memref<1x1x1x2x128xi32, #tpu.memory_space<hbm>> -> memref<2x128xi32, #tpu.memory_space<hbm>>
        tpu.wait_dma2 semaphore(%run_scoped3A_116 : memref<!tpu.dma_semaphore, #tpu.memory_space<semaphore_mem>>) src(%dma_wait3A_132 : memref<2x128xi32, #tpu.memory_space<hbm>>) dst(%arg7 : memref<2x128xi32, #tpu.memory_space<vmem>>)
        tpu.yield
      }) : () -> ()
      %dma_start3A_83 = arith.constant 0 : i32
      %dma_start3A_84 = arith.constant 0 : i32
      %dma_start3A_85 = tpu.memref_slice %arg7[%dma_start3A_83, %dma_start3A_84] : memref<2x128xi32, #tpu.memory_space<vmem>> -> memref<1x128xi32, #tpu.memory_space<vmem>>
      %dma_start3A_86 = tpu.memref_squeeze %dma_start3A_85 : memref<1x128xi32, #tpu.memory_space<vmem>> -> memref<128xi32, #tpu.memory_space<vmem>>
      %dma_start3A_87 = arith.constant 0 : i32
      %dma_start3A_88 = arith.constant 0 : i32
      %dma_start3A_89 = tpu.memref_slice %arg2[%dma_start3A_87, %dma_start3A_88] : memref<40000x32xf32, #tpu.memory_space<hbm>> -> memref<40000x32xf32, #tpu.memory_space<hbm>>
      tpu.enqueue_indirect_dma source(%dma_start3A_89 : memref<40000x32xf32, #tpu.memory_space<hbm>>) target(%arg9 : memref<128x32xf32, #tpu.memory_space<vmem>>) offsets(%dma_start3A_86 : memref<128xi32, #tpu.memory_space<vmem>>) semaphore(%arg14 : memref<!tpu.dma_semaphore, #tpu.memory_space<semaphore_mem>>)
      %dma_wait3A_90 = arith.constant 0 : i32
      %dma_wait3A_91 = arith.constant 0 : i32
      %dma_wait3A_92 = tpu.memref_slice %arg6[%dma_wait3A_90, %dma_wait3A_91] : memref<2x128xi32, #tpu.memory_space<vmem>> -> memref<1x128xi32, #tpu.memory_space<vmem>>
      %dma_wait3A_93 = tpu.memref_squeeze %dma_wait3A_92 : memref<1x128xi32, #tpu.memory_space<vmem>> -> memref<128xi32, #tpu.memory_space<vmem>>
      %dma_wait3A_94 = arith.constant 0 : i32
      %dma_wait3A_95 = arith.constant 0 : i32
      %dma_wait3A_96 = tpu.memref_slice %arg2[%dma_wait3A_94, %dma_wait3A_95] : memref<40000x32xf32, #tpu.memory_space<hbm>> -> memref<40000x32xf32, #tpu.memory_space<hbm>>
      tpu.wait_indirect_dma semaphore(%arg13 : memref<!tpu.dma_semaphore, #tpu.memory_space<semaphore_mem>>) src(%dma_wait3A_96 : memref<40000x32xf32, #tpu.memory_space<hbm>>) dst(%arg8 : memref<128x32xf32, #tpu.memory_space<vmem>>)
      %run_scoped3A_97 = arith.constant 1 : i32
      "tpu.region"() ({
        %run_scoped3A_116 = tpu.sem_alloc : memref<!tpu.dma_semaphore, #tpu.memory_space<semaphore_mem>>
        %dma_start3A_117 = arith.constant 0 : i32
        %dma_start3A_118 = tpu.memref_slice %arg6[%run_scoped3A_97, %dma_start3A_117] : memref<2x128xi32, #tpu.memory_space<vmem>> -> memref<1x128xi32, #tpu.memory_space<vmem>>
        %dma_start3A_119 = tpu.memref_squeeze %dma_start3A_118 : memref<1x128xi32, #tpu.memory_space<vmem>> -> memref<128xi32, #tpu.memory_space<vmem>>
        %dma_start3A_120 = arith.constant 0 : i32
        %dma_start3A_121 = arith.constant 0 : i32
        %dma_start3A_122 = tpu.memref_slice %arg12[%dma_start3A_120, %dma_start3A_121] : memref<40064x32xf32, #tpu.memory_space<vmem_shared>> -> memref<40064x32xf32, #tpu.memory_space<vmem_shared>>
        tpu.enqueue_indirect_dma source(%arg8 : memref<128x32xf32, #tpu.memory_space<vmem>>) target(%dma_start3A_122 : memref<40064x32xf32, #tpu.memory_space<vmem_shared>>) offsets(%dma_start3A_119 : memref<128xi32, #tpu.memory_space<vmem>>) semaphore(%run_scoped3A_116 : memref<!tpu.dma_semaphore, #tpu.memory_space<semaphore_mem>>) {add = true}
        %dma_wait3A_123 = arith.constant 0 : i32
        %dma_wait3A_124 = tpu.memref_slice %arg6[%run_scoped3A_97, %dma_wait3A_123] : memref<2x128xi32, #tpu.memory_space<vmem>> -> memref<1x128xi32, #tpu.memory_space<vmem>>
        %dma_wait3A_125 = tpu.memref_squeeze %dma_wait3A_124 : memref<1x128xi32, #tpu.memory_space<vmem>> -> memref<128xi32, #tpu.memory_space<vmem>>
        %dma_wait3A_126 = arith.constant 0 : i32
        %dma_wait3A_127 = arith.constant 0 : i32
        %dma_wait3A_128 = tpu.memref_slice %arg12[%dma_wait3A_126, %dma_wait3A_127] : memref<40064x32xf32, #tpu.memory_space<vmem_shared>> -> memref<40064x32xf32, #tpu.memory_space<vmem_shared>>
        tpu.wait_indirect_dma semaphore(%run_scoped3A_116 : memref<!tpu.dma_semaphore, #tpu.memory_space<semaphore_mem>>) src(%arg8 : memref<128x32xf32, #tpu.memory_space<vmem>>) dst(%dma_wait3A_128 : memref<40064x32xf32, #tpu.memory_space<vmem_shared>>)
        tpu.yield
      }) : () -> ()
      %add3A_98 = arith.constant 2 : i32
      %add3A_99 = arith.addi %mul3A_80, %add3A_98 : i32
      "tpu.region"() ({
        %run_scoped3A_116 = tpu.sem_alloc : memref<!tpu.dma_semaphore, #tpu.memory_space<semaphore_mem>>
        %dma_start3A_117 = arith.constant 0 : i32
        %dma_start3A_118 = arith.constant 0 : i32
        %dma_start3A_119 = tpu.memref_slice %arg3[%add3A_1, %arg1, %add3A_99, %dma_start3A_117, %dma_start3A_118] : memref<4x16x157x2x128xi32, #tpu.memory_space<hbm>> -> memref<1x1x1x2x128xi32, #tpu.memory_space<hbm>>
        %dma_start3A_120 = tpu.memref_squeeze %dma_start3A_119 : memref<1x1x1x2x128xi32, #tpu.memory_space<hbm>> -> memref<2x128xi32, #tpu.memory_space<hbm>>
        %dma_start3A_121 = arith.constant 0 : i32
        %dma_start3A_122 = arith.constant 0 : i32
        %dma_start3A_123 = tpu.memref_slice %arg3[%add3A_1, %arg1, %add3A_99, %dma_start3A_121, %dma_start3A_122] : memref<4x16x157x2x128xi32, #tpu.memory_space<hbm>> -> memref<1x1x1x2x128xi32, #tpu.memory_space<hbm>>
        %dma_start3A_124 = tpu.memref_squeeze %dma_start3A_123 : memref<1x1x1x2x128xi32, #tpu.memory_space<hbm>> -> memref<2x128xi32, #tpu.memory_space<hbm>>
        tpu.enqueue_dma source(%dma_start3A_124 : memref<2x128xi32, #tpu.memory_space<hbm>>) target(%arg6 : memref<2x128xi32, #tpu.memory_space<vmem>>) target_semaphore(%run_scoped3A_116 : memref<!tpu.dma_semaphore, #tpu.memory_space<semaphore_mem>>)
        %dma_wait3A_125 = arith.constant 0 : i32
        %dma_wait3A_126 = arith.constant 0 : i32
        %dma_wait3A_127 = tpu.memref_slice %arg3[%add3A_1, %arg1, %add3A_99, %dma_wait3A_125, %dma_wait3A_126] : memref<4x16x157x2x128xi32, #tpu.memory_space<hbm>> -> memref<1x1x1x2x128xi32, #tpu.memory_space<hbm>>
        %dma_wait3A_128 = tpu.memref_squeeze %dma_wait3A_127 : memref<1x1x1x2x128xi32, #tpu.memory_space<hbm>> -> memref<2x128xi32, #tpu.memory_space<hbm>>
        %dma_wait3A_129 = arith.constant 0 : i32
        %dma_wait3A_130 = arith.constant 0 : i32
        %dma_wait3A_131 = tpu.memref_slice %arg3[%add3A_1, %arg1, %add3A_99, %dma_wait3A_129, %dma_wait3A_130] : memref<4x16x157x2x128xi32, #tpu.memory_space<hbm>> -> memref<1x1x1x2x128xi32, #tpu.memory_space<hbm>>
        %dma_wait3A_132 = tpu.memref_squeeze %dma_wait3A_131 : memref<1x1x1x2x128xi32, #tpu.memory_space<hbm>> -> memref<2x128xi32, #tpu.memory_space<hbm>>
        tpu.wait_dma2 semaphore(%run_scoped3A_116 : memref<!tpu.dma_semaphore, #tpu.memory_space<semaphore_mem>>) src(%dma_wait3A_132 : memref<2x128xi32, #tpu.memory_space<hbm>>) dst(%arg6 : memref<2x128xi32, #tpu.memory_space<vmem>>)
        tpu.yield
      }) : () -> ()
      %dma_start3A_100 = arith.constant 0 : i32
      %dma_start3A_101 = arith.constant 0 : i32
      %dma_start3A_102 = tpu.memref_slice %arg6[%dma_start3A_100, %dma_start3A_101] : memref<2x128xi32, #tpu.memory_space<vmem>> -> memref<1x128xi32, #tpu.memory_space<vmem>>
      %dma_start3A_103 = tpu.memref_squeeze %dma_start3A_102 : memref<1x128xi32, #tpu.memory_space<vmem>> -> memref<128xi32, #tpu.memory_space<vmem>>
      %dma_start3A_104 = arith.constant 0 : i32
      %dma_start3A_105 = arith.constant 0 : i32
      %dma_start3A_106 = tpu.memref_slice %arg2[%dma_start3A_104, %dma_start3A_105] : memref<40000x32xf32, #tpu.memory_space<hbm>> -> memref<40000x32xf32, #tpu.memory_space<hbm>>
      tpu.enqueue_indirect_dma source(%dma_start3A_106 : memref<40000x32xf32, #tpu.memory_space<hbm>>) target(%arg8 : memref<128x32xf32, #tpu.memory_space<vmem>>) offsets(%dma_start3A_103 : memref<128xi32, #tpu.memory_space<vmem>>) semaphore(%arg13 : memref<!tpu.dma_semaphore, #tpu.memory_space<semaphore_mem>>)
      %dma_wait3A_107 = arith.constant 0 : i32
      %dma_wait3A_108 = arith.constant 0 : i32
      %dma_wait3A_109 = tpu.memref_slice %arg7[%dma_wait3A_107, %dma_wait3A_108] : memref<2x128xi32, #tpu.memory_space<vmem>> -> memref<1x128xi32, #tpu.memory_space<vmem>>
      %dma_wait3A_110 = tpu.memref_squeeze %dma_wait3A_109 : memref<1x128xi32, #tpu.memory_space<vmem>> -> memref<128xi32, #tpu.memory_space<vmem>>
      %dma_wait3A_111 = arith.constant 0 : i32
      %dma_wait3A_112 = arith.constant 0 : i32
      %dma_wait3A_113 = tpu.memref_slice %arg2[%dma_wait3A_111, %dma_wait3A_112] : memref<40000x32xf32, #tpu.memory_space<hbm>> -> memref<40000x32xf32, #tpu.memory_space<hbm>>
      tpu.wait_indirect_dma semaphore(%arg14 : memref<!tpu.dma_semaphore, #tpu.memory_space<semaphore_mem>>) src(%dma_wait3A_113 : memref<40000x32xf32, #tpu.memory_space<hbm>>) dst(%arg9 : memref<128x32xf32, #tpu.memory_space<vmem>>)
      %run_scoped3A_114 = arith.constant 1 : i32
      "tpu.region"() ({
        %run_scoped3A_116 = tpu.sem_alloc : memref<!tpu.dma_semaphore, #tpu.memory_space<semaphore_mem>>
        %dma_start3A_117 = arith.constant 0 : i32
        %dma_start3A_118 = tpu.memref_slice %arg7[%run_scoped3A_114, %dma_start3A_117] : memref<2x128xi32, #tpu.memory_space<vmem>> -> memref<1x128xi32, #tpu.memory_space<vmem>>
        %dma_start3A_119 = tpu.memref_squeeze %dma_start3A_118 : memref<1x128xi32, #tpu.memory_space<vmem>> -> memref<128xi32, #tpu.memory_space<vmem>>
        %dma_start3A_120 = arith.constant 0 : i32
        %dma_start3A_121 = arith.constant 0 : i32
        %dma_start3A_122 = tpu.memref_slice %arg12[%dma_start3A_120, %dma_start3A_121] : memref<40064x32xf32, #tpu.memory_space<vmem_shared>> -> memref<40064x32xf32, #tpu.memory_space<vmem_shared>>
        tpu.enqueue_indirect_dma source(%arg9 : memref<128x32xf32, #tpu.memory_space<vmem>>) target(%dma_start3A_122 : memref<40064x32xf32, #tpu.memory_space<vmem_shared>>) offsets(%dma_start3A_119 : memref<128xi32, #tpu.memory_space<vmem>>) semaphore(%run_scoped3A_116 : memref<!tpu.dma_semaphore, #tpu.memory_space<semaphore_mem>>) {add = true}
        %dma_wait3A_123 = arith.constant 0 : i32
        %dma_wait3A_124 = tpu.memref_slice %arg7[%run_scoped3A_114, %dma_wait3A_123] : memref<2x128xi32, #tpu.memory_space<vmem>> -> memref<1x128xi32, #tpu.memory_space<vmem>>
        %dma_wait3A_125 = tpu.memref_squeeze %dma_wait3A_124 : memref<1x128xi32, #tpu.memory_space<vmem>> -> memref<128xi32, #tpu.memory_space<vmem>>
        %dma_wait3A_126 = arith.constant 0 : i32
        %dma_wait3A_127 = arith.constant 0 : i32
        %dma_wait3A_128 = tpu.memref_slice %arg12[%dma_wait3A_126, %dma_wait3A_127] : memref<40064x32xf32, #tpu.memory_space<vmem_shared>> -> memref<40064x32xf32, #tpu.memory_space<vmem_shared>>
        tpu.wait_indirect_dma semaphore(%run_scoped3A_116 : memref<!tpu.dma_semaphore, #tpu.memory_space<semaphore_mem>>) src(%arg9 : memref<128x32xf32, #tpu.memory_space<vmem>>) dst(%dma_wait3A_128 : memref<40064x32xf32, #tpu.memory_space<vmem_shared>>)
        tpu.yield
      }) : () -> ()
      %scan3A_115 = arith.constant 0 : i32
      scf.yield %scan3A_115 : i32
    }
    %scan3A_20 = arith.constant 78 : i32
    %dma_wait3A = arith.constant 0 : i32
    %dma_wait3A_21 = arith.constant 0 : i32
    %dma_wait3A_22 = tpu.memref_slice %arg6[%dma_wait3A, %dma_wait3A_21] : memref<2x128xi32, #tpu.memory_space<vmem>> -> memref<1x128xi32, #tpu.memory_space<vmem>>
    %dma_wait3A_23 = tpu.memref_squeeze %dma_wait3A_22 : memref<1x128xi32, #tpu.memory_space<vmem>> -> memref<128xi32, #tpu.memory_space<vmem>>
    %dma_wait3A_24 = arith.constant 0 : i32
    %dma_wait3A_25 = arith.constant 0 : i32
    %dma_wait3A_26 = tpu.memref_slice %arg2[%dma_wait3A_24, %dma_wait3A_25] : memref<40000x32xf32, #tpu.memory_space<hbm>> -> memref<40000x32xf32, #tpu.memory_space<hbm>>
    tpu.wait_indirect_dma semaphore(%arg13 : memref<!tpu.dma_semaphore, #tpu.memory_space<semaphore_mem>>) src(%dma_wait3A_26 : memref<40000x32xf32, #tpu.memory_space<hbm>>) dst(%arg8 : memref<128x32xf32, #tpu.memory_space<vmem>>)
    %run_scoped3A_27 = arith.constant 1 : i32
    "tpu.region"() ({
      %run_scoped3A_77 = tpu.sem_alloc : memref<!tpu.dma_semaphore, #tpu.memory_space<semaphore_mem>>
      %dma_start3A_78 = arith.constant 0 : i32
      %dma_start3A_79 = tpu.memref_slice %arg6[%run_scoped3A_27, %dma_start3A_78] : memref<2x128xi32, #tpu.memory_space<vmem>> -> memref<1x128xi32, #tpu.memory_space<vmem>>
      %dma_start3A_80 = tpu.memref_squeeze %dma_start3A_79 : memref<1x128xi32, #tpu.memory_space<vmem>> -> memref<128xi32, #tpu.memory_space<vmem>>
      %dma_start3A_81 = arith.constant 0 : i32
      %dma_start3A_82 = arith.constant 0 : i32
      %dma_start3A_83 = tpu.memref_slice %arg12[%dma_start3A_81, %dma_start3A_82] : memref<40064x32xf32, #tpu.memory_space<vmem_shared>> -> memref<40064x32xf32, #tpu.memory_space<vmem_shared>>
      tpu.enqueue_indirect_dma source(%arg8 : memref<128x32xf32, #tpu.memory_space<vmem>>) target(%dma_start3A_83 : memref<40064x32xf32, #tpu.memory_space<vmem_shared>>) offsets(%dma_start3A_80 : memref<128xi32, #tpu.memory_space<vmem>>) semaphore(%run_scoped3A_77 : memref<!tpu.dma_semaphore, #tpu.memory_space<semaphore_mem>>) {add = true}
      %dma_wait3A_84 = arith.constant 0 : i32
      %dma_wait3A_85 = tpu.memref_slice %arg6[%run_scoped3A_27, %dma_wait3A_84] : memref<2x128xi32, #tpu.memory_space<vmem>> -> memref<1x128xi32, #tpu.memory_space<vmem>>
      %dma_wait3A_86 = tpu.memref_squeeze %dma_wait3A_85 : memref<1x128xi32, #tpu.memory_space<vmem>> -> memref<128xi32, #tpu.memory_space<vmem>>
      %dma_wait3A_87 = arith.constant 0 : i32
      %dma_wait3A_88 = arith.constant 0 : i32
      %dma_wait3A_89 = tpu.memref_slice %arg12[%dma_wait3A_87, %dma_wait3A_88] : memref<40064x32xf32, #tpu.memory_space<vmem_shared>> -> memref<40064x32xf32, #tpu.memory_space<vmem_shared>>
      tpu.wait_indirect_dma semaphore(%run_scoped3A_77 : memref<!tpu.dma_semaphore, #tpu.memory_space<semaphore_mem>>) src(%arg8 : memref<128x32xf32, #tpu.memory_space<vmem>>) dst(%dma_wait3A_89 : memref<40064x32xf32, #tpu.memory_space<vmem_shared>>)
      tpu.yield
    }) : () -> ()
    %barrier3A_28 = arith.constant 0 : index
    tpu.barrier barrier_id(%barrier3A_28)
    %scan3A_29 = arith.constant 0 : i32
    %scan3A_30 = arith.constant 0 : i32
    %scan3A_31 = arith.constant 10 : i32
    %scan3A_32 = arith.addi %scan3A_30, %scan3A_31 : i32
    %scan3A_33 = arith.constant 1 : i32
    %scan3A_34 = scf.for %scan3A_77 = %scan3A_30 to %scan3A_32 step %scan3A_33 iter_args(%scan3A_78 = %scan3A_29) -> (i32)  : i32 {
      %mul3A_79 = arith.constant 250 : i32
      %mul3A_80 = arith.muli %scan3A_77, %mul3A_79 : i32
      %add3A_81 = arith.addi %mul3A_0, %mul3A_80 : i32
      "tpu.region"() ({
        %run_scoped3A_83 = tpu.sem_alloc : memref<!tpu.dma_semaphore, #tpu.memory_space<semaphore_mem>>
        %dma_start3A_84 = arith.constant 0 : i32
        %dma_start3A_85 = tpu.memref_slice %arg12[%add3A_81, %dma_start3A_84] : memref<40064x32xf32, #tpu.memory_space<vmem_shared>> -> memref<250x32xf32, #tpu.memory_space<vmem_shared>>
        %dma_start3A_86 = arith.constant 0 : i32
        %dma_start3A_87 = tpu.memref_slice %arg12[%add3A_81, %dma_start3A_86] : memref<40064x32xf32, #tpu.memory_space<vmem_shared>> -> memref<250x32xf32, #tpu.memory_space<vmem_shared>>
        tpu.enqueue_dma source(%dma_start3A_87 : memref<250x32xf32, #tpu.memory_space<vmem_shared>>) target(%arg11 : memref<250x32xf32, #tpu.memory_space<vmem>>) target_semaphore(%run_scoped3A_83 : memref<!tpu.dma_semaphore, #tpu.memory_space<semaphore_mem>>)
        %dma_wait3A_88 = arith.constant 0 : i32
        %dma_wait3A_89 = tpu.memref_slice %arg12[%add3A_81, %dma_wait3A_88] : memref<40064x32xf32, #tpu.memory_space<vmem_shared>> -> memref<250x32xf32, #tpu.memory_space<vmem_shared>>
        %dma_wait3A_90 = arith.constant 0 : i32
        %dma_wait3A_91 = tpu.memref_slice %arg12[%add3A_81, %dma_wait3A_90] : memref<40064x32xf32, #tpu.memory_space<vmem_shared>> -> memref<250x32xf32, #tpu.memory_space<vmem_shared>>
        tpu.wait_dma2 semaphore(%run_scoped3A_83 : memref<!tpu.dma_semaphore, #tpu.memory_space<semaphore_mem>>) src(%dma_wait3A_91 : memref<250x32xf32, #tpu.memory_space<vmem_shared>>) dst(%arg11 : memref<250x32xf32, #tpu.memory_space<vmem>>)
        tpu.yield
      }) : () -> ()
      "tpu.region"() ({
        %run_scoped3A_83 = tpu.sem_alloc : memref<!tpu.dma_semaphore, #tpu.memory_space<semaphore_mem>>
        %dma_start3A_84 = arith.constant 0 : i32
        %dma_start3A_85 = tpu.memref_slice %arg5[%add3A_1, %add3A_81, %dma_start3A_84] : memref<4x40000x32xf32, #tpu.memory_space<hbm>> -> memref<1x250x32xf32, #tpu.memory_space<hbm>>
        %dma_start3A_86 = tpu.memref_squeeze %dma_start3A_85 : memref<1x250x32xf32, #tpu.memory_space<hbm>> -> memref<250x32xf32, #tpu.memory_space<hbm>>
        %dma_start3A_87 = arith.constant 0 : i32
        %dma_start3A_88 = tpu.memref_slice %arg5[%add3A_1, %add3A_81, %dma_start3A_87] : memref<4x40000x32xf32, #tpu.memory_space<hbm>> -> memref<1x250x32xf32, #tpu.memory_space<hbm>>
        %dma_start3A_89 = tpu.memref_squeeze %dma_start3A_88 : memref<1x250x32xf32, #tpu.memory_space<hbm>> -> memref<250x32xf32, #tpu.memory_space<hbm>>
        tpu.enqueue_dma source(%arg11 : memref<250x32xf32, #tpu.memory_space<vmem>>) target(%dma_start3A_89 : memref<250x32xf32, #tpu.memory_space<hbm>>) target_semaphore(%run_scoped3A_83 : memref<!tpu.dma_semaphore, #tpu.memory_space<semaphore_mem>>)
        %dma_wait3A_90 = arith.constant 0 : i32
        %dma_wait3A_91 = tpu.memref_slice %arg5[%add3A_1, %add3A_81, %dma_wait3A_90] : memref<4x40000x32xf32, #tpu.memory_space<hbm>> -> memref<1x250x32xf32, #tpu.memory_space<hbm>>
        %dma_wait3A_92 = tpu.memref_squeeze %dma_wait3A_91 : memref<1x250x32xf32, #tpu.memory_space<hbm>> -> memref<250x32xf32, #tpu.memory_space<hbm>>
        %dma_wait3A_93 = arith.constant 0 : i32
        %dma_wait3A_94 = tpu.memref_slice %arg5[%add3A_1, %add3A_81, %dma_wait3A_93] : memref<4x40000x32xf32, #tpu.memory_space<hbm>> -> memref<1x250x32xf32, #tpu.memory_space<hbm>>
        %dma_wait3A_95 = tpu.memref_squeeze %dma_wait3A_94 : memref<1x250x32xf32, #tpu.memory_space<hbm>> -> memref<250x32xf32, #tpu.memory_space<hbm>>
        tpu.wait_dma2 semaphore(%run_scoped3A_83 : memref<!tpu.dma_semaphore, #tpu.memory_space<semaphore_mem>>) src(%arg11 : memref<250x32xf32, #tpu.memory_space<vmem>>) dst(%dma_wait3A_95 : memref<250x32xf32, #tpu.memory_space<hbm>>)
        tpu.yield
      }) : () -> ()
      %scan3A_82 = arith.constant 0 : i32
      scf.yield %scan3A_82 : i32
    }
    %scan3A_35 = arith.constant 10 : i32
    %add3A_36 = arith.constant 2 : i32
    %add3A_37 = arith.addi %add3A_36, %arg0 : i32
    %scan3A_38 = arith.constant 0 : i32
    %scan3A_39 = arith.constant 0 : i32
    %scan3A_40 = arith.constant 10 : i32
    %scan3A_41 = arith.addi %scan3A_39, %scan3A_40 : i32
    %scan3A_42 = arith.constant 1 : i32
    %scan3A_43 = scf.for %scan3A_77 = %scan3A_39 to %scan3A_41 step %scan3A_42 iter_args(%scan3A_78 = %scan3A_38) -> (i32)  : i32 {
      %mul3A_79 = arith.constant 250 : i32
      %mul3A_80 = arith.muli %scan3A_77, %mul3A_79 : i32
      %add3A_81 = arith.addi %mul3A_0, %mul3A_80 : i32
      "tpu.region"() ({
        %run_scoped3A_83 = tpu.sem_alloc : memref<!tpu.dma_semaphore, #tpu.memory_space<semaphore_mem>>
        %dma_start3A_84 = arith.constant 0 : i32
        %dma_start3A_85 = tpu.memref_slice %arg12[%add3A_81, %dma_start3A_84] : memref<40064x32xf32, #tpu.memory_space<vmem_shared>> -> memref<250x32xf32, #tpu.memory_space<vmem_shared>>
        %dma_start3A_86 = arith.constant 0 : i32
        %dma_start3A_87 = tpu.memref_slice %arg12[%add3A_81, %dma_start3A_86] : memref<40064x32xf32, #tpu.memory_space<vmem_shared>> -> memref<250x32xf32, #tpu.memory_space<vmem_shared>>
        tpu.enqueue_dma source(%arg10 : memref<250x32xf32, #tpu.memory_space<vmem>>) target(%dma_start3A_87 : memref<250x32xf32, #tpu.memory_space<vmem_shared>>) target_semaphore(%run_scoped3A_83 : memref<!tpu.dma_semaphore, #tpu.memory_space<semaphore_mem>>)
        %dma_wait3A_88 = arith.constant 0 : i32
        %dma_wait3A_89 = tpu.memref_slice %arg12[%add3A_81, %dma_wait3A_88] : memref<40064x32xf32, #tpu.memory_space<vmem_shared>> -> memref<250x32xf32, #tpu.memory_space<vmem_shared>>
        %dma_wait3A_90 = arith.constant 0 : i32
        %dma_wait3A_91 = tpu.memref_slice %arg12[%add3A_81, %dma_wait3A_90] : memref<40064x32xf32, #tpu.memory_space<vmem_shared>> -> memref<250x32xf32, #tpu.memory_space<vmem_shared>>
        tpu.wait_dma2 semaphore(%run_scoped3A_83 : memref<!tpu.dma_semaphore, #tpu.memory_space<semaphore_mem>>) src(%arg10 : memref<250x32xf32, #tpu.memory_space<vmem>>) dst(%dma_wait3A_91 : memref<250x32xf32, #tpu.memory_space<vmem_shared>>)
        tpu.yield
      }) : () -> ()
      %scan3A_82 = arith.constant 0 : i32
      scf.yield %scan3A_82 : i32
    }
    %scan3A_44 = arith.constant 10 : i32
    %barrier3A_45 = arith.constant 0 : index
    tpu.barrier barrier_id(%barrier3A_45)
    %run_scoped3A_46 = arith.constant 0 : i32
    "tpu.region"() ({
      %run_scoped3A_77 = tpu.sem_alloc : memref<!tpu.dma_semaphore, #tpu.memory_space<semaphore_mem>>
      %dma_start3A_78 = arith.constant 0 : i32
      %dma_start3A_79 = arith.constant 0 : i32
      %dma_start3A_80 = tpu.memref_slice %arg3[%add3A_37, %arg1, %run_scoped3A_46, %dma_start3A_78, %dma_start3A_79] : memref<4x16x157x2x128xi32, #tpu.memory_space<hbm>> -> memref<1x1x1x2x128xi32, #tpu.memory_space<hbm>>
      %dma_start3A_81 = tpu.memref_squeeze %dma_start3A_80 : memref<1x1x1x2x128xi32, #tpu.memory_space<hbm>> -> memref<2x128xi32, #tpu.memory_space<hbm>>
      %dma_start3A_82 = arith.constant 0 : i32
      %dma_start3A_83 = arith.constant 0 : i32
      %dma_start3A_84 = tpu.memref_slice %arg3[%add3A_37, %arg1, %run_scoped3A_46, %dma_start3A_82, %dma_start3A_83] : memref<4x16x157x2x128xi32, #tpu.memory_space<hbm>> -> memref<1x1x1x2x128xi32, #tpu.memory_space<hbm>>
      %dma_start3A_85 = tpu.memref_squeeze %dma_start3A_84 : memref<1x1x1x2x128xi32, #tpu.memory_space<hbm>> -> memref<2x128xi32, #tpu.memory_space<hbm>>
      tpu.enqueue_dma source(%dma_start3A_85 : memref<2x128xi32, #tpu.memory_space<hbm>>) target(%arg6 : memref<2x128xi32, #tpu.memory_space<vmem>>) target_semaphore(%run_scoped3A_77 : memref<!tpu.dma_semaphore, #tpu.memory_space<semaphore_mem>>)
      %dma_wait3A_86 = arith.constant 0 : i32
      %dma_wait3A_87 = arith.constant 0 : i32
      %dma_wait3A_88 = tpu.memref_slice %arg3[%add3A_37, %arg1, %run_scoped3A_46, %dma_wait3A_86, %dma_wait3A_87] : memref<4x16x157x2x128xi32, #tpu.memory_space<hbm>> -> memref<1x1x1x2x128xi32, #tpu.memory_space<hbm>>
      %dma_wait3A_89 = tpu.memref_squeeze %dma_wait3A_88 : memref<1x1x1x2x128xi32, #tpu.memory_space<hbm>> -> memref<2x128xi32, #tpu.memory_space<hbm>>
      %dma_wait3A_90 = arith.constant 0 : i32
      %dma_wait3A_91 = arith.constant 0 : i32
      %dma_wait3A_92 = tpu.memref_slice %arg3[%add3A_37, %arg1, %run_scoped3A_46, %dma_wait3A_90, %dma_wait3A_91] : memref<4x16x157x2x128xi32, #tpu.memory_space<hbm>> -> memref<1x1x1x2x128xi32, #tpu.memory_space<hbm>>
      %dma_wait3A_93 = tpu.memref_squeeze %dma_wait3A_92 : memref<1x1x1x2x128xi32, #tpu.memory_space<hbm>> -> memref<2x128xi32, #tpu.memory_space<hbm>>
      tpu.wait_dma2 semaphore(%run_scoped3A_77 : memref<!tpu.dma_semaphore, #tpu.memory_space<semaphore_mem>>) src(%dma_wait3A_93 : memref<2x128xi32, #tpu.memory_space<hbm>>) dst(%arg6 : memref<2x128xi32, #tpu.memory_space<vmem>>)
      tpu.yield
    }) : () -> ()
    %dma_start3A_47 = arith.constant 0 : i32
    %dma_start3A_48 = arith.constant 0 : i32
    %dma_start3A_49 = tpu.memref_slice %arg6[%dma_start3A_47, %dma_start3A_48] : memref<2x128xi32, #tpu.memory_space<vmem>> -> memref<1x128xi32, #tpu.memory_space<vmem>>
    %dma_start3A_50 = tpu.memref_squeeze %dma_start3A_49 : memref<1x128xi32, #tpu.memory_space<vmem>> -> memref<128xi32, #tpu.memory_space<vmem>>
    %dma_start3A_51 = arith.constant 0 : i32
    %dma_start3A_52 = arith.constant 0 : i32
    %dma_start3A_53 = tpu.memref_slice %arg2[%dma_start3A_51, %dma_start3A_52] : memref<40000x32xf32, #tpu.memory_space<hbm>> -> memref<40000x32xf32, #tpu.memory_space<hbm>>
    tpu.enqueue_indirect_dma source(%dma_start3A_53 : memref<40000x32xf32, #tpu.memory_space<hbm>>) target(%arg8 : memref<128x32xf32, #tpu.memory_space<vmem>>) offsets(%dma_start3A_50 : memref<128xi32, #tpu.memory_space<vmem>>) semaphore(%arg13 : memref<!tpu.dma_semaphore, #tpu.memory_space<semaphore_mem>>)
    %scan3A_54 = arith.constant 0 : i32
    %scan3A_55 = arith.constant 0 : i32
    %scan3A_56 = arith.constant 78 : i32
    %scan3A_57 = arith.addi %scan3A_55, %scan3A_56 : i32
    %scan3A_58 = arith.constant 1 : i32
    %scan3A_59 = scf.for %scan3A_77 = %scan3A_55 to %scan3A_57 step %scan3A_58 iter_args(%scan3A_78 = %scan3A_54) -> (i32)  : i32 {
      %mul3A_79 = arith.constant 2 : i32
      %mul3A_80 = arith.muli %mul3A_79, %scan3A_77 : i32
      %add3A_81 = arith.constant 1 : i32
      %add3A_82 = arith.addi %mul3A_80, %add3A_81 : i32
      "tpu.region"() ({
        %run_scoped3A_116 = tpu.sem_alloc : memref<!tpu.dma_semaphore, #tpu.memory_space<semaphore_mem>>
        %dma_start3A_117 = arith.constant 0 : i32
        %dma_start3A_118 = arith.constant 0 : i32
        %dma_start3A_119 = tpu.memref_slice %arg3[%add3A_37, %arg1, %add3A_82, %dma_start3A_117, %dma_start3A_118] : memref<4x16x157x2x128xi32, #tpu.memory_space<hbm>> -> memref<1x1x1x2x128xi32, #tpu.memory_space<hbm>>
        %dma_start3A_120 = tpu.memref_squeeze %dma_start3A_119 : memref<1x1x1x2x128xi32, #tpu.memory_space<hbm>> -> memref<2x128xi32, #tpu.memory_space<hbm>>
        %dma_start3A_121 = arith.constant 0 : i32
        %dma_start3A_122 = arith.constant 0 : i32
        %dma_start3A_123 = tpu.memref_slice %arg3[%add3A_37, %arg1, %add3A_82, %dma_start3A_121, %dma_start3A_122] : memref<4x16x157x2x128xi32, #tpu.memory_space<hbm>> -> memref<1x1x1x2x128xi32, #tpu.memory_space<hbm>>
        %dma_start3A_124 = tpu.memref_squeeze %dma_start3A_123 : memref<1x1x1x2x128xi32, #tpu.memory_space<hbm>> -> memref<2x128xi32, #tpu.memory_space<hbm>>
        tpu.enqueue_dma source(%dma_start3A_124 : memref<2x128xi32, #tpu.memory_space<hbm>>) target(%arg7 : memref<2x128xi32, #tpu.memory_space<vmem>>) target_semaphore(%run_scoped3A_116 : memref<!tpu.dma_semaphore, #tpu.memory_space<semaphore_mem>>)
        %dma_wait3A_125 = arith.constant 0 : i32
        %dma_wait3A_126 = arith.constant 0 : i32
        %dma_wait3A_127 = tpu.memref_slice %arg3[%add3A_37, %arg1, %add3A_82, %dma_wait3A_125, %dma_wait3A_126] : memref<4x16x157x2x128xi32, #tpu.memory_space<hbm>> -> memref<1x1x1x2x128xi32, #tpu.memory_space<hbm>>
        %dma_wait3A_128 = tpu.memref_squeeze %dma_wait3A_127 : memref<1x1x1x2x128xi32, #tpu.memory_space<hbm>> -> memref<2x128xi32, #tpu.memory_space<hbm>>
        %dma_wait3A_129 = arith.constant 0 : i32
        %dma_wait3A_130 = arith.constant 0 : i32
        %dma_wait3A_131 = tpu.memref_slice %arg3[%add3A_37, %arg1, %add3A_82, %dma_wait3A_129, %dma_wait3A_130] : memref<4x16x157x2x128xi32, #tpu.memory_space<hbm>> -> memref<1x1x1x2x128xi32, #tpu.memory_space<hbm>>
        %dma_wait3A_132 = tpu.memref_squeeze %dma_wait3A_131 : memref<1x1x1x2x128xi32, #tpu.memory_space<hbm>> -> memref<2x128xi32, #tpu.memory_space<hbm>>
        tpu.wait_dma2 semaphore(%run_scoped3A_116 : memref<!tpu.dma_semaphore, #tpu.memory_space<semaphore_mem>>) src(%dma_wait3A_132 : memref<2x128xi32, #tpu.memory_space<hbm>>) dst(%arg7 : memref<2x128xi32, #tpu.memory_space<vmem>>)
        tpu.yield
      }) : () -> ()
      %dma_start3A_83 = arith.constant 0 : i32
      %dma_start3A_84 = arith.constant 0 : i32
      %dma_start3A_85 = tpu.memref_slice %arg7[%dma_start3A_83, %dma_start3A_84] : memref<2x128xi32, #tpu.memory_space<vmem>> -> memref<1x128xi32, #tpu.memory_space<vmem>>
      %dma_start3A_86 = tpu.memref_squeeze %dma_start3A_85 : memref<1x128xi32, #tpu.memory_space<vmem>> -> memref<128xi32, #tpu.memory_space<vmem>>
      %dma_start3A_87 = arith.constant 0 : i32
      %dma_start3A_88 = arith.constant 0 : i32
      %dma_start3A_89 = tpu.memref_slice %arg2[%dma_start3A_87, %dma_start3A_88] : memref<40000x32xf32, #tpu.memory_space<hbm>> -> memref<40000x32xf32, #tpu.memory_space<hbm>>
      tpu.enqueue_indirect_dma source(%dma_start3A_89 : memref<40000x32xf32, #tpu.memory_space<hbm>>) target(%arg9 : memref<128x32xf32, #tpu.memory_space<vmem>>) offsets(%dma_start3A_86 : memref<128xi32, #tpu.memory_space<vmem>>) semaphore(%arg14 : memref<!tpu.dma_semaphore, #tpu.memory_space<semaphore_mem>>)
      %dma_wait3A_90 = arith.constant 0 : i32
      %dma_wait3A_91 = arith.constant 0 : i32
      %dma_wait3A_92 = tpu.memref_slice %arg6[%dma_wait3A_90, %dma_wait3A_91] : memref<2x128xi32, #tpu.memory_space<vmem>> -> memref<1x128xi32, #tpu.memory_space<vmem>>
      %dma_wait3A_93 = tpu.memref_squeeze %dma_wait3A_92 : memref<1x128xi32, #tpu.memory_space<vmem>> -> memref<128xi32, #tpu.memory_space<vmem>>
      %dma_wait3A_94 = arith.constant 0 : i32
      %dma_wait3A_95 = arith.constant 0 : i32
      %dma_wait3A_96 = tpu.memref_slice %arg2[%dma_wait3A_94, %dma_wait3A_95] : memref<40000x32xf32, #tpu.memory_space<hbm>> -> memref<40000x32xf32, #tpu.memory_space<hbm>>
      tpu.wait_indirect_dma semaphore(%arg13 : memref<!tpu.dma_semaphore, #tpu.memory_space<semaphore_mem>>) src(%dma_wait3A_96 : memref<40000x32xf32, #tpu.memory_space<hbm>>) dst(%arg8 : memref<128x32xf32, #tpu.memory_space<vmem>>)
      %run_scoped3A_97 = arith.constant 1 : i32
      "tpu.region"() ({
        %run_scoped3A_116 = tpu.sem_alloc : memref<!tpu.dma_semaphore, #tpu.memory_space<semaphore_mem>>
        %dma_start3A_117 = arith.constant 0 : i32
        %dma_start3A_118 = tpu.memref_slice %arg6[%run_scoped3A_97, %dma_start3A_117] : memref<2x128xi32, #tpu.memory_space<vmem>> -> memref<1x128xi32, #tpu.memory_space<vmem>>
        %dma_start3A_119 = tpu.memref_squeeze %dma_start3A_118 : memref<1x128xi32, #tpu.memory_space<vmem>> -> memref<128xi32, #tpu.memory_space<vmem>>
        %dma_start3A_120 = arith.constant 0 : i32
        %dma_start3A_121 = arith.constant 0 : i32
        %dma_start3A_122 = tpu.memref_slice %arg12[%dma_start3A_120, %dma_start3A_121] : memref<40064x32xf32, #tpu.memory_space<vmem_shared>> -> memref<40064x32xf32, #tpu.memory_space<vmem_shared>>
        tpu.enqueue_indirect_dma source(%arg8 : memref<128x32xf32, #tpu.memory_space<vmem>>) target(%dma_start3A_122 : memref<40064x32xf32, #tpu.memory_space<vmem_shared>>) offsets(%dma_start3A_119 : memref<128xi32, #tpu.memory_space<vmem>>) semaphore(%run_scoped3A_116 : memref<!tpu.dma_semaphore, #tpu.memory_space<semaphore_mem>>) {add = true}
        %dma_wait3A_123 = arith.constant 0 : i32
        %dma_wait3A_124 = tpu.memref_slice %arg6[%run_scoped3A_97, %dma_wait3A_123] : memref<2x128xi32, #tpu.memory_space<vmem>> -> memref<1x128xi32, #tpu.memory_space<vmem>>
        %dma_wait3A_125 = tpu.memref_squeeze %dma_wait3A_124 : memref<1x128xi32, #tpu.memory_space<vmem>> -> memref<128xi32, #tpu.memory_space<vmem>>
        %dma_wait3A_126 = arith.constant 0 : i32
        %dma_wait3A_127 = arith.constant 0 : i32
        %dma_wait3A_128 = tpu.memref_slice %arg12[%dma_wait3A_126, %dma_wait3A_127] : memref<40064x32xf32, #tpu.memory_space<vmem_shared>> -> memref<40064x32xf32, #tpu.memory_space<vmem_shared>>
        tpu.wait_indirect_dma semaphore(%run_scoped3A_116 : memref<!tpu.dma_semaphore, #tpu.memory_space<semaphore_mem>>) src(%arg8 : memref<128x32xf32, #tpu.memory_space<vmem>>) dst(%dma_wait3A_128 : memref<40064x32xf32, #tpu.memory_space<vmem_shared>>)
        tpu.yield
      }) : () -> ()
      %add3A_98 = arith.constant 2 : i32
      %add3A_99 = arith.addi %mul3A_80, %add3A_98 : i32
      "tpu.region"() ({
        %run_scoped3A_116 = tpu.sem_alloc : memref<!tpu.dma_semaphore, #tpu.memory_space<semaphore_mem>>
        %dma_start3A_117 = arith.constant 0 : i32
        %dma_start3A_118 = arith.constant 0 : i32
        %dma_start3A_119 = tpu.memref_slice %arg3[%add3A_37, %arg1, %add3A_99, %dma_start3A_117, %dma_start3A_118] : memref<4x16x157x2x128xi32, #tpu.memory_space<hbm>> -> memref<1x1x1x2x128xi32, #tpu.memory_space<hbm>>
        %dma_start3A_120 = tpu.memref_squeeze %dma_start3A_119 : memref<1x1x1x2x128xi32, #tpu.memory_space<hbm>> -> memref<2x128xi32, #tpu.memory_space<hbm>>
        %dma_start3A_121 = arith.constant 0 : i32
        %dma_start3A_122 = arith.constant 0 : i32
        %dma_start3A_123 = tpu.memref_slice %arg3[%add3A_37, %arg1, %add3A_99, %dma_start3A_121, %dma_start3A_122] : memref<4x16x157x2x128xi32, #tpu.memory_space<hbm>> -> memref<1x1x1x2x128xi32, #tpu.memory_space<hbm>>
        %dma_start3A_124 = tpu.memref_squeeze %dma_start3A_123 : memref<1x1x1x2x128xi32, #tpu.memory_space<hbm>> -> memref<2x128xi32, #tpu.memory_space<hbm>>
        tpu.enqueue_dma source(%dma_start3A_124 : memref<2x128xi32, #tpu.memory_space<hbm>>) target(%arg6 : memref<2x128xi32, #tpu.memory_space<vmem>>) target_semaphore(%run_scoped3A_116 : memref<!tpu.dma_semaphore, #tpu.memory_space<semaphore_mem>>)
        %dma_wait3A_125 = arith.constant 0 : i32
        %dma_wait3A_126 = arith.constant 0 : i32
        %dma_wait3A_127 = tpu.memref_slice %arg3[%add3A_37, %arg1, %add3A_99, %dma_wait3A_125, %dma_wait3A_126] : memref<4x16x157x2x128xi32, #tpu.memory_space<hbm>> -> memref<1x1x1x2x128xi32, #tpu.memory_space<hbm>>
        %dma_wait3A_128 = tpu.memref_squeeze %dma_wait3A_127 : memref<1x1x1x2x128xi32, #tpu.memory_space<hbm>> -> memref<2x128xi32, #tpu.memory_space<hbm>>
        %dma_wait3A_129 = arith.constant 0 : i32
        %dma_wait3A_130 = arith.constant 0 : i32
        %dma_wait3A_131 = tpu.memref_slice %arg3[%add3A_37, %arg1, %add3A_99, %dma_wait3A_129, %dma_wait3A_130] : memref<4x16x157x2x128xi32, #tpu.memory_space<hbm>> -> memref<1x1x1x2x128xi32, #tpu.memory_space<hbm>>
        %dma_wait3A_132 = tpu.memref_squeeze %dma_wait3A_131 : memref<1x1x1x2x128xi32, #tpu.memory_space<hbm>> -> memref<2x128xi32, #tpu.memory_space<hbm>>
        tpu.wait_dma2 semaphore(%run_scoped3A_116 : memref<!tpu.dma_semaphore, #tpu.memory_space<semaphore_mem>>) src(%dma_wait3A_132 : memref<2x128xi32, #tpu.memory_space<hbm>>) dst(%arg6 : memref<2x128xi32, #tpu.memory_space<vmem>>)
        tpu.yield
      }) : () -> ()
      %dma_start3A_100 = arith.constant 0 : i32
      %dma_start3A_101 = arith.constant 0 : i32
      %dma_start3A_102 = tpu.memref_slice %arg6[%dma_start3A_100, %dma_start3A_101] : memref<2x128xi32, #tpu.memory_space<vmem>> -> memref<1x128xi32, #tpu.memory_space<vmem>>
      %dma_start3A_103 = tpu.memref_squeeze %dma_start3A_102 : memref<1x128xi32, #tpu.memory_space<vmem>> -> memref<128xi32, #tpu.memory_space<vmem>>
      %dma_start3A_104 = arith.constant 0 : i32
      %dma_start3A_105 = arith.constant 0 : i32
      %dma_start3A_106 = tpu.memref_slice %arg2[%dma_start3A_104, %dma_start3A_105] : memref<40000x32xf32, #tpu.memory_space<hbm>> -> memref<40000x32xf32, #tpu.memory_space<hbm>>
      tpu.enqueue_indirect_dma source(%dma_start3A_106 : memref<40000x32xf32, #tpu.memory_space<hbm>>) target(%arg8 : memref<128x32xf32, #tpu.memory_space<vmem>>) offsets(%dma_start3A_103 : memref<128xi32, #tpu.memory_space<vmem>>) semaphore(%arg13 : memref<!tpu.dma_semaphore, #tpu.memory_space<semaphore_mem>>)
      %dma_wait3A_107 = arith.constant 0 : i32
      %dma_wait3A_108 = arith.constant 0 : i32
      %dma_wait3A_109 = tpu.memref_slice %arg7[%dma_wait3A_107, %dma_wait3A_108] : memref<2x128xi32, #tpu.memory_space<vmem>> -> memref<1x128xi32, #tpu.memory_space<vmem>>
      %dma_wait3A_110 = tpu.memref_squeeze %dma_wait3A_109 : memref<1x128xi32, #tpu.memory_space<vmem>> -> memref<128xi32, #tpu.memory_space<vmem>>
      %dma_wait3A_111 = arith.constant 0 : i32
      %dma_wait3A_112 = arith.constant 0 : i32
      %dma_wait3A_113 = tpu.memref_slice %arg2[%dma_wait3A_111, %dma_wait3A_112] : memref<40000x32xf32, #tpu.memory_space<hbm>> -> memref<40000x32xf32, #tpu.memory_space<hbm>>
      tpu.wait_indirect_dma semaphore(%arg14 : memref<!tpu.dma_semaphore, #tpu.memory_space<semaphore_mem>>) src(%dma_wait3A_113 : memref<40000x32xf32, #tpu.memory_space<hbm>>) dst(%arg9 : memref<128x32xf32, #tpu.memory_space<vmem>>)
      %run_scoped3A_114 = arith.constant 1 : i32
      "tpu.region"() ({
        %run_scoped3A_116 = tpu.sem_alloc : memref<!tpu.dma_semaphore, #tpu.memory_space<semaphore_mem>>
        %dma_start3A_117 = arith.constant 0 : i32
        %dma_start3A_118 = tpu.memref_slice %arg7[%run_scoped3A_114, %dma_start3A_117] : memref<2x128xi32, #tpu.memory_space<vmem>> -> memref<1x128xi32, #tpu.memory_space<vmem>>
        %dma_start3A_119 = tpu.memref_squeeze %dma_start3A_118 : memref<1x128xi32, #tpu.memory_space<vmem>> -> memref<128xi32, #tpu.memory_space<vmem>>
        %dma_start3A_120 = arith.constant 0 : i32
        %dma_start3A_121 = arith.constant 0 : i32
        %dma_start3A_122 = tpu.memref_slice %arg12[%dma_start3A_120, %dma_start3A_121] : memref<40064x32xf32, #tpu.memory_space<vmem_shared>> -> memref<40064x32xf32, #tpu.memory_space<vmem_shared>>
        tpu.enqueue_indirect_dma source(%arg9 : memref<128x32xf32, #tpu.memory_space<vmem>>) target(%dma_start3A_122 : memref<40064x32xf32, #tpu.memory_space<vmem_shared>>) offsets(%dma_start3A_119 : memref<128xi32, #tpu.memory_space<vmem>>) semaphore(%run_scoped3A_116 : memref<!tpu.dma_semaphore, #tpu.memory_space<semaphore_mem>>) {add = true}
        %dma_wait3A_123 = arith.constant 0 : i32
        %dma_wait3A_124 = tpu.memref_slice %arg7[%run_scoped3A_114, %dma_wait3A_123] : memref<2x128xi32, #tpu.memory_space<vmem>> -> memref<1x128xi32, #tpu.memory_space<vmem>>
        %dma_wait3A_125 = tpu.memref_squeeze %dma_wait3A_124 : memref<1x128xi32, #tpu.memory_space<vmem>> -> memref<128xi32, #tpu.memory_space<vmem>>
        %dma_wait3A_126 = arith.constant 0 : i32
        %dma_wait3A_127 = arith.constant 0 : i32
        %dma_wait3A_128 = tpu.memref_slice %arg12[%dma_wait3A_126, %dma_wait3A_127] : memref<40064x32xf32, #tpu.memory_space<vmem_shared>> -> memref<40064x32xf32, #tpu.memory_space<vmem_shared>>
        tpu.wait_indirect_dma semaphore(%run_scoped3A_116 : memref<!tpu.dma_semaphore, #tpu.memory_space<semaphore_mem>>) src(%arg9 : memref<128x32xf32, #tpu.memory_space<vmem>>) dst(%dma_wait3A_128 : memref<40064x32xf32, #tpu.memory_space<vmem_shared>>)
        tpu.yield
      }) : () -> ()
      %scan3A_115 = arith.constant 0 : i32
      scf.yield %scan3A_115 : i32
    }
    %scan3A_60 = arith.constant 78 : i32
    %dma_wait3A_61 = arith.constant 0 : i32
    %dma_wait3A_62 = arith.constant 0 : i32
    %dma_wait3A_63 = tpu.memref_slice %arg6[%dma_wait3A_61, %dma_wait3A_62] : memref<2x128xi32, #tpu.memory_space<vmem>> -> memref<1x128xi32, #tpu.memory_space<vmem>>
    %dma_wait3A_64 = tpu.memref_squeeze %dma_wait3A_63 : memref<1x128xi32, #tpu.memory_space<vmem>> -> memref<128xi32, #tpu.memory_space<vmem>>
    %dma_wait3A_65 = arith.constant 0 : i32
    %dma_wait3A_66 = arith.constant 0 : i32
    %dma_wait3A_67 = tpu.memref_slice %arg2[%dma_wait3A_65, %dma_wait3A_66] : memref<40000x32xf32, #tpu.memory_space<hbm>> -> memref<40000x32xf32, #tpu.memory_space<hbm>>
    tpu.wait_indirect_dma semaphore(%arg13 : memref<!tpu.dma_semaphore, #tpu.memory_space<semaphore_mem>>) src(%dma_wait3A_67 : memref<40000x32xf32, #tpu.memory_space<hbm>>) dst(%arg8 : memref<128x32xf32, #tpu.memory_space<vmem>>)
    %run_scoped3A_68 = arith.constant 1 : i32
    "tpu.region"() ({
      %run_scoped3A_77 = tpu.sem_alloc : memref<!tpu.dma_semaphore, #tpu.memory_space<semaphore_mem>>
      %dma_start3A_78 = arith.constant 0 : i32
      %dma_start3A_79 = tpu.memref_slice %arg6[%run_scoped3A_68, %dma_start3A_78] : memref<2x128xi32, #tpu.memory_space<vmem>> -> memref<1x128xi32, #tpu.memory_space<vmem>>
      %dma_start3A_80 = tpu.memref_squeeze %dma_start3A_79 : memref<1x128xi32, #tpu.memory_space<vmem>> -> memref<128xi32, #tpu.memory_space<vmem>>
      %dma_start3A_81 = arith.constant 0 : i32
      %dma_start3A_82 = arith.constant 0 : i32
      %dma_start3A_83 = tpu.memref_slice %arg12[%dma_start3A_81, %dma_start3A_82] : memref<40064x32xf32, #tpu.memory_space<vmem_shared>> -> memref<40064x32xf32, #tpu.memory_space<vmem_shared>>
      tpu.enqueue_indirect_dma source(%arg8 : memref<128x32xf32, #tpu.memory_space<vmem>>) target(%dma_start3A_83 : memref<40064x32xf32, #tpu.memory_space<vmem_shared>>) offsets(%dma_start3A_80 : memref<128xi32, #tpu.memory_space<vmem>>) semaphore(%run_scoped3A_77 : memref<!tpu.dma_semaphore, #tpu.memory_space<semaphore_mem>>) {add = true}
      %dma_wait3A_84 = arith.constant 0 : i32
      %dma_wait3A_85 = tpu.memref_slice %arg6[%run_scoped3A_68, %dma_wait3A_84] : memref<2x128xi32, #tpu.memory_space<vmem>> -> memref<1x128xi32, #tpu.memory_space<vmem>>
      %dma_wait3A_86 = tpu.memref_squeeze %dma_wait3A_85 : memref<1x128xi32, #tpu.memory_space<vmem>> -> memref<128xi32, #tpu.memory_space<vmem>>
      %dma_wait3A_87 = arith.constant 0 : i32
      %dma_wait3A_88 = arith.constant 0 : i32
      %dma_wait3A_89 = tpu.memref_slice %arg12[%dma_wait3A_87, %dma_wait3A_88] : memref<40064x32xf32, #tpu.memory_space<vmem_shared>> -> memref<40064x32xf32, #tpu.memory_space<vmem_shared>>
      tpu.wait_indirect_dma semaphore(%run_scoped3A_77 : memref<!tpu.dma_semaphore, #tpu.memory_space<semaphore_mem>>) src(%arg8 : memref<128x32xf32, #tpu.memory_space<vmem>>) dst(%dma_wait3A_89 : memref<40064x32xf32, #tpu.memory_space<vmem_shared>>)
      tpu.yield
    }) : () -> ()
    %barrier3A_69 = arith.constant 0 : index
    tpu.barrier barrier_id(%barrier3A_69)
    %scan3A_70 = arith.constant 0 : i32
    %scan3A_71 = arith.constant 0 : i32
    %scan3A_72 = arith.constant 10 : i32
    %scan3A_73 = arith.addi %scan3A_71, %scan3A_72 : i32
    %scan3A_74 = arith.constant 1 : i32
    %scan3A_75 = scf.for %scan3A_77 = %scan3A_71 to %scan3A_73 step %scan3A_74 iter_args(%scan3A_78 = %scan3A_70) -> (i32)  : i32 {
      %mul3A_79 = arith.constant 250 : i32
      %mul3A_80 = arith.muli %scan3A_77, %mul3A_79 : i32
      %add3A_81 = arith.addi %mul3A_0, %mul3A_80 : i32
      "tpu.region"() ({
        %run_scoped3A_83 = tpu.sem_alloc : memref<!tpu.dma_semaphore, #tpu.memory_space<semaphore_mem>>
        %dma_start3A_84 = arith.constant 0 : i32
        %dma_start3A_85 = tpu.memref_slice %arg12[%add3A_81, %dma_start3A_84] : memref<40064x32xf32, #tpu.memory_space<vmem_shared>> -> memref<250x32xf32, #tpu.memory_space<vmem_shared>>
        %dma_start3A_86 = arith.constant 0 : i32
        %dma_start3A_87 = tpu.memref_slice %arg12[%add3A_81, %dma_start3A_86] : memref<40064x32xf32, #tpu.memory_space<vmem_shared>> -> memref<250x32xf32, #tpu.memory_space<vmem_shared>>
        tpu.enqueue_dma source(%dma_start3A_87 : memref<250x32xf32, #tpu.memory_space<vmem_shared>>) target(%arg11 : memref<250x32xf32, #tpu.memory_space<vmem>>) target_semaphore(%run_scoped3A_83 : memref<!tpu.dma_semaphore, #tpu.memory_space<semaphore_mem>>)
        %dma_wait3A_88 = arith.constant 0 : i32
        %dma_wait3A_89 = tpu.memref_slice %arg12[%add3A_81, %dma_wait3A_88] : memref<40064x32xf32, #tpu.memory_space<vmem_shared>> -> memref<250x32xf32, #tpu.memory_space<vmem_shared>>
        %dma_wait3A_90 = arith.constant 0 : i32
        %dma_wait3A_91 = tpu.memref_slice %arg12[%add3A_81, %dma_wait3A_90] : memref<40064x32xf32, #tpu.memory_space<vmem_shared>> -> memref<250x32xf32, #tpu.memory_space<vmem_shared>>
        tpu.wait_dma2 semaphore(%run_scoped3A_83 : memref<!tpu.dma_semaphore, #tpu.memory_space<semaphore_mem>>) src(%dma_wait3A_91 : memref<250x32xf32, #tpu.memory_space<vmem_shared>>) dst(%arg11 : memref<250x32xf32, #tpu.memory_space<vmem>>)
        tpu.yield
      }) : () -> ()
      "tpu.region"() ({
        %run_scoped3A_83 = tpu.sem_alloc : memref<!tpu.dma_semaphore, #tpu.memory_space<semaphore_mem>>
        %dma_start3A_84 = arith.constant 0 : i32
        %dma_start3A_85 = tpu.memref_slice %arg5[%add3A_37, %add3A_81, %dma_start3A_84] : memref<4x40000x32xf32, #tpu.memory_space<hbm>> -> memref<1x250x32xf32, #tpu.memory_space<hbm>>
        %dma_start3A_86 = tpu.memref_squeeze %dma_start3A_85 : memref<1x250x32xf32, #tpu.memory_space<hbm>> -> memref<250x32xf32, #tpu.memory_space<hbm>>
        %dma_start3A_87 = arith.constant 0 : i32
        %dma_start3A_88 = tpu.memref_slice %arg5[%add3A_37, %add3A_81, %dma_start3A_87] : memref<4x40000x32xf32, #tpu.memory_space<hbm>> -> memref<1x250x32xf32, #tpu.memory_space<hbm>>
        %dma_start3A_89 = tpu.memref_squeeze %dma_start3A_88 : memref<1x250x32xf32, #tpu.memory_space<hbm>> -> memref<250x32xf32, #tpu.memory_space<hbm>>
        tpu.enqueue_dma source(%arg11 : memref<250x32xf32, #tpu.memory_space<vmem>>) target(%dma_start3A_89 : memref<250x32xf32, #tpu.memory_space<hbm>>) target_semaphore(%run_scoped3A_83 : memref<!tpu.dma_semaphore, #tpu.memory_space<semaphore_mem>>)
        %dma_wait3A_90 = arith.constant 0 : i32
        %dma_wait3A_91 = tpu.memref_slice %arg5[%add3A_37, %add3A_81, %dma_wait3A_90] : memref<4x40000x32xf32, #tpu.memory_space<hbm>> -> memref<1x250x32xf32, #tpu.memory_space<hbm>>
        %dma_wait3A_92 = tpu.memref_squeeze %dma_wait3A_91 : memref<1x250x32xf32, #tpu.memory_space<hbm>> -> memref<250x32xf32, #tpu.memory_space<hbm>>
        %dma_wait3A_93 = arith.constant 0 : i32
        %dma_wait3A_94 = tpu.memref_slice %arg5[%add3A_37, %add3A_81, %dma_wait3A_93] : memref<4x40000x32xf32, #tpu.memory_space<hbm>> -> memref<1x250x32xf32, #tpu.memory_space<hbm>>
        %dma_wait3A_95 = tpu.memref_squeeze %dma_wait3A_94 : memref<1x250x32xf32, #tpu.memory_space<hbm>> -> memref<250x32xf32, #tpu.memory_space<hbm>>
        tpu.wait_dma2 semaphore(%run_scoped3A_83 : memref<!tpu.dma_semaphore, #tpu.memory_space<semaphore_mem>>) src(%arg11 : memref<250x32xf32, #tpu.memory_space<vmem>>) dst(%dma_wait3A_95 : memref<250x32xf32, #tpu.memory_space<hbm>>)
        tpu.yield
      }) : () -> ()
      %scan3A_82 = arith.constant 0 : i32
      scf.yield %scan3A_82 : i32
    }
    %scan3A_76 = arith.constant 10 : i32
    return
  }
}

#map = affine_map<(d0, d1) -> (0, 0, 0, 0)>
#map1 = affine_map<(d0, d1) -> (0, 0)>
#map2 = affine_map<(d0, d1) -> (0, 0, 0)>
module attributes {stable_mosaic.version = 14 : i64} {
  func.func @_cnt_body(%arg0: i32, %arg1: i32, %arg2: memref<32x79x1x128xi32, #tpu.memory_space<hbm>>, %arg3: memref<128x32xf32, #tpu.memory_space<hbm>>, %arg4: memref<250x32xf32, #tpu.memory_space<hbm>>, %arg5: memref<2x40000x32xf32, #tpu.memory_space<hbm>>, %arg6: memref<1x128xi32, #tpu.memory_space<vmem>>, %arg7: memref<1x128xi32, #tpu.memory_space<vmem>>, %arg8: memref<128x32xf32, #tpu.memory_space<vmem>>, %arg9: memref<250x32xf32, #tpu.memory_space<vmem>>, %arg10: memref<250x32xf32, #tpu.memory_space<vmem>>, %arg11: memref<40064x32xf32, #tpu.memory_space<vmem_shared>>, %arg12: memref<!tpu.dma_semaphore, #tpu.memory_space<semaphore_mem>>) attributes {dimension_semantics = [#tpu.dimension_semantics<core_parallel>, #tpu.dimension_semantics<subcore_parallel>], iteration_bounds = array<i64: 2, 16>, scalar_prefetch = 0 : i64, scratch_operands = 7 : i64, tpu.core_type = #tpu.core_type<sc_vector_subcore>, window_params = [{transform_indices = #map}, {transform_indices = #map1}, {transform_indices = #map1}, {transform_indices = #map2}]} {
    %mul3A = arith.constant 16 : i32
    %mul3A_0 = arith.muli %arg0, %mul3A : i32
    %add3A = arith.addi %mul3A_0, %arg1 : i32
    %mul3A_1 = arith.constant 2500 : i32
    %mul3A_2 = arith.muli %arg1, %mul3A_1 : i32
    "tpu.region"() ({
      %run_scoped3A_25 = tpu.sem_alloc : memref<!tpu.dma_semaphore, #tpu.memory_space<semaphore_mem>>
      tpu.enqueue_dma source(%arg3 : memref<128x32xf32, #tpu.memory_space<hbm>>) target(%arg8 : memref<128x32xf32, #tpu.memory_space<vmem>>) target_semaphore(%run_scoped3A_25 : memref<!tpu.dma_semaphore, #tpu.memory_space<semaphore_mem>>)
      tpu.wait_dma2 semaphore(%run_scoped3A_25 : memref<!tpu.dma_semaphore, #tpu.memory_space<semaphore_mem>>) src(%arg3 : memref<128x32xf32, #tpu.memory_space<hbm>>) dst(%arg8 : memref<128x32xf32, #tpu.memory_space<vmem>>)
      tpu.yield
    }) : () -> ()
    "tpu.region"() ({
      %run_scoped3A_25 = tpu.sem_alloc : memref<!tpu.dma_semaphore, #tpu.memory_space<semaphore_mem>>
      tpu.enqueue_dma source(%arg4 : memref<250x32xf32, #tpu.memory_space<hbm>>) target(%arg9 : memref<250x32xf32, #tpu.memory_space<vmem>>) target_semaphore(%run_scoped3A_25 : memref<!tpu.dma_semaphore, #tpu.memory_space<semaphore_mem>>)
      tpu.wait_dma2 semaphore(%run_scoped3A_25 : memref<!tpu.dma_semaphore, #tpu.memory_space<semaphore_mem>>) src(%arg4 : memref<250x32xf32, #tpu.memory_space<hbm>>) dst(%arg9 : memref<250x32xf32, #tpu.memory_space<vmem>>)
      tpu.yield
    }) : () -> ()
    %scan3A = arith.constant 0 : i32
    %scan3A_3 = arith.constant 0 : i32
    %scan3A_4 = arith.constant 10 : i32
    %scan3A_5 = arith.addi %scan3A_3, %scan3A_4 : i32
    %scan3A_6 = arith.constant 1 : i32
    %scan3A_7 = scf.for %scan3A_25 = %scan3A_3 to %scan3A_5 step %scan3A_6 iter_args(%scan3A_26 = %scan3A) -> (i32)  : i32 {
      %mul3A_27 = arith.constant 250 : i32
      %mul3A_28 = arith.muli %scan3A_25, %mul3A_27 : i32
      %add3A_29 = arith.addi %mul3A_2, %mul3A_28 : i32
      "tpu.region"() ({
        %run_scoped3A_31 = tpu.sem_alloc : memref<!tpu.dma_semaphore, #tpu.memory_space<semaphore_mem>>
        %dma_start3A = arith.constant 0 : i32
        %dma_start3A_32 = tpu.memref_slice %arg11[%add3A_29, %dma_start3A] : memref<40064x32xf32, #tpu.memory_space<vmem_shared>> -> memref<250x32xf32, #tpu.memory_space<vmem_shared>>
        %dma_start3A_33 = arith.constant 0 : i32
        %dma_start3A_34 = tpu.memref_slice %arg11[%add3A_29, %dma_start3A_33] : memref<40064x32xf32, #tpu.memory_space<vmem_shared>> -> memref<250x32xf32, #tpu.memory_space<vmem_shared>>
        tpu.enqueue_dma source(%arg9 : memref<250x32xf32, #tpu.memory_space<vmem>>) target(%dma_start3A_34 : memref<250x32xf32, #tpu.memory_space<vmem_shared>>) target_semaphore(%run_scoped3A_31 : memref<!tpu.dma_semaphore, #tpu.memory_space<semaphore_mem>>)
        %dma_wait3A = arith.constant 0 : i32
        %dma_wait3A_35 = tpu.memref_slice %arg11[%add3A_29, %dma_wait3A] : memref<40064x32xf32, #tpu.memory_space<vmem_shared>> -> memref<250x32xf32, #tpu.memory_space<vmem_shared>>
        %dma_wait3A_36 = arith.constant 0 : i32
        %dma_wait3A_37 = tpu.memref_slice %arg11[%add3A_29, %dma_wait3A_36] : memref<40064x32xf32, #tpu.memory_space<vmem_shared>> -> memref<250x32xf32, #tpu.memory_space<vmem_shared>>
        tpu.wait_dma2 semaphore(%run_scoped3A_31 : memref<!tpu.dma_semaphore, #tpu.memory_space<semaphore_mem>>) src(%arg9 : memref<250x32xf32, #tpu.memory_space<vmem>>) dst(%dma_wait3A_37 : memref<250x32xf32, #tpu.memory_space<vmem_shared>>)
        tpu.yield
      }) : () -> ()
      %scan3A_30 = arith.constant 0 : i32
      scf.yield %scan3A_30 : i32
    }
    %scan3A_8 = arith.constant 10 : i32
    %barrier3A = arith.constant 0 : index
    tpu.barrier barrier_id(%barrier3A)
    %run_scoped3A = arith.constant 0 : i32
    "tpu.region"() ({
      %run_scoped3A_25 = tpu.sem_alloc : memref<!tpu.dma_semaphore, #tpu.memory_space<semaphore_mem>>
      %dma_start3A = arith.constant 0 : i32
      %dma_start3A_26 = arith.constant 0 : i32
      %dma_start3A_27 = tpu.memref_slice %arg2[%add3A, %run_scoped3A, %dma_start3A, %dma_start3A_26] : memref<32x79x1x128xi32, #tpu.memory_space<hbm>> -> memref<1x1x1x128xi32, #tpu.memory_space<hbm>>
      %dma_start3A_28 = tpu.memref_squeeze %dma_start3A_27 : memref<1x1x1x128xi32, #tpu.memory_space<hbm>> -> memref<1x128xi32, #tpu.memory_space<hbm>>
      %dma_start3A_29 = arith.constant 0 : i32
      %dma_start3A_30 = arith.constant 0 : i32
      %dma_start3A_31 = tpu.memref_slice %arg2[%add3A, %run_scoped3A, %dma_start3A_29, %dma_start3A_30] : memref<32x79x1x128xi32, #tpu.memory_space<hbm>> -> memref<1x1x1x128xi32, #tpu.memory_space<hbm>>
      %dma_start3A_32 = tpu.memref_squeeze %dma_start3A_31 : memref<1x1x1x128xi32, #tpu.memory_space<hbm>> -> memref<1x128xi32, #tpu.memory_space<hbm>>
      tpu.enqueue_dma source(%dma_start3A_32 : memref<1x128xi32, #tpu.memory_space<hbm>>) target(%arg6 : memref<1x128xi32, #tpu.memory_space<vmem>>) target_semaphore(%run_scoped3A_25 : memref<!tpu.dma_semaphore, #tpu.memory_space<semaphore_mem>>)
      %dma_wait3A = arith.constant 0 : i32
      %dma_wait3A_33 = arith.constant 0 : i32
      %dma_wait3A_34 = tpu.memref_slice %arg2[%add3A, %run_scoped3A, %dma_wait3A, %dma_wait3A_33] : memref<32x79x1x128xi32, #tpu.memory_space<hbm>> -> memref<1x1x1x128xi32, #tpu.memory_space<hbm>>
      %dma_wait3A_35 = tpu.memref_squeeze %dma_wait3A_34 : memref<1x1x1x128xi32, #tpu.memory_space<hbm>> -> memref<1x128xi32, #tpu.memory_space<hbm>>
      %dma_wait3A_36 = arith.constant 0 : i32
      %dma_wait3A_37 = arith.constant 0 : i32
      %dma_wait3A_38 = tpu.memref_slice %arg2[%add3A, %run_scoped3A, %dma_wait3A_36, %dma_wait3A_37] : memref<32x79x1x128xi32, #tpu.memory_space<hbm>> -> memref<1x1x1x128xi32, #tpu.memory_space<hbm>>
      %dma_wait3A_39 = tpu.memref_squeeze %dma_wait3A_38 : memref<1x1x1x128xi32, #tpu.memory_space<hbm>> -> memref<1x128xi32, #tpu.memory_space<hbm>>
      tpu.wait_dma2 semaphore(%run_scoped3A_25 : memref<!tpu.dma_semaphore, #tpu.memory_space<semaphore_mem>>) src(%dma_wait3A_39 : memref<1x128xi32, #tpu.memory_space<hbm>>) dst(%arg6 : memref<1x128xi32, #tpu.memory_space<vmem>>)
      tpu.yield
    }) : () -> ()
    %scan3A_9 = arith.constant 0 : i32
    %scan3A_10 = arith.constant 0 : i32
    %scan3A_11 = arith.constant 39 : i32
    %scan3A_12 = arith.addi %scan3A_10, %scan3A_11 : i32
    %scan3A_13 = arith.constant 1 : i32
    %scan3A_14 = scf.for %scan3A_25 = %scan3A_10 to %scan3A_12 step %scan3A_13 iter_args(%scan3A_26 = %scan3A_9) -> (i32)  : i32 {
      %mul3A_27 = arith.constant 2 : i32
      %mul3A_28 = arith.muli %mul3A_27, %scan3A_25 : i32
      %add3A_29 = arith.constant 1 : i32
      %add3A_30 = arith.addi %mul3A_28, %add3A_29 : i32
      %dma_start3A = arith.constant 0 : i32
      %dma_start3A_31 = arith.constant 0 : i32
      %dma_start3A_32 = tpu.memref_slice %arg2[%add3A, %add3A_30, %dma_start3A, %dma_start3A_31] : memref<32x79x1x128xi32, #tpu.memory_space<hbm>> -> memref<1x1x1x128xi32, #tpu.memory_space<hbm>>
      %dma_start3A_33 = tpu.memref_squeeze %dma_start3A_32 : memref<1x1x1x128xi32, #tpu.memory_space<hbm>> -> memref<1x128xi32, #tpu.memory_space<hbm>>
      %dma_start3A_34 = arith.constant 0 : i32
      %dma_start3A_35 = arith.constant 0 : i32
      %dma_start3A_36 = tpu.memref_slice %arg2[%add3A, %add3A_30, %dma_start3A_34, %dma_start3A_35] : memref<32x79x1x128xi32, #tpu.memory_space<hbm>> -> memref<1x1x1x128xi32, #tpu.memory_space<hbm>>
      %dma_start3A_37 = tpu.memref_squeeze %dma_start3A_36 : memref<1x1x1x128xi32, #tpu.memory_space<hbm>> -> memref<1x128xi32, #tpu.memory_space<hbm>>
      tpu.enqueue_dma source(%dma_start3A_37 : memref<1x128xi32, #tpu.memory_space<hbm>>) target(%arg7 : memref<1x128xi32, #tpu.memory_space<vmem>>) target_semaphore(%arg12 : memref<!tpu.dma_semaphore, #tpu.memory_space<semaphore_mem>>)
      %run_scoped3A_38 = arith.constant 0 : i32
      "tpu.region"() ({
        %run_scoped3A_66 = tpu.sem_alloc : memref<!tpu.dma_semaphore, #tpu.memory_space<semaphore_mem>>
        %dma_start3A_67 = arith.constant 0 : i32
        %dma_start3A_68 = tpu.memref_slice %arg6[%run_scoped3A_38, %dma_start3A_67] : memref<1x128xi32, #tpu.memory_space<vmem>> -> memref<1x128xi32, #tpu.memory_space<vmem>>
        %dma_start3A_69 = tpu.memref_squeeze %dma_start3A_68 : memref<1x128xi32, #tpu.memory_space<vmem>> -> memref<128xi32, #tpu.memory_space<vmem>>
        %dma_start3A_70 = arith.constant 0 : i32
        %dma_start3A_71 = arith.constant 0 : i32
        %dma_start3A_72 = tpu.memref_slice %arg11[%dma_start3A_70, %dma_start3A_71] : memref<40064x32xf32, #tpu.memory_space<vmem_shared>> -> memref<40064x32xf32, #tpu.memory_space<vmem_shared>>
        tpu.enqueue_indirect_dma source(%arg8 : memref<128x32xf32, #tpu.memory_space<vmem>>) target(%dma_start3A_72 : memref<40064x32xf32, #tpu.memory_space<vmem_shared>>) offsets(%dma_start3A_69 : memref<128xi32, #tpu.memory_space<vmem>>) semaphore(%run_scoped3A_66 : memref<!tpu.dma_semaphore, #tpu.memory_space<semaphore_mem>>) {add = true}
        %dma_wait3A_73 = arith.constant 0 : i32
        %dma_wait3A_74 = tpu.memref_slice %arg6[%run_scoped3A_38, %dma_wait3A_73] : memref<1x128xi32, #tpu.memory_space<vmem>> -> memref<1x128xi32, #tpu.memory_space<vmem>>
        %dma_wait3A_75 = tpu.memref_squeeze %dma_wait3A_74 : memref<1x128xi32, #tpu.memory_space<vmem>> -> memref<128xi32, #tpu.memory_space<vmem>>
        %dma_wait3A_76 = arith.constant 0 : i32
        %dma_wait3A_77 = arith.constant 0 : i32
        %dma_wait3A_78 = tpu.memref_slice %arg11[%dma_wait3A_76, %dma_wait3A_77] : memref<40064x32xf32, #tpu.memory_space<vmem_shared>> -> memref<40064x32xf32, #tpu.memory_space<vmem_shared>>
        tpu.wait_indirect_dma semaphore(%run_scoped3A_66 : memref<!tpu.dma_semaphore, #tpu.memory_space<semaphore_mem>>) src(%arg8 : memref<128x32xf32, #tpu.memory_space<vmem>>) dst(%dma_wait3A_78 : memref<40064x32xf32, #tpu.memory_space<vmem_shared>>)
        tpu.yield
      }) : () -> ()
      %dma_wait3A = arith.constant 0 : i32
      %dma_wait3A_39 = arith.constant 0 : i32
      %dma_wait3A_40 = tpu.memref_slice %arg2[%add3A, %add3A_30, %dma_wait3A, %dma_wait3A_39] : memref<32x79x1x128xi32, #tpu.memory_space<hbm>> -> memref<1x1x1x128xi32, #tpu.memory_space<hbm>>
      %dma_wait3A_41 = tpu.memref_squeeze %dma_wait3A_40 : memref<1x1x1x128xi32, #tpu.memory_space<hbm>> -> memref<1x128xi32, #tpu.memory_space<hbm>>
      %dma_wait3A_42 = arith.constant 0 : i32
      %dma_wait3A_43 = arith.constant 0 : i32
      %dma_wait3A_44 = tpu.memref_slice %arg2[%add3A, %add3A_30, %dma_wait3A_42, %dma_wait3A_43] : memref<32x79x1x128xi32, #tpu.memory_space<hbm>> -> memref<1x1x1x128xi32, #tpu.memory_space<hbm>>
      %dma_wait3A_45 = tpu.memref_squeeze %dma_wait3A_44 : memref<1x1x1x128xi32, #tpu.memory_space<hbm>> -> memref<1x128xi32, #tpu.memory_space<hbm>>
      tpu.wait_dma2 semaphore(%arg12 : memref<!tpu.dma_semaphore, #tpu.memory_space<semaphore_mem>>) src(%dma_wait3A_45 : memref<1x128xi32, #tpu.memory_space<hbm>>) dst(%arg7 : memref<1x128xi32, #tpu.memory_space<vmem>>)
      %add3A_46 = arith.constant 2 : i32
      %add3A_47 = arith.addi %mul3A_28, %add3A_46 : i32
      %dma_start3A_48 = arith.constant 0 : i32
      %dma_start3A_49 = arith.constant 0 : i32
      %dma_start3A_50 = tpu.memref_slice %arg2[%add3A, %add3A_47, %dma_start3A_48, %dma_start3A_49] : memref<32x79x1x128xi32, #tpu.memory_space<hbm>> -> memref<1x1x1x128xi32, #tpu.memory_space<hbm>>
      %dma_start3A_51 = tpu.memref_squeeze %dma_start3A_50 : memref<1x1x1x128xi32, #tpu.memory_space<hbm>> -> memref<1x128xi32, #tpu.memory_space<hbm>>
      %dma_start3A_52 = arith.constant 0 : i32
      %dma_start3A_53 = arith.constant 0 : i32
      %dma_start3A_54 = tpu.memref_slice %arg2[%add3A, %add3A_47, %dma_start3A_52, %dma_start3A_53] : memref<32x79x1x128xi32, #tpu.memory_space<hbm>> -> memref<1x1x1x128xi32, #tpu.memory_space<hbm>>
      %dma_start3A_55 = tpu.memref_squeeze %dma_start3A_54 : memref<1x1x1x128xi32, #tpu.memory_space<hbm>> -> memref<1x128xi32, #tpu.memory_space<hbm>>
      tpu.enqueue_dma source(%dma_start3A_55 : memref<1x128xi32, #tpu.memory_space<hbm>>) target(%arg6 : memref<1x128xi32, #tpu.memory_space<vmem>>) target_semaphore(%arg12 : memref<!tpu.dma_semaphore, #tpu.memory_space<semaphore_mem>>)
      %run_scoped3A_56 = arith.constant 0 : i32
      "tpu.region"() ({
        %run_scoped3A_66 = tpu.sem_alloc : memref<!tpu.dma_semaphore, #tpu.memory_space<semaphore_mem>>
        %dma_start3A_67 = arith.constant 0 : i32
        %dma_start3A_68 = tpu.memref_slice %arg7[%run_scoped3A_56, %dma_start3A_67] : memref<1x128xi32, #tpu.memory_space<vmem>> -> memref<1x128xi32, #tpu.memory_space<vmem>>
        %dma_start3A_69 = tpu.memref_squeeze %dma_start3A_68 : memref<1x128xi32, #tpu.memory_space<vmem>> -> memref<128xi32, #tpu.memory_space<vmem>>
        %dma_start3A_70 = arith.constant 0 : i32
        %dma_start3A_71 = arith.constant 0 : i32
        %dma_start3A_72 = tpu.memref_slice %arg11[%dma_start3A_70, %dma_start3A_71] : memref<40064x32xf32, #tpu.memory_space<vmem_shared>> -> memref<40064x32xf32, #tpu.memory_space<vmem_shared>>
        tpu.enqueue_indirect_dma source(%arg8 : memref<128x32xf32, #tpu.memory_space<vmem>>) target(%dma_start3A_72 : memref<40064x32xf32, #tpu.memory_space<vmem_shared>>) offsets(%dma_start3A_69 : memref<128xi32, #tpu.memory_space<vmem>>) semaphore(%run_scoped3A_66 : memref<!tpu.dma_semaphore, #tpu.memory_space<semaphore_mem>>) {add = true}
        %dma_wait3A_73 = arith.constant 0 : i32
        %dma_wait3A_74 = tpu.memref_slice %arg7[%run_scoped3A_56, %dma_wait3A_73] : memref<1x128xi32, #tpu.memory_space<vmem>> -> memref<1x128xi32, #tpu.memory_space<vmem>>
        %dma_wait3A_75 = tpu.memref_squeeze %dma_wait3A_74 : memref<1x128xi32, #tpu.memory_space<vmem>> -> memref<128xi32, #tpu.memory_space<vmem>>
        %dma_wait3A_76 = arith.constant 0 : i32
        %dma_wait3A_77 = arith.constant 0 : i32
        %dma_wait3A_78 = tpu.memref_slice %arg11[%dma_wait3A_76, %dma_wait3A_77] : memref<40064x32xf32, #tpu.memory_space<vmem_shared>> -> memref<40064x32xf32, #tpu.memory_space<vmem_shared>>
        tpu.wait_indirect_dma semaphore(%run_scoped3A_66 : memref<!tpu.dma_semaphore, #tpu.memory_space<semaphore_mem>>) src(%arg8 : memref<128x32xf32, #tpu.memory_space<vmem>>) dst(%dma_wait3A_78 : memref<40064x32xf32, #tpu.memory_space<vmem_shared>>)
        tpu.yield
      }) : () -> ()
      %dma_wait3A_57 = arith.constant 0 : i32
      %dma_wait3A_58 = arith.constant 0 : i32
      %dma_wait3A_59 = tpu.memref_slice %arg2[%add3A, %add3A_47, %dma_wait3A_57, %dma_wait3A_58] : memref<32x79x1x128xi32, #tpu.memory_space<hbm>> -> memref<1x1x1x128xi32, #tpu.memory_space<hbm>>
      %dma_wait3A_60 = tpu.memref_squeeze %dma_wait3A_59 : memref<1x1x1x128xi32, #tpu.memory_space<hbm>> -> memref<1x128xi32, #tpu.memory_space<hbm>>
      %dma_wait3A_61 = arith.constant 0 : i32
      %dma_wait3A_62 = arith.constant 0 : i32
      %dma_wait3A_63 = tpu.memref_slice %arg2[%add3A, %add3A_47, %dma_wait3A_61, %dma_wait3A_62] : memref<32x79x1x128xi32, #tpu.memory_space<hbm>> -> memref<1x1x1x128xi32, #tpu.memory_space<hbm>>
      %dma_wait3A_64 = tpu.memref_squeeze %dma_wait3A_63 : memref<1x1x1x128xi32, #tpu.memory_space<hbm>> -> memref<1x128xi32, #tpu.memory_space<hbm>>
      tpu.wait_dma2 semaphore(%arg12 : memref<!tpu.dma_semaphore, #tpu.memory_space<semaphore_mem>>) src(%dma_wait3A_64 : memref<1x128xi32, #tpu.memory_space<hbm>>) dst(%arg6 : memref<1x128xi32, #tpu.memory_space<vmem>>)
      %scan3A_65 = arith.constant 0 : i32
      scf.yield %scan3A_65 : i32
    }
    %scan3A_15 = arith.constant 39 : i32
    %run_scoped3A_16 = arith.constant 0 : i32
    "tpu.region"() ({
      %run_scoped3A_25 = tpu.sem_alloc : memref<!tpu.dma_semaphore, #tpu.memory_space<semaphore_mem>>
      %dma_start3A = arith.constant 0 : i32
      %dma_start3A_26 = tpu.memref_slice %arg6[%run_scoped3A_16, %dma_start3A] : memref<1x128xi32, #tpu.memory_space<vmem>> -> memref<1x128xi32, #tpu.memory_space<vmem>>
      %dma_start3A_27 = tpu.memref_squeeze %dma_start3A_26 : memref<1x128xi32, #tpu.memory_space<vmem>> -> memref<128xi32, #tpu.memory_space<vmem>>
      %dma_start3A_28 = arith.constant 0 : i32
      %dma_start3A_29 = arith.constant 0 : i32
      %dma_start3A_30 = tpu.memref_slice %arg11[%dma_start3A_28, %dma_start3A_29] : memref<40064x32xf32, #tpu.memory_space<vmem_shared>> -> memref<40064x32xf32, #tpu.memory_space<vmem_shared>>
      tpu.enqueue_indirect_dma source(%arg8 : memref<128x32xf32, #tpu.memory_space<vmem>>) target(%dma_start3A_30 : memref<40064x32xf32, #tpu.memory_space<vmem_shared>>) offsets(%dma_start3A_27 : memref<128xi32, #tpu.memory_space<vmem>>) semaphore(%run_scoped3A_25 : memref<!tpu.dma_semaphore, #tpu.memory_space<semaphore_mem>>) {add = true}
      %dma_wait3A = arith.constant 0 : i32
      %dma_wait3A_31 = tpu.memref_slice %arg6[%run_scoped3A_16, %dma_wait3A] : memref<1x128xi32, #tpu.memory_space<vmem>> -> memref<1x128xi32, #tpu.memory_space<vmem>>
      %dma_wait3A_32 = tpu.memref_squeeze %dma_wait3A_31 : memref<1x128xi32, #tpu.memory_space<vmem>> -> memref<128xi32, #tpu.memory_space<vmem>>
      %dma_wait3A_33 = arith.constant 0 : i32
      %dma_wait3A_34 = arith.constant 0 : i32
      %dma_wait3A_35 = tpu.memref_slice %arg11[%dma_wait3A_33, %dma_wait3A_34] : memref<40064x32xf32, #tpu.memory_space<vmem_shared>> -> memref<40064x32xf32, #tpu.memory_space<vmem_shared>>
      tpu.wait_indirect_dma semaphore(%run_scoped3A_25 : memref<!tpu.dma_semaphore, #tpu.memory_space<semaphore_mem>>) src(%arg8 : memref<128x32xf32, #tpu.memory_space<vmem>>) dst(%dma_wait3A_35 : memref<40064x32xf32, #tpu.memory_space<vmem_shared>>)
      tpu.yield
    }) : () -> ()
    %barrier3A_17 = arith.constant 0 : index
    tpu.barrier barrier_id(%barrier3A_17)
    %scan3A_18 = arith.constant 0 : i32
    %scan3A_19 = arith.constant 0 : i32
    %scan3A_20 = arith.constant 10 : i32
    %scan3A_21 = arith.addi %scan3A_19, %scan3A_20 : i32
    %scan3A_22 = arith.constant 1 : i32
    %scan3A_23 = scf.for %scan3A_25 = %scan3A_19 to %scan3A_21 step %scan3A_22 iter_args(%scan3A_26 = %scan3A_18) -> (i32)  : i32 {
      %mul3A_27 = arith.constant 250 : i32
      %mul3A_28 = arith.muli %scan3A_25, %mul3A_27 : i32
      %add3A_29 = arith.addi %mul3A_2, %mul3A_28 : i32
      "tpu.region"() ({
        %run_scoped3A_31 = tpu.sem_alloc : memref<!tpu.dma_semaphore, #tpu.memory_space<semaphore_mem>>
        %dma_start3A = arith.constant 0 : i32
        %dma_start3A_32 = tpu.memref_slice %arg5[%arg0, %add3A_29, %dma_start3A] : memref<2x40000x32xf32, #tpu.memory_space<hbm>> -> memref<1x250x32xf32, #tpu.memory_space<hbm>>
        %dma_start3A_33 = tpu.memref_squeeze %dma_start3A_32 : memref<1x250x32xf32, #tpu.memory_space<hbm>> -> memref<250x32xf32, #tpu.memory_space<hbm>>
        %dma_start3A_34 = arith.constant 0 : i32
        %dma_start3A_35 = tpu.memref_slice %arg11[%add3A_29, %dma_start3A_34] : memref<40064x32xf32, #tpu.memory_space<vmem_shared>> -> memref<250x32xf32, #tpu.memory_space<vmem_shared>>
        tpu.enqueue_dma source(%dma_start3A_35 : memref<250x32xf32, #tpu.memory_space<vmem_shared>>) target(%dma_start3A_33 : memref<250x32xf32, #tpu.memory_space<hbm>>) target_semaphore(%run_scoped3A_31 : memref<!tpu.dma_semaphore, #tpu.memory_space<semaphore_mem>>)
        %dma_wait3A = arith.constant 0 : i32
        %dma_wait3A_36 = tpu.memref_slice %arg5[%arg0, %add3A_29, %dma_wait3A] : memref<2x40000x32xf32, #tpu.memory_space<hbm>> -> memref<1x250x32xf32, #tpu.memory_space<hbm>>
        %dma_wait3A_37 = tpu.memref_squeeze %dma_wait3A_36 : memref<1x250x32xf32, #tpu.memory_space<hbm>> -> memref<250x32xf32, #tpu.memory_space<hbm>>
        %dma_wait3A_38 = arith.constant 0 : i32
        %dma_wait3A_39 = tpu.memref_slice %arg11[%add3A_29, %dma_wait3A_38] : memref<40064x32xf32, #tpu.memory_space<vmem_shared>> -> memref<250x32xf32, #tpu.memory_space<vmem_shared>>
        tpu.wait_dma2 semaphore(%run_scoped3A_31 : memref<!tpu.dma_semaphore, #tpu.memory_space<semaphore_mem>>) src(%dma_wait3A_39 : memref<250x32xf32, #tpu.memory_space<vmem_shared>>) dst(%dma_wait3A_37 : memref<250x32xf32, #tpu.memory_space<hbm>>)
        tpu.yield
      }) : () -> ()
      %scan3A_30 = arith.constant 0 : i32
      scf.yield %scan3A_30 : i32
    }
    %scan3A_24 = arith.constant 10 : i32
    return
  }
}

#map = affine_map<(d0, d1) -> (0, 0)>
#map1 = affine_map<(d0, d1) -> (0, 0, 0, 0, 0)>
#map2 = affine_map<(d0, d1) -> (0, 0, 0)>
module attributes {stable_mosaic.version = 14 : i64} {
  func.func @_conv_body(%arg0: i32, %arg1: i32, %arg2: memref<40000x32xf32, #tpu.memory_space<hbm>>, %arg3: memref<4x16x157x2x128xi32, #tpu.memory_space<hbm>>, %arg4: memref<250x32xf32, #tpu.memory_space<hbm>>, %arg5: memref<4x40000x32xf32, #tpu.memory_space<hbm>>, %arg6: memref<2x128xi32, #tpu.memory_space<vmem>>, %arg7: memref<2x128xi32, #tpu.memory_space<vmem>>, %arg8: memref<128x32xf32, #tpu.memory_space<vmem>>, %arg9: memref<128x32xf32, #tpu.memory_space<vmem>>, %arg10: memref<250x32xf32, #tpu.memory_space<vmem>>, %arg11: memref<250x32xf32, #tpu.memory_space<vmem>>, %arg12: memref<40064x32xf32, #tpu.memory_space<vmem_shared>>, %arg13: memref<!tpu.dma_semaphore, #tpu.memory_space<semaphore_mem>>, %arg14: memref<!tpu.dma_semaphore, #tpu.memory_space<semaphore_mem>>) attributes {dimension_semantics = [#tpu.dimension_semantics<core_parallel>, #tpu.dimension_semantics<subcore_parallel>], iteration_bounds = array<i64: 2, 16>, scalar_prefetch = 0 : i64, scratch_operands = 9 : i64, tpu.core_type = #tpu.core_type<sc_vector_subcore>, window_params = [{transform_indices = #map}, {transform_indices = #map1}, {transform_indices = #map}, {transform_indices = #map2}]} {
    %mul3A = arith.constant 2500 : i32
    %mul3A_0 = arith.muli %arg1, %mul3A : i32
    "tpu.region"() ({
      %run_scoped3A_77 = tpu.sem_alloc : memref<!tpu.dma_semaphore, #tpu.memory_space<semaphore_mem>>
      tpu.enqueue_dma source(%arg4 : memref<250x32xf32, #tpu.memory_space<hbm>>) target(%arg10 : memref<250x32xf32, #tpu.memory_space<vmem>>) target_semaphore(%run_scoped3A_77 : memref<!tpu.dma_semaphore, #tpu.memory_space<semaphore_mem>>)
      tpu.wait_dma2 semaphore(%run_scoped3A_77 : memref<!tpu.dma_semaphore, #tpu.memory_space<semaphore_mem>>) src(%arg4 : memref<250x32xf32, #tpu.memory_space<hbm>>) dst(%arg10 : memref<250x32xf32, #tpu.memory_space<vmem>>)
      tpu.yield
    }) : () -> ()
    %add3A = arith.constant 0 : i32
    %add3A_1 = arith.addi %add3A, %arg0 : i32
    %scan3A = arith.constant 0 : i32
    %scan3A_2 = arith.constant 0 : i32
    %scan3A_3 = arith.constant 10 : i32
    %scan3A_4 = arith.addi %scan3A_2, %scan3A_3 : i32
    %scan3A_5 = arith.constant 1 : i32
    %scan3A_6 = scf.for %scan3A_77 = %scan3A_2 to %scan3A_4 step %scan3A_5 iter_args(%scan3A_78 = %scan3A) -> (i32)  : i32 {
      %mul3A_79 = arith.constant 250 : i32
      %mul3A_80 = arith.muli %scan3A_77, %mul3A_79 : i32
      %add3A_81 = arith.addi %mul3A_0, %mul3A_80 : i32
      "tpu.region"() ({
        %run_scoped3A_83 = tpu.sem_alloc : memref<!tpu.dma_semaphore, #tpu.memory_space<semaphore_mem>>
        %dma_start3A_84 = arith.constant 0 : i32
        %dma_start3A_85 = tpu.memref_slice %arg12[%add3A_81, %dma_start3A_84] : memref<40064x32xf32, #tpu.memory_space<vmem_shared>> -> memref<250x32xf32, #tpu.memory_space<vmem_shared>>
        %dma_start3A_86 = arith.constant 0 : i32
        %dma_start3A_87 = tpu.memref_slice %arg12[%add3A_81, %dma_start3A_86] : memref<40064x32xf32, #tpu.memory_space<vmem_shared>> -> memref<250x32xf32, #tpu.memory_space<vmem_shared>>
        tpu.enqueue_dma source(%arg10 : memref<250x32xf32, #tpu.memory_space<vmem>>) target(%dma_start3A_87 : memref<250x32xf32, #tpu.memory_space<vmem_shared>>) target_semaphore(%run_scoped3A_83 : memref<!tpu.dma_semaphore, #tpu.memory_space<semaphore_mem>>)
        %dma_wait3A_88 = arith.constant 0 : i32
        %dma_wait3A_89 = tpu.memref_slice %arg12[%add3A_81, %dma_wait3A_88] : memref<40064x32xf32, #tpu.memory_space<vmem_shared>> -> memref<250x32xf32, #tpu.memory_space<vmem_shared>>
        %dma_wait3A_90 = arith.constant 0 : i32
        %dma_wait3A_91 = tpu.memref_slice %arg12[%add3A_81, %dma_wait3A_90] : memref<40064x32xf32, #tpu.memory_space<vmem_shared>> -> memref<250x32xf32, #tpu.memory_space<vmem_shared>>
        tpu.wait_dma2 semaphore(%run_scoped3A_83 : memref<!tpu.dma_semaphore, #tpu.memory_space<semaphore_mem>>) src(%arg10 : memref<250x32xf32, #tpu.memory_space<vmem>>) dst(%dma_wait3A_91 : memref<250x32xf32, #tpu.memory_space<vmem_shared>>)
        tpu.yield
      }) : () -> ()
      %scan3A_82 = arith.constant 0 : i32
      scf.yield %scan3A_82 : i32
    }
    %scan3A_7 = arith.constant 10 : i32
    %barrier3A = arith.constant 0 : index
    tpu.barrier barrier_id(%barrier3A)
    %run_scoped3A = arith.constant 0 : i32
    "tpu.region"() ({
      %run_scoped3A_77 = tpu.sem_alloc : memref<!tpu.dma_semaphore, #tpu.memory_space<semaphore_mem>>
      %dma_start3A_78 = arith.constant 0 : i32
      %dma_start3A_79 = arith.constant 0 : i32
      %dma_start3A_80 = tpu.memref_slice %arg3[%add3A_1, %arg1, %run_scoped3A, %dma_start3A_78, %dma_start3A_79] : memref<4x16x157x2x128xi32, #tpu.memory_space<hbm>> -> memref<1x1x1x2x128xi32, #tpu.memory_space<hbm>>
      %dma_start3A_81 = tpu.memref_squeeze %dma_start3A_80 : memref<1x1x1x2x128xi32, #tpu.memory_space<hbm>> -> memref<2x128xi32, #tpu.memory_space<hbm>>
      %dma_start3A_82 = arith.constant 0 : i32
      %dma_start3A_83 = arith.constant 0 : i32
      %dma_start3A_84 = tpu.memref_slice %arg3[%add3A_1, %arg1, %run_scoped3A, %dma_start3A_82, %dma_start3A_83] : memref<4x16x157x2x128xi32, #tpu.memory_space<hbm>> -> memref<1x1x1x2x128xi32, #tpu.memory_space<hbm>>
      %dma_start3A_85 = tpu.memref_squeeze %dma_start3A_84 : memref<1x1x1x2x128xi32, #tpu.memory_space<hbm>> -> memref<2x128xi32, #tpu.memory_space<hbm>>
      tpu.enqueue_dma source(%dma_start3A_85 : memref<2x128xi32, #tpu.memory_space<hbm>>) target(%arg6 : memref<2x128xi32, #tpu.memory_space<vmem>>) target_semaphore(%run_scoped3A_77 : memref<!tpu.dma_semaphore, #tpu.memory_space<semaphore_mem>>)
      %dma_wait3A_86 = arith.constant 0 : i32
      %dma_wait3A_87 = arith.constant 0 : i32
      %dma_wait3A_88 = tpu.memref_slice %arg3[%add3A_1, %arg1, %run_scoped3A, %dma_wait3A_86, %dma_wait3A_87] : memref<4x16x157x2x128xi32, #tpu.memory_space<hbm>> -> memref<1x1x1x2x128xi32, #tpu.memory_space<hbm>>
      %dma_wait3A_89 = tpu.memref_squeeze %dma_wait3A_88 : memref<1x1x1x2x128xi32, #tpu.memory_space<hbm>> -> memref<2x128xi32, #tpu.memory_space<hbm>>
      %dma_wait3A_90 = arith.constant 0 : i32
      %dma_wait3A_91 = arith.constant 0 : i32
      %dma_wait3A_92 = tpu.memref_slice %arg3[%add3A_1, %arg1, %run_scoped3A, %dma_wait3A_90, %dma_wait3A_91] : memref<4x16x157x2x128xi32, #tpu.memory_space<hbm>> -> memref<1x1x1x2x128xi32, #tpu.memory_space<hbm>>
      %dma_wait3A_93 = tpu.memref_squeeze %dma_wait3A_92 : memref<1x1x1x2x128xi32, #tpu.memory_space<hbm>> -> memref<2x128xi32, #tpu.memory_space<hbm>>
      tpu.wait_dma2 semaphore(%run_scoped3A_77 : memref<!tpu.dma_semaphore, #tpu.memory_space<semaphore_mem>>) src(%dma_wait3A_93 : memref<2x128xi32, #tpu.memory_space<hbm>>) dst(%arg6 : memref<2x128xi32, #tpu.memory_space<vmem>>)
      tpu.yield
    }) : () -> ()
    %dma_start3A = arith.constant 0 : i32
    %dma_start3A_8 = arith.constant 0 : i32
    %dma_start3A_9 = tpu.memref_slice %arg6[%dma_start3A, %dma_start3A_8] : memref<2x128xi32, #tpu.memory_space<vmem>> -> memref<1x128xi32, #tpu.memory_space<vmem>>
    %dma_start3A_10 = tpu.memref_squeeze %dma_start3A_9 : memref<1x128xi32, #tpu.memory_space<vmem>> -> memref<128xi32, #tpu.memory_space<vmem>>
    %dma_start3A_11 = arith.constant 0 : i32
    %dma_start3A_12 = arith.constant 0 : i32
    %dma_start3A_13 = tpu.memref_slice %arg2[%dma_start3A_11, %dma_start3A_12] : memref<40000x32xf32, #tpu.memory_space<hbm>> -> memref<40000x32xf32, #tpu.memory_space<hbm>>
    tpu.enqueue_indirect_dma source(%dma_start3A_13 : memref<40000x32xf32, #tpu.memory_space<hbm>>) target(%arg8 : memref<128x32xf32, #tpu.memory_space<vmem>>) offsets(%dma_start3A_10 : memref<128xi32, #tpu.memory_space<vmem>>) semaphore(%arg13 : memref<!tpu.dma_semaphore, #tpu.memory_space<semaphore_mem>>)
    %scan3A_14 = arith.constant 0 : i32
    %scan3A_15 = arith.constant 0 : i32
    %scan3A_16 = arith.constant 78 : i32
    %scan3A_17 = arith.addi %scan3A_15, %scan3A_16 : i32
    %scan3A_18 = arith.constant 1 : i32
    %scan3A_19 = scf.for %scan3A_77 = %scan3A_15 to %scan3A_17 step %scan3A_18 iter_args(%scan3A_78 = %scan3A_14) -> (i32)  : i32 {
      %mul3A_79 = arith.constant 2 : i32
      %mul3A_80 = arith.muli %mul3A_79, %scan3A_77 : i32
      %add3A_81 = arith.constant 1 : i32
      %add3A_82 = arith.addi %mul3A_80, %add3A_81 : i32
      "tpu.region"() ({
        %run_scoped3A_116 = tpu.sem_alloc : memref<!tpu.dma_semaphore, #tpu.memory_space<semaphore_mem>>
        %dma_start3A_117 = arith.constant 0 : i32
        %dma_start3A_118 = arith.constant 0 : i32
        %dma_start3A_119 = tpu.memref_slice %arg3[%add3A_1, %arg1, %add3A_82, %dma_start3A_117, %dma_start3A_118] : memref<4x16x157x2x128xi32, #tpu.memory_space<hbm>> -> memref<1x1x1x2x128xi32, #tpu.memory_space<hbm>>
        %dma_start3A_120 = tpu.memref_squeeze %dma_start3A_119 : memref<1x1x1x2x128xi32, #tpu.memory_space<hbm>> -> memref<2x128xi32, #tpu.memory_space<hbm>>
        %dma_start3A_121 = arith.constant 0 : i32
        %dma_start3A_122 = arith.constant 0 : i32
        %dma_start3A_123 = tpu.memref_slice %arg3[%add3A_1, %arg1, %add3A_82, %dma_start3A_121, %dma_start3A_122] : memref<4x16x157x2x128xi32, #tpu.memory_space<hbm>> -> memref<1x1x1x2x128xi32, #tpu.memory_space<hbm>>
        %dma_start3A_124 = tpu.memref_squeeze %dma_start3A_123 : memref<1x1x1x2x128xi32, #tpu.memory_space<hbm>> -> memref<2x128xi32, #tpu.memory_space<hbm>>
        tpu.enqueue_dma source(%dma_start3A_124 : memref<2x128xi32, #tpu.memory_space<hbm>>) target(%arg7 : memref<2x128xi32, #tpu.memory_space<vmem>>) target_semaphore(%run_scoped3A_116 : memref<!tpu.dma_semaphore, #tpu.memory_space<semaphore_mem>>)
        %dma_wait3A_125 = arith.constant 0 : i32
        %dma_wait3A_126 = arith.constant 0 : i32
        %dma_wait3A_127 = tpu.memref_slice %arg3[%add3A_1, %arg1, %add3A_82, %dma_wait3A_125, %dma_wait3A_126] : memref<4x16x157x2x128xi32, #tpu.memory_space<hbm>> -> memref<1x1x1x2x128xi32, #tpu.memory_space<hbm>>
        %dma_wait3A_128 = tpu.memref_squeeze %dma_wait3A_127 : memref<1x1x1x2x128xi32, #tpu.memory_space<hbm>> -> memref<2x128xi32, #tpu.memory_space<hbm>>
        %dma_wait3A_129 = arith.constant 0 : i32
        %dma_wait3A_130 = arith.constant 0 : i32
        %dma_wait3A_131 = tpu.memref_slice %arg3[%add3A_1, %arg1, %add3A_82, %dma_wait3A_129, %dma_wait3A_130] : memref<4x16x157x2x128xi32, #tpu.memory_space<hbm>> -> memref<1x1x1x2x128xi32, #tpu.memory_space<hbm>>
        %dma_wait3A_132 = tpu.memref_squeeze %dma_wait3A_131 : memref<1x1x1x2x128xi32, #tpu.memory_space<hbm>> -> memref<2x128xi32, #tpu.memory_space<hbm>>
        tpu.wait_dma2 semaphore(%run_scoped3A_116 : memref<!tpu.dma_semaphore, #tpu.memory_space<semaphore_mem>>) src(%dma_wait3A_132 : memref<2x128xi32, #tpu.memory_space<hbm>>) dst(%arg7 : memref<2x128xi32, #tpu.memory_space<vmem>>)
        tpu.yield
      }) : () -> ()
      %dma_start3A_83 = arith.constant 0 : i32
      %dma_start3A_84 = arith.constant 0 : i32
      %dma_start3A_85 = tpu.memref_slice %arg7[%dma_start3A_83, %dma_start3A_84] : memref<2x128xi32, #tpu.memory_space<vmem>> -> memref<1x128xi32, #tpu.memory_space<vmem>>
      %dma_start3A_86 = tpu.memref_squeeze %dma_start3A_85 : memref<1x128xi32, #tpu.memory_space<vmem>> -> memref<128xi32, #tpu.memory_space<vmem>>
      %dma_start3A_87 = arith.constant 0 : i32
      %dma_start3A_88 = arith.constant 0 : i32
      %dma_start3A_89 = tpu.memref_slice %arg2[%dma_start3A_87, %dma_start3A_88] : memref<40000x32xf32, #tpu.memory_space<hbm>> -> memref<40000x32xf32, #tpu.memory_space<hbm>>
      tpu.enqueue_indirect_dma source(%dma_start3A_89 : memref<40000x32xf32, #tpu.memory_space<hbm>>) target(%arg9 : memref<128x32xf32, #tpu.memory_space<vmem>>) offsets(%dma_start3A_86 : memref<128xi32, #tpu.memory_space<vmem>>) semaphore(%arg14 : memref<!tpu.dma_semaphore, #tpu.memory_space<semaphore_mem>>)
      %dma_wait3A_90 = arith.constant 0 : i32
      %dma_wait3A_91 = arith.constant 0 : i32
      %dma_wait3A_92 = tpu.memref_slice %arg6[%dma_wait3A_90, %dma_wait3A_91] : memref<2x128xi32, #tpu.memory_space<vmem>> -> memref<1x128xi32, #tpu.memory_space<vmem>>
      %dma_wait3A_93 = tpu.memref_squeeze %dma_wait3A_92 : memref<1x128xi32, #tpu.memory_space<vmem>> -> memref<128xi32, #tpu.memory_space<vmem>>
      %dma_wait3A_94 = arith.constant 0 : i32
      %dma_wait3A_95 = arith.constant 0 : i32
      %dma_wait3A_96 = tpu.memref_slice %arg2[%dma_wait3A_94, %dma_wait3A_95] : memref<40000x32xf32, #tpu.memory_space<hbm>> -> memref<40000x32xf32, #tpu.memory_space<hbm>>
      tpu.wait_indirect_dma semaphore(%arg13 : memref<!tpu.dma_semaphore, #tpu.memory_space<semaphore_mem>>) src(%dma_wait3A_96 : memref<40000x32xf32, #tpu.memory_space<hbm>>) dst(%arg8 : memref<128x32xf32, #tpu.memory_space<vmem>>)
      %run_scoped3A_97 = arith.constant 1 : i32
      "tpu.region"() ({
        %run_scoped3A_116 = tpu.sem_alloc : memref<!tpu.dma_semaphore, #tpu.memory_space<semaphore_mem>>
        %dma_start3A_117 = arith.constant 0 : i32
        %dma_start3A_118 = tpu.memref_slice %arg6[%run_scoped3A_97, %dma_start3A_117] : memref<2x128xi32, #tpu.memory_space<vmem>> -> memref<1x128xi32, #tpu.memory_space<vmem>>
        %dma_start3A_119 = tpu.memref_squeeze %dma_start3A_118 : memref<1x128xi32, #tpu.memory_space<vmem>> -> memref<128xi32, #tpu.memory_space<vmem>>
        %dma_start3A_120 = arith.constant 0 : i32
        %dma_start3A_121 = arith.constant 0 : i32
        %dma_start3A_122 = tpu.memref_slice %arg12[%dma_start3A_120, %dma_start3A_121] : memref<40064x32xf32, #tpu.memory_space<vmem_shared>> -> memref<40064x32xf32, #tpu.memory_space<vmem_shared>>
        tpu.enqueue_indirect_dma source(%arg8 : memref<128x32xf32, #tpu.memory_space<vmem>>) target(%dma_start3A_122 : memref<40064x32xf32, #tpu.memory_space<vmem_shared>>) offsets(%dma_start3A_119 : memref<128xi32, #tpu.memory_space<vmem>>) semaphore(%run_scoped3A_116 : memref<!tpu.dma_semaphore, #tpu.memory_space<semaphore_mem>>) {add = true}
        %dma_wait3A_123 = arith.constant 0 : i32
        %dma_wait3A_124 = tpu.memref_slice %arg6[%run_scoped3A_97, %dma_wait3A_123] : memref<2x128xi32, #tpu.memory_space<vmem>> -> memref<1x128xi32, #tpu.memory_space<vmem>>
        %dma_wait3A_125 = tpu.memref_squeeze %dma_wait3A_124 : memref<1x128xi32, #tpu.memory_space<vmem>> -> memref<128xi32, #tpu.memory_space<vmem>>
        %dma_wait3A_126 = arith.constant 0 : i32
        %dma_wait3A_127 = arith.constant 0 : i32
        %dma_wait3A_128 = tpu.memref_slice %arg12[%dma_wait3A_126, %dma_wait3A_127] : memref<40064x32xf32, #tpu.memory_space<vmem_shared>> -> memref<40064x32xf32, #tpu.memory_space<vmem_shared>>
        tpu.wait_indirect_dma semaphore(%run_scoped3A_116 : memref<!tpu.dma_semaphore, #tpu.memory_space<semaphore_mem>>) src(%arg8 : memref<128x32xf32, #tpu.memory_space<vmem>>) dst(%dma_wait3A_128 : memref<40064x32xf32, #tpu.memory_space<vmem_shared>>)
        tpu.yield
      }) : () -> ()
      %add3A_98 = arith.constant 2 : i32
      %add3A_99 = arith.addi %mul3A_80, %add3A_98 : i32
      "tpu.region"() ({
        %run_scoped3A_116 = tpu.sem_alloc : memref<!tpu.dma_semaphore, #tpu.memory_space<semaphore_mem>>
        %dma_start3A_117 = arith.constant 0 : i32
        %dma_start3A_118 = arith.constant 0 : i32
        %dma_start3A_119 = tpu.memref_slice %arg3[%add3A_1, %arg1, %add3A_99, %dma_start3A_117, %dma_start3A_118] : memref<4x16x157x2x128xi32, #tpu.memory_space<hbm>> -> memref<1x1x1x2x128xi32, #tpu.memory_space<hbm>>
        %dma_start3A_120 = tpu.memref_squeeze %dma_start3A_119 : memref<1x1x1x2x128xi32, #tpu.memory_space<hbm>> -> memref<2x128xi32, #tpu.memory_space<hbm>>
        %dma_start3A_121 = arith.constant 0 : i32
        %dma_start3A_122 = arith.constant 0 : i32
        %dma_start3A_123 = tpu.memref_slice %arg3[%add3A_1, %arg1, %add3A_99, %dma_start3A_121, %dma_start3A_122] : memref<4x16x157x2x128xi32, #tpu.memory_space<hbm>> -> memref<1x1x1x2x128xi32, #tpu.memory_space<hbm>>
        %dma_start3A_124 = tpu.memref_squeeze %dma_start3A_123 : memref<1x1x1x2x128xi32, #tpu.memory_space<hbm>> -> memref<2x128xi32, #tpu.memory_space<hbm>>
        tpu.enqueue_dma source(%dma_start3A_124 : memref<2x128xi32, #tpu.memory_space<hbm>>) target(%arg6 : memref<2x128xi32, #tpu.memory_space<vmem>>) target_semaphore(%run_scoped3A_116 : memref<!tpu.dma_semaphore, #tpu.memory_space<semaphore_mem>>)
        %dma_wait3A_125 = arith.constant 0 : i32
        %dma_wait3A_126 = arith.constant 0 : i32
        %dma_wait3A_127 = tpu.memref_slice %arg3[%add3A_1, %arg1, %add3A_99, %dma_wait3A_125, %dma_wait3A_126] : memref<4x16x157x2x128xi32, #tpu.memory_space<hbm>> -> memref<1x1x1x2x128xi32, #tpu.memory_space<hbm>>
        %dma_wait3A_128 = tpu.memref_squeeze %dma_wait3A_127 : memref<1x1x1x2x128xi32, #tpu.memory_space<hbm>> -> memref<2x128xi32, #tpu.memory_space<hbm>>
        %dma_wait3A_129 = arith.constant 0 : i32
        %dma_wait3A_130 = arith.constant 0 : i32
        %dma_wait3A_131 = tpu.memref_slice %arg3[%add3A_1, %arg1, %add3A_99, %dma_wait3A_129, %dma_wait3A_130] : memref<4x16x157x2x128xi32, #tpu.memory_space<hbm>> -> memref<1x1x1x2x128xi32, #tpu.memory_space<hbm>>
        %dma_wait3A_132 = tpu.memref_squeeze %dma_wait3A_131 : memref<1x1x1x2x128xi32, #tpu.memory_space<hbm>> -> memref<2x128xi32, #tpu.memory_space<hbm>>
        tpu.wait_dma2 semaphore(%run_scoped3A_116 : memref<!tpu.dma_semaphore, #tpu.memory_space<semaphore_mem>>) src(%dma_wait3A_132 : memref<2x128xi32, #tpu.memory_space<hbm>>) dst(%arg6 : memref<2x128xi32, #tpu.memory_space<vmem>>)
        tpu.yield
      }) : () -> ()
      %dma_start3A_100 = arith.constant 0 : i32
      %dma_start3A_101 = arith.constant 0 : i32
      %dma_start3A_102 = tpu.memref_slice %arg6[%dma_start3A_100, %dma_start3A_101] : memref<2x128xi32, #tpu.memory_space<vmem>> -> memref<1x128xi32, #tpu.memory_space<vmem>>
      %dma_start3A_103 = tpu.memref_squeeze %dma_start3A_102 : memref<1x128xi32, #tpu.memory_space<vmem>> -> memref<128xi32, #tpu.memory_space<vmem>>
      %dma_start3A_104 = arith.constant 0 : i32
      %dma_start3A_105 = arith.constant 0 : i32
      %dma_start3A_106 = tpu.memref_slice %arg2[%dma_start3A_104, %dma_start3A_105] : memref<40000x32xf32, #tpu.memory_space<hbm>> -> memref<40000x32xf32, #tpu.memory_space<hbm>>
      tpu.enqueue_indirect_dma source(%dma_start3A_106 : memref<40000x32xf32, #tpu.memory_space<hbm>>) target(%arg8 : memref<128x32xf32, #tpu.memory_space<vmem>>) offsets(%dma_start3A_103 : memref<128xi32, #tpu.memory_space<vmem>>) semaphore(%arg13 : memref<!tpu.dma_semaphore, #tpu.memory_space<semaphore_mem>>)
      %dma_wait3A_107 = arith.constant 0 : i32
      %dma_wait3A_108 = arith.constant 0 : i32
      %dma_wait3A_109 = tpu.memref_slice %arg7[%dma_wait3A_107, %dma_wait3A_108] : memref<2x128xi32, #tpu.memory_space<vmem>> -> memref<1x128xi32, #tpu.memory_space<vmem>>
      %dma_wait3A_110 = tpu.memref_squeeze %dma_wait3A_109 : memref<1x128xi32, #tpu.memory_space<vmem>> -> memref<128xi32, #tpu.memory_space<vmem>>
      %dma_wait3A_111 = arith.constant 0 : i32
      %dma_wait3A_112 = arith.constant 0 : i32
      %dma_wait3A_113 = tpu.memref_slice %arg2[%dma_wait3A_111, %dma_wait3A_112] : memref<40000x32xf32, #tpu.memory_space<hbm>> -> memref<40000x32xf32, #tpu.memory_space<hbm>>
      tpu.wait_indirect_dma semaphore(%arg14 : memref<!tpu.dma_semaphore, #tpu.memory_space<semaphore_mem>>) src(%dma_wait3A_113 : memref<40000x32xf32, #tpu.memory_space<hbm>>) dst(%arg9 : memref<128x32xf32, #tpu.memory_space<vmem>>)
      %run_scoped3A_114 = arith.constant 1 : i32
      "tpu.region"() ({
        %run_scoped3A_116 = tpu.sem_alloc : memref<!tpu.dma_semaphore, #tpu.memory_space<semaphore_mem>>
        %dma_start3A_117 = arith.constant 0 : i32
        %dma_start3A_118 = tpu.memref_slice %arg7[%run_scoped3A_114, %dma_start3A_117] : memref<2x128xi32, #tpu.memory_space<vmem>> -> memref<1x128xi32, #tpu.memory_space<vmem>>
        %dma_start3A_119 = tpu.memref_squeeze %dma_start3A_118 : memref<1x128xi32, #tpu.memory_space<vmem>> -> memref<128xi32, #tpu.memory_space<vmem>>
        %dma_start3A_120 = arith.constant 0 : i32
        %dma_start3A_121 = arith.constant 0 : i32
        %dma_start3A_122 = tpu.memref_slice %arg12[%dma_start3A_120, %dma_start3A_121] : memref<40064x32xf32, #tpu.memory_space<vmem_shared>> -> memref<40064x32xf32, #tpu.memory_space<vmem_shared>>
        tpu.enqueue_indirect_dma source(%arg9 : memref<128x32xf32, #tpu.memory_space<vmem>>) target(%dma_start3A_122 : memref<40064x32xf32, #tpu.memory_space<vmem_shared>>) offsets(%dma_start3A_119 : memref<128xi32, #tpu.memory_space<vmem>>) semaphore(%run_scoped3A_116 : memref<!tpu.dma_semaphore, #tpu.memory_space<semaphore_mem>>) {add = true}
        %dma_wait3A_123 = arith.constant 0 : i32
        %dma_wait3A_124 = tpu.memref_slice %arg7[%run_scoped3A_114, %dma_wait3A_123] : memref<2x128xi32, #tpu.memory_space<vmem>> -> memref<1x128xi32, #tpu.memory_space<vmem>>
        %dma_wait3A_125 = tpu.memref_squeeze %dma_wait3A_124 : memref<1x128xi32, #tpu.memory_space<vmem>> -> memref<128xi32, #tpu.memory_space<vmem>>
        %dma_wait3A_126 = arith.constant 0 : i32
        %dma_wait3A_127 = arith.constant 0 : i32
        %dma_wait3A_128 = tpu.memref_slice %arg12[%dma_wait3A_126, %dma_wait3A_127] : memref<40064x32xf32, #tpu.memory_space<vmem_shared>> -> memref<40064x32xf32, #tpu.memory_space<vmem_shared>>
        tpu.wait_indirect_dma semaphore(%run_scoped3A_116 : memref<!tpu.dma_semaphore, #tpu.memory_space<semaphore_mem>>) src(%arg9 : memref<128x32xf32, #tpu.memory_space<vmem>>) dst(%dma_wait3A_128 : memref<40064x32xf32, #tpu.memory_space<vmem_shared>>)
        tpu.yield
      }) : () -> ()
      %scan3A_115 = arith.constant 0 : i32
      scf.yield %scan3A_115 : i32
    }
    %scan3A_20 = arith.constant 78 : i32
    %dma_wait3A = arith.constant 0 : i32
    %dma_wait3A_21 = arith.constant 0 : i32
    %dma_wait3A_22 = tpu.memref_slice %arg6[%dma_wait3A, %dma_wait3A_21] : memref<2x128xi32, #tpu.memory_space<vmem>> -> memref<1x128xi32, #tpu.memory_space<vmem>>
    %dma_wait3A_23 = tpu.memref_squeeze %dma_wait3A_22 : memref<1x128xi32, #tpu.memory_space<vmem>> -> memref<128xi32, #tpu.memory_space<vmem>>
    %dma_wait3A_24 = arith.constant 0 : i32
    %dma_wait3A_25 = arith.constant 0 : i32
    %dma_wait3A_26 = tpu.memref_slice %arg2[%dma_wait3A_24, %dma_wait3A_25] : memref<40000x32xf32, #tpu.memory_space<hbm>> -> memref<40000x32xf32, #tpu.memory_space<hbm>>
    tpu.wait_indirect_dma semaphore(%arg13 : memref<!tpu.dma_semaphore, #tpu.memory_space<semaphore_mem>>) src(%dma_wait3A_26 : memref<40000x32xf32, #tpu.memory_space<hbm>>) dst(%arg8 : memref<128x32xf32, #tpu.memory_space<vmem>>)
    %run_scoped3A_27 = arith.constant 1 : i32
    "tpu.region"() ({
      %run_scoped3A_77 = tpu.sem_alloc : memref<!tpu.dma_semaphore, #tpu.memory_space<semaphore_mem>>
      %dma_start3A_78 = arith.constant 0 : i32
      %dma_start3A_79 = tpu.memref_slice %arg6[%run_scoped3A_27, %dma_start3A_78] : memref<2x128xi32, #tpu.memory_space<vmem>> -> memref<1x128xi32, #tpu.memory_space<vmem>>
      %dma_start3A_80 = tpu.memref_squeeze %dma_start3A_79 : memref<1x128xi32, #tpu.memory_space<vmem>> -> memref<128xi32, #tpu.memory_space<vmem>>
      %dma_start3A_81 = arith.constant 0 : i32
      %dma_start3A_82 = arith.constant 0 : i32
      %dma_start3A_83 = tpu.memref_slice %arg12[%dma_start3A_81, %dma_start3A_82] : memref<40064x32xf32, #tpu.memory_space<vmem_shared>> -> memref<40064x32xf32, #tpu.memory_space<vmem_shared>>
      tpu.enqueue_indirect_dma source(%arg8 : memref<128x32xf32, #tpu.memory_space<vmem>>) target(%dma_start3A_83 : memref<40064x32xf32, #tpu.memory_space<vmem_shared>>) offsets(%dma_start3A_80 : memref<128xi32, #tpu.memory_space<vmem>>) semaphore(%run_scoped3A_77 : memref<!tpu.dma_semaphore, #tpu.memory_space<semaphore_mem>>) {add = true}
      %dma_wait3A_84 = arith.constant 0 : i32
      %dma_wait3A_85 = tpu.memref_slice %arg6[%run_scoped3A_27, %dma_wait3A_84] : memref<2x128xi32, #tpu.memory_space<vmem>> -> memref<1x128xi32, #tpu.memory_space<vmem>>
      %dma_wait3A_86 = tpu.memref_squeeze %dma_wait3A_85 : memref<1x128xi32, #tpu.memory_space<vmem>> -> memref<128xi32, #tpu.memory_space<vmem>>
      %dma_wait3A_87 = arith.constant 0 : i32
      %dma_wait3A_88 = arith.constant 0 : i32
      %dma_wait3A_89 = tpu.memref_slice %arg12[%dma_wait3A_87, %dma_wait3A_88] : memref<40064x32xf32, #tpu.memory_space<vmem_shared>> -> memref<40064x32xf32, #tpu.memory_space<vmem_shared>>
      tpu.wait_indirect_dma semaphore(%run_scoped3A_77 : memref<!tpu.dma_semaphore, #tpu.memory_space<semaphore_mem>>) src(%arg8 : memref<128x32xf32, #tpu.memory_space<vmem>>) dst(%dma_wait3A_89 : memref<40064x32xf32, #tpu.memory_space<vmem_shared>>)
      tpu.yield
    }) : () -> ()
    %barrier3A_28 = arith.constant 0 : index
    tpu.barrier barrier_id(%barrier3A_28)
    %scan3A_29 = arith.constant 0 : i32
    %scan3A_30 = arith.constant 0 : i32
    %scan3A_31 = arith.constant 10 : i32
    %scan3A_32 = arith.addi %scan3A_30, %scan3A_31 : i32
    %scan3A_33 = arith.constant 1 : i32
    %scan3A_34 = scf.for %scan3A_77 = %scan3A_30 to %scan3A_32 step %scan3A_33 iter_args(%scan3A_78 = %scan3A_29) -> (i32)  : i32 {
      %mul3A_79 = arith.constant 250 : i32
      %mul3A_80 = arith.muli %scan3A_77, %mul3A_79 : i32
      %add3A_81 = arith.addi %mul3A_0, %mul3A_80 : i32
      "tpu.region"() ({
        %run_scoped3A_83 = tpu.sem_alloc : memref<!tpu.dma_semaphore, #tpu.memory_space<semaphore_mem>>
        %dma_start3A_84 = arith.constant 0 : i32
        %dma_start3A_85 = tpu.memref_slice %arg12[%add3A_81, %dma_start3A_84] : memref<40064x32xf32, #tpu.memory_space<vmem_shared>> -> memref<250x32xf32, #tpu.memory_space<vmem_shared>>
        %dma_start3A_86 = arith.constant 0 : i32
        %dma_start3A_87 = tpu.memref_slice %arg12[%add3A_81, %dma_start3A_86] : memref<40064x32xf32, #tpu.memory_space<vmem_shared>> -> memref<250x32xf32, #tpu.memory_space<vmem_shared>>
        tpu.enqueue_dma source(%dma_start3A_87 : memref<250x32xf32, #tpu.memory_space<vmem_shared>>) target(%arg11 : memref<250x32xf32, #tpu.memory_space<vmem>>) target_semaphore(%run_scoped3A_83 : memref<!tpu.dma_semaphore, #tpu.memory_space<semaphore_mem>>)
        %dma_wait3A_88 = arith.constant 0 : i32
        %dma_wait3A_89 = tpu.memref_slice %arg12[%add3A_81, %dma_wait3A_88] : memref<40064x32xf32, #tpu.memory_space<vmem_shared>> -> memref<250x32xf32, #tpu.memory_space<vmem_shared>>
        %dma_wait3A_90 = arith.constant 0 : i32
        %dma_wait3A_91 = tpu.memref_slice %arg12[%add3A_81, %dma_wait3A_90] : memref<40064x32xf32, #tpu.memory_space<vmem_shared>> -> memref<250x32xf32, #tpu.memory_space<vmem_shared>>
        tpu.wait_dma2 semaphore(%run_scoped3A_83 : memref<!tpu.dma_semaphore, #tpu.memory_space<semaphore_mem>>) src(%dma_wait3A_91 : memref<250x32xf32, #tpu.memory_space<vmem_shared>>) dst(%arg11 : memref<250x32xf32, #tpu.memory_space<vmem>>)
        tpu.yield
      }) : () -> ()
      "tpu.region"() ({
        %run_scoped3A_83 = tpu.sem_alloc : memref<!tpu.dma_semaphore, #tpu.memory_space<semaphore_mem>>
        %dma_start3A_84 = arith.constant 0 : i32
        %dma_start3A_85 = tpu.memref_slice %arg5[%add3A_1, %add3A_81, %dma_start3A_84] : memref<4x40000x32xf32, #tpu.memory_space<hbm>> -> memref<1x250x32xf32, #tpu.memory_space<hbm>>
        %dma_start3A_86 = tpu.memref_squeeze %dma_start3A_85 : memref<1x250x32xf32, #tpu.memory_space<hbm>> -> memref<250x32xf32, #tpu.memory_space<hbm>>
        %dma_start3A_87 = arith.constant 0 : i32
        %dma_start3A_88 = tpu.memref_slice %arg5[%add3A_1, %add3A_81, %dma_start3A_87] : memref<4x40000x32xf32, #tpu.memory_space<hbm>> -> memref<1x250x32xf32, #tpu.memory_space<hbm>>
        %dma_start3A_89 = tpu.memref_squeeze %dma_start3A_88 : memref<1x250x32xf32, #tpu.memory_space<hbm>> -> memref<250x32xf32, #tpu.memory_space<hbm>>
        tpu.enqueue_dma source(%arg11 : memref<250x32xf32, #tpu.memory_space<vmem>>) target(%dma_start3A_89 : memref<250x32xf32, #tpu.memory_space<hbm>>) target_semaphore(%run_scoped3A_83 : memref<!tpu.dma_semaphore, #tpu.memory_space<semaphore_mem>>)
        %dma_wait3A_90 = arith.constant 0 : i32
        %dma_wait3A_91 = tpu.memref_slice %arg5[%add3A_1, %add3A_81, %dma_wait3A_90] : memref<4x40000x32xf32, #tpu.memory_space<hbm>> -> memref<1x250x32xf32, #tpu.memory_space<hbm>>
        %dma_wait3A_92 = tpu.memref_squeeze %dma_wait3A_91 : memref<1x250x32xf32, #tpu.memory_space<hbm>> -> memref<250x32xf32, #tpu.memory_space<hbm>>
        %dma_wait3A_93 = arith.constant 0 : i32
        %dma_wait3A_94 = tpu.memref_slice %arg5[%add3A_1, %add3A_81, %dma_wait3A_93] : memref<4x40000x32xf32, #tpu.memory_space<hbm>> -> memref<1x250x32xf32, #tpu.memory_space<hbm>>
        %dma_wait3A_95 = tpu.memref_squeeze %dma_wait3A_94 : memref<1x250x32xf32, #tpu.memory_space<hbm>> -> memref<250x32xf32, #tpu.memory_space<hbm>>
        tpu.wait_dma2 semaphore(%run_scoped3A_83 : memref<!tpu.dma_semaphore, #tpu.memory_space<semaphore_mem>>) src(%arg11 : memref<250x32xf32, #tpu.memory_space<vmem>>) dst(%dma_wait3A_95 : memref<250x32xf32, #tpu.memory_space<hbm>>)
        tpu.yield
      }) : () -> ()
      %scan3A_82 = arith.constant 0 : i32
      scf.yield %scan3A_82 : i32
    }
    %scan3A_35 = arith.constant 10 : i32
    %add3A_36 = arith.constant 2 : i32
    %add3A_37 = arith.addi %add3A_36, %arg0 : i32
    %scan3A_38 = arith.constant 0 : i32
    %scan3A_39 = arith.constant 0 : i32
    %scan3A_40 = arith.constant 10 : i32
    %scan3A_41 = arith.addi %scan3A_39, %scan3A_40 : i32
    %scan3A_42 = arith.constant 1 : i32
    %scan3A_43 = scf.for %scan3A_77 = %scan3A_39 to %scan3A_41 step %scan3A_42 iter_args(%scan3A_78 = %scan3A_38) -> (i32)  : i32 {
      %mul3A_79 = arith.constant 250 : i32
      %mul3A_80 = arith.muli %scan3A_77, %mul3A_79 : i32
      %add3A_81 = arith.addi %mul3A_0, %mul3A_80 : i32
      "tpu.region"() ({
        %run_scoped3A_83 = tpu.sem_alloc : memref<!tpu.dma_semaphore, #tpu.memory_space<semaphore_mem>>
        %dma_start3A_84 = arith.constant 0 : i32
        %dma_start3A_85 = tpu.memref_slice %arg12[%add3A_81, %dma_start3A_84] : memref<40064x32xf32, #tpu.memory_space<vmem_shared>> -> memref<250x32xf32, #tpu.memory_space<vmem_shared>>
        %dma_start3A_86 = arith.constant 0 : i32
        %dma_start3A_87 = tpu.memref_slice %arg12[%add3A_81, %dma_start3A_86] : memref<40064x32xf32, #tpu.memory_space<vmem_shared>> -> memref<250x32xf32, #tpu.memory_space<vmem_shared>>
        tpu.enqueue_dma source(%arg10 : memref<250x32xf32, #tpu.memory_space<vmem>>) target(%dma_start3A_87 : memref<250x32xf32, #tpu.memory_space<vmem_shared>>) target_semaphore(%run_scoped3A_83 : memref<!tpu.dma_semaphore, #tpu.memory_space<semaphore_mem>>)
        %dma_wait3A_88 = arith.constant 0 : i32
        %dma_wait3A_89 = tpu.memref_slice %arg12[%add3A_81, %dma_wait3A_88] : memref<40064x32xf32, #tpu.memory_space<vmem_shared>> -> memref<250x32xf32, #tpu.memory_space<vmem_shared>>
        %dma_wait3A_90 = arith.constant 0 : i32
        %dma_wait3A_91 = tpu.memref_slice %arg12[%add3A_81, %dma_wait3A_90] : memref<40064x32xf32, #tpu.memory_space<vmem_shared>> -> memref<250x32xf32, #tpu.memory_space<vmem_shared>>
        tpu.wait_dma2 semaphore(%run_scoped3A_83 : memref<!tpu.dma_semaphore, #tpu.memory_space<semaphore_mem>>) src(%arg10 : memref<250x32xf32, #tpu.memory_space<vmem>>) dst(%dma_wait3A_91 : memref<250x32xf32, #tpu.memory_space<vmem_shared>>)
        tpu.yield
      }) : () -> ()
      %scan3A_82 = arith.constant 0 : i32
      scf.yield %scan3A_82 : i32
    }
    %scan3A_44 = arith.constant 10 : i32
    %barrier3A_45 = arith.constant 0 : index
    tpu.barrier barrier_id(%barrier3A_45)
    %run_scoped3A_46 = arith.constant 0 : i32
    "tpu.region"() ({
      %run_scoped3A_77 = tpu.sem_alloc : memref<!tpu.dma_semaphore, #tpu.memory_space<semaphore_mem>>
      %dma_start3A_78 = arith.constant 0 : i32
      %dma_start3A_79 = arith.constant 0 : i32
      %dma_start3A_80 = tpu.memref_slice %arg3[%add3A_37, %arg1, %run_scoped3A_46, %dma_start3A_78, %dma_start3A_79] : memref<4x16x157x2x128xi32, #tpu.memory_space<hbm>> -> memref<1x1x1x2x128xi32, #tpu.memory_space<hbm>>
      %dma_start3A_81 = tpu.memref_squeeze %dma_start3A_80 : memref<1x1x1x2x128xi32, #tpu.memory_space<hbm>> -> memref<2x128xi32, #tpu.memory_space<hbm>>
      %dma_start3A_82 = arith.constant 0 : i32
      %dma_start3A_83 = arith.constant 0 : i32
      %dma_start3A_84 = tpu.memref_slice %arg3[%add3A_37, %arg1, %run_scoped3A_46, %dma_start3A_82, %dma_start3A_83] : memref<4x16x157x2x128xi32, #tpu.memory_space<hbm>> -> memref<1x1x1x2x128xi32, #tpu.memory_space<hbm>>
      %dma_start3A_85 = tpu.memref_squeeze %dma_start3A_84 : memref<1x1x1x2x128xi32, #tpu.memory_space<hbm>> -> memref<2x128xi32, #tpu.memory_space<hbm>>
      tpu.enqueue_dma source(%dma_start3A_85 : memref<2x128xi32, #tpu.memory_space<hbm>>) target(%arg6 : memref<2x128xi32, #tpu.memory_space<vmem>>) target_semaphore(%run_scoped3A_77 : memref<!tpu.dma_semaphore, #tpu.memory_space<semaphore_mem>>)
      %dma_wait3A_86 = arith.constant 0 : i32
      %dma_wait3A_87 = arith.constant 0 : i32
      %dma_wait3A_88 = tpu.memref_slice %arg3[%add3A_37, %arg1, %run_scoped3A_46, %dma_wait3A_86, %dma_wait3A_87] : memref<4x16x157x2x128xi32, #tpu.memory_space<hbm>> -> memref<1x1x1x2x128xi32, #tpu.memory_space<hbm>>
      %dma_wait3A_89 = tpu.memref_squeeze %dma_wait3A_88 : memref<1x1x1x2x128xi32, #tpu.memory_space<hbm>> -> memref<2x128xi32, #tpu.memory_space<hbm>>
      %dma_wait3A_90 = arith.constant 0 : i32
      %dma_wait3A_91 = arith.constant 0 : i32
      %dma_wait3A_92 = tpu.memref_slice %arg3[%add3A_37, %arg1, %run_scoped3A_46, %dma_wait3A_90, %dma_wait3A_91] : memref<4x16x157x2x128xi32, #tpu.memory_space<hbm>> -> memref<1x1x1x2x128xi32, #tpu.memory_space<hbm>>
      %dma_wait3A_93 = tpu.memref_squeeze %dma_wait3A_92 : memref<1x1x1x2x128xi32, #tpu.memory_space<hbm>> -> memref<2x128xi32, #tpu.memory_space<hbm>>
      tpu.wait_dma2 semaphore(%run_scoped3A_77 : memref<!tpu.dma_semaphore, #tpu.memory_space<semaphore_mem>>) src(%dma_wait3A_93 : memref<2x128xi32, #tpu.memory_space<hbm>>) dst(%arg6 : memref<2x128xi32, #tpu.memory_space<vmem>>)
      tpu.yield
    }) : () -> ()
    %dma_start3A_47 = arith.constant 0 : i32
    %dma_start3A_48 = arith.constant 0 : i32
    %dma_start3A_49 = tpu.memref_slice %arg6[%dma_start3A_47, %dma_start3A_48] : memref<2x128xi32, #tpu.memory_space<vmem>> -> memref<1x128xi32, #tpu.memory_space<vmem>>
    %dma_start3A_50 = tpu.memref_squeeze %dma_start3A_49 : memref<1x128xi32, #tpu.memory_space<vmem>> -> memref<128xi32, #tpu.memory_space<vmem>>
    %dma_start3A_51 = arith.constant 0 : i32
    %dma_start3A_52 = arith.constant 0 : i32
    %dma_start3A_53 = tpu.memref_slice %arg2[%dma_start3A_51, %dma_start3A_52] : memref<40000x32xf32, #tpu.memory_space<hbm>> -> memref<40000x32xf32, #tpu.memory_space<hbm>>
    tpu.enqueue_indirect_dma source(%dma_start3A_53 : memref<40000x32xf32, #tpu.memory_space<hbm>>) target(%arg8 : memref<128x32xf32, #tpu.memory_space<vmem>>) offsets(%dma_start3A_50 : memref<128xi32, #tpu.memory_space<vmem>>) semaphore(%arg13 : memref<!tpu.dma_semaphore, #tpu.memory_space<semaphore_mem>>)
    %scan3A_54 = arith.constant 0 : i32
    %scan3A_55 = arith.constant 0 : i32
    %scan3A_56 = arith.constant 78 : i32
    %scan3A_57 = arith.addi %scan3A_55, %scan3A_56 : i32
    %scan3A_58 = arith.constant 1 : i32
    %scan3A_59 = scf.for %scan3A_77 = %scan3A_55 to %scan3A_57 step %scan3A_58 iter_args(%scan3A_78 = %scan3A_54) -> (i32)  : i32 {
      %mul3A_79 = arith.constant 2 : i32
      %mul3A_80 = arith.muli %mul3A_79, %scan3A_77 : i32
      %add3A_81 = arith.constant 1 : i32
      %add3A_82 = arith.addi %mul3A_80, %add3A_81 : i32
      "tpu.region"() ({
        %run_scoped3A_116 = tpu.sem_alloc : memref<!tpu.dma_semaphore, #tpu.memory_space<semaphore_mem>>
        %dma_start3A_117 = arith.constant 0 : i32
        %dma_start3A_118 = arith.constant 0 : i32
        %dma_start3A_119 = tpu.memref_slice %arg3[%add3A_37, %arg1, %add3A_82, %dma_start3A_117, %dma_start3A_118] : memref<4x16x157x2x128xi32, #tpu.memory_space<hbm>> -> memref<1x1x1x2x128xi32, #tpu.memory_space<hbm>>
        %dma_start3A_120 = tpu.memref_squeeze %dma_start3A_119 : memref<1x1x1x2x128xi32, #tpu.memory_space<hbm>> -> memref<2x128xi32, #tpu.memory_space<hbm>>
        %dma_start3A_121 = arith.constant 0 : i32
        %dma_start3A_122 = arith.constant 0 : i32
        %dma_start3A_123 = tpu.memref_slice %arg3[%add3A_37, %arg1, %add3A_82, %dma_start3A_121, %dma_start3A_122] : memref<4x16x157x2x128xi32, #tpu.memory_space<hbm>> -> memref<1x1x1x2x128xi32, #tpu.memory_space<hbm>>
        %dma_start3A_124 = tpu.memref_squeeze %dma_start3A_123 : memref<1x1x1x2x128xi32, #tpu.memory_space<hbm>> -> memref<2x128xi32, #tpu.memory_space<hbm>>
        tpu.enqueue_dma source(%dma_start3A_124 : memref<2x128xi32, #tpu.memory_space<hbm>>) target(%arg7 : memref<2x128xi32, #tpu.memory_space<vmem>>) target_semaphore(%run_scoped3A_116 : memref<!tpu.dma_semaphore, #tpu.memory_space<semaphore_mem>>)
        %dma_wait3A_125 = arith.constant 0 : i32
        %dma_wait3A_126 = arith.constant 0 : i32
        %dma_wait3A_127 = tpu.memref_slice %arg3[%add3A_37, %arg1, %add3A_82, %dma_wait3A_125, %dma_wait3A_126] : memref<4x16x157x2x128xi32, #tpu.memory_space<hbm>> -> memref<1x1x1x2x128xi32, #tpu.memory_space<hbm>>
        %dma_wait3A_128 = tpu.memref_squeeze %dma_wait3A_127 : memref<1x1x1x2x128xi32, #tpu.memory_space<hbm>> -> memref<2x128xi32, #tpu.memory_space<hbm>>
        %dma_wait3A_129 = arith.constant 0 : i32
        %dma_wait3A_130 = arith.constant 0 : i32
        %dma_wait3A_131 = tpu.memref_slice %arg3[%add3A_37, %arg1, %add3A_82, %dma_wait3A_129, %dma_wait3A_130] : memref<4x16x157x2x128xi32, #tpu.memory_space<hbm>> -> memref<1x1x1x2x128xi32, #tpu.memory_space<hbm>>
        %dma_wait3A_132 = tpu.memref_squeeze %dma_wait3A_131 : memref<1x1x1x2x128xi32, #tpu.memory_space<hbm>> -> memref<2x128xi32, #tpu.memory_space<hbm>>
        tpu.wait_dma2 semaphore(%run_scoped3A_116 : memref<!tpu.dma_semaphore, #tpu.memory_space<semaphore_mem>>) src(%dma_wait3A_132 : memref<2x128xi32, #tpu.memory_space<hbm>>) dst(%arg7 : memref<2x128xi32, #tpu.memory_space<vmem>>)
        tpu.yield
      }) : () -> ()
      %dma_start3A_83 = arith.constant 0 : i32
      %dma_start3A_84 = arith.constant 0 : i32
      %dma_start3A_85 = tpu.memref_slice %arg7[%dma_start3A_83, %dma_start3A_84] : memref<2x128xi32, #tpu.memory_space<vmem>> -> memref<1x128xi32, #tpu.memory_space<vmem>>
      %dma_start3A_86 = tpu.memref_squeeze %dma_start3A_85 : memref<1x128xi32, #tpu.memory_space<vmem>> -> memref<128xi32, #tpu.memory_space<vmem>>
      %dma_start3A_87 = arith.constant 0 : i32
      %dma_start3A_88 = arith.constant 0 : i32
      %dma_start3A_89 = tpu.memref_slice %arg2[%dma_start3A_87, %dma_start3A_88] : memref<40000x32xf32, #tpu.memory_space<hbm>> -> memref<40000x32xf32, #tpu.memory_space<hbm>>
      tpu.enqueue_indirect_dma source(%dma_start3A_89 : memref<40000x32xf32, #tpu.memory_space<hbm>>) target(%arg9 : memref<128x32xf32, #tpu.memory_space<vmem>>) offsets(%dma_start3A_86 : memref<128xi32, #tpu.memory_space<vmem>>) semaphore(%arg14 : memref<!tpu.dma_semaphore, #tpu.memory_space<semaphore_mem>>)
      %dma_wait3A_90 = arith.constant 0 : i32
      %dma_wait3A_91 = arith.constant 0 : i32
      %dma_wait3A_92 = tpu.memref_slice %arg6[%dma_wait3A_90, %dma_wait3A_91] : memref<2x128xi32, #tpu.memory_space<vmem>> -> memref<1x128xi32, #tpu.memory_space<vmem>>
      %dma_wait3A_93 = tpu.memref_squeeze %dma_wait3A_92 : memref<1x128xi32, #tpu.memory_space<vmem>> -> memref<128xi32, #tpu.memory_space<vmem>>
      %dma_wait3A_94 = arith.constant 0 : i32
      %dma_wait3A_95 = arith.constant 0 : i32
      %dma_wait3A_96 = tpu.memref_slice %arg2[%dma_wait3A_94, %dma_wait3A_95] : memref<40000x32xf32, #tpu.memory_space<hbm>> -> memref<40000x32xf32, #tpu.memory_space<hbm>>
      tpu.wait_indirect_dma semaphore(%arg13 : memref<!tpu.dma_semaphore, #tpu.memory_space<semaphore_mem>>) src(%dma_wait3A_96 : memref<40000x32xf32, #tpu.memory_space<hbm>>) dst(%arg8 : memref<128x32xf32, #tpu.memory_space<vmem>>)
      %run_scoped3A_97 = arith.constant 1 : i32
      "tpu.region"() ({
        %run_scoped3A_116 = tpu.sem_alloc : memref<!tpu.dma_semaphore, #tpu.memory_space<semaphore_mem>>
        %dma_start3A_117 = arith.constant 0 : i32
        %dma_start3A_118 = tpu.memref_slice %arg6[%run_scoped3A_97, %dma_start3A_117] : memref<2x128xi32, #tpu.memory_space<vmem>> -> memref<1x128xi32, #tpu.memory_space<vmem>>
        %dma_start3A_119 = tpu.memref_squeeze %dma_start3A_118 : memref<1x128xi32, #tpu.memory_space<vmem>> -> memref<128xi32, #tpu.memory_space<vmem>>
        %dma_start3A_120 = arith.constant 0 : i32
        %dma_start3A_121 = arith.constant 0 : i32
        %dma_start3A_122 = tpu.memref_slice %arg12[%dma_start3A_120, %dma_start3A_121] : memref<40064x32xf32, #tpu.memory_space<vmem_shared>> -> memref<40064x32xf32, #tpu.memory_space<vmem_shared>>
        tpu.enqueue_indirect_dma source(%arg8 : memref<128x32xf32, #tpu.memory_space<vmem>>) target(%dma_start3A_122 : memref<40064x32xf32, #tpu.memory_space<vmem_shared>>) offsets(%dma_start3A_119 : memref<128xi32, #tpu.memory_space<vmem>>) semaphore(%run_scoped3A_116 : memref<!tpu.dma_semaphore, #tpu.memory_space<semaphore_mem>>) {add = true}
        %dma_wait3A_123 = arith.constant 0 : i32
        %dma_wait3A_124 = tpu.memref_slice %arg6[%run_scoped3A_97, %dma_wait3A_123] : memref<2x128xi32, #tpu.memory_space<vmem>> -> memref<1x128xi32, #tpu.memory_space<vmem>>
        %dma_wait3A_125 = tpu.memref_squeeze %dma_wait3A_124 : memref<1x128xi32, #tpu.memory_space<vmem>> -> memref<128xi32, #tpu.memory_space<vmem>>
        %dma_wait3A_126 = arith.constant 0 : i32
        %dma_wait3A_127 = arith.constant 0 : i32
        %dma_wait3A_128 = tpu.memref_slice %arg12[%dma_wait3A_126, %dma_wait3A_127] : memref<40064x32xf32, #tpu.memory_space<vmem_shared>> -> memref<40064x32xf32, #tpu.memory_space<vmem_shared>>
        tpu.wait_indirect_dma semaphore(%run_scoped3A_116 : memref<!tpu.dma_semaphore, #tpu.memory_space<semaphore_mem>>) src(%arg8 : memref<128x32xf32, #tpu.memory_space<vmem>>) dst(%dma_wait3A_128 : memref<40064x32xf32, #tpu.memory_space<vmem_shared>>)
        tpu.yield
      }) : () -> ()
      %add3A_98 = arith.constant 2 : i32
      %add3A_99 = arith.addi %mul3A_80, %add3A_98 : i32
      "tpu.region"() ({
        %run_scoped3A_116 = tpu.sem_alloc : memref<!tpu.dma_semaphore, #tpu.memory_space<semaphore_mem>>
        %dma_start3A_117 = arith.constant 0 : i32
        %dma_start3A_118 = arith.constant 0 : i32
        %dma_start3A_119 = tpu.memref_slice %arg3[%add3A_37, %arg1, %add3A_99, %dma_start3A_117, %dma_start3A_118] : memref<4x16x157x2x128xi32, #tpu.memory_space<hbm>> -> memref<1x1x1x2x128xi32, #tpu.memory_space<hbm>>
        %dma_start3A_120 = tpu.memref_squeeze %dma_start3A_119 : memref<1x1x1x2x128xi32, #tpu.memory_space<hbm>> -> memref<2x128xi32, #tpu.memory_space<hbm>>
        %dma_start3A_121 = arith.constant 0 : i32
        %dma_start3A_122 = arith.constant 0 : i32
        %dma_start3A_123 = tpu.memref_slice %arg3[%add3A_37, %arg1, %add3A_99, %dma_start3A_121, %dma_start3A_122] : memref<4x16x157x2x128xi32, #tpu.memory_space<hbm>> -> memref<1x1x1x2x128xi32, #tpu.memory_space<hbm>>
        %dma_start3A_124 = tpu.memref_squeeze %dma_start3A_123 : memref<1x1x1x2x128xi32, #tpu.memory_space<hbm>> -> memref<2x128xi32, #tpu.memory_space<hbm>>
        tpu.enqueue_dma source(%dma_start3A_124 : memref<2x128xi32, #tpu.memory_space<hbm>>) target(%arg6 : memref<2x128xi32, #tpu.memory_space<vmem>>) target_semaphore(%run_scoped3A_116 : memref<!tpu.dma_semaphore, #tpu.memory_space<semaphore_mem>>)
        %dma_wait3A_125 = arith.constant 0 : i32
        %dma_wait3A_126 = arith.constant 0 : i32
        %dma_wait3A_127 = tpu.memref_slice %arg3[%add3A_37, %arg1, %add3A_99, %dma_wait3A_125, %dma_wait3A_126] : memref<4x16x157x2x128xi32, #tpu.memory_space<hbm>> -> memref<1x1x1x2x128xi32, #tpu.memory_space<hbm>>
        %dma_wait3A_128 = tpu.memref_squeeze %dma_wait3A_127 : memref<1x1x1x2x128xi32, #tpu.memory_space<hbm>> -> memref<2x128xi32, #tpu.memory_space<hbm>>
        %dma_wait3A_129 = arith.constant 0 : i32
        %dma_wait3A_130 = arith.constant 0 : i32
        %dma_wait3A_131 = tpu.memref_slice %arg3[%add3A_37, %arg1, %add3A_99, %dma_wait3A_129, %dma_wait3A_130] : memref<4x16x157x2x128xi32, #tpu.memory_space<hbm>> -> memref<1x1x1x2x128xi32, #tpu.memory_space<hbm>>
        %dma_wait3A_132 = tpu.memref_squeeze %dma_wait3A_131 : memref<1x1x1x2x128xi32, #tpu.memory_space<hbm>> -> memref<2x128xi32, #tpu.memory_space<hbm>>
        tpu.wait_dma2 semaphore(%run_scoped3A_116 : memref<!tpu.dma_semaphore, #tpu.memory_space<semaphore_mem>>) src(%dma_wait3A_132 : memref<2x128xi32, #tpu.memory_space<hbm>>) dst(%arg6 : memref<2x128xi32, #tpu.memory_space<vmem>>)
        tpu.yield
      }) : () -> ()
      %dma_start3A_100 = arith.constant 0 : i32
      %dma_start3A_101 = arith.constant 0 : i32
      %dma_start3A_102 = tpu.memref_slice %arg6[%dma_start3A_100, %dma_start3A_101] : memref<2x128xi32, #tpu.memory_space<vmem>> -> memref<1x128xi32, #tpu.memory_space<vmem>>
      %dma_start3A_103 = tpu.memref_squeeze %dma_start3A_102 : memref<1x128xi32, #tpu.memory_space<vmem>> -> memref<128xi32, #tpu.memory_space<vmem>>
      %dma_start3A_104 = arith.constant 0 : i32
      %dma_start3A_105 = arith.constant 0 : i32
      %dma_start3A_106 = tpu.memref_slice %arg2[%dma_start3A_104, %dma_start3A_105] : memref<40000x32xf32, #tpu.memory_space<hbm>> -> memref<40000x32xf32, #tpu.memory_space<hbm>>
      tpu.enqueue_indirect_dma source(%dma_start3A_106 : memref<40000x32xf32, #tpu.memory_space<hbm>>) target(%arg8 : memref<128x32xf32, #tpu.memory_space<vmem>>) offsets(%dma_start3A_103 : memref<128xi32, #tpu.memory_space<vmem>>) semaphore(%arg13 : memref<!tpu.dma_semaphore, #tpu.memory_space<semaphore_mem>>)
      %dma_wait3A_107 = arith.constant 0 : i32
      %dma_wait3A_108 = arith.constant 0 : i32
      %dma_wait3A_109 = tpu.memref_slice %arg7[%dma_wait3A_107, %dma_wait3A_108] : memref<2x128xi32, #tpu.memory_space<vmem>> -> memref<1x128xi32, #tpu.memory_space<vmem>>
      %dma_wait3A_110 = tpu.memref_squeeze %dma_wait3A_109 : memref<1x128xi32, #tpu.memory_space<vmem>> -> memref<128xi32, #tpu.memory_space<vmem>>
      %dma_wait3A_111 = arith.constant 0 : i32
      %dma_wait3A_112 = arith.constant 0 : i32
      %dma_wait3A_113 = tpu.memref_slice %arg2[%dma_wait3A_111, %dma_wait3A_112] : memref<40000x32xf32, #tpu.memory_space<hbm>> -> memref<40000x32xf32, #tpu.memory_space<hbm>>
      tpu.wait_indirect_dma semaphore(%arg14 : memref<!tpu.dma_semaphore, #tpu.memory_space<semaphore_mem>>) src(%dma_wait3A_113 : memref<40000x32xf32, #tpu.memory_space<hbm>>) dst(%arg9 : memref<128x32xf32, #tpu.memory_space<vmem>>)
      %run_scoped3A_114 = arith.constant 1 : i32
      "tpu.region"() ({
        %run_scoped3A_116 = tpu.sem_alloc : memref<!tpu.dma_semaphore, #tpu.memory_space<semaphore_mem>>
        %dma_start3A_117 = arith.constant 0 : i32
        %dma_start3A_118 = tpu.memref_slice %arg7[%run_scoped3A_114, %dma_start3A_117] : memref<2x128xi32, #tpu.memory_space<vmem>> -> memref<1x128xi32, #tpu.memory_space<vmem>>
        %dma_start3A_119 = tpu.memref_squeeze %dma_start3A_118 : memref<1x128xi32, #tpu.memory_space<vmem>> -> memref<128xi32, #tpu.memory_space<vmem>>
        %dma_start3A_120 = arith.constant 0 : i32
        %dma_start3A_121 = arith.constant 0 : i32
        %dma_start3A_122 = tpu.memref_slice %arg12[%dma_start3A_120, %dma_start3A_121] : memref<40064x32xf32, #tpu.memory_space<vmem_shared>> -> memref<40064x32xf32, #tpu.memory_space<vmem_shared>>
        tpu.enqueue_indirect_dma source(%arg9 : memref<128x32xf32, #tpu.memory_space<vmem>>) target(%dma_start3A_122 : memref<40064x32xf32, #tpu.memory_space<vmem_shared>>) offsets(%dma_start3A_119 : memref<128xi32, #tpu.memory_space<vmem>>) semaphore(%run_scoped3A_116 : memref<!tpu.dma_semaphore, #tpu.memory_space<semaphore_mem>>) {add = true}
        %dma_wait3A_123 = arith.constant 0 : i32
        %dma_wait3A_124 = tpu.memref_slice %arg7[%run_scoped3A_114, %dma_wait3A_123] : memref<2x128xi32, #tpu.memory_space<vmem>> -> memref<1x128xi32, #tpu.memory_space<vmem>>
        %dma_wait3A_125 = tpu.memref_squeeze %dma_wait3A_124 : memref<1x128xi32, #tpu.memory_space<vmem>> -> memref<128xi32, #tpu.memory_space<vmem>>
        %dma_wait3A_126 = arith.constant 0 : i32
        %dma_wait3A_127 = arith.constant 0 : i32
        %dma_wait3A_128 = tpu.memref_slice %arg12[%dma_wait3A_126, %dma_wait3A_127] : memref<40064x32xf32, #tpu.memory_space<vmem_shared>> -> memref<40064x32xf32, #tpu.memory_space<vmem_shared>>
        tpu.wait_indirect_dma semaphore(%run_scoped3A_116 : memref<!tpu.dma_semaphore, #tpu.memory_space<semaphore_mem>>) src(%arg9 : memref<128x32xf32, #tpu.memory_space<vmem>>) dst(%dma_wait3A_128 : memref<40064x32xf32, #tpu.memory_space<vmem_shared>>)
        tpu.yield
      }) : () -> ()
      %scan3A_115 = arith.constant 0 : i32
      scf.yield %scan3A_115 : i32
    }
    %scan3A_60 = arith.constant 78 : i32
    %dma_wait3A_61 = arith.constant 0 : i32
    %dma_wait3A_62 = arith.constant 0 : i32
    %dma_wait3A_63 = tpu.memref_slice %arg6[%dma_wait3A_61, %dma_wait3A_62] : memref<2x128xi32, #tpu.memory_space<vmem>> -> memref<1x128xi32, #tpu.memory_space<vmem>>
    %dma_wait3A_64 = tpu.memref_squeeze %dma_wait3A_63 : memref<1x128xi32, #tpu.memory_space<vmem>> -> memref<128xi32, #tpu.memory_space<vmem>>
    %dma_wait3A_65 = arith.constant 0 : i32
    %dma_wait3A_66 = arith.constant 0 : i32
    %dma_wait3A_67 = tpu.memref_slice %arg2[%dma_wait3A_65, %dma_wait3A_66] : memref<40000x32xf32, #tpu.memory_space<hbm>> -> memref<40000x32xf32, #tpu.memory_space<hbm>>
    tpu.wait_indirect_dma semaphore(%arg13 : memref<!tpu.dma_semaphore, #tpu.memory_space<semaphore_mem>>) src(%dma_wait3A_67 : memref<40000x32xf32, #tpu.memory_space<hbm>>) dst(%arg8 : memref<128x32xf32, #tpu.memory_space<vmem>>)
    %run_scoped3A_68 = arith.constant 1 : i32
    "tpu.region"() ({
      %run_scoped3A_77 = tpu.sem_alloc : memref<!tpu.dma_semaphore, #tpu.memory_space<semaphore_mem>>
      %dma_start3A_78 = arith.constant 0 : i32
      %dma_start3A_79 = tpu.memref_slice %arg6[%run_scoped3A_68, %dma_start3A_78] : memref<2x128xi32, #tpu.memory_space<vmem>> -> memref<1x128xi32, #tpu.memory_space<vmem>>
      %dma_start3A_80 = tpu.memref_squeeze %dma_start3A_79 : memref<1x128xi32, #tpu.memory_space<vmem>> -> memref<128xi32, #tpu.memory_space<vmem>>
      %dma_start3A_81 = arith.constant 0 : i32
      %dma_start3A_82 = arith.constant 0 : i32
      %dma_start3A_83 = tpu.memref_slice %arg12[%dma_start3A_81, %dma_start3A_82] : memref<40064x32xf32, #tpu.memory_space<vmem_shared>> -> memref<40064x32xf32, #tpu.memory_space<vmem_shared>>
      tpu.enqueue_indirect_dma source(%arg8 : memref<128x32xf32, #tpu.memory_space<vmem>>) target(%dma_start3A_83 : memref<40064x32xf32, #tpu.memory_space<vmem_shared>>) offsets(%dma_start3A_80 : memref<128xi32, #tpu.memory_space<vmem>>) semaphore(%run_scoped3A_77 : memref<!tpu.dma_semaphore, #tpu.memory_space<semaphore_mem>>) {add = true}
      %dma_wait3A_84 = arith.constant 0 : i32
      %dma_wait3A_85 = tpu.memref_slice %arg6[%run_scoped3A_68, %dma_wait3A_84] : memref<2x128xi32, #tpu.memory_space<vmem>> -> memref<1x128xi32, #tpu.memory_space<vmem>>
      %dma_wait3A_86 = tpu.memref_squeeze %dma_wait3A_85 : memref<1x128xi32, #tpu.memory_space<vmem>> -> memref<128xi32, #tpu.memory_space<vmem>>
      %dma_wait3A_87 = arith.constant 0 : i32
      %dma_wait3A_88 = arith.constant 0 : i32
      %dma_wait3A_89 = tpu.memref_slice %arg12[%dma_wait3A_87, %dma_wait3A_88] : memref<40064x32xf32, #tpu.memory_space<vmem_shared>> -> memref<40064x32xf32, #tpu.memory_space<vmem_shared>>
      tpu.wait_indirect_dma semaphore(%run_scoped3A_77 : memref<!tpu.dma_semaphore, #tpu.memory_space<semaphore_mem>>) src(%arg8 : memref<128x32xf32, #tpu.memory_space<vmem>>) dst(%dma_wait3A_89 : memref<40064x32xf32, #tpu.memory_space<vmem_shared>>)
      tpu.yield
    }) : () -> ()
    %barrier3A_69 = arith.constant 0 : index
    tpu.barrier barrier_id(%barrier3A_69)
    %scan3A_70 = arith.constant 0 : i32
    %scan3A_71 = arith.constant 0 : i32
    %scan3A_72 = arith.constant 10 : i32
    %scan3A_73 = arith.addi %scan3A_71, %scan3A_72 : i32
    %scan3A_74 = arith.constant 1 : i32
    %scan3A_75 = scf.for %scan3A_77 = %scan3A_71 to %scan3A_73 step %scan3A_74 iter_args(%scan3A_78 = %scan3A_70) -> (i32)  : i32 {
      %mul3A_79 = arith.constant 250 : i32
      %mul3A_80 = arith.muli %scan3A_77, %mul3A_79 : i32
      %add3A_81 = arith.addi %mul3A_0, %mul3A_80 : i32
      "tpu.region"() ({
        %run_scoped3A_83 = tpu.sem_alloc : memref<!tpu.dma_semaphore, #tpu.memory_space<semaphore_mem>>
        %dma_start3A_84 = arith.constant 0 : i32
        %dma_start3A_85 = tpu.memref_slice %arg12[%add3A_81, %dma_start3A_84] : memref<40064x32xf32, #tpu.memory_space<vmem_shared>> -> memref<250x32xf32, #tpu.memory_space<vmem_shared>>
        %dma_start3A_86 = arith.constant 0 : i32
        %dma_start3A_87 = tpu.memref_slice %arg12[%add3A_81, %dma_start3A_86] : memref<40064x32xf32, #tpu.memory_space<vmem_shared>> -> memref<250x32xf32, #tpu.memory_space<vmem_shared>>
        tpu.enqueue_dma source(%dma_start3A_87 : memref<250x32xf32, #tpu.memory_space<vmem_shared>>) target(%arg11 : memref<250x32xf32, #tpu.memory_space<vmem>>) target_semaphore(%run_scoped3A_83 : memref<!tpu.dma_semaphore, #tpu.memory_space<semaphore_mem>>)
        %dma_wait3A_88 = arith.constant 0 : i32
        %dma_wait3A_89 = tpu.memref_slice %arg12[%add3A_81, %dma_wait3A_88] : memref<40064x32xf32, #tpu.memory_space<vmem_shared>> -> memref<250x32xf32, #tpu.memory_space<vmem_shared>>
        %dma_wait3A_90 = arith.constant 0 : i32
        %dma_wait3A_91 = tpu.memref_slice %arg12[%add3A_81, %dma_wait3A_90] : memref<40064x32xf32, #tpu.memory_space<vmem_shared>> -> memref<250x32xf32, #tpu.memory_space<vmem_shared>>
        tpu.wait_dma2 semaphore(%run_scoped3A_83 : memref<!tpu.dma_semaphore, #tpu.memory_space<semaphore_mem>>) src(%dma_wait3A_91 : memref<250x32xf32, #tpu.memory_space<vmem_shared>>) dst(%arg11 : memref<250x32xf32, #tpu.memory_space<vmem>>)
        tpu.yield
      }) : () -> ()
      "tpu.region"() ({
        %run_scoped3A_83 = tpu.sem_alloc : memref<!tpu.dma_semaphore, #tpu.memory_space<semaphore_mem>>
        %dma_start3A_84 = arith.constant 0 : i32
        %dma_start3A_85 = tpu.memref_slice %arg5[%add3A_37, %add3A_81, %dma_start3A_84] : memref<4x40000x32xf32, #tpu.memory_space<hbm>> -> memref<1x250x32xf32, #tpu.memory_space<hbm>>
        %dma_start3A_86 = tpu.memref_squeeze %dma_start3A_85 : memref<1x250x32xf32, #tpu.memory_space<hbm>> -> memref<250x32xf32, #tpu.memory_space<hbm>>
        %dma_start3A_87 = arith.constant 0 : i32
        %dma_start3A_88 = tpu.memref_slice %arg5[%add3A_37, %add3A_81, %dma_start3A_87] : memref<4x40000x32xf32, #tpu.memory_space<hbm>> -> memref<1x250x32xf32, #tpu.memory_space<hbm>>
        %dma_start3A_89 = tpu.memref_squeeze %dma_start3A_88 : memref<1x250x32xf32, #tpu.memory_space<hbm>> -> memref<250x32xf32, #tpu.memory_space<hbm>>
        tpu.enqueue_dma source(%arg11 : memref<250x32xf32, #tpu.memory_space<vmem>>) target(%dma_start3A_89 : memref<250x32xf32, #tpu.memory_space<hbm>>) target_semaphore(%run_scoped3A_83 : memref<!tpu.dma_semaphore, #tpu.memory_space<semaphore_mem>>)
        %dma_wait3A_90 = arith.constant 0 : i32
        %dma_wait3A_91 = tpu.memref_slice %arg5[%add3A_37, %add3A_81, %dma_wait3A_90] : memref<4x40000x32xf32, #tpu.memory_space<hbm>> -> memref<1x250x32xf32, #tpu.memory_space<hbm>>
        %dma_wait3A_92 = tpu.memref_squeeze %dma_wait3A_91 : memref<1x250x32xf32, #tpu.memory_space<hbm>> -> memref<250x32xf32, #tpu.memory_space<hbm>>
        %dma_wait3A_93 = arith.constant 0 : i32
        %dma_wait3A_94 = tpu.memref_slice %arg5[%add3A_37, %add3A_81, %dma_wait3A_93] : memref<4x40000x32xf32, #tpu.memory_space<hbm>> -> memref<1x250x32xf32, #tpu.memory_space<hbm>>
        %dma_wait3A_95 = tpu.memref_squeeze %dma_wait3A_94 : memref<1x250x32xf32, #tpu.memory_space<hbm>> -> memref<250x32xf32, #tpu.memory_space<hbm>>
        tpu.wait_dma2 semaphore(%run_scoped3A_83 : memref<!tpu.dma_semaphore, #tpu.memory_space<semaphore_mem>>) src(%arg11 : memref<250x32xf32, #tpu.memory_space<vmem>>) dst(%dma_wait3A_95 : memref<250x32xf32, #tpu.memory_space<hbm>>)
        tpu.yield
      }) : () -> ()
      %scan3A_82 = arith.constant 0 : i32
      scf.yield %scan3A_82 : i32
    }
    %scan3A_76 = arith.constant 10 : i32
    return
  }
}

module attributes {stable_mosaic.version = 14 : i64} {
  func.func @_hetero_body(%arg0: i32, %arg1: memref<1000x128xf32, #tpu.memory_space<vmem>>, %arg2: memref<1000x1xi32, #tpu.memory_space<vmem>>, %arg3: memref<4x128x128xf32, #tpu.memory_space<vmem>>, %arg4: memref<4x128xf32, #tpu.memory_space<vmem>>, %arg5: memref<2x4x128x128xf32, #tpu.memory_space<vmem>>, %arg6: memref<2x4x128x128xf32, #tpu.memory_space<vmem>>, %arg7: memref<2x4x128xf32, #tpu.memory_space<vmem>>, %arg8: memref<512x128xf32, #tpu.memory_space<vmem>>, %arg9: memref<1x128xf32, #tpu.memory_space<vmem>>, %arg10: memref<1000x128xf32, #tpu.memory_space<vmem>>, %arg11: memref<4x1000x32xf32, #tpu.memory_space<vmem>>, %arg12: memref<2x4x128x128xf32, #tpu.memory_space<vmem>>, %arg13: memref<2x128x128xf32, #tpu.memory_space<vmem>>, %arg14: memref<2x1x128xf32, #tpu.memory_space<vmem>>) attributes {dimension_semantics = [#tpu.dimension_semantics<arbitrary>], iteration_bounds = array<i64: 10>, scalar_prefetch = 0 : i64, scratch_operands = 0 : i64, tpu.core_type = #tpu.core_type<tc>, window_params = [{transform_indices = @transform_0, window_bounds = array<i64: 1000, 128>}, {transform_indices = @transform_1, window_bounds = array<i64: 1000, 1>}, {pipeline_mode = #tpu.pipeline_mode<synchronous>, transform_indices = @transform_2, window_bounds = array<i64: 4, 128, 128>}, {pipeline_mode = #tpu.pipeline_mode<synchronous>, transform_indices = @transform_3, window_bounds = array<i64: 4, 128>}, {pipeline_mode = #tpu.pipeline_mode<synchronous>, transform_indices = @transform_4, window_bounds = array<i64: 2, 4, 128, 128>}, {pipeline_mode = #tpu.pipeline_mode<synchronous>, transform_indices = @transform_5, window_bounds = array<i64: 2, 4, 128, 128>}, {pipeline_mode = #tpu.pipeline_mode<synchronous>, transform_indices = @transform_6, window_bounds = array<i64: 2, 4, 128>}, {pipeline_mode = #tpu.pipeline_mode<synchronous>, transform_indices = @transform_7, window_bounds = array<i64: 512, 128>}, {pipeline_mode = #tpu.pipeline_mode<synchronous>, transform_indices = @transform_8, window_bounds = array<i64: 1, 128>}, {transform_indices = @transform_9, window_bounds = array<i64: 1000, 128>}, {transform_indices = @transform_10, window_bounds = array<i64: 4, 1000, 32>}, {pipeline_mode = #tpu.pipeline_mode<synchronous>, transform_indices = @transform_11, window_bounds = array<i64: 2, 4, 128, 128>}, {pipeline_mode = #tpu.pipeline_mode<synchronous>, transform_indices = @transform_12, window_bounds = array<i64: 2, 128, 128>}, {pipeline_mode = #tpu.pipeline_mode<synchronous>, transform_indices = @transform_13, window_bounds = array<i64: 2, 1, 128>}]} {
    %eq3A = arith.constant 0 : i32
    %eq3A_0 = arith.cmpi eq, %arg0, %eq3A : i32
    %convert_element_type3A = arith.extui %eq3A_0 : i1 to i32
    %cond3A = arith.constant 0 : i32
    %cond3A_1 = arith.cmpi ne, %convert_element_type3A, %cond3A : i32
    scf.if %cond3A_1 {
      %broadcast_in_dim3A_114 = arith.constant 0.000000e+00 : f32
      %broadcast_in_dim3A_115 = vector.broadcast %broadcast_in_dim3A_114 : f32 to vector<128x128xf32>
      %get3A_116 = arith.constant 0 : index
      %get3A_117 = arith.constant 0 : index
      %get3A_118 = vector.load %arg9[%get3A_116, %get3A_117] : memref<1x128xf32, #tpu.memory_space<vmem>>, vector<1x128xf32>
      %get3A_119 = arith.constant 0 : index
      %get3A_120 = arith.constant 0 : index
      %get3A_121 = vector.load %arg8[%get3A_119, %get3A_120] : memref<512x128xf32, #tpu.memory_space<vmem>>, vector<128x128xf32>
      %get3A_122 = arith.constant 0 : index
      %get3A_123 = arith.constant 0 : index
      %get3A_124 = arith.constant 0 : index
      %get3A_125 = arith.constant 0 : index
      %get3A_126 = vector.load %arg5[%get3A_122, %get3A_123, %get3A_124, %get3A_125] : memref<2x4x128x128xf32, #tpu.memory_space<vmem>>, vector<1x1x128x128xf32>
      %get3A_127 = vector.shape_cast %get3A_126 : vector<1x1x128x128xf32> to vector<128x128xf32>
      %dot_general3A_128 = arith.constant dense<0.000000e+00> : vector<128x128xf32>
      %dot_general3A_129 = tpu.matmul %get3A_127, %get3A_121, %dot_general3A_128 {dimension_numbers = #tpu.dot_dimension_numbers<[1], [0], [0], [1], [0, 0, 1, 1], [], []>, transpose_lhs_hint = false} : vector<128x128xf32>, vector<128x128xf32>, vector<128x128xf32> -> vector<128x128xf32>
      %swap3A_130 = arith.constant 0 : index
      %swap3A_131 = arith.constant 0 : index
      %swap3A_132 = arith.constant 0 : index
      %swap3A_133 = arith.constant 0 : index
      %swap3A_134 = vector.load %arg12[%swap3A_130, %swap3A_131, %swap3A_132, %swap3A_133] : memref<2x4x128x128xf32, #tpu.memory_space<vmem>>, vector<1x1x128x128xf32>
      %swap3A_135 = vector.shape_cast %swap3A_134 : vector<1x1x128x128xf32> to vector<128x128xf32>
      %swap3A_136 = vector.shape_cast %dot_general3A_129 : vector<128x128xf32> to vector<1x1x128x128xf32>
      tpu.vector_store %arg12[%swap3A_130, %swap3A_131, %swap3A_132, %swap3A_133], %swap3A_136 {strides = array<i32>} : memref<2x4x128x128xf32, #tpu.memory_space<vmem>>, vector<1x1x128x128xf32>,
      %get3A_137 = arith.constant 0 : index
      %get3A_138 = arith.constant 0 : index
      %get3A_139 = arith.constant 0 : index
      %get3A_140 = arith.constant 0 : index
      %get3A_141 = vector.load %arg6[%get3A_137, %get3A_138, %get3A_139, %get3A_140] : memref<2x4x128x128xf32, #tpu.memory_space<vmem>>, vector<1x1x128x128xf32>
      %get3A_142 = vector.shape_cast %get3A_141 : vector<1x1x128x128xf32> to vector<128x128xf32>
      %dot_general3A_143 = arith.constant dense<0.000000e+00> : vector<128x128xf32>
      %dot_general3A_144 = tpu.matmul %get3A_142, %get3A_121, %dot_general3A_143 {dimension_numbers = #tpu.dot_dimension_numbers<[1], [0], [0], [1], [0, 0, 1, 1], [], []>, transpose_lhs_hint = false} : vector<128x128xf32>, vector<128x128xf32>, vector<128x128xf32> -> vector<128x128xf32>
      %add3A_145 = arith.addf %broadcast_in_dim3A_115, %dot_general3A_144 : vector<128x128xf32>
      %get3A_146 = arith.constant 0 : index
      %get3A_147 = arith.constant 0 : index
      %get3A_148 = arith.constant 0 : index
      %get3A_149 = vector.load %arg7[%get3A_146, %get3A_147, %get3A_148] : memref<2x4x128xf32, #tpu.memory_space<vmem>>, vector<1x4x128xf32>
      %get3A_150 = vector.shape_cast %get3A_149 : vector<1x4x128xf32> to vector<4x128xf32>
      %slice3A_151 = vector.extract_strided_slice %get3A_150 {offsets = [0, 0], sizes = [1, 128], strides = [1, 1]} : vector<4x128xf32> to vector<1x128xf32>
      %dot_general3A_152 = arith.constant dense<0.000000e+00> : vector<1x128xf32>
      %dot_general3A_153 = tpu.matmul %slice3A_151, %get3A_121, %dot_general3A_152 {dimension_numbers = #tpu.dot_dimension_numbers<[1], [0], [0], [1], [0, 0, 1, 1], [], []>, transpose_lhs_hint = false} : vector<1x128xf32>, vector<128x128xf32>, vector<1x128xf32> -> vector<1x128xf32>
      %add3A_154 = arith.addf %get3A_118, %dot_general3A_153 : vector<1x128xf32>
      %get3A_155 = arith.constant 128 : index
      %get3A_156 = arith.constant 0 : index
      %get3A_157 = vector.load %arg8[%get3A_155, %get3A_156] : memref<512x128xf32, #tpu.memory_space<vmem>>, vector<128x128xf32>
      %get3A_158 = arith.constant 0 : index
      %get3A_159 = arith.constant 1 : index
      %get3A_160 = arith.constant 0 : index
      %get3A_161 = arith.constant 0 : index
      %get3A_162 = vector.load %arg5[%get3A_158, %get3A_159, %get3A_160, %get3A_161] : memref<2x4x128x128xf32, #tpu.memory_space<vmem>>, vector<1x1x128x128xf32>
      %get3A_163 = vector.shape_cast %get3A_162 : vector<1x1x128x128xf32> to vector<128x128xf32>
      %dot_general3A_164 = arith.constant dense<0.000000e+00> : vector<128x128xf32>
      %dot_general3A_165 = tpu.matmul %get3A_163, %get3A_157, %dot_general3A_164 {dimension_numbers = #tpu.dot_dimension_numbers<[1], [0], [0], [1], [0, 0, 1, 1], [], []>, transpose_lhs_hint = false} : vector<128x128xf32>, vector<128x128xf32>, vector<128x128xf32> -> vector<128x128xf32>
      %swap3A_166 = arith.constant 0 : index
      %swap3A_167 = arith.constant 1 : index
      %swap3A_168 = arith.constant 0 : index
      %swap3A_169 = arith.constant 0 : index
      %swap3A_170 = vector.load %arg12[%swap3A_166, %swap3A_167, %swap3A_168, %swap3A_169] : memref<2x4x128x128xf32, #tpu.memory_space<vmem>>, vector<1x1x128x128xf32>
      %swap3A_171 = vector.shape_cast %swap3A_170 : vector<1x1x128x128xf32> to vector<128x128xf32>
      %swap3A_172 = vector.shape_cast %dot_general3A_165 : vector<128x128xf32> to vector<1x1x128x128xf32>
      tpu.vector_store %arg12[%swap3A_166, %swap3A_167, %swap3A_168, %swap3A_169], %swap3A_172 {strides = array<i32>} : memref<2x4x128x128xf32, #tpu.memory_space<vmem>>, vector<1x1x128x128xf32>,
      %get3A_173 = arith.constant 0 : index
      %get3A_174 = arith.constant 1 : index
      %get3A_175 = arith.constant 0 : index
      %get3A_176 = arith.constant 0 : index
      %get3A_177 = vector.load %arg6[%get3A_173, %get3A_174, %get3A_175, %get3A_176] : memref<2x4x128x128xf32, #tpu.memory_space<vmem>>, vector<1x1x128x128xf32>
      %get3A_178 = vector.shape_cast %get3A_177 : vector<1x1x128x128xf32> to vector<128x128xf32>
      %dot_general3A_179 = arith.constant dense<0.000000e+00> : vector<128x128xf32>
      %dot_general3A_180 = tpu.matmul %get3A_178, %get3A_157, %dot_general3A_179 {dimension_numbers = #tpu.dot_dimension_numbers<[1], [0], [0], [1], [0, 0, 1, 1], [], []>, transpose_lhs_hint = false} : vector<128x128xf32>, vector<128x128xf32>, vector<128x128xf32> -> vector<128x128xf32>
      %add3A_181 = arith.addf %add3A_145, %dot_general3A_180 : vector<128x128xf32>
      %get3A_182 = arith.constant 0 : index
      %get3A_183 = arith.constant 0 : index
      %get3A_184 = arith.constant 0 : index
      %get3A_185 = vector.load %arg7[%get3A_182, %get3A_183, %get3A_184] : memref<2x4x128xf32, #tpu.memory_space<vmem>>, vector<1x4x128xf32>
      %get3A_186 = vector.shape_cast %get3A_185 : vector<1x4x128xf32> to vector<4x128xf32>
      %slice3A_187 = vector.extract_strided_slice %get3A_186 {offsets = [1, 0], sizes = [1, 128], strides = [1, 1]} : vector<4x128xf32> to vector<1x128xf32>
      %dot_general3A_188 = arith.constant dense<0.000000e+00> : vector<1x128xf32>
      %dot_general3A_189 = tpu.matmul %slice3A_187, %get3A_157, %dot_general3A_188 {dimension_numbers = #tpu.dot_dimension_numbers<[1], [0], [0], [1], [0, 0, 1, 1], [], []>, transpose_lhs_hint = false} : vector<1x128xf32>, vector<128x128xf32>, vector<1x128xf32> -> vector<1x128xf32>
      %add3A_190 = arith.addf %add3A_154, %dot_general3A_189 : vector<1x128xf32>
      %get3A_191 = arith.constant 256 : index
      %get3A_192 = arith.constant 0 : index
      %get3A_193 = vector.load %arg8[%get3A_191, %get3A_192] : memref<512x128xf32, #tpu.memory_space<vmem>>, vector<128x128xf32>
      %get3A_194 = arith.constant 0 : index
      %get3A_195 = arith.constant 2 : index
      %get3A_196 = arith.constant 0 : index
      %get3A_197 = arith.constant 0 : index
      %get3A_198 = vector.load %arg5[%get3A_194, %get3A_195, %get3A_196, %get3A_197] : memref<2x4x128x128xf32, #tpu.memory_space<vmem>>, vector<1x1x128x128xf32>
      %get3A_199 = vector.shape_cast %get3A_198 : vector<1x1x128x128xf32> to vector<128x128xf32>
      %dot_general3A_200 = arith.constant dense<0.000000e+00> : vector<128x128xf32>
      %dot_general3A_201 = tpu.matmul %get3A_199, %get3A_193, %dot_general3A_200 {dimension_numbers = #tpu.dot_dimension_numbers<[1], [0], [0], [1], [0, 0, 1, 1], [], []>, transpose_lhs_hint = false} : vector<128x128xf32>, vector<128x128xf32>, vector<128x128xf32> -> vector<128x128xf32>
      %swap3A_202 = arith.constant 0 : index
      %swap3A_203 = arith.constant 2 : index
      %swap3A_204 = arith.constant 0 : index
      %swap3A_205 = arith.constant 0 : index
      %swap3A_206 = vector.load %arg12[%swap3A_202, %swap3A_203, %swap3A_204, %swap3A_205] : memref<2x4x128x128xf32, #tpu.memory_space<vmem>>, vector<1x1x128x128xf32>
      %swap3A_207 = vector.shape_cast %swap3A_206 : vector<1x1x128x128xf32> to vector<128x128xf32>
      %swap3A_208 = vector.shape_cast %dot_general3A_201 : vector<128x128xf32> to vector<1x1x128x128xf32>
      tpu.vector_store %arg12[%swap3A_202, %swap3A_203, %swap3A_204, %swap3A_205], %swap3A_208 {strides = array<i32>} : memref<2x4x128x128xf32, #tpu.memory_space<vmem>>, vector<1x1x128x128xf32>,
      %get3A_209 = arith.constant 0 : index
      %get3A_210 = arith.constant 2 : index
      %get3A_211 = arith.constant 0 : index
      %get3A_212 = arith.constant 0 : index
      %get3A_213 = vector.load %arg6[%get3A_209, %get3A_210, %get3A_211, %get3A_212] : memref<2x4x128x128xf32, #tpu.memory_space<vmem>>, vector<1x1x128x128xf32>
      %get3A_214 = vector.shape_cast %get3A_213 : vector<1x1x128x128xf32> to vector<128x128xf32>
      %dot_general3A_215 = arith.constant dense<0.000000e+00> : vector<128x128xf32>
      %dot_general3A_216 = tpu.matmul %get3A_214, %get3A_193, %dot_general3A_215 {dimension_numbers = #tpu.dot_dimension_numbers<[1], [0], [0], [1], [0, 0, 1, 1], [], []>, transpose_lhs_hint = false} : vector<128x128xf32>, vector<128x128xf32>, vector<128x128xf32> -> vector<128x128xf32>
      %add3A_217 = arith.addf %add3A_181, %dot_general3A_216 : vector<128x128xf32>
      %get3A_218 = arith.constant 0 : index
      %get3A_219 = arith.constant 0 : index
      %get3A_220 = arith.constant 0 : index
      %get3A_221 = vector.load %arg7[%get3A_218, %get3A_219, %get3A_220] : memref<2x4x128xf32, #tpu.memory_space<vmem>>, vector<1x4x128xf32>
      %get3A_222 = vector.shape_cast %get3A_221 : vector<1x4x128xf32> to vector<4x128xf32>
      %slice3A_223 = vector.extract_strided_slice %get3A_222 {offsets = [2, 0], sizes = [1, 128], strides = [1, 1]} : vector<4x128xf32> to vector<1x128xf32>
      %dot_general3A_224 = arith.constant dense<0.000000e+00> : vector<1x128xf32>
      %dot_general3A_225 = tpu.matmul %slice3A_223, %get3A_193, %dot_general3A_224 {dimension_numbers = #tpu.dot_dimension_numbers<[1], [0], [0], [1], [0, 0, 1, 1], [], []>, transpose_lhs_hint = false} : vector<1x128xf32>, vector<128x128xf32>, vector<1x128xf32> -> vector<1x128xf32>
      %add3A_226 = arith.addf %add3A_190, %dot_general3A_225 : vector<1x128xf32>
      %get3A_227 = arith.constant 384 : index
      %get3A_228 = arith.constant 0 : index
      %get3A_229 = vector.load %arg8[%get3A_227, %get3A_228] : memref<512x128xf32, #tpu.memory_space<vmem>>, vector<128x128xf32>
      %get3A_230 = arith.constant 0 : index
      %get3A_231 = arith.constant 3 : index
      %get3A_232 = arith.constant 0 : index
      %get3A_233 = arith.constant 0 : index
      %get3A_234 = vector.load %arg5[%get3A_230, %get3A_231, %get3A_232, %get3A_233] : memref<2x4x128x128xf32, #tpu.memory_space<vmem>>, vector<1x1x128x128xf32>
      %get3A_235 = vector.shape_cast %get3A_234 : vector<1x1x128x128xf32> to vector<128x128xf32>
      %dot_general3A_236 = arith.constant dense<0.000000e+00> : vector<128x128xf32>
      %dot_general3A_237 = tpu.matmul %get3A_235, %get3A_229, %dot_general3A_236 {dimension_numbers = #tpu.dot_dimension_numbers<[1], [0], [0], [1], [0, 0, 1, 1], [], []>, transpose_lhs_hint = false} : vector<128x128xf32>, vector<128x128xf32>, vector<128x128xf32> -> vector<128x128xf32>
      %swap3A_238 = arith.constant 0 : index
      %swap3A_239 = arith.constant 3 : index
      %swap3A_240 = arith.constant 0 : index
      %swap3A_241 = arith.constant 0 : index
      %swap3A_242 = vector.load %arg12[%swap3A_238, %swap3A_239, %swap3A_240, %swap3A_241] : memref<2x4x128x128xf32, #tpu.memory_space<vmem>>, vector<1x1x128x128xf32>
      %swap3A_243 = vector.shape_cast %swap3A_242 : vector<1x1x128x128xf32> to vector<128x128xf32>
      %swap3A_244 = vector.shape_cast %dot_general3A_237 : vector<128x128xf32> to vector<1x1x128x128xf32>
      tpu.vector_store %arg12[%swap3A_238, %swap3A_239, %swap3A_240, %swap3A_241], %swap3A_244 {strides = array<i32>} : memref<2x4x128x128xf32, #tpu.memory_space<vmem>>, vector<1x1x128x128xf32>,
      %get3A_245 = arith.constant 0 : index
      %get3A_246 = arith.constant 3 : index
      %get3A_247 = arith.constant 0 : index
      %get3A_248 = arith.constant 0 : index
      %get3A_249 = vector.load %arg6[%get3A_245, %get3A_246, %get3A_247, %get3A_248] : memref<2x4x128x128xf32, #tpu.memory_space<vmem>>, vector<1x1x128x128xf32>
      %get3A_250 = vector.shape_cast %get3A_249 : vector<1x1x128x128xf32> to vector<128x128xf32>
      %dot_general3A_251 = arith.constant dense<0.000000e+00> : vector<128x128xf32>
      %dot_general3A_252 = tpu.matmul %get3A_250, %get3A_229, %dot_general3A_251 {dimension_numbers = #tpu.dot_dimension_numbers<[1], [0], [0], [1], [0, 0, 1, 1], [], []>, transpose_lhs_hint = false} : vector<128x128xf32>, vector<128x128xf32>, vector<128x128xf32> -> vector<128x128xf32>
      %add3A_253 = arith.addf %add3A_217, %dot_general3A_252 : vector<128x128xf32>
      %get3A_254 = arith.constant 0 : index
      %get3A_255 = arith.constant 0 : index
      %get3A_256 = arith.constant 0 : index
      %get3A_257 = vector.load %arg7[%get3A_254, %get3A_255, %get3A_256] : memref<2x4x128xf32, #tpu.memory_space<vmem>>, vector<1x4x128xf32>
      %get3A_258 = vector.shape_cast %get3A_257 : vector<1x4x128xf32> to vector<4x128xf32>
      %slice3A_259 = vector.extract_strided_slice %get3A_258 {offsets = [3, 0], sizes = [1, 128], strides = [1, 1]} : vector<4x128xf32> to vector<1x128xf32>
      %dot_general3A_260 = arith.constant dense<0.000000e+00> : vector<1x128xf32>
      %dot_general3A_261 = tpu.matmul %slice3A_259, %get3A_229, %dot_general3A_260 {dimension_numbers = #tpu.dot_dimension_numbers<[1], [0], [0], [1], [0, 0, 1, 1], [], []>, transpose_lhs_hint = false} : vector<1x128xf32>, vector<128x128xf32>, vector<1x128xf32> -> vector<1x128xf32>
      %add3A_262 = arith.addf %add3A_226, %dot_general3A_261 : vector<1x128xf32>
      %swap3A_263 = arith.constant 0 : index
      %swap3A_264 = arith.constant 0 : index
      %swap3A_265 = arith.constant 0 : index
      %swap3A_266 = vector.load %arg13[%swap3A_263, %swap3A_264, %swap3A_265] : memref<2x128x128xf32, #tpu.memory_space<vmem>>, vector<1x128x128xf32>
      %swap3A_267 = vector.shape_cast %swap3A_266 : vector<1x128x128xf32> to vector<128x128xf32>
      %swap3A_268 = vector.shape_cast %add3A_253 : vector<128x128xf32> to vector<1x128x128xf32>
      tpu.vector_store %arg13[%swap3A_263, %swap3A_264, %swap3A_265], %swap3A_268 {strides = array<i32>} : memref<2x128x128xf32, #tpu.memory_space<vmem>>, vector<1x128x128xf32>,
      %swap3A_269 = arith.constant 0 : index
      %swap3A_270 = arith.constant 0 : index
      %swap3A_271 = arith.constant 0 : index
      %swap3A_272 = vector.load %arg14[%swap3A_269, %swap3A_270, %swap3A_271] : memref<2x1x128xf32, #tpu.memory_space<vmem>>, vector<1x1x128xf32>
      %swap3A_273 = vector.shape_cast %swap3A_272 : vector<1x1x128xf32> to vector<1x128xf32>
      %swap3A_274 = vector.shape_cast %add3A_262 : vector<1x128xf32> to vector<1x1x128xf32>
      tpu.vector_store %arg14[%swap3A_269, %swap3A_270, %swap3A_271], %swap3A_274 {strides = array<i32>} : memref<2x1x128xf32, #tpu.memory_space<vmem>>, vector<1x1x128xf32>,
      %broadcast_in_dim3A_275 = arith.constant 0.000000e+00 : f32
      %broadcast_in_dim3A_276 = vector.broadcast %broadcast_in_dim3A_275 : f32 to vector<128x128xf32>
      %get3A_277 = arith.constant 0 : index
      %get3A_278 = arith.constant 0 : index
      %get3A_279 = vector.load %arg9[%get3A_277, %get3A_278] : memref<1x128xf32, #tpu.memory_space<vmem>>, vector<1x128xf32>
      %get3A_280 = arith.constant 0 : index
      %get3A_281 = arith.constant 0 : index
      %get3A_282 = vector.load %arg8[%get3A_280, %get3A_281] : memref<512x128xf32, #tpu.memory_space<vmem>>, vector<128x128xf32>
      %get3A_283 = arith.constant 1 : index
      %get3A_284 = arith.constant 0 : index
      %get3A_285 = arith.constant 0 : index
      %get3A_286 = arith.constant 0 : index
      %get3A_287 = vector.load %arg5[%get3A_283, %get3A_284, %get3A_285, %get3A_286] : memref<2x4x128x128xf32, #tpu.memory_space<vmem>>, vector<1x1x128x128xf32>
      %get3A_288 = vector.shape_cast %get3A_287 : vector<1x1x128x128xf32> to vector<128x128xf32>
      %dot_general3A_289 = arith.constant dense<0.000000e+00> : vector<128x128xf32>
      %dot_general3A_290 = tpu.matmul %get3A_288, %get3A_282, %dot_general3A_289 {dimension_numbers = #tpu.dot_dimension_numbers<[1], [0], [0], [1], [0, 0, 1, 1], [], []>, transpose_lhs_hint = false} : vector<128x128xf32>, vector<128x128xf32>, vector<128x128xf32> -> vector<128x128xf32>
      %swap3A_291 = arith.constant 1 : index
      %swap3A_292 = arith.constant 0 : index
      %swap3A_293 = arith.constant 0 : index
      %swap3A_294 = arith.constant 0 : index
      %swap3A_295 = vector.load %arg12[%swap3A_291, %swap3A_292, %swap3A_293, %swap3A_294] : memref<2x4x128x128xf32, #tpu.memory_space<vmem>>, vector<1x1x128x128xf32>
      %swap3A_296 = vector.shape_cast %swap3A_295 : vector<1x1x128x128xf32> to vector<128x128xf32>
      %swap3A_297 = vector.shape_cast %dot_general3A_290 : vector<128x128xf32> to vector<1x1x128x128xf32>
      tpu.vector_store %arg12[%swap3A_291, %swap3A_292, %swap3A_293, %swap3A_294], %swap3A_297 {strides = array<i32>} : memref<2x4x128x128xf32, #tpu.memory_space<vmem>>, vector<1x1x128x128xf32>,
      %get3A_298 = arith.constant 1 : index
      %get3A_299 = arith.constant 0 : index
      %get3A_300 = arith.constant 0 : index
      %get3A_301 = arith.constant 0 : index
      %get3A_302 = vector.load %arg6[%get3A_298, %get3A_299, %get3A_300, %get3A_301] : memref<2x4x128x128xf32, #tpu.memory_space<vmem>>, vector<1x1x128x128xf32>
      %get3A_303 = vector.shape_cast %get3A_302 : vector<1x1x128x128xf32> to vector<128x128xf32>
      %dot_general3A_304 = arith.constant dense<0.000000e+00> : vector<128x128xf32>
      %dot_general3A_305 = tpu.matmul %get3A_303, %get3A_282, %dot_general3A_304 {dimension_numbers = #tpu.dot_dimension_numbers<[1], [0], [0], [1], [0, 0, 1, 1], [], []>, transpose_lhs_hint = false} : vector<128x128xf32>, vector<128x128xf32>, vector<128x128xf32> -> vector<128x128xf32>
      %add3A_306 = arith.addf %broadcast_in_dim3A_276, %dot_general3A_305 : vector<128x128xf32>
      %get3A_307 = arith.constant 1 : index
      %get3A_308 = arith.constant 0 : index
      %get3A_309 = arith.constant 0 : index
      %get3A_310 = vector.load %arg7[%get3A_307, %get3A_308, %get3A_309] : memref<2x4x128xf32, #tpu.memory_space<vmem>>, vector<1x4x128xf32>
      %get3A_311 = vector.shape_cast %get3A_310 : vector<1x4x128xf32> to vector<4x128xf32>
      %slice3A_312 = vector.extract_strided_slice %get3A_311 {offsets = [0, 0], sizes = [1, 128], strides = [1, 1]} : vector<4x128xf32> to vector<1x128xf32>
      %dot_general3A_313 = arith.constant dense<0.000000e+00> : vector<1x128xf32>
      %dot_general3A_314 = tpu.matmul %slice3A_312, %get3A_282, %dot_general3A_313 {dimension_numbers = #tpu.dot_dimension_numbers<[1], [0], [0], [1], [0, 0, 1, 1], [], []>, transpose_lhs_hint = false} : vector<1x128xf32>, vector<128x128xf32>, vector<1x128xf32> -> vector<1x128xf32>
      %add3A_315 = arith.addf %get3A_279, %dot_general3A_314 : vector<1x128xf32>
      %get3A_316 = arith.constant 128 : index
      %get3A_317 = arith.constant 0 : index
      %get3A_318 = vector.load %arg8[%get3A_316, %get3A_317] : memref<512x128xf32, #tpu.memory_space<vmem>>, vector<128x128xf32>
      %get3A_319 = arith.constant 1 : index
      %get3A_320 = arith.constant 1 : index
      %get3A_321 = arith.constant 0 : index
      %get3A_322 = arith.constant 0 : index
      %get3A_323 = vector.load %arg5[%get3A_319, %get3A_320, %get3A_321, %get3A_322] : memref<2x4x128x128xf32, #tpu.memory_space<vmem>>, vector<1x1x128x128xf32>
      %get3A_324 = vector.shape_cast %get3A_323 : vector<1x1x128x128xf32> to vector<128x128xf32>
      %dot_general3A_325 = arith.constant dense<0.000000e+00> : vector<128x128xf32>
      %dot_general3A_326 = tpu.matmul %get3A_324, %get3A_318, %dot_general3A_325 {dimension_numbers = #tpu.dot_dimension_numbers<[1], [0], [0], [1], [0, 0, 1, 1], [], []>, transpose_lhs_hint = false} : vector<128x128xf32>, vector<128x128xf32>, vector<128x128xf32> -> vector<128x128xf32>
      %swap3A_327 = arith.constant 1 : index
      %swap3A_328 = arith.constant 1 : index
      %swap3A_329 = arith.constant 0 : index
      %swap3A_330 = arith.constant 0 : index
      %swap3A_331 = vector.load %arg12[%swap3A_327, %swap3A_328, %swap3A_329, %swap3A_330] : memref<2x4x128x128xf32, #tpu.memory_space<vmem>>, vector<1x1x128x128xf32>
      %swap3A_332 = vector.shape_cast %swap3A_331 : vector<1x1x128x128xf32> to vector<128x128xf32>
      %swap3A_333 = vector.shape_cast %dot_general3A_326 : vector<128x128xf32> to vector<1x1x128x128xf32>
      tpu.vector_store %arg12[%swap3A_327, %swap3A_328, %swap3A_329, %swap3A_330], %swap3A_333 {strides = array<i32>} : memref<2x4x128x128xf32, #tpu.memory_space<vmem>>, vector<1x1x128x128xf32>,
      %get3A_334 = arith.constant 1 : index
      %get3A_335 = arith.constant 1 : index
      %get3A_336 = arith.constant 0 : index
      %get3A_337 = arith.constant 0 : index
      %get3A_338 = vector.load %arg6[%get3A_334, %get3A_335, %get3A_336, %get3A_337] : memref<2x4x128x128xf32, #tpu.memory_space<vmem>>, vector<1x1x128x128xf32>
      %get3A_339 = vector.shape_cast %get3A_338 : vector<1x1x128x128xf32> to vector<128x128xf32>
      %dot_general3A_340 = arith.constant dense<0.000000e+00> : vector<128x128xf32>
      %dot_general3A_341 = tpu.matmul %get3A_339, %get3A_318, %dot_general3A_340 {dimension_numbers = #tpu.dot_dimension_numbers<[1], [0], [0], [1], [0, 0, 1, 1], [], []>, transpose_lhs_hint = false} : vector<128x128xf32>, vector<128x128xf32>, vector<128x128xf32> -> vector<128x128xf32>
      %add3A_342 = arith.addf %add3A_306, %dot_general3A_341 : vector<128x128xf32>
      %get3A_343 = arith.constant 1 : index
      %get3A_344 = arith.constant 0 : index
      %get3A_345 = arith.constant 0 : index
      %get3A_346 = vector.load %arg7[%get3A_343, %get3A_344, %get3A_345] : memref<2x4x128xf32, #tpu.memory_space<vmem>>, vector<1x4x128xf32>
      %get3A_347 = vector.shape_cast %get3A_346 : vector<1x4x128xf32> to vector<4x128xf32>
      %slice3A_348 = vector.extract_strided_slice %get3A_347 {offsets = [1, 0], sizes = [1, 128], strides = [1, 1]} : vector<4x128xf32> to vector<1x128xf32>
      %dot_general3A_349 = arith.constant dense<0.000000e+00> : vector<1x128xf32>
      %dot_general3A_350 = tpu.matmul %slice3A_348, %get3A_318, %dot_general3A_349 {dimension_numbers = #tpu.dot_dimension_numbers<[1], [0], [0], [1], [0, 0, 1, 1], [], []>, transpose_lhs_hint = false} : vector<1x128xf32>, vector<128x128xf32>, vector<1x128xf32> -> vector<1x128xf32>
      %add3A_351 = arith.addf %add3A_315, %dot_general3A_350 : vector<1x128xf32>
      %get3A_352 = arith.constant 256 : index
      %get3A_353 = arith.constant 0 : index
      %get3A_354 = vector.load %arg8[%get3A_352, %get3A_353] : memref<512x128xf32, #tpu.memory_space<vmem>>, vector<128x128xf32>
      %get3A_355 = arith.constant 1 : index
      %get3A_356 = arith.constant 2 : index
      %get3A_357 = arith.constant 0 : index
      %get3A_358 = arith.constant 0 : index
      %get3A_359 = vector.load %arg5[%get3A_355, %get3A_356, %get3A_357, %get3A_358] : memref<2x4x128x128xf32, #tpu.memory_space<vmem>>, vector<1x1x128x128xf32>
      %get3A_360 = vector.shape_cast %get3A_359 : vector<1x1x128x128xf32> to vector<128x128xf32>
      %dot_general3A_361 = arith.constant dense<0.000000e+00> : vector<128x128xf32>
      %dot_general3A_362 = tpu.matmul %get3A_360, %get3A_354, %dot_general3A_361 {dimension_numbers = #tpu.dot_dimension_numbers<[1], [0], [0], [1], [0, 0, 1, 1], [], []>, transpose_lhs_hint = false} : vector<128x128xf32>, vector<128x128xf32>, vector<128x128xf32> -> vector<128x128xf32>
      %swap3A_363 = arith.constant 1 : index
      %swap3A_364 = arith.constant 2 : index
      %swap3A_365 = arith.constant 0 : index
      %swap3A_366 = arith.constant 0 : index
      %swap3A_367 = vector.load %arg12[%swap3A_363, %swap3A_364, %swap3A_365, %swap3A_366] : memref<2x4x128x128xf32, #tpu.memory_space<vmem>>, vector<1x1x128x128xf32>
      %swap3A_368 = vector.shape_cast %swap3A_367 : vector<1x1x128x128xf32> to vector<128x128xf32>
      %swap3A_369 = vector.shape_cast %dot_general3A_362 : vector<128x128xf32> to vector<1x1x128x128xf32>
      tpu.vector_store %arg12[%swap3A_363, %swap3A_364, %swap3A_365, %swap3A_366], %swap3A_369 {strides = array<i32>} : memref<2x4x128x128xf32, #tpu.memory_space<vmem>>, vector<1x1x128x128xf32>,
      %get3A_370 = arith.constant 1 : index
      %get3A_371 = arith.constant 2 : index
      %get3A_372 = arith.constant 0 : index
      %get3A_373 = arith.constant 0 : index
      %get3A_374 = vector.load %arg6[%get3A_370, %get3A_371, %get3A_372, %get3A_373] : memref<2x4x128x128xf32, #tpu.memory_space<vmem>>, vector<1x1x128x128xf32>
      %get3A_375 = vector.shape_cast %get3A_374 : vector<1x1x128x128xf32> to vector<128x128xf32>
      %dot_general3A_376 = arith.constant dense<0.000000e+00> : vector<128x128xf32>
      %dot_general3A_377 = tpu.matmul %get3A_375, %get3A_354, %dot_general3A_376 {dimension_numbers = #tpu.dot_dimension_numbers<[1], [0], [0], [1], [0, 0, 1, 1], [], []>, transpose_lhs_hint = false} : vector<128x128xf32>, vector<128x128xf32>, vector<128x128xf32> -> vector<128x128xf32>
      %add3A_378 = arith.addf %add3A_342, %dot_general3A_377 : vector<128x128xf32>
      %get3A_379 = arith.constant 1 : index
      %get3A_380 = arith.constant 0 : index
      %get3A_381 = arith.constant 0 : index
      %get3A_382 = vector.load %arg7[%get3A_379, %get3A_380, %get3A_381] : memref<2x4x128xf32, #tpu.memory_space<vmem>>, vector<1x4x128xf32>
      %get3A_383 = vector.shape_cast %get3A_382 : vector<1x4x128xf32> to vector<4x128xf32>
      %slice3A_384 = vector.extract_strided_slice %get3A_383 {offsets = [2, 0], sizes = [1, 128], strides = [1, 1]} : vector<4x128xf32> to vector<1x128xf32>
      %dot_general3A_385 = arith.constant dense<0.000000e+00> : vector<1x128xf32>
      %dot_general3A_386 = tpu.matmul %slice3A_384, %get3A_354, %dot_general3A_385 {dimension_numbers = #tpu.dot_dimension_numbers<[1], [0], [0], [1], [0, 0, 1, 1], [], []>, transpose_lhs_hint = false} : vector<1x128xf32>, vector<128x128xf32>, vector<1x128xf32> -> vector<1x128xf32>
      %add3A_387 = arith.addf %add3A_351, %dot_general3A_386 : vector<1x128xf32>
      %get3A_388 = arith.constant 384 : index
      %get3A_389 = arith.constant 0 : index
      %get3A_390 = vector.load %arg8[%get3A_388, %get3A_389] : memref<512x128xf32, #tpu.memory_space<vmem>>, vector<128x128xf32>
      %get3A_391 = arith.constant 1 : index
      %get3A_392 = arith.constant 3 : index
      %get3A_393 = arith.constant 0 : index
      %get3A_394 = arith.constant 0 : index
      %get3A_395 = vector.load %arg5[%get3A_391, %get3A_392, %get3A_393, %get3A_394] : memref<2x4x128x128xf32, #tpu.memory_space<vmem>>, vector<1x1x128x128xf32>
      %get3A_396 = vector.shape_cast %get3A_395 : vector<1x1x128x128xf32> to vector<128x128xf32>
      %dot_general3A_397 = arith.constant dense<0.000000e+00> : vector<128x128xf32>
      %dot_general3A_398 = tpu.matmul %get3A_396, %get3A_390, %dot_general3A_397 {dimension_numbers = #tpu.dot_dimension_numbers<[1], [0], [0], [1], [0, 0, 1, 1], [], []>, transpose_lhs_hint = false} : vector<128x128xf32>, vector<128x128xf32>, vector<128x128xf32> -> vector<128x128xf32>
      %swap3A_399 = arith.constant 1 : index
      %swap3A_400 = arith.constant 3 : index
      %swap3A_401 = arith.constant 0 : index
      %swap3A_402 = arith.constant 0 : index
      %swap3A_403 = vector.load %arg12[%swap3A_399, %swap3A_400, %swap3A_401, %swap3A_402] : memref<2x4x128x128xf32, #tpu.memory_space<vmem>>, vector<1x1x128x128xf32>
      %swap3A_404 = vector.shape_cast %swap3A_403 : vector<1x1x128x128xf32> to vector<128x128xf32>
      %swap3A_405 = vector.shape_cast %dot_general3A_398 : vector<128x128xf32> to vector<1x1x128x128xf32>
      tpu.vector_store %arg12[%swap3A_399, %swap3A_400, %swap3A_401, %swap3A_402], %swap3A_405 {strides = array<i32>} : memref<2x4x128x128xf32, #tpu.memory_space<vmem>>, vector<1x1x128x128xf32>,
      %get3A_406 = arith.constant 1 : index
      %get3A_407 = arith.constant 3 : index
      %get3A_408 = arith.constant 0 : index
      %get3A_409 = arith.constant 0 : index
      %get3A_410 = vector.load %arg6[%get3A_406, %get3A_407, %get3A_408, %get3A_409] : memref<2x4x128x128xf32, #tpu.memory_space<vmem>>, vector<1x1x128x128xf32>
      %get3A_411 = vector.shape_cast %get3A_410 : vector<1x1x128x128xf32> to vector<128x128xf32>
      %dot_general3A_412 = arith.constant dense<0.000000e+00> : vector<128x128xf32>
      %dot_general3A_413 = tpu.matmul %get3A_411, %get3A_390, %dot_general3A_412 {dimension_numbers = #tpu.dot_dimension_numbers<[1], [0], [0], [1], [0, 0, 1, 1], [], []>, transpose_lhs_hint = false} : vector<128x128xf32>, vector<128x128xf32>, vector<128x128xf32> -> vector<128x128xf32>
      %add3A_414 = arith.addf %add3A_378, %dot_general3A_413 : vector<128x128xf32>
      %get3A_415 = arith.constant 1 : index
      %get3A_416 = arith.constant 0 : index
      %get3A_417 = arith.constant 0 : index
      %get3A_418 = vector.load %arg7[%get3A_415, %get3A_416, %get3A_417] : memref<2x4x128xf32, #tpu.memory_space<vmem>>, vector<1x4x128xf32>
      %get3A_419 = vector.shape_cast %get3A_418 : vector<1x4x128xf32> to vector<4x128xf32>
      %slice3A_420 = vector.extract_strided_slice %get3A_419 {offsets = [3, 0], sizes = [1, 128], strides = [1, 1]} : vector<4x128xf32> to vector<1x128xf32>
      %dot_general3A_421 = arith.constant dense<0.000000e+00> : vector<1x128xf32>
      %dot_general3A_422 = tpu.matmul %slice3A_420, %get3A_390, %dot_general3A_421 {dimension_numbers = #tpu.dot_dimension_numbers<[1], [0], [0], [1], [0, 0, 1, 1], [], []>, transpose_lhs_hint = false} : vector<1x128xf32>, vector<128x128xf32>, vector<1x128xf32> -> vector<1x128xf32>
      %add3A_423 = arith.addf %add3A_387, %dot_general3A_422 : vector<1x128xf32>
      %swap3A_424 = arith.constant 1 : index
      %swap3A_425 = arith.constant 0 : index
      %swap3A_426 = arith.constant 0 : index
      %swap3A_427 = vector.load %arg13[%swap3A_424, %swap3A_425, %swap3A_426] : memref<2x128x128xf32, #tpu.memory_space<vmem>>, vector<1x128x128xf32>
      %swap3A_428 = vector.shape_cast %swap3A_427 : vector<1x128x128xf32> to vector<128x128xf32>
      %swap3A_429 = vector.shape_cast %add3A_414 : vector<128x128xf32> to vector<1x128x128xf32>
      tpu.vector_store %arg13[%swap3A_424, %swap3A_425, %swap3A_426], %swap3A_429 {strides = array<i32>} : memref<2x128x128xf32, #tpu.memory_space<vmem>>, vector<1x128x128xf32>,
      %swap3A_430 = arith.constant 1 : index
      %swap3A_431 = arith.constant 0 : index
      %swap3A_432 = arith.constant 0 : index
      %swap3A_433 = vector.load %arg14[%swap3A_430, %swap3A_431, %swap3A_432] : memref<2x1x128xf32, #tpu.memory_space<vmem>>, vector<1x1x128xf32>
      %swap3A_434 = vector.shape_cast %swap3A_433 : vector<1x1x128xf32> to vector<1x128xf32>
      %swap3A_435 = vector.shape_cast %add3A_423 : vector<1x128xf32> to vector<1x1x128xf32>
      tpu.vector_store %arg14[%swap3A_430, %swap3A_431, %swap3A_432], %swap3A_435 {strides = array<i32>} : memref<2x1x128xf32, #tpu.memory_space<vmem>>, vector<1x1x128xf32>,
    } else {
    }
    %get3A = arith.constant 0 : index
    %get3A_2 = arith.constant 0 : index
    %get3A_3 = vector.load %arg1[%get3A, %get3A_2] : memref<1000x128xf32, #tpu.memory_space<vmem>>, vector<1000x128xf32>
    %get3A_4 = arith.constant 0 : index
    %get3A_5 = arith.constant 0 : index
    %get3A_6 = vector.load %arg2[%get3A_4, %get3A_5] : memref<1000x1xi32, #tpu.memory_space<vmem>>, vector<1000x1xi32>
    %broadcast_in_dim3A = arith.constant 0.000000e+00 : f32
    %broadcast_in_dim3A_7 = vector.broadcast %broadcast_in_dim3A : f32 to vector<1000x128xf32>
    %eq3A_8 = arith.constant 0 : i32
    %eq3A_9 = vector.broadcast %eq3A_8 : i32 to vector<1000x1xi32>
    %eq3A_10 = arith.cmpi eq, %get3A_6, %eq3A_9 : vector<1000x1xi32>
    %convert_element_type3A_11 = arith.extui %eq3A_10 : vector<1000x1xi1> to vector<1000x1xi32>
    %convert_element_type3A_12 = arith.sitofp %convert_element_type3A_11 : vector<1000x1xi32> to vector<1000x1xf32>
    %get3A_13 = arith.constant 0 : index
    %get3A_14 = arith.constant 0 : index
    %get3A_15 = arith.constant 0 : index
    %get3A_16 = vector.load %arg3[%get3A_13, %get3A_14, %get3A_15] : memref<4x128x128xf32, #tpu.memory_space<vmem>>, vector<1x128x128xf32>
    %get3A_17 = vector.shape_cast %get3A_16 : vector<1x128x128xf32> to vector<128x128xf32>
    %dot_general3A = arith.constant dense<0.000000e+00> : vector<1000x128xf32>
    %dot_general3A_18 = tpu.matmul %get3A_3, %get3A_17, %dot_general3A {dimension_numbers = #tpu.dot_dimension_numbers<[1], [0], [0], [1], [0, 0, 1, 1], [], []>, transpose_lhs_hint = false} : vector<1000x128xf32>, vector<128x128xf32>, vector<1000x128xf32> -> vector<1000x128xf32>
    %get3A_19 = arith.constant 0 : index
    %get3A_20 = arith.constant 0 : index
    %get3A_21 = vector.load %arg4[%get3A_19, %get3A_20] : memref<4x128xf32, #tpu.memory_space<vmem>>, vector<1x128xf32>
    %add3A = vector.broadcast %get3A_21 : vector<1x128xf32> to vector<1000x128xf32>
    %add3A_22 = arith.addf %dot_general3A_18, %add3A : vector<1000x128xf32>
    %mul3A = vector.broadcast %convert_element_type3A_12 : vector<1000x1xf32> to vector<1000x128xf32>
    %mul3A_23 = arith.mulf %mul3A, %add3A_22 : vector<1000x128xf32>
    %add3A_24 = arith.addf %broadcast_in_dim3A_7, %mul3A_23 : vector<1000x128xf32>
    %eq3A_25 = arith.constant 1 : i32
    %eq3A_26 = vector.broadcast %eq3A_25 : i32 to vector<1000x1xi32>
    %eq3A_27 = arith.cmpi eq, %get3A_6, %eq3A_26 : vector<1000x1xi32>
    %convert_element_type3A_28 = arith.extui %eq3A_27 : vector<1000x1xi1> to vector<1000x1xi32>
    %convert_element_type3A_29 = arith.sitofp %convert_element_type3A_28 : vector<1000x1xi32> to vector<1000x1xf32>
    %get3A_30 = arith.constant 1 : index
    %get3A_31 = arith.constant 0 : index
    %get3A_32 = arith.constant 0 : index
    %get3A_33 = vector.load %arg3[%get3A_30, %get3A_31, %get3A_32] : memref<4x128x128xf32, #tpu.memory_space<vmem>>, vector<1x128x128xf32>
    %get3A_34 = vector.shape_cast %get3A_33 : vector<1x128x128xf32> to vector<128x128xf32>
    %dot_general3A_35 = arith.constant dense<0.000000e+00> : vector<1000x128xf32>
    %dot_general3A_36 = tpu.matmul %get3A_3, %get3A_34, %dot_general3A_35 {dimension_numbers = #tpu.dot_dimension_numbers<[1], [0], [0], [1], [0, 0, 1, 1], [], []>, transpose_lhs_hint = false} : vector<1000x128xf32>, vector<128x128xf32>, vector<1000x128xf32> -> vector<1000x128xf32>
    %get3A_37 = arith.constant 1 : index
    %get3A_38 = arith.constant 0 : index
    %get3A_39 = vector.load %arg4[%get3A_37, %get3A_38] : memref<4x128xf32, #tpu.memory_space<vmem>>, vector<1x128xf32>
    %add3A_40 = vector.broadcast %get3A_39 : vector<1x128xf32> to vector<1000x128xf32>
    %add3A_41 = arith.addf %dot_general3A_36, %add3A_40 : vector<1000x128xf32>
    %mul3A_42 = vector.broadcast %convert_element_type3A_29 : vector<1000x1xf32> to vector<1000x128xf32>
    %mul3A_43 = arith.mulf %mul3A_42, %add3A_41 : vector<1000x128xf32>
    %add3A_44 = arith.addf %add3A_24, %mul3A_43 : vector<1000x128xf32>
    %eq3A_45 = arith.constant 2 : i32
    %eq3A_46 = vector.broadcast %eq3A_45 : i32 to vector<1000x1xi32>
    %eq3A_47 = arith.cmpi eq, %get3A_6, %eq3A_46 : vector<1000x1xi32>
    %convert_element_type3A_48 = arith.extui %eq3A_47 : vector<1000x1xi1> to vector<1000x1xi32>
    %convert_element_type3A_49 = arith.sitofp %convert_element_type3A_48 : vector<1000x1xi32> to vector<1000x1xf32>
    %get3A_50 = arith.constant 2 : index
    %get3A_51 = arith.constant 0 : index
    %get3A_52 = arith.constant 0 : index
    %get3A_53 = vector.load %arg3[%get3A_50, %get3A_51, %get3A_52] : memref<4x128x128xf32, #tpu.memory_space<vmem>>, vector<1x128x128xf32>
    %get3A_54 = vector.shape_cast %get3A_53 : vector<1x128x128xf32> to vector<128x128xf32>
    %dot_general3A_55 = arith.constant dense<0.000000e+00> : vector<1000x128xf32>
    %dot_general3A_56 = tpu.matmul %get3A_3, %get3A_54, %dot_general3A_55 {dimension_numbers = #tpu.dot_dimension_numbers<[1], [0], [0], [1], [0, 0, 1, 1], [], []>, transpose_lhs_hint = false} : vector<1000x128xf32>, vector<128x128xf32>, vector<1000x128xf32> -> vector<1000x128xf32>
    %get3A_57 = arith.constant 2 : index
    %get3A_58 = arith.constant 0 : index
    %get3A_59 = vector.load %arg4[%get3A_57, %get3A_58] : memref<4x128xf32, #tpu.memory_space<vmem>>, vector<1x128xf32>
    %add3A_60 = vector.broadcast %get3A_59 : vector<1x128xf32> to vector<1000x128xf32>
    %add3A_61 = arith.addf %dot_general3A_56, %add3A_60 : vector<1000x128xf32>
    %mul3A_62 = vector.broadcast %convert_element_type3A_49 : vector<1000x1xf32> to vector<1000x128xf32>
    %mul3A_63 = arith.mulf %mul3A_62, %add3A_61 : vector<1000x128xf32>
    %add3A_64 = arith.addf %add3A_44, %mul3A_63 : vector<1000x128xf32>
    %eq3A_65 = arith.constant 3 : i32
    %eq3A_66 = vector.broadcast %eq3A_65 : i32 to vector<1000x1xi32>
    %eq3A_67 = arith.cmpi eq, %get3A_6, %eq3A_66 : vector<1000x1xi32>
    %convert_element_type3A_68 = arith.extui %eq3A_67 : vector<1000x1xi1> to vector<1000x1xi32>
    %convert_element_type3A_69 = arith.sitofp %convert_element_type3A_68 : vector<1000x1xi32> to vector<1000x1xf32>
    %get3A_70 = arith.constant 3 : index
    %get3A_71 = arith.constant 0 : index
    %get3A_72 = arith.constant 0 : index
    %get3A_73 = vector.load %arg3[%get3A_70, %get3A_71, %get3A_72] : memref<4x128x128xf32, #tpu.memory_space<vmem>>, vector<1x128x128xf32>
    %get3A_74 = vector.shape_cast %get3A_73 : vector<1x128x128xf32> to vector<128x128xf32>
    %dot_general3A_75 = arith.constant dense<0.000000e+00> : vector<1000x128xf32>
    %dot_general3A_76 = tpu.matmul %get3A_3, %get3A_74, %dot_general3A_75 {dimension_numbers = #tpu.dot_dimension_numbers<[1], [0], [0], [1], [0, 0, 1, 1], [], []>, transpose_lhs_hint = false} : vector<1000x128xf32>, vector<128x128xf32>, vector<1000x128xf32> -> vector<1000x128xf32>
    %get3A_77 = arith.constant 3 : index
    %get3A_78 = arith.constant 0 : index
    %get3A_79 = vector.load %arg4[%get3A_77, %get3A_78] : memref<4x128xf32, #tpu.memory_space<vmem>>, vector<1x128xf32>
    %add3A_80 = vector.broadcast %get3A_79 : vector<1x128xf32> to vector<1000x128xf32>
    %add3A_81 = arith.addf %dot_general3A_76, %add3A_80 : vector<1000x128xf32>
    %mul3A_82 = vector.broadcast %convert_element_type3A_69 : vector<1000x1xf32> to vector<1000x128xf32>
    %mul3A_83 = arith.mulf %mul3A_82, %add3A_81 : vector<1000x128xf32>
    %add3A_84 = arith.addf %add3A_64, %mul3A_83 : vector<1000x128xf32>
    %swap3A = arith.constant 0 : index
    %swap3A_85 = arith.constant 0 : index
    %swap3A_86 = vector.load %arg10[%swap3A, %swap3A_85] : memref<1000x128xf32, #tpu.memory_space<vmem>>, vector<1000x128xf32>
    tpu.vector_store %arg10[%swap3A, %swap3A_85], %add3A_84 {strides = array<i32>} : memref<1000x128xf32, #tpu.memory_space<vmem>>, vector<1000x128xf32>,
    %slice3A = vector.extract_strided_slice %add3A_84 {offsets = [0, 0], sizes = [1000, 32], strides = [1, 1]} : vector<1000x128xf32> to vector<1000x32xf32>
    %swap3A_87 = arith.constant 0 : index
    %swap3A_88 = arith.constant 0 : index
    %swap3A_89 = arith.constant 0 : index
    %swap3A_90 = vector.load %arg11[%swap3A_87, %swap3A_88, %swap3A_89] : memref<4x1000x32xf32, #tpu.memory_space<vmem>>, vector<1x1000x32xf32>
    %swap3A_91 = vector.shape_cast %swap3A_90 : vector<1x1000x32xf32> to vector<1000x32xf32>
    %swap3A_92 = vector.shape_cast %slice3A : vector<1000x32xf32> to vector<1x1000x32xf32>
    tpu.vector_store %arg11[%swap3A_87, %swap3A_88, %swap3A_89], %swap3A_92 {strides = array<i32>} : memref<4x1000x32xf32, #tpu.memory_space<vmem>>, vector<1x1000x32xf32>,
    %slice3A_93 = vector.extract_strided_slice %add3A_84 {offsets = [0, 32], sizes = [1000, 32], strides = [1, 1]} : vector<1000x128xf32> to vector<1000x32xf32>
    %swap3A_94 = arith.constant 1 : index
    %swap3A_95 = arith.constant 0 : index
    %swap3A_96 = arith.constant 0 : index
    %swap3A_97 = vector.load %arg11[%swap3A_94, %swap3A_95, %swap3A_96] : memref<4x1000x32xf32, #tpu.memory_space<vmem>>, vector<1x1000x32xf32>
    %swap3A_98 = vector.shape_cast %swap3A_97 : vector<1x1000x32xf32> to vector<1000x32xf32>
    %swap3A_99 = vector.shape_cast %slice3A_93 : vector<1000x32xf32> to vector<1x1000x32xf32>
    tpu.vector_store %arg11[%swap3A_94, %swap3A_95, %swap3A_96], %swap3A_99 {strides = array<i32>} : memref<4x1000x32xf32, #tpu.memory_space<vmem>>, vector<1x1000x32xf32>,
    %slice3A_100 = vector.extract_strided_slice %add3A_84 {offsets = [0, 64], sizes = [1000, 32], strides = [1, 1]} : vector<1000x128xf32> to vector<1000x32xf32>
    %swap3A_101 = arith.constant 2 : index
    %swap3A_102 = arith.constant 0 : index
    %swap3A_103 = arith.constant 0 : index
    %swap3A_104 = vector.load %arg11[%swap3A_101, %swap3A_102, %swap3A_103] : memref<4x1000x32xf32, #tpu.memory_space<vmem>>, vector<1x1000x32xf32>
    %swap3A_105 = vector.shape_cast %swap3A_104 : vector<1x1000x32xf32> to vector<1000x32xf32>
    %swap3A_106 = vector.shape_cast %slice3A_100 : vector<1000x32xf32> to vector<1x1000x32xf32>
    tpu.vector_store %arg11[%swap3A_101, %swap3A_102, %swap3A_103], %swap3A_106 {strides = array<i32>} : memref<4x1000x32xf32, #tpu.memory_space<vmem>>, vector<1x1000x32xf32>,
    %slice3A_107 = vector.extract_strided_slice %add3A_84 {offsets = [0, 96], sizes = [1000, 32], strides = [1, 1]} : vector<1000x128xf32> to vector<1000x32xf32>
    %swap3A_108 = arith.constant 3 : index
    %swap3A_109 = arith.constant 0 : index
    %swap3A_110 = arith.constant 0 : index
    %swap3A_111 = vector.load %arg11[%swap3A_108, %swap3A_109, %swap3A_110] : memref<4x1000x32xf32, #tpu.memory_space<vmem>>, vector<1x1000x32xf32>
    %swap3A_112 = vector.shape_cast %swap3A_111 : vector<1x1000x32xf32> to vector<1000x32xf32>
    %swap3A_113 = vector.shape_cast %slice3A_107 : vector<1000x32xf32> to vector<1x1000x32xf32>
    tpu.vector_store %arg11[%swap3A_108, %swap3A_109, %swap3A_110], %swap3A_113 {strides = array<i32>} : memref<4x1000x32xf32, #tpu.memory_space<vmem>>, vector<1x1000x32xf32>,
    return
  }
  func.func @transform_0(%arg0: i32) -> (i32, i32) {
    %c0_i32 = arith.constant 0 : i32
    %c0_i32_0 = arith.constant 0 : i32
    return %arg0, %c0_i32 : i32, i32
  }
  func.func @transform_1(%arg0: i32) -> (i32, i32) {
    %c0_i32 = arith.constant 0 : i32
    %c0_i32_0 = arith.constant 0 : i32
    return %arg0, %c0_i32 : i32, i32
  }
  func.func @transform_2(%arg0: i32) -> (i32, i32, i32) {
    %c0_i32 = arith.constant 0 : i32
    %c0_i32_0 = arith.constant 0 : i32
    %c0_i32_1 = arith.constant 0 : i32
    %c0_i32_2 = arith.constant 0 : i32
    return %c0_i32, %c0_i32_0, %c0_i32_1 : i32, i32, i32
  }
  func.func @transform_3(%arg0: i32) -> (i32, i32) {
    %c0_i32 = arith.constant 0 : i32
    %c0_i32_0 = arith.constant 0 : i32
    %c0_i32_1 = arith.constant 0 : i32
    return %c0_i32, %c0_i32_0 : i32, i32
  }
  func.func @transform_4(%arg0: i32) -> (i32, i32, i32, i32) {
    %c0_i32 = arith.constant 0 : i32
    %c0_i32_0 = arith.constant 0 : i32
    %c0_i32_1 = arith.constant 0 : i32
    %c0_i32_2 = arith.constant 0 : i32
    %c0_i32_3 = arith.constant 0 : i32
    return %c0_i32, %c0_i32_0, %c0_i32_1, %c0_i32_2 : i32, i32, i32, i32
  }
  func.func @transform_5(%arg0: i32) -> (i32, i32, i32, i32) {
    %c0_i32 = arith.constant 0 : i32
    %c0_i32_0 = arith.constant 0 : i32
    %c0_i32_1 = arith.constant 0 : i32
    %c0_i32_2 = arith.constant 0 : i32
    %c0_i32_3 = arith.constant 0 : i32
    return %c0_i32, %c0_i32_0, %c0_i32_1, %c0_i32_2 : i32, i32, i32, i32
  }
  func.func @transform_6(%arg0: i32) -> (i32, i32, i32) {
    %c0_i32 = arith.constant 0 : i32
    %c0_i32_0 = arith.constant 0 : i32
    %c0_i32_1 = arith.constant 0 : i32
    %c0_i32_2 = arith.constant 0 : i32
    return %c0_i32, %c0_i32_0, %c0_i32_1 : i32, i32, i32
  }
  func.func @transform_7(%arg0: i32) -> (i32, i32) {
    %c0_i32 = arith.constant 0 : i32
    %c0_i32_0 = arith.constant 0 : i32
    %c0_i32_1 = arith.constant 0 : i32
    return %c0_i32, %c0_i32_0 : i32, i32
  }
  func.func @transform_8(%arg0: i32) -> (i32, i32) {
    %c0_i32 = arith.constant 0 : i32
    %c0_i32_0 = arith.constant 0 : i32
    %c0_i32_1 = arith.constant 0 : i32
    return %c0_i32, %c0_i32_0 : i32, i32
  }
  func.func @transform_9(%arg0: i32) -> (i32, i32) {
    %c0_i32 = arith.constant 0 : i32
    %c0_i32_0 = arith.constant 0 : i32
    return %arg0, %c0_i32 : i32, i32
  }
  func.func @transform_10(%arg0: i32) -> (i32, i32, i32) {
    %c0_i32 = arith.constant 0 : i32
    %c0_i32_0 = arith.constant 0 : i32
    %c0_i32_1 = arith.constant 0 : i32
    return %c0_i32, %arg0, %c0_i32_0 : i32, i32, i32
  }
  func.func @transform_11(%arg0: i32) -> (i32, i32, i32, i32) {
    %c0_i32 = arith.constant 0 : i32
    %c0_i32_0 = arith.constant 0 : i32
    %c0_i32_1 = arith.constant 0 : i32
    %c0_i32_2 = arith.constant 0 : i32
    %c0_i32_3 = arith.constant 0 : i32
    return %c0_i32, %c0_i32_0, %c0_i32_1, %c0_i32_2 : i32, i32, i32, i32
  }
  func.func @transform_12(%arg0: i32) -> (i32, i32, i32) {
    %c0_i32 = arith.constant 0 : i32
    %c0_i32_0 = arith.constant 0 : i32
    %c0_i32_1 = arith.constant 0 : i32
    %c0_i32_2 = arith.constant 0 : i32
    return %c0_i32, %c0_i32_0, %c0_i32_1 : i32, i32, i32
  }
  func.func @transform_13(%arg0: i32) -> (i32, i32, i32) {
    %c0_i32 = arith.constant 0 : i32
    %c0_i32_0 = arith.constant 0 : i32
    %c0_i32_1 = arith.constant 0 : i32
    %c0_i32_2 = arith.constant 0 : i32
    return %c0_i32, %c0_i32_0, %c0_i32_1 : i32, i32, i32
  }
}

module attributes {stable_mosaic.version = 14 : i64} {
  func.func @_dense0_body(%arg0: i32, %arg1: memref<4x4x1000x32xf32, #tpu.memory_space<vmem>>, %arg2: memref<2x4x1000x8xf32, #tpu.memory_space<vmem>>, %arg3: memref<1000x128xf32, #tpu.memory_space<vmem>>, %arg4: memref<4x4x32x128xf32, #tpu.memory_space<vmem>>, %arg5: memref<128x128xf32, #tpu.memory_space<vmem>>, %arg6: memref<1x128xf32, #tpu.memory_space<vmem>>, %arg7: memref<1000x128xf32, #tpu.memory_space<vmem>>, %arg8: memref<4x1000x32xf32, #tpu.memory_space<vmem>>) attributes {dimension_semantics = [#tpu.dimension_semantics<arbitrary>], iteration_bounds = array<i64: 10>, scalar_prefetch = 0 : i64, scratch_operands = 0 : i64, tpu.core_type = #tpu.core_type<tc>, window_params = [{transform_indices = @transform_0, window_bounds = array<i64: 4, 4, 1000, 32>}, {transform_indices = @transform_1, window_bounds = array<i64: 2, 4, 1000, 8>}, {transform_indices = @transform_2, window_bounds = array<i64: 1000, 128>}, {pipeline_mode = #tpu.pipeline_mode<synchronous>, transform_indices = @transform_3, window_bounds = array<i64: 4, 4, 32, 128>}, {pipeline_mode = #tpu.pipeline_mode<synchronous>, transform_indices = @transform_4, window_bounds = array<i64: 128, 128>}, {pipeline_mode = #tpu.pipeline_mode<synchronous>, transform_indices = @transform_5, window_bounds = array<i64: 1, 128>}, {transform_indices = @transform_6, window_bounds = array<i64: 1000, 128>}, {transform_indices = @transform_7, window_bounds = array<i64: 4, 1000, 32>}]} {
    %get3A = arith.constant 0 : index
    %get3A_0 = arith.constant 0 : index
    %get3A_1 = vector.load %arg3[%get3A, %get3A_0] : memref<1000x128xf32, #tpu.memory_space<vmem>>, vector<1000x128xf32>
    %get3A_2 = arith.constant 0 : index
    %get3A_3 = arith.constant 0 : index
    %get3A_4 = vector.load %arg5[%get3A_2, %get3A_3] : memref<128x128xf32, #tpu.memory_space<vmem>>, vector<128x128xf32>
    %dot_general3A = arith.constant dense<0.000000e+00> : vector<1000x128xf32>
    %dot_general3A_5 = tpu.matmul %get3A_1, %get3A_4, %dot_general3A {dimension_numbers = #tpu.dot_dimension_numbers<[1], [0], [0], [1], [0, 0, 1, 1], [], []>, transpose_lhs_hint = false} : vector<1000x128xf32>, vector<128x128xf32>, vector<1000x128xf32> -> vector<1000x128xf32>
    %get3A_6 = arith.constant 0 : index
    %get3A_7 = arith.constant 0 : index
    %get3A_8 = vector.load %arg6[%get3A_6, %get3A_7] : memref<1x128xf32, #tpu.memory_space<vmem>>, vector<1x128xf32>
    %add3A = vector.broadcast %get3A_8 : vector<1x128xf32> to vector<1000x128xf32>
    %add3A_9 = arith.addf %dot_general3A_5, %add3A : vector<1000x128xf32>
    %get3A_10 = arith.constant 0 : index
    %get3A_11 = arith.constant 0 : index
    %get3A_12 = arith.constant 0 : index
    %get3A_13 = arith.constant 0 : index
    %get3A_14 = vector.load %arg2[%get3A_10, %get3A_11, %get3A_12, %get3A_13] : memref<2x4x1000x8xf32, #tpu.memory_space<vmem>>, vector<1x1x1000x1xf32>
    %get3A_15 = vector.shape_cast %get3A_14 : vector<1x1x1000x1xf32> to vector<1000x1xf32>
    %get3A_16 = arith.constant 1 : index
    %get3A_17 = arith.constant 0 : index
    %get3A_18 = arith.constant 0 : index
    %get3A_19 = arith.constant 0 : index
    %get3A_20 = vector.load %arg2[%get3A_16, %get3A_17, %get3A_18, %get3A_19] : memref<2x4x1000x8xf32, #tpu.memory_space<vmem>>, vector<1x1x1000x1xf32>
    %get3A_21 = vector.shape_cast %get3A_20 : vector<1x1x1000x1xf32> to vector<1000x1xf32>
    %add3A_22 = arith.addf %get3A_15, %get3A_21 : vector<1000x1xf32>
    %max3A = arith.constant 1.000000e+00 : f32
    %max3A_23 = vector.broadcast %max3A : f32 to vector<1000x1xf32>
    %max3A_24 = arith.maximumf %add3A_22, %max3A_23 : vector<1000x1xf32>
    %div3A = arith.constant 1.000000e+00 : f32
    %div3A_25 = vector.broadcast %div3A : f32 to vector<1000x1xf32>
    %div3A_26 = arith.divf %div3A_25, %max3A_24 : vector<1000x1xf32>
    %get3A_27 = arith.constant 0 : index
    %get3A_28 = arith.constant 0 : index
    %get3A_29 = arith.constant 0 : index
    %get3A_30 = arith.constant 0 : index
    %get3A_31 = vector.load %arg1[%get3A_27, %get3A_28, %get3A_29, %get3A_30] : memref<4x4x1000x32xf32, #tpu.memory_space<vmem>>, vector<1x1x1000x32xf32>
    %get3A_32 = vector.shape_cast %get3A_31 : vector<1x1x1000x32xf32> to vector<1000x32xf32>
    %mul3A = vector.broadcast %div3A_26 : vector<1000x1xf32> to vector<1000x32xf32>
    %mul3A_33 = arith.mulf %get3A_32, %mul3A : vector<1000x32xf32>
    %get3A_34 = arith.constant 0 : index
    %get3A_35 = arith.constant 0 : index
    %get3A_36 = arith.constant 0 : index
    %get3A_37 = arith.constant 0 : index
    %get3A_38 = vector.load %arg4[%get3A_34, %get3A_35, %get3A_36, %get3A_37] : memref<4x4x32x128xf32, #tpu.memory_space<vmem>>, vector<1x1x32x128xf32>
    %get3A_39 = vector.shape_cast %get3A_38 : vector<1x1x32x128xf32> to vector<32x128xf32>
    %dot_general3A_40 = arith.constant dense<0.000000e+00> : vector<1000x128xf32>
    %dot_general3A_41 = tpu.matmul %mul3A_33, %get3A_39, %dot_general3A_40 {dimension_numbers = #tpu.dot_dimension_numbers<[1], [0], [0], [1], [0, 0, 1, 1], [], []>, transpose_lhs_hint = false} : vector<1000x32xf32>, vector<32x128xf32>, vector<1000x128xf32> -> vector<1000x128xf32>
    %add3A_42 = arith.addf %add3A_9, %dot_general3A_41 : vector<1000x128xf32>
    %get3A_43 = arith.constant 1 : index
    %get3A_44 = arith.constant 0 : index
    %get3A_45 = arith.constant 0 : index
    %get3A_46 = arith.constant 0 : index
    %get3A_47 = vector.load %arg1[%get3A_43, %get3A_44, %get3A_45, %get3A_46] : memref<4x4x1000x32xf32, #tpu.memory_space<vmem>>, vector<1x1x1000x32xf32>
    %get3A_48 = vector.shape_cast %get3A_47 : vector<1x1x1000x32xf32> to vector<1000x32xf32>
    %mul3A_49 = vector.broadcast %div3A_26 : vector<1000x1xf32> to vector<1000x32xf32>
    %mul3A_50 = arith.mulf %get3A_48, %mul3A_49 : vector<1000x32xf32>
    %get3A_51 = arith.constant 0 : index
    %get3A_52 = arith.constant 1 : index
    %get3A_53 = arith.constant 0 : index
    %get3A_54 = arith.constant 0 : index
    %get3A_55 = vector.load %arg4[%get3A_51, %get3A_52, %get3A_53, %get3A_54] : memref<4x4x32x128xf32, #tpu.memory_space<vmem>>, vector<1x1x32x128xf32>
    %get3A_56 = vector.shape_cast %get3A_55 : vector<1x1x32x128xf32> to vector<32x128xf32>
    %dot_general3A_57 = arith.constant dense<0.000000e+00> : vector<1000x128xf32>
    %dot_general3A_58 = tpu.matmul %mul3A_50, %get3A_56, %dot_general3A_57 {dimension_numbers = #tpu.dot_dimension_numbers<[1], [0], [0], [1], [0, 0, 1, 1], [], []>, transpose_lhs_hint = false} : vector<1000x32xf32>, vector<32x128xf32>, vector<1000x128xf32> -> vector<1000x128xf32>
    %add3A_59 = arith.addf %add3A_42, %dot_general3A_58 : vector<1000x128xf32>
    %get3A_60 = arith.constant 2 : index
    %get3A_61 = arith.constant 0 : index
    %get3A_62 = arith.constant 0 : index
    %get3A_63 = arith.constant 0 : index
    %get3A_64 = vector.load %arg1[%get3A_60, %get3A_61, %get3A_62, %get3A_63] : memref<4x4x1000x32xf32, #tpu.memory_space<vmem>>, vector<1x1x1000x32xf32>
    %get3A_65 = vector.shape_cast %get3A_64 : vector<1x1x1000x32xf32> to vector<1000x32xf32>
    %mul3A_66 = vector.broadcast %div3A_26 : vector<1000x1xf32> to vector<1000x32xf32>
    %mul3A_67 = arith.mulf %get3A_65, %mul3A_66 : vector<1000x32xf32>
    %get3A_68 = arith.constant 0 : index
    %get3A_69 = arith.constant 2 : index
    %get3A_70 = arith.constant 0 : index
    %get3A_71 = arith.constant 0 : index
    %get3A_72 = vector.load %arg4[%get3A_68, %get3A_69, %get3A_70, %get3A_71] : memref<4x4x32x128xf32, #tpu.memory_space<vmem>>, vector<1x1x32x128xf32>
    %get3A_73 = vector.shape_cast %get3A_72 : vector<1x1x32x128xf32> to vector<32x128xf32>
    %dot_general3A_74 = arith.constant dense<0.000000e+00> : vector<1000x128xf32>
    %dot_general3A_75 = tpu.matmul %mul3A_67, %get3A_73, %dot_general3A_74 {dimension_numbers = #tpu.dot_dimension_numbers<[1], [0], [0], [1], [0, 0, 1, 1], [], []>, transpose_lhs_hint = false} : vector<1000x32xf32>, vector<32x128xf32>, vector<1000x128xf32> -> vector<1000x128xf32>
    %add3A_76 = arith.addf %add3A_59, %dot_general3A_75 : vector<1000x128xf32>
    %get3A_77 = arith.constant 3 : index
    %get3A_78 = arith.constant 0 : index
    %get3A_79 = arith.constant 0 : index
    %get3A_80 = arith.constant 0 : index
    %get3A_81 = vector.load %arg1[%get3A_77, %get3A_78, %get3A_79, %get3A_80] : memref<4x4x1000x32xf32, #tpu.memory_space<vmem>>, vector<1x1x1000x32xf32>
    %get3A_82 = vector.shape_cast %get3A_81 : vector<1x1x1000x32xf32> to vector<1000x32xf32>
    %mul3A_83 = vector.broadcast %div3A_26 : vector<1000x1xf32> to vector<1000x32xf32>
    %mul3A_84 = arith.mulf %get3A_82, %mul3A_83 : vector<1000x32xf32>
    %get3A_85 = arith.constant 0 : index
    %get3A_86 = arith.constant 3 : index
    %get3A_87 = arith.constant 0 : index
    %get3A_88 = arith.constant 0 : index
    %get3A_89 = vector.load %arg4[%get3A_85, %get3A_86, %get3A_87, %get3A_88] : memref<4x4x32x128xf32, #tpu.memory_space<vmem>>, vector<1x1x32x128xf32>
    %get3A_90 = vector.shape_cast %get3A_89 : vector<1x1x32x128xf32> to vector<32x128xf32>
    %dot_general3A_91 = arith.constant dense<0.000000e+00> : vector<1000x128xf32>
    %dot_general3A_92 = tpu.matmul %mul3A_84, %get3A_90, %dot_general3A_91 {dimension_numbers = #tpu.dot_dimension_numbers<[1], [0], [0], [1], [0, 0, 1, 1], [], []>, transpose_lhs_hint = false} : vector<1000x32xf32>, vector<32x128xf32>, vector<1000x128xf32> -> vector<1000x128xf32>
    %add3A_93 = arith.addf %add3A_76, %dot_general3A_92 : vector<1000x128xf32>
    %get3A_94 = arith.constant 0 : index
    %get3A_95 = arith.constant 1 : index
    %get3A_96 = arith.constant 0 : index
    %get3A_97 = arith.constant 0 : index
    %get3A_98 = vector.load %arg2[%get3A_94, %get3A_95, %get3A_96, %get3A_97] : memref<2x4x1000x8xf32, #tpu.memory_space<vmem>>, vector<1x1x1000x1xf32>
    %get3A_99 = vector.shape_cast %get3A_98 : vector<1x1x1000x1xf32> to vector<1000x1xf32>
    %get3A_100 = arith.constant 1 : index
    %get3A_101 = arith.constant 1 : index
    %get3A_102 = arith.constant 0 : index
    %get3A_103 = arith.constant 0 : index
    %get3A_104 = vector.load %arg2[%get3A_100, %get3A_101, %get3A_102, %get3A_103] : memref<2x4x1000x8xf32, #tpu.memory_space<vmem>>, vector<1x1x1000x1xf32>
    %get3A_105 = vector.shape_cast %get3A_104 : vector<1x1x1000x1xf32> to vector<1000x1xf32>
    %add3A_106 = arith.addf %get3A_99, %get3A_105 : vector<1000x1xf32>
    %max3A_107 = arith.constant 1.000000e+00 : f32
    %max3A_108 = vector.broadcast %max3A_107 : f32 to vector<1000x1xf32>
    %max3A_109 = arith.maximumf %add3A_106, %max3A_108 : vector<1000x1xf32>
    %div3A_110 = arith.constant 1.000000e+00 : f32
    %div3A_111 = vector.broadcast %div3A_110 : f32 to vector<1000x1xf32>
    %div3A_112 = arith.divf %div3A_111, %max3A_109 : vector<1000x1xf32>
    %get3A_113 = arith.constant 0 : index
    %get3A_114 = arith.constant 1 : index
    %get3A_115 = arith.constant 0 : index
    %get3A_116 = arith.constant 0 : index
    %get3A_117 = vector.load %arg1[%get3A_113, %get3A_114, %get3A_115, %get3A_116] : memref<4x4x1000x32xf32, #tpu.memory_space<vmem>>, vector<1x1x1000x32xf32>
    %get3A_118 = vector.shape_cast %get3A_117 : vector<1x1x1000x32xf32> to vector<1000x32xf32>
    %mul3A_119 = vector.broadcast %div3A_112 : vector<1000x1xf32> to vector<1000x32xf32>
    %mul3A_120 = arith.mulf %get3A_118, %mul3A_119 : vector<1000x32xf32>
    %get3A_121 = arith.constant 1 : index
    %get3A_122 = arith.constant 0 : index
    %get3A_123 = arith.constant 0 : index
    %get3A_124 = arith.constant 0 : index
    %get3A_125 = vector.load %arg4[%get3A_121, %get3A_122, %get3A_123, %get3A_124] : memref<4x4x32x128xf32, #tpu.memory_space<vmem>>, vector<1x1x32x128xf32>
    %get3A_126 = vector.shape_cast %get3A_125 : vector<1x1x32x128xf32> to vector<32x128xf32>
    %dot_general3A_127 = arith.constant dense<0.000000e+00> : vector<1000x128xf32>
    %dot_general3A_128 = tpu.matmul %mul3A_120, %get3A_126, %dot_general3A_127 {dimension_numbers = #tpu.dot_dimension_numbers<[1], [0], [0], [1], [0, 0, 1, 1], [], []>, transpose_lhs_hint = false} : vector<1000x32xf32>, vector<32x128xf32>, vector<1000x128xf32> -> vector<1000x128xf32>
    %add3A_129 = arith.addf %add3A_93, %dot_general3A_128 : vector<1000x128xf32>
    %get3A_130 = arith.constant 1 : index
    %get3A_131 = arith.constant 1 : index
    %get3A_132 = arith.constant 0 : index
    %get3A_133 = arith.constant 0 : index
    %get3A_134 = vector.load %arg1[%get3A_130, %get3A_131, %get3A_132, %get3A_133] : memref<4x4x1000x32xf32, #tpu.memory_space<vmem>>, vector<1x1x1000x32xf32>
    %get3A_135 = vector.shape_cast %get3A_134 : vector<1x1x1000x32xf32> to vector<1000x32xf32>
    %mul3A_136 = vector.broadcast %div3A_112 : vector<1000x1xf32> to vector<1000x32xf32>
    %mul3A_137 = arith.mulf %get3A_135, %mul3A_136 : vector<1000x32xf32>
    %get3A_138 = arith.constant 1 : index
    %get3A_139 = arith.constant 1 : index
    %get3A_140 = arith.constant 0 : index
    %get3A_141 = arith.constant 0 : index
    %get3A_142 = vector.load %arg4[%get3A_138, %get3A_139, %get3A_140, %get3A_141] : memref<4x4x32x128xf32, #tpu.memory_space<vmem>>, vector<1x1x32x128xf32>
    %get3A_143 = vector.shape_cast %get3A_142 : vector<1x1x32x128xf32> to vector<32x128xf32>
    %dot_general3A_144 = arith.constant dense<0.000000e+00> : vector<1000x128xf32>
    %dot_general3A_145 = tpu.matmul %mul3A_137, %get3A_143, %dot_general3A_144 {dimension_numbers = #tpu.dot_dimension_numbers<[1], [0], [0], [1], [0, 0, 1, 1], [], []>, transpose_lhs_hint = false} : vector<1000x32xf32>, vector<32x128xf32>, vector<1000x128xf32> -> vector<1000x128xf32>
    %add3A_146 = arith.addf %add3A_129, %dot_general3A_145 : vector<1000x128xf32>
    %get3A_147 = arith.constant 2 : index
    %get3A_148 = arith.constant 1 : index
    %get3A_149 = arith.constant 0 : index
    %get3A_150 = arith.constant 0 : index
    %get3A_151 = vector.load %arg1[%get3A_147, %get3A_148, %get3A_149, %get3A_150] : memref<4x4x1000x32xf32, #tpu.memory_space<vmem>>, vector<1x1x1000x32xf32>
    %get3A_152 = vector.shape_cast %get3A_151 : vector<1x1x1000x32xf32> to vector<1000x32xf32>
    %mul3A_153 = vector.broadcast %div3A_112 : vector<1000x1xf32> to vector<1000x32xf32>
    %mul3A_154 = arith.mulf %get3A_152, %mul3A_153 : vector<1000x32xf32>
    %get3A_155 = arith.constant 1 : index
    %get3A_156 = arith.constant 2 : index
    %get3A_157 = arith.constant 0 : index
    %get3A_158 = arith.constant 0 : index
    %get3A_159 = vector.load %arg4[%get3A_155, %get3A_156, %get3A_157, %get3A_158] : memref<4x4x32x128xf32, #tpu.memory_space<vmem>>, vector<1x1x32x128xf32>
    %get3A_160 = vector.shape_cast %get3A_159 : vector<1x1x32x128xf32> to vector<32x128xf32>
    %dot_general3A_161 = arith.constant dense<0.000000e+00> : vector<1000x128xf32>
    %dot_general3A_162 = tpu.matmul %mul3A_154, %get3A_160, %dot_general3A_161 {dimension_numbers = #tpu.dot_dimension_numbers<[1], [0], [0], [1], [0, 0, 1, 1], [], []>, transpose_lhs_hint = false} : vector<1000x32xf32>, vector<32x128xf32>, vector<1000x128xf32> -> vector<1000x128xf32>
    %add3A_163 = arith.addf %add3A_146, %dot_general3A_162 : vector<1000x128xf32>
    %get3A_164 = arith.constant 3 : index
    %get3A_165 = arith.constant 1 : index
    %get3A_166 = arith.constant 0 : index
    %get3A_167 = arith.constant 0 : index
    %get3A_168 = vector.load %arg1[%get3A_164, %get3A_165, %get3A_166, %get3A_167] : memref<4x4x1000x32xf32, #tpu.memory_space<vmem>>, vector<1x1x1000x32xf32>
    %get3A_169 = vector.shape_cast %get3A_168 : vector<1x1x1000x32xf32> to vector<1000x32xf32>
    %mul3A_170 = vector.broadcast %div3A_112 : vector<1000x1xf32> to vector<1000x32xf32>
    %mul3A_171 = arith.mulf %get3A_169, %mul3A_170 : vector<1000x32xf32>
    %get3A_172 = arith.constant 1 : index
    %get3A_173 = arith.constant 3 : index
    %get3A_174 = arith.constant 0 : index
    %get3A_175 = arith.constant 0 : index
    %get3A_176 = vector.load %arg4[%get3A_172, %get3A_173, %get3A_174, %get3A_175] : memref<4x4x32x128xf32, #tpu.memory_space<vmem>>, vector<1x1x32x128xf32>
    %get3A_177 = vector.shape_cast %get3A_176 : vector<1x1x32x128xf32> to vector<32x128xf32>
    %dot_general3A_178 = arith.constant dense<0.000000e+00> : vector<1000x128xf32>
    %dot_general3A_179 = tpu.matmul %mul3A_171, %get3A_177, %dot_general3A_178 {dimension_numbers = #tpu.dot_dimension_numbers<[1], [0], [0], [1], [0, 0, 1, 1], [], []>, transpose_lhs_hint = false} : vector<1000x32xf32>, vector<32x128xf32>, vector<1000x128xf32> -> vector<1000x128xf32>
    %add3A_180 = arith.addf %add3A_163, %dot_general3A_179 : vector<1000x128xf32>
    %get3A_181 = arith.constant 0 : index
    %get3A_182 = arith.constant 2 : index
    %get3A_183 = arith.constant 0 : index
    %get3A_184 = arith.constant 0 : index
    %get3A_185 = vector.load %arg2[%get3A_181, %get3A_182, %get3A_183, %get3A_184] : memref<2x4x1000x8xf32, #tpu.memory_space<vmem>>, vector<1x1x1000x1xf32>
    %get3A_186 = vector.shape_cast %get3A_185 : vector<1x1x1000x1xf32> to vector<1000x1xf32>
    %get3A_187 = arith.constant 1 : index
    %get3A_188 = arith.constant 2 : index
    %get3A_189 = arith.constant 0 : index
    %get3A_190 = arith.constant 0 : index
    %get3A_191 = vector.load %arg2[%get3A_187, %get3A_188, %get3A_189, %get3A_190] : memref<2x4x1000x8xf32, #tpu.memory_space<vmem>>, vector<1x1x1000x1xf32>
    %get3A_192 = vector.shape_cast %get3A_191 : vector<1x1x1000x1xf32> to vector<1000x1xf32>
    %add3A_193 = arith.addf %get3A_186, %get3A_192 : vector<1000x1xf32>
    %max3A_194 = arith.constant 1.000000e+00 : f32
    %max3A_195 = vector.broadcast %max3A_194 : f32 to vector<1000x1xf32>
    %max3A_196 = arith.maximumf %add3A_193, %max3A_195 : vector<1000x1xf32>
    %div3A_197 = arith.constant 1.000000e+00 : f32
    %div3A_198 = vector.broadcast %div3A_197 : f32 to vector<1000x1xf32>
    %div3A_199 = arith.divf %div3A_198, %max3A_196 : vector<1000x1xf32>
    %get3A_200 = arith.constant 0 : index
    %get3A_201 = arith.constant 2 : index
    %get3A_202 = arith.constant 0 : index
    %get3A_203 = arith.constant 0 : index
    %get3A_204 = vector.load %arg1[%get3A_200, %get3A_201, %get3A_202, %get3A_203] : memref<4x4x1000x32xf32, #tpu.memory_space<vmem>>, vector<1x1x1000x32xf32>
    %get3A_205 = vector.shape_cast %get3A_204 : vector<1x1x1000x32xf32> to vector<1000x32xf32>
    %mul3A_206 = vector.broadcast %div3A_199 : vector<1000x1xf32> to vector<1000x32xf32>
    %mul3A_207 = arith.mulf %get3A_205, %mul3A_206 : vector<1000x32xf32>
    %get3A_208 = arith.constant 2 : index
    %get3A_209 = arith.constant 0 : index
    %get3A_210 = arith.constant 0 : index
    %get3A_211 = arith.constant 0 : index
    %get3A_212 = vector.load %arg4[%get3A_208, %get3A_209, %get3A_210, %get3A_211] : memref<4x4x32x128xf32, #tpu.memory_space<vmem>>, vector<1x1x32x128xf32>
    %get3A_213 = vector.shape_cast %get3A_212 : vector<1x1x32x128xf32> to vector<32x128xf32>
    %dot_general3A_214 = arith.constant dense<0.000000e+00> : vector<1000x128xf32>
    %dot_general3A_215 = tpu.matmul %mul3A_207, %get3A_213, %dot_general3A_214 {dimension_numbers = #tpu.dot_dimension_numbers<[1], [0], [0], [1], [0, 0, 1, 1], [], []>, transpose_lhs_hint = false} : vector<1000x32xf32>, vector<32x128xf32>, vector<1000x128xf32> -> vector<1000x128xf32>
    %add3A_216 = arith.addf %add3A_180, %dot_general3A_215 : vector<1000x128xf32>
    %get3A_217 = arith.constant 1 : index
    %get3A_218 = arith.constant 2 : index
    %get3A_219 = arith.constant 0 : index
    %get3A_220 = arith.constant 0 : index
    %get3A_221 = vector.load %arg1[%get3A_217, %get3A_218, %get3A_219, %get3A_220] : memref<4x4x1000x32xf32, #tpu.memory_space<vmem>>, vector<1x1x1000x32xf32>
    %get3A_222 = vector.shape_cast %get3A_221 : vector<1x1x1000x32xf32> to vector<1000x32xf32>
    %mul3A_223 = vector.broadcast %div3A_199 : vector<1000x1xf32> to vector<1000x32xf32>
    %mul3A_224 = arith.mulf %get3A_222, %mul3A_223 : vector<1000x32xf32>
    %get3A_225 = arith.constant 2 : index
    %get3A_226 = arith.constant 1 : index
    %get3A_227 = arith.constant 0 : index
    %get3A_228 = arith.constant 0 : index
    %get3A_229 = vector.load %arg4[%get3A_225, %get3A_226, %get3A_227, %get3A_228] : memref<4x4x32x128xf32, #tpu.memory_space<vmem>>, vector<1x1x32x128xf32>
    %get3A_230 = vector.shape_cast %get3A_229 : vector<1x1x32x128xf32> to vector<32x128xf32>
    %dot_general3A_231 = arith.constant dense<0.000000e+00> : vector<1000x128xf32>
    %dot_general3A_232 = tpu.matmul %mul3A_224, %get3A_230, %dot_general3A_231 {dimension_numbers = #tpu.dot_dimension_numbers<[1], [0], [0], [1], [0, 0, 1, 1], [], []>, transpose_lhs_hint = false} : vector<1000x32xf32>, vector<32x128xf32>, vector<1000x128xf32> -> vector<1000x128xf32>
    %add3A_233 = arith.addf %add3A_216, %dot_general3A_232 : vector<1000x128xf32>
    %get3A_234 = arith.constant 2 : index
    %get3A_235 = arith.constant 2 : index
    %get3A_236 = arith.constant 0 : index
    %get3A_237 = arith.constant 0 : index
    %get3A_238 = vector.load %arg1[%get3A_234, %get3A_235, %get3A_236, %get3A_237] : memref<4x4x1000x32xf32, #tpu.memory_space<vmem>>, vector<1x1x1000x32xf32>
    %get3A_239 = vector.shape_cast %get3A_238 : vector<1x1x1000x32xf32> to vector<1000x32xf32>
    %mul3A_240 = vector.broadcast %div3A_199 : vector<1000x1xf32> to vector<1000x32xf32>
    %mul3A_241 = arith.mulf %get3A_239, %mul3A_240 : vector<1000x32xf32>
    %get3A_242 = arith.constant 2 : index
    %get3A_243 = arith.constant 2 : index
    %get3A_244 = arith.constant 0 : index
    %get3A_245 = arith.constant 0 : index
    %get3A_246 = vector.load %arg4[%get3A_242, %get3A_243, %get3A_244, %get3A_245] : memref<4x4x32x128xf32, #tpu.memory_space<vmem>>, vector<1x1x32x128xf32>
    %get3A_247 = vector.shape_cast %get3A_246 : vector<1x1x32x128xf32> to vector<32x128xf32>
    %dot_general3A_248 = arith.constant dense<0.000000e+00> : vector<1000x128xf32>
    %dot_general3A_249 = tpu.matmul %mul3A_241, %get3A_247, %dot_general3A_248 {dimension_numbers = #tpu.dot_dimension_numbers<[1], [0], [0], [1], [0, 0, 1, 1], [], []>, transpose_lhs_hint = false} : vector<1000x32xf32>, vector<32x128xf32>, vector<1000x128xf32> -> vector<1000x128xf32>
    %add3A_250 = arith.addf %add3A_233, %dot_general3A_249 : vector<1000x128xf32>
    %get3A_251 = arith.constant 3 : index
    %get3A_252 = arith.constant 2 : index
    %get3A_253 = arith.constant 0 : index
    %get3A_254 = arith.constant 0 : index
    %get3A_255 = vector.load %arg1[%get3A_251, %get3A_252, %get3A_253, %get3A_254] : memref<4x4x1000x32xf32, #tpu.memory_space<vmem>>, vector<1x1x1000x32xf32>
    %get3A_256 = vector.shape_cast %get3A_255 : vector<1x1x1000x32xf32> to vector<1000x32xf32>
    %mul3A_257 = vector.broadcast %div3A_199 : vector<1000x1xf32> to vector<1000x32xf32>
    %mul3A_258 = arith.mulf %get3A_256, %mul3A_257 : vector<1000x32xf32>
    %get3A_259 = arith.constant 2 : index
    %get3A_260 = arith.constant 3 : index
    %get3A_261 = arith.constant 0 : index
    %get3A_262 = arith.constant 0 : index
    %get3A_263 = vector.load %arg4[%get3A_259, %get3A_260, %get3A_261, %get3A_262] : memref<4x4x32x128xf32, #tpu.memory_space<vmem>>, vector<1x1x32x128xf32>
    %get3A_264 = vector.shape_cast %get3A_263 : vector<1x1x32x128xf32> to vector<32x128xf32>
    %dot_general3A_265 = arith.constant dense<0.000000e+00> : vector<1000x128xf32>
    %dot_general3A_266 = tpu.matmul %mul3A_258, %get3A_264, %dot_general3A_265 {dimension_numbers = #tpu.dot_dimension_numbers<[1], [0], [0], [1], [0, 0, 1, 1], [], []>, transpose_lhs_hint = false} : vector<1000x32xf32>, vector<32x128xf32>, vector<1000x128xf32> -> vector<1000x128xf32>
    %add3A_267 = arith.addf %add3A_250, %dot_general3A_266 : vector<1000x128xf32>
    %get3A_268 = arith.constant 0 : index
    %get3A_269 = arith.constant 3 : index
    %get3A_270 = arith.constant 0 : index
    %get3A_271 = arith.constant 0 : index
    %get3A_272 = vector.load %arg2[%get3A_268, %get3A_269, %get3A_270, %get3A_271] : memref<2x4x1000x8xf32, #tpu.memory_space<vmem>>, vector<1x1x1000x1xf32>
    %get3A_273 = vector.shape_cast %get3A_272 : vector<1x1x1000x1xf32> to vector<1000x1xf32>
    %get3A_274 = arith.constant 1 : index
    %get3A_275 = arith.constant 3 : index
    %get3A_276 = arith.constant 0 : index
    %get3A_277 = arith.constant 0 : index
    %get3A_278 = vector.load %arg2[%get3A_274, %get3A_275, %get3A_276, %get3A_277] : memref<2x4x1000x8xf32, #tpu.memory_space<vmem>>, vector<1x1x1000x1xf32>
    %get3A_279 = vector.shape_cast %get3A_278 : vector<1x1x1000x1xf32> to vector<1000x1xf32>
    %add3A_280 = arith.addf %get3A_273, %get3A_279 : vector<1000x1xf32>
    %max3A_281 = arith.constant 1.000000e+00 : f32
    %max3A_282 = vector.broadcast %max3A_281 : f32 to vector<1000x1xf32>
    %max3A_283 = arith.maximumf %add3A_280, %max3A_282 : vector<1000x1xf32>
    %div3A_284 = arith.constant 1.000000e+00 : f32
    %div3A_285 = vector.broadcast %div3A_284 : f32 to vector<1000x1xf32>
    %div3A_286 = arith.divf %div3A_285, %max3A_283 : vector<1000x1xf32>
    %get3A_287 = arith.constant 0 : index
    %get3A_288 = arith.constant 3 : index
    %get3A_289 = arith.constant 0 : index
    %get3A_290 = arith.constant 0 : index
    %get3A_291 = vector.load %arg1[%get3A_287, %get3A_288, %get3A_289, %get3A_290] : memref<4x4x1000x32xf32, #tpu.memory_space<vmem>>, vector<1x1x1000x32xf32>
    %get3A_292 = vector.shape_cast %get3A_291 : vector<1x1x1000x32xf32> to vector<1000x32xf32>
    %mul3A_293 = vector.broadcast %div3A_286 : vector<1000x1xf32> to vector<1000x32xf32>
    %mul3A_294 = arith.mulf %get3A_292, %mul3A_293 : vector<1000x32xf32>
    %get3A_295 = arith.constant 3 : index
    %get3A_296 = arith.constant 0 : index
    %get3A_297 = arith.constant 0 : index
    %get3A_298 = arith.constant 0 : index
    %get3A_299 = vector.load %arg4[%get3A_295, %get3A_296, %get3A_297, %get3A_298] : memref<4x4x32x128xf32, #tpu.memory_space<vmem>>, vector<1x1x32x128xf32>
    %get3A_300 = vector.shape_cast %get3A_299 : vector<1x1x32x128xf32> to vector<32x128xf32>
    %dot_general3A_301 = arith.constant dense<0.000000e+00> : vector<1000x128xf32>
    %dot_general3A_302 = tpu.matmul %mul3A_294, %get3A_300, %dot_general3A_301 {dimension_numbers = #tpu.dot_dimension_numbers<[1], [0], [0], [1], [0, 0, 1, 1], [], []>, transpose_lhs_hint = false} : vector<1000x32xf32>, vector<32x128xf32>, vector<1000x128xf32> -> vector<1000x128xf32>
    %add3A_303 = arith.addf %add3A_267, %dot_general3A_302 : vector<1000x128xf32>
    %get3A_304 = arith.constant 1 : index
    %get3A_305 = arith.constant 3 : index
    %get3A_306 = arith.constant 0 : index
    %get3A_307 = arith.constant 0 : index
    %get3A_308 = vector.load %arg1[%get3A_304, %get3A_305, %get3A_306, %get3A_307] : memref<4x4x1000x32xf32, #tpu.memory_space<vmem>>, vector<1x1x1000x32xf32>
    %get3A_309 = vector.shape_cast %get3A_308 : vector<1x1x1000x32xf32> to vector<1000x32xf32>
    %mul3A_310 = vector.broadcast %div3A_286 : vector<1000x1xf32> to vector<1000x32xf32>
    %mul3A_311 = arith.mulf %get3A_309, %mul3A_310 : vector<1000x32xf32>
    %get3A_312 = arith.constant 3 : index
    %get3A_313 = arith.constant 1 : index
    %get3A_314 = arith.constant 0 : index
    %get3A_315 = arith.constant 0 : index
    %get3A_316 = vector.load %arg4[%get3A_312, %get3A_313, %get3A_314, %get3A_315] : memref<4x4x32x128xf32, #tpu.memory_space<vmem>>, vector<1x1x32x128xf32>
    %get3A_317 = vector.shape_cast %get3A_316 : vector<1x1x32x128xf32> to vector<32x128xf32>
    %dot_general3A_318 = arith.constant dense<0.000000e+00> : vector<1000x128xf32>
    %dot_general3A_319 = tpu.matmul %mul3A_311, %get3A_317, %dot_general3A_318 {dimension_numbers = #tpu.dot_dimension_numbers<[1], [0], [0], [1], [0, 0, 1, 1], [], []>, transpose_lhs_hint = false} : vector<1000x32xf32>, vector<32x128xf32>, vector<1000x128xf32> -> vector<1000x128xf32>
    %add3A_320 = arith.addf %add3A_303, %dot_general3A_319 : vector<1000x128xf32>
    %get3A_321 = arith.constant 2 : index
    %get3A_322 = arith.constant 3 : index
    %get3A_323 = arith.constant 0 : index
    %get3A_324 = arith.constant 0 : index
    %get3A_325 = vector.load %arg1[%get3A_321, %get3A_322, %get3A_323, %get3A_324] : memref<4x4x1000x32xf32, #tpu.memory_space<vmem>>, vector<1x1x1000x32xf32>
    %get3A_326 = vector.shape_cast %get3A_325 : vector<1x1x1000x32xf32> to vector<1000x32xf32>
    %mul3A_327 = vector.broadcast %div3A_286 : vector<1000x1xf32> to vector<1000x32xf32>
    %mul3A_328 = arith.mulf %get3A_326, %mul3A_327 : vector<1000x32xf32>
    %get3A_329 = arith.constant 3 : index
    %get3A_330 = arith.constant 2 : index
    %get3A_331 = arith.constant 0 : index
    %get3A_332 = arith.constant 0 : index
    %get3A_333 = vector.load %arg4[%get3A_329, %get3A_330, %get3A_331, %get3A_332] : memref<4x4x32x128xf32, #tpu.memory_space<vmem>>, vector<1x1x32x128xf32>
    %get3A_334 = vector.shape_cast %get3A_333 : vector<1x1x32x128xf32> to vector<32x128xf32>
    %dot_general3A_335 = arith.constant dense<0.000000e+00> : vector<1000x128xf32>
    %dot_general3A_336 = tpu.matmul %mul3A_328, %get3A_334, %dot_general3A_335 {dimension_numbers = #tpu.dot_dimension_numbers<[1], [0], [0], [1], [0, 0, 1, 1], [], []>, transpose_lhs_hint = false} : vector<1000x32xf32>, vector<32x128xf32>, vector<1000x128xf32> -> vector<1000x128xf32>
    %add3A_337 = arith.addf %add3A_320, %dot_general3A_336 : vector<1000x128xf32>
    %get3A_338 = arith.constant 3 : index
    %get3A_339 = arith.constant 3 : index
    %get3A_340 = arith.constant 0 : index
    %get3A_341 = arith.constant 0 : index
    %get3A_342 = vector.load %arg1[%get3A_338, %get3A_339, %get3A_340, %get3A_341] : memref<4x4x1000x32xf32, #tpu.memory_space<vmem>>, vector<1x1x1000x32xf32>
    %get3A_343 = vector.shape_cast %get3A_342 : vector<1x1x1000x32xf32> to vector<1000x32xf32>
    %mul3A_344 = vector.broadcast %div3A_286 : vector<1000x1xf32> to vector<1000x32xf32>
    %mul3A_345 = arith.mulf %get3A_343, %mul3A_344 : vector<1000x32xf32>
    %get3A_346 = arith.constant 3 : index
    %get3A_347 = arith.constant 3 : index
    %get3A_348 = arith.constant 0 : index
    %get3A_349 = arith.constant 0 : index
    %get3A_350 = vector.load %arg4[%get3A_346, %get3A_347, %get3A_348, %get3A_349] : memref<4x4x32x128xf32, #tpu.memory_space<vmem>>, vector<1x1x32x128xf32>
    %get3A_351 = vector.shape_cast %get3A_350 : vector<1x1x32x128xf32> to vector<32x128xf32>
    %dot_general3A_352 = arith.constant dense<0.000000e+00> : vector<1000x128xf32>
    %dot_general3A_353 = tpu.matmul %mul3A_345, %get3A_351, %dot_general3A_352 {dimension_numbers = #tpu.dot_dimension_numbers<[1], [0], [0], [1], [0, 0, 1, 1], [], []>, transpose_lhs_hint = false} : vector<1000x32xf32>, vector<32x128xf32>, vector<1000x128xf32> -> vector<1000x128xf32>
    %add3A_354 = arith.addf %add3A_337, %dot_general3A_353 : vector<1000x128xf32>
    %max3A_355 = arith.constant 0.000000e+00 : f32
    %max3A_356 = vector.broadcast %max3A_355 : f32 to vector<1000x128xf32>
    %max3A_357 = arith.maximumf %add3A_354, %max3A_356 : vector<1000x128xf32>
    %swap3A = arith.constant 0 : index
    %swap3A_358 = arith.constant 0 : index
    %swap3A_359 = vector.load %arg7[%swap3A, %swap3A_358] : memref<1000x128xf32, #tpu.memory_space<vmem>>, vector<1000x128xf32>
    tpu.vector_store %arg7[%swap3A, %swap3A_358], %max3A_357 {strides = array<i32>} : memref<1000x128xf32, #tpu.memory_space<vmem>>, vector<1000x128xf32>,
    %slice3A = vector.extract_strided_slice %max3A_357 {offsets = [0, 0], sizes = [1000, 32], strides = [1, 1]} : vector<1000x128xf32> to vector<1000x32xf32>
    %swap3A_360 = arith.constant 0 : index
    %swap3A_361 = arith.constant 0 : index
    %swap3A_362 = arith.constant 0 : index
    %swap3A_363 = vector.load %arg8[%swap3A_360, %swap3A_361, %swap3A_362] : memref<4x1000x32xf32, #tpu.memory_space<vmem>>, vector<1x1000x32xf32>
    %swap3A_364 = vector.shape_cast %swap3A_363 : vector<1x1000x32xf32> to vector<1000x32xf32>
    %swap3A_365 = vector.shape_cast %slice3A : vector<1000x32xf32> to vector<1x1000x32xf32>
    tpu.vector_store %arg8[%swap3A_360, %swap3A_361, %swap3A_362], %swap3A_365 {strides = array<i32>} : memref<4x1000x32xf32, #tpu.memory_space<vmem>>, vector<1x1000x32xf32>,
    %slice3A_366 = vector.extract_strided_slice %max3A_357 {offsets = [0, 32], sizes = [1000, 32], strides = [1, 1]} : vector<1000x128xf32> to vector<1000x32xf32>
    %swap3A_367 = arith.constant 1 : index
    %swap3A_368 = arith.constant 0 : index
    %swap3A_369 = arith.constant 0 : index
    %swap3A_370 = vector.load %arg8[%swap3A_367, %swap3A_368, %swap3A_369] : memref<4x1000x32xf32, #tpu.memory_space<vmem>>, vector<1x1000x32xf32>
    %swap3A_371 = vector.shape_cast %swap3A_370 : vector<1x1000x32xf32> to vector<1000x32xf32>
    %swap3A_372 = vector.shape_cast %slice3A_366 : vector<1000x32xf32> to vector<1x1000x32xf32>
    tpu.vector_store %arg8[%swap3A_367, %swap3A_368, %swap3A_369], %swap3A_372 {strides = array<i32>} : memref<4x1000x32xf32, #tpu.memory_space<vmem>>, vector<1x1000x32xf32>,
    %slice3A_373 = vector.extract_strided_slice %max3A_357 {offsets = [0, 64], sizes = [1000, 32], strides = [1, 1]} : vector<1000x128xf32> to vector<1000x32xf32>
    %swap3A_374 = arith.constant 2 : index
    %swap3A_375 = arith.constant 0 : index
    %swap3A_376 = arith.constant 0 : index
    %swap3A_377 = vector.load %arg8[%swap3A_374, %swap3A_375, %swap3A_376] : memref<4x1000x32xf32, #tpu.memory_space<vmem>>, vector<1x1000x32xf32>
    %swap3A_378 = vector.shape_cast %swap3A_377 : vector<1x1000x32xf32> to vector<1000x32xf32>
    %swap3A_379 = vector.shape_cast %slice3A_373 : vector<1000x32xf32> to vector<1x1000x32xf32>
    tpu.vector_store %arg8[%swap3A_374, %swap3A_375, %swap3A_376], %swap3A_379 {strides = array<i32>} : memref<4x1000x32xf32, #tpu.memory_space<vmem>>, vector<1x1000x32xf32>,
    %slice3A_380 = vector.extract_strided_slice %max3A_357 {offsets = [0, 96], sizes = [1000, 32], strides = [1, 1]} : vector<1000x128xf32> to vector<1000x32xf32>
    %swap3A_381 = arith.constant 3 : index
    %swap3A_382 = arith.constant 0 : index
    %swap3A_383 = arith.constant 0 : index
    %swap3A_384 = vector.load %arg8[%swap3A_381, %swap3A_382, %swap3A_383] : memref<4x1000x32xf32, #tpu.memory_space<vmem>>, vector<1x1000x32xf32>
    %swap3A_385 = vector.shape_cast %swap3A_384 : vector<1x1000x32xf32> to vector<1000x32xf32>
    %swap3A_386 = vector.shape_cast %slice3A_380 : vector<1000x32xf32> to vector<1x1000x32xf32>
    tpu.vector_store %arg8[%swap3A_381, %swap3A_382, %swap3A_383], %swap3A_386 {strides = array<i32>} : memref<4x1000x32xf32, #tpu.memory_space<vmem>>, vector<1x1000x32xf32>,
    return
  }
  func.func @transform_0(%arg0: i32) -> (i32, i32, i32, i32) {
    %c0_i32 = arith.constant 0 : i32
    %c0_i32_0 = arith.constant 0 : i32
    %c0_i32_1 = arith.constant 0 : i32
    %c0_i32_2 = arith.constant 0 : i32
    return %c0_i32, %c0_i32_0, %arg0, %c0_i32_1 : i32, i32, i32, i32
  }
  func.func @transform_1(%arg0: i32) -> (i32, i32, i32, i32) {
    %c0_i32 = arith.constant 0 : i32
    %c0_i32_0 = arith.constant 0 : i32
    %c0_i32_1 = arith.constant 0 : i32
    %c0_i32_2 = arith.constant 0 : i32
    return %c0_i32, %c0_i32_0, %arg0, %c0_i32_1 : i32, i32, i32, i32
  }
  func.func @transform_2(%arg0: i32) -> (i32, i32) {
    %c0_i32 = arith.constant 0 : i32
    %c0_i32_0 = arith.constant 0 : i32
    return %arg0, %c0_i32 : i32, i32
  }
  func.func @transform_3(%arg0: i32) -> (i32, i32, i32, i32) {
    %c0_i32 = arith.constant 0 : i32
    %c0_i32_0 = arith.constant 0 : i32
    %c0_i32_1 = arith.constant 0 : i32
    %c0_i32_2 = arith.constant 0 : i32
    %c0_i32_3 = arith.constant 0 : i32
    return %c0_i32, %c0_i32_0, %c0_i32_1, %c0_i32_2 : i32, i32, i32, i32
  }
  func.func @transform_4(%arg0: i32) -> (i32, i32) {
    %c0_i32 = arith.constant 0 : i32
    %c0_i32_0 = arith.constant 0 : i32
    %c0_i32_1 = arith.constant 0 : i32
    return %c0_i32, %c0_i32_0 : i32, i32
  }
  func.func @transform_5(%arg0: i32) -> (i32, i32) {
    %c0_i32 = arith.constant 0 : i32
    %c0_i32_0 = arith.constant 0 : i32
    %c0_i32_1 = arith.constant 0 : i32
    return %c0_i32, %c0_i32_0 : i32, i32
  }
  func.func @transform_6(%arg0: i32) -> (i32, i32) {
    %c0_i32 = arith.constant 0 : i32
    %c0_i32_0 = arith.constant 0 : i32
    return %arg0, %c0_i32 : i32, i32
  }
  func.func @transform_7(%arg0: i32) -> (i32, i32, i32) {
    %c0_i32 = arith.constant 0 : i32
    %c0_i32_0 = arith.constant 0 : i32
    %c0_i32_1 = arith.constant 0 : i32
    return %c0_i32, %arg0, %c0_i32_0 : i32, i32, i32
  }
}

module attributes {stable_mosaic.version = 14 : i64} {
  func.func @_dense1_pool_body(%arg0: i32, %arg1: memref<4x4x1000x32xf32, #tpu.memory_space<vmem>>, %arg2: memref<2x4x1000x8xf32, #tpu.memory_space<vmem>>, %arg3: memref<1000x128xf32, #tpu.memory_space<vmem>>, %arg4: memref<4x4x32x128xf32, #tpu.memory_space<vmem>>, %arg5: memref<128x128xf32, #tpu.memory_space<vmem>>, %arg6: memref<1x128xf32, #tpu.memory_space<vmem>>, %arg7: memref<1000x1xi32, #tpu.memory_space<vmem>>, %arg8: memref<128x128xf32, #tpu.memory_space<vmem>>, %arg9: memref<1x128xf32, #tpu.memory_space<vmem>>, %arg10: memref<64x128xf32, #tpu.memory_space<vmem>>, %arg11: memref<64x128xf32, #tpu.memory_space<vmem>>, %arg12: memref<64x128xf32, #tpu.memory_space<vmem>>, %arg13: memref<64x128xf32, #tpu.memory_space<vmem>>) attributes {dimension_semantics = [#tpu.dimension_semantics<arbitrary>], iteration_bounds = array<i64: 10>, scalar_prefetch = 0 : i64, scratch_operands = 2 : i64, tpu.core_type = #tpu.core_type<tc>, window_params = [{transform_indices = @transform_0, window_bounds = array<i64: 4, 4, 1000, 32>}, {transform_indices = @transform_1, window_bounds = array<i64: 2, 4, 1000, 8>}, {transform_indices = @transform_2, window_bounds = array<i64: 1000, 128>}, {pipeline_mode = #tpu.pipeline_mode<synchronous>, transform_indices = @transform_3, window_bounds = array<i64: 4, 4, 32, 128>}, {pipeline_mode = #tpu.pipeline_mode<synchronous>, transform_indices = @transform_4, window_bounds = array<i64: 128, 128>}, {pipeline_mode = #tpu.pipeline_mode<synchronous>, transform_indices = @transform_5, window_bounds = array<i64: 1, 128>}, {transform_indices = @transform_6, window_bounds = array<i64: 1000, 1>}, {pipeline_mode = #tpu.pipeline_mode<synchronous>, transform_indices = @transform_7, window_bounds = array<i64: 128, 128>}, {pipeline_mode = #tpu.pipeline_mode<synchronous>, transform_indices = @transform_8, window_bounds = array<i64: 1, 128>}, {pipeline_mode = #tpu.pipeline_mode<synchronous>, transform_indices = @transform_9, window_bounds = array<i64: 64, 128>}, {pipeline_mode = #tpu.pipeline_mode<synchronous>, transform_indices = @transform_10, window_bounds = array<i64: 64, 128>}]} {
    %eq3A = arith.constant 0 : i32
    %eq3A_0 = arith.cmpi eq, %arg0, %eq3A : i32
    %convert_element_type3A = arith.extui %eq3A_0 : i1 to i32
    %cond3A = arith.constant 0 : i32
    %cond3A_1 = arith.cmpi ne, %convert_element_type3A, %cond3A : i32
    scf.if %cond3A_1 {
      %broadcast_in_dim3A_391 = arith.constant 0.000000e+00 : f32
      %broadcast_in_dim3A_392 = vector.broadcast %broadcast_in_dim3A_391 : f32 to vector<64x128xf32>
      %swap3A_393 = arith.constant 0 : index
      %swap3A_394 = arith.constant 0 : index
      %swap3A_395 = vector.load %arg12[%swap3A_393, %swap3A_394] : memref<64x128xf32, #tpu.memory_space<vmem>>, vector<64x128xf32>
      tpu.vector_store %arg12[%swap3A_393, %swap3A_394], %broadcast_in_dim3A_392 {strides = array<i32>} : memref<64x128xf32, #tpu.memory_space<vmem>>, vector<64x128xf32>,
      %broadcast_in_dim3A_396 = arith.constant 0.000000e+00 : f32
      %broadcast_in_dim3A_397 = vector.broadcast %broadcast_in_dim3A_396 : f32 to vector<64x128xf32>
      %swap3A_398 = arith.constant 0 : index
      %swap3A_399 = arith.constant 0 : index
      %swap3A_400 = vector.load %arg13[%swap3A_398, %swap3A_399] : memref<64x128xf32, #tpu.memory_space<vmem>>, vector<64x128xf32>
      tpu.vector_store %arg13[%swap3A_398, %swap3A_399], %broadcast_in_dim3A_397 {strides = array<i32>} : memref<64x128xf32, #tpu.memory_space<vmem>>, vector<64x128xf32>,
    } else {
    }
    %get3A = arith.constant 0 : index
    %get3A_2 = arith.constant 0 : index
    %get3A_3 = vector.load %arg3[%get3A, %get3A_2] : memref<1000x128xf32, #tpu.memory_space<vmem>>, vector<1000x128xf32>
    %get3A_4 = arith.constant 0 : index
    %get3A_5 = arith.constant 0 : index
    %get3A_6 = vector.load %arg5[%get3A_4, %get3A_5] : memref<128x128xf32, #tpu.memory_space<vmem>>, vector<128x128xf32>
    %dot_general3A = arith.constant dense<0.000000e+00> : vector<1000x128xf32>
    %dot_general3A_7 = tpu.matmul %get3A_3, %get3A_6, %dot_general3A {dimension_numbers = #tpu.dot_dimension_numbers<[1], [0], [0], [1], [0, 0, 1, 1], [], []>, transpose_lhs_hint = false} : vector<1000x128xf32>, vector<128x128xf32>, vector<1000x128xf32> -> vector<1000x128xf32>
    %get3A_8 = arith.constant 0 : index
    %get3A_9 = arith.constant 0 : index
    %get3A_10 = vector.load %arg6[%get3A_8, %get3A_9] : memref<1x128xf32, #tpu.memory_space<vmem>>, vector<1x128xf32>
    %add3A = vector.broadcast %get3A_10 : vector<1x128xf32> to vector<1000x128xf32>
    %add3A_11 = arith.addf %dot_general3A_7, %add3A : vector<1000x128xf32>
    %get3A_12 = arith.constant 0 : index
    %get3A_13 = arith.constant 0 : index
    %get3A_14 = arith.constant 0 : index
    %get3A_15 = arith.constant 0 : index
    %get3A_16 = vector.load %arg2[%get3A_12, %get3A_13, %get3A_14, %get3A_15] : memref<2x4x1000x8xf32, #tpu.memory_space<vmem>>, vector<1x1x1000x1xf32>
    %get3A_17 = vector.shape_cast %get3A_16 : vector<1x1x1000x1xf32> to vector<1000x1xf32>
    %get3A_18 = arith.constant 1 : index
    %get3A_19 = arith.constant 0 : index
    %get3A_20 = arith.constant 0 : index
    %get3A_21 = arith.constant 0 : index
    %get3A_22 = vector.load %arg2[%get3A_18, %get3A_19, %get3A_20, %get3A_21] : memref<2x4x1000x8xf32, #tpu.memory_space<vmem>>, vector<1x1x1000x1xf32>
    %get3A_23 = vector.shape_cast %get3A_22 : vector<1x1x1000x1xf32> to vector<1000x1xf32>
    %add3A_24 = arith.addf %get3A_17, %get3A_23 : vector<1000x1xf32>
    %max3A = arith.constant 1.000000e+00 : f32
    %max3A_25 = vector.broadcast %max3A : f32 to vector<1000x1xf32>
    %max3A_26 = arith.maximumf %add3A_24, %max3A_25 : vector<1000x1xf32>
    %div3A = arith.constant 1.000000e+00 : f32
    %div3A_27 = vector.broadcast %div3A : f32 to vector<1000x1xf32>
    %div3A_28 = arith.divf %div3A_27, %max3A_26 : vector<1000x1xf32>
    %get3A_29 = arith.constant 0 : index
    %get3A_30 = arith.constant 0 : index
    %get3A_31 = arith.constant 0 : index
    %get3A_32 = arith.constant 0 : index
    %get3A_33 = vector.load %arg1[%get3A_29, %get3A_30, %get3A_31, %get3A_32] : memref<4x4x1000x32xf32, #tpu.memory_space<vmem>>, vector<1x1x1000x32xf32>
    %get3A_34 = vector.shape_cast %get3A_33 : vector<1x1x1000x32xf32> to vector<1000x32xf32>
    %mul3A = vector.broadcast %div3A_28 : vector<1000x1xf32> to vector<1000x32xf32>
    %mul3A_35 = arith.mulf %get3A_34, %mul3A : vector<1000x32xf32>
    %get3A_36 = arith.constant 0 : index
    %get3A_37 = arith.constant 0 : index
    %get3A_38 = arith.constant 0 : index
    %get3A_39 = arith.constant 0 : index
    %get3A_40 = vector.load %arg4[%get3A_36, %get3A_37, %get3A_38, %get3A_39] : memref<4x4x32x128xf32, #tpu.memory_space<vmem>>, vector<1x1x32x128xf32>
    %get3A_41 = vector.shape_cast %get3A_40 : vector<1x1x32x128xf32> to vector<32x128xf32>
    %dot_general3A_42 = arith.constant dense<0.000000e+00> : vector<1000x128xf32>
    %dot_general3A_43 = tpu.matmul %mul3A_35, %get3A_41, %dot_general3A_42 {dimension_numbers = #tpu.dot_dimension_numbers<[1], [0], [0], [1], [0, 0, 1, 1], [], []>, transpose_lhs_hint = false} : vector<1000x32xf32>, vector<32x128xf32>, vector<1000x128xf32> -> vector<1000x128xf32>
    %add3A_44 = arith.addf %add3A_11, %dot_general3A_43 : vector<1000x128xf32>
    %get3A_45 = arith.constant 1 : index
    %get3A_46 = arith.constant 0 : index
    %get3A_47 = arith.constant 0 : index
    %get3A_48 = arith.constant 0 : index
    %get3A_49 = vector.load %arg1[%get3A_45, %get3A_46, %get3A_47, %get3A_48] : memref<4x4x1000x32xf32, #tpu.memory_space<vmem>>, vector<1x1x1000x32xf32>
    %get3A_50 = vector.shape_cast %get3A_49 : vector<1x1x1000x32xf32> to vector<1000x32xf32>
    %mul3A_51 = vector.broadcast %div3A_28 : vector<1000x1xf32> to vector<1000x32xf32>
    %mul3A_52 = arith.mulf %get3A_50, %mul3A_51 : vector<1000x32xf32>
    %get3A_53 = arith.constant 0 : index
    %get3A_54 = arith.constant 1 : index
    %get3A_55 = arith.constant 0 : index
    %get3A_56 = arith.constant 0 : index
    %get3A_57 = vector.load %arg4[%get3A_53, %get3A_54, %get3A_55, %get3A_56] : memref<4x4x32x128xf32, #tpu.memory_space<vmem>>, vector<1x1x32x128xf32>
    %get3A_58 = vector.shape_cast %get3A_57 : vector<1x1x32x128xf32> to vector<32x128xf32>
    %dot_general3A_59 = arith.constant dense<0.000000e+00> : vector<1000x128xf32>
    %dot_general3A_60 = tpu.matmul %mul3A_52, %get3A_58, %dot_general3A_59 {dimension_numbers = #tpu.dot_dimension_numbers<[1], [0], [0], [1], [0, 0, 1, 1], [], []>, transpose_lhs_hint = false} : vector<1000x32xf32>, vector<32x128xf32>, vector<1000x128xf32> -> vector<1000x128xf32>
    %add3A_61 = arith.addf %add3A_44, %dot_general3A_60 : vector<1000x128xf32>
    %get3A_62 = arith.constant 2 : index
    %get3A_63 = arith.constant 0 : index
    %get3A_64 = arith.constant 0 : index
    %get3A_65 = arith.constant 0 : index
    %get3A_66 = vector.load %arg1[%get3A_62, %get3A_63, %get3A_64, %get3A_65] : memref<4x4x1000x32xf32, #tpu.memory_space<vmem>>, vector<1x1x1000x32xf32>
    %get3A_67 = vector.shape_cast %get3A_66 : vector<1x1x1000x32xf32> to vector<1000x32xf32>
    %mul3A_68 = vector.broadcast %div3A_28 : vector<1000x1xf32> to vector<1000x32xf32>
    %mul3A_69 = arith.mulf %get3A_67, %mul3A_68 : vector<1000x32xf32>
    %get3A_70 = arith.constant 0 : index
    %get3A_71 = arith.constant 2 : index
    %get3A_72 = arith.constant 0 : index
    %get3A_73 = arith.constant 0 : index
    %get3A_74 = vector.load %arg4[%get3A_70, %get3A_71, %get3A_72, %get3A_73] : memref<4x4x32x128xf32, #tpu.memory_space<vmem>>, vector<1x1x32x128xf32>
    %get3A_75 = vector.shape_cast %get3A_74 : vector<1x1x32x128xf32> to vector<32x128xf32>
    %dot_general3A_76 = arith.constant dense<0.000000e+00> : vector<1000x128xf32>
    %dot_general3A_77 = tpu.matmul %mul3A_69, %get3A_75, %dot_general3A_76 {dimension_numbers = #tpu.dot_dimension_numbers<[1], [0], [0], [1], [0, 0, 1, 1], [], []>, transpose_lhs_hint = false} : vector<1000x32xf32>, vector<32x128xf32>, vector<1000x128xf32> -> vector<1000x128xf32>
    %add3A_78 = arith.addf %add3A_61, %dot_general3A_77 : vector<1000x128xf32>
    %get3A_79 = arith.constant 3 : index
    %get3A_80 = arith.constant 0 : index
    %get3A_81 = arith.constant 0 : index
    %get3A_82 = arith.constant 0 : index
    %get3A_83 = vector.load %arg1[%get3A_79, %get3A_80, %get3A_81, %get3A_82] : memref<4x4x1000x32xf32, #tpu.memory_space<vmem>>, vector<1x1x1000x32xf32>
    %get3A_84 = vector.shape_cast %get3A_83 : vector<1x1x1000x32xf32> to vector<1000x32xf32>
    %mul3A_85 = vector.broadcast %div3A_28 : vector<1000x1xf32> to vector<1000x32xf32>
    %mul3A_86 = arith.mulf %get3A_84, %mul3A_85 : vector<1000x32xf32>
    %get3A_87 = arith.constant 0 : index
    %get3A_88 = arith.constant 3 : index
    %get3A_89 = arith.constant 0 : index
    %get3A_90 = arith.constant 0 : index
    %get3A_91 = vector.load %arg4[%get3A_87, %get3A_88, %get3A_89, %get3A_90] : memref<4x4x32x128xf32, #tpu.memory_space<vmem>>, vector<1x1x32x128xf32>
    %get3A_92 = vector.shape_cast %get3A_91 : vector<1x1x32x128xf32> to vector<32x128xf32>
    %dot_general3A_93 = arith.constant dense<0.000000e+00> : vector<1000x128xf32>
    %dot_general3A_94 = tpu.matmul %mul3A_86, %get3A_92, %dot_general3A_93 {dimension_numbers = #tpu.dot_dimension_numbers<[1], [0], [0], [1], [0, 0, 1, 1], [], []>, transpose_lhs_hint = false} : vector<1000x32xf32>, vector<32x128xf32>, vector<1000x128xf32> -> vector<1000x128xf32>
    %add3A_95 = arith.addf %add3A_78, %dot_general3A_94 : vector<1000x128xf32>
    %get3A_96 = arith.constant 0 : index
    %get3A_97 = arith.constant 1 : index
    %get3A_98 = arith.constant 0 : index
    %get3A_99 = arith.constant 0 : index
    %get3A_100 = vector.load %arg2[%get3A_96, %get3A_97, %get3A_98, %get3A_99] : memref<2x4x1000x8xf32, #tpu.memory_space<vmem>>, vector<1x1x1000x1xf32>
    %get3A_101 = vector.shape_cast %get3A_100 : vector<1x1x1000x1xf32> to vector<1000x1xf32>
    %get3A_102 = arith.constant 1 : index
    %get3A_103 = arith.constant 1 : index
    %get3A_104 = arith.constant 0 : index
    %get3A_105 = arith.constant 0 : index
    %get3A_106 = vector.load %arg2[%get3A_102, %get3A_103, %get3A_104, %get3A_105] : memref<2x4x1000x8xf32, #tpu.memory_space<vmem>>, vector<1x1x1000x1xf32>
    %get3A_107 = vector.shape_cast %get3A_106 : vector<1x1x1000x1xf32> to vector<1000x1xf32>
    %add3A_108 = arith.addf %get3A_101, %get3A_107 : vector<1000x1xf32>
    %max3A_109 = arith.constant 1.000000e+00 : f32
    %max3A_110 = vector.broadcast %max3A_109 : f32 to vector<1000x1xf32>
    %max3A_111 = arith.maximumf %add3A_108, %max3A_110 : vector<1000x1xf32>
    %div3A_112 = arith.constant 1.000000e+00 : f32
    %div3A_113 = vector.broadcast %div3A_112 : f32 to vector<1000x1xf32>
    %div3A_114 = arith.divf %div3A_113, %max3A_111 : vector<1000x1xf32>
    %get3A_115 = arith.constant 0 : index
    %get3A_116 = arith.constant 1 : index
    %get3A_117 = arith.constant 0 : index
    %get3A_118 = arith.constant 0 : index
    %get3A_119 = vector.load %arg1[%get3A_115, %get3A_116, %get3A_117, %get3A_118] : memref<4x4x1000x32xf32, #tpu.memory_space<vmem>>, vector<1x1x1000x32xf32>
    %get3A_120 = vector.shape_cast %get3A_119 : vector<1x1x1000x32xf32> to vector<1000x32xf32>
    %mul3A_121 = vector.broadcast %div3A_114 : vector<1000x1xf32> to vector<1000x32xf32>
    %mul3A_122 = arith.mulf %get3A_120, %mul3A_121 : vector<1000x32xf32>
    %get3A_123 = arith.constant 1 : index
    %get3A_124 = arith.constant 0 : index
    %get3A_125 = arith.constant 0 : index
    %get3A_126 = arith.constant 0 : index
    %get3A_127 = vector.load %arg4[%get3A_123, %get3A_124, %get3A_125, %get3A_126] : memref<4x4x32x128xf32, #tpu.memory_space<vmem>>, vector<1x1x32x128xf32>
    %get3A_128 = vector.shape_cast %get3A_127 : vector<1x1x32x128xf32> to vector<32x128xf32>
    %dot_general3A_129 = arith.constant dense<0.000000e+00> : vector<1000x128xf32>
    %dot_general3A_130 = tpu.matmul %mul3A_122, %get3A_128, %dot_general3A_129 {dimension_numbers = #tpu.dot_dimension_numbers<[1], [0], [0], [1], [0, 0, 1, 1], [], []>, transpose_lhs_hint = false} : vector<1000x32xf32>, vector<32x128xf32>, vector<1000x128xf32> -> vector<1000x128xf32>
    %add3A_131 = arith.addf %add3A_95, %dot_general3A_130 : vector<1000x128xf32>
    %get3A_132 = arith.constant 1 : index
    %get3A_133 = arith.constant 1 : index
    %get3A_134 = arith.constant 0 : index
    %get3A_135 = arith.constant 0 : index
    %get3A_136 = vector.load %arg1[%get3A_132, %get3A_133, %get3A_134, %get3A_135] : memref<4x4x1000x32xf32, #tpu.memory_space<vmem>>, vector<1x1x1000x32xf32>
    %get3A_137 = vector.shape_cast %get3A_136 : vector<1x1x1000x32xf32> to vector<1000x32xf32>
    %mul3A_138 = vector.broadcast %div3A_114 : vector<1000x1xf32> to vector<1000x32xf32>
    %mul3A_139 = arith.mulf %get3A_137, %mul3A_138 : vector<1000x32xf32>
    %get3A_140 = arith.constant 1 : index
    %get3A_141 = arith.constant 1 : index
    %get3A_142 = arith.constant 0 : index
    %get3A_143 = arith.constant 0 : index
    %get3A_144 = vector.load %arg4[%get3A_140, %get3A_141, %get3A_142, %get3A_143] : memref<4x4x32x128xf32, #tpu.memory_space<vmem>>, vector<1x1x32x128xf32>
    %get3A_145 = vector.shape_cast %get3A_144 : vector<1x1x32x128xf32> to vector<32x128xf32>
    %dot_general3A_146 = arith.constant dense<0.000000e+00> : vector<1000x128xf32>
    %dot_general3A_147 = tpu.matmul %mul3A_139, %get3A_145, %dot_general3A_146 {dimension_numbers = #tpu.dot_dimension_numbers<[1], [0], [0], [1], [0, 0, 1, 1], [], []>, transpose_lhs_hint = false} : vector<1000x32xf32>, vector<32x128xf32>, vector<1000x128xf32> -> vector<1000x128xf32>
    %add3A_148 = arith.addf %add3A_131, %dot_general3A_147 : vector<1000x128xf32>
    %get3A_149 = arith.constant 2 : index
    %get3A_150 = arith.constant 1 : index
    %get3A_151 = arith.constant 0 : index
    %get3A_152 = arith.constant 0 : index
    %get3A_153 = vector.load %arg1[%get3A_149, %get3A_150, %get3A_151, %get3A_152] : memref<4x4x1000x32xf32, #tpu.memory_space<vmem>>, vector<1x1x1000x32xf32>
    %get3A_154 = vector.shape_cast %get3A_153 : vector<1x1x1000x32xf32> to vector<1000x32xf32>
    %mul3A_155 = vector.broadcast %div3A_114 : vector<1000x1xf32> to vector<1000x32xf32>
    %mul3A_156 = arith.mulf %get3A_154, %mul3A_155 : vector<1000x32xf32>
    %get3A_157 = arith.constant 1 : index
    %get3A_158 = arith.constant 2 : index
    %get3A_159 = arith.constant 0 : index
    %get3A_160 = arith.constant 0 : index
    %get3A_161 = vector.load %arg4[%get3A_157, %get3A_158, %get3A_159, %get3A_160] : memref<4x4x32x128xf32, #tpu.memory_space<vmem>>, vector<1x1x32x128xf32>
    %get3A_162 = vector.shape_cast %get3A_161 : vector<1x1x32x128xf32> to vector<32x128xf32>
    %dot_general3A_163 = arith.constant dense<0.000000e+00> : vector<1000x128xf32>
    %dot_general3A_164 = tpu.matmul %mul3A_156, %get3A_162, %dot_general3A_163 {dimension_numbers = #tpu.dot_dimension_numbers<[1], [0], [0], [1], [0, 0, 1, 1], [], []>, transpose_lhs_hint = false} : vector<1000x32xf32>, vector<32x128xf32>, vector<1000x128xf32> -> vector<1000x128xf32>
    %add3A_165 = arith.addf %add3A_148, %dot_general3A_164 : vector<1000x128xf32>
    %get3A_166 = arith.constant 3 : index
    %get3A_167 = arith.constant 1 : index
    %get3A_168 = arith.constant 0 : index
    %get3A_169 = arith.constant 0 : index
    %get3A_170 = vector.load %arg1[%get3A_166, %get3A_167, %get3A_168, %get3A_169] : memref<4x4x1000x32xf32, #tpu.memory_space<vmem>>, vector<1x1x1000x32xf32>
    %get3A_171 = vector.shape_cast %get3A_170 : vector<1x1x1000x32xf32> to vector<1000x32xf32>
    %mul3A_172 = vector.broadcast %div3A_114 : vector<1000x1xf32> to vector<1000x32xf32>
    %mul3A_173 = arith.mulf %get3A_171, %mul3A_172 : vector<1000x32xf32>
    %get3A_174 = arith.constant 1 : index
    %get3A_175 = arith.constant 3 : index
    %get3A_176 = arith.constant 0 : index
    %get3A_177 = arith.constant 0 : index
    %get3A_178 = vector.load %arg4[%get3A_174, %get3A_175, %get3A_176, %get3A_177] : memref<4x4x32x128xf32, #tpu.memory_space<vmem>>, vector<1x1x32x128xf32>
    %get3A_179 = vector.shape_cast %get3A_178 : vector<1x1x32x128xf32> to vector<32x128xf32>
    %dot_general3A_180 = arith.constant dense<0.000000e+00> : vector<1000x128xf32>
    %dot_general3A_181 = tpu.matmul %mul3A_173, %get3A_179, %dot_general3A_180 {dimension_numbers = #tpu.dot_dimension_numbers<[1], [0], [0], [1], [0, 0, 1, 1], [], []>, transpose_lhs_hint = false} : vector<1000x32xf32>, vector<32x128xf32>, vector<1000x128xf32> -> vector<1000x128xf32>
    %add3A_182 = arith.addf %add3A_165, %dot_general3A_181 : vector<1000x128xf32>
    %get3A_183 = arith.constant 0 : index
    %get3A_184 = arith.constant 2 : index
    %get3A_185 = arith.constant 0 : index
    %get3A_186 = arith.constant 0 : index
    %get3A_187 = vector.load %arg2[%get3A_183, %get3A_184, %get3A_185, %get3A_186] : memref<2x4x1000x8xf32, #tpu.memory_space<vmem>>, vector<1x1x1000x1xf32>
    %get3A_188 = vector.shape_cast %get3A_187 : vector<1x1x1000x1xf32> to vector<1000x1xf32>
    %get3A_189 = arith.constant 1 : index
    %get3A_190 = arith.constant 2 : index
    %get3A_191 = arith.constant 0 : index
    %get3A_192 = arith.constant 0 : index
    %get3A_193 = vector.load %arg2[%get3A_189, %get3A_190, %get3A_191, %get3A_192] : memref<2x4x1000x8xf32, #tpu.memory_space<vmem>>, vector<1x1x1000x1xf32>
    %get3A_194 = vector.shape_cast %get3A_193 : vector<1x1x1000x1xf32> to vector<1000x1xf32>
    %add3A_195 = arith.addf %get3A_188, %get3A_194 : vector<1000x1xf32>
    %max3A_196 = arith.constant 1.000000e+00 : f32
    %max3A_197 = vector.broadcast %max3A_196 : f32 to vector<1000x1xf32>
    %max3A_198 = arith.maximumf %add3A_195, %max3A_197 : vector<1000x1xf32>
    %div3A_199 = arith.constant 1.000000e+00 : f32
    %div3A_200 = vector.broadcast %div3A_199 : f32 to vector<1000x1xf32>
    %div3A_201 = arith.divf %div3A_200, %max3A_198 : vector<1000x1xf32>
    %get3A_202 = arith.constant 0 : index
    %get3A_203 = arith.constant 2 : index
    %get3A_204 = arith.constant 0 : index
    %get3A_205 = arith.constant 0 : index
    %get3A_206 = vector.load %arg1[%get3A_202, %get3A_203, %get3A_204, %get3A_205] : memref<4x4x1000x32xf32, #tpu.memory_space<vmem>>, vector<1x1x1000x32xf32>
    %get3A_207 = vector.shape_cast %get3A_206 : vector<1x1x1000x32xf32> to vector<1000x32xf32>
    %mul3A_208 = vector.broadcast %div3A_201 : vector<1000x1xf32> to vector<1000x32xf32>
    %mul3A_209 = arith.mulf %get3A_207, %mul3A_208 : vector<1000x32xf32>
    %get3A_210 = arith.constant 2 : index
    %get3A_211 = arith.constant 0 : index
    %get3A_212 = arith.constant 0 : index
    %get3A_213 = arith.constant 0 : index
    %get3A_214 = vector.load %arg4[%get3A_210, %get3A_211, %get3A_212, %get3A_213] : memref<4x4x32x128xf32, #tpu.memory_space<vmem>>, vector<1x1x32x128xf32>
    %get3A_215 = vector.shape_cast %get3A_214 : vector<1x1x32x128xf32> to vector<32x128xf32>
    %dot_general3A_216 = arith.constant dense<0.000000e+00> : vector<1000x128xf32>
    %dot_general3A_217 = tpu.matmul %mul3A_209, %get3A_215, %dot_general3A_216 {dimension_numbers = #tpu.dot_dimension_numbers<[1], [0], [0], [1], [0, 0, 1, 1], [], []>, transpose_lhs_hint = false} : vector<1000x32xf32>, vector<32x128xf32>, vector<1000x128xf32> -> vector<1000x128xf32>
    %add3A_218 = arith.addf %add3A_182, %dot_general3A_217 : vector<1000x128xf32>
    %get3A_219 = arith.constant 1 : index
    %get3A_220 = arith.constant 2 : index
    %get3A_221 = arith.constant 0 : index
    %get3A_222 = arith.constant 0 : index
    %get3A_223 = vector.load %arg1[%get3A_219, %get3A_220, %get3A_221, %get3A_222] : memref<4x4x1000x32xf32, #tpu.memory_space<vmem>>, vector<1x1x1000x32xf32>
    %get3A_224 = vector.shape_cast %get3A_223 : vector<1x1x1000x32xf32> to vector<1000x32xf32>
    %mul3A_225 = vector.broadcast %div3A_201 : vector<1000x1xf32> to vector<1000x32xf32>
    %mul3A_226 = arith.mulf %get3A_224, %mul3A_225 : vector<1000x32xf32>
    %get3A_227 = arith.constant 2 : index
    %get3A_228 = arith.constant 1 : index
    %get3A_229 = arith.constant 0 : index
    %get3A_230 = arith.constant 0 : index
    %get3A_231 = vector.load %arg4[%get3A_227, %get3A_228, %get3A_229, %get3A_230] : memref<4x4x32x128xf32, #tpu.memory_space<vmem>>, vector<1x1x32x128xf32>
    %get3A_232 = vector.shape_cast %get3A_231 : vector<1x1x32x128xf32> to vector<32x128xf32>
    %dot_general3A_233 = arith.constant dense<0.000000e+00> : vector<1000x128xf32>
    %dot_general3A_234 = tpu.matmul %mul3A_226, %get3A_232, %dot_general3A_233 {dimension_numbers = #tpu.dot_dimension_numbers<[1], [0], [0], [1], [0, 0, 1, 1], [], []>, transpose_lhs_hint = false} : vector<1000x32xf32>, vector<32x128xf32>, vector<1000x128xf32> -> vector<1000x128xf32>
    %add3A_235 = arith.addf %add3A_218, %dot_general3A_234 : vector<1000x128xf32>
    %get3A_236 = arith.constant 2 : index
    %get3A_237 = arith.constant 2 : index
    %get3A_238 = arith.constant 0 : index
    %get3A_239 = arith.constant 0 : index
    %get3A_240 = vector.load %arg1[%get3A_236, %get3A_237, %get3A_238, %get3A_239] : memref<4x4x1000x32xf32, #tpu.memory_space<vmem>>, vector<1x1x1000x32xf32>
    %get3A_241 = vector.shape_cast %get3A_240 : vector<1x1x1000x32xf32> to vector<1000x32xf32>
    %mul3A_242 = vector.broadcast %div3A_201 : vector<1000x1xf32> to vector<1000x32xf32>
    %mul3A_243 = arith.mulf %get3A_241, %mul3A_242 : vector<1000x32xf32>
    %get3A_244 = arith.constant 2 : index
    %get3A_245 = arith.constant 2 : index
    %get3A_246 = arith.constant 0 : index
    %get3A_247 = arith.constant 0 : index
    %get3A_248 = vector.load %arg4[%get3A_244, %get3A_245, %get3A_246, %get3A_247] : memref<4x4x32x128xf32, #tpu.memory_space<vmem>>, vector<1x1x32x128xf32>
    %get3A_249 = vector.shape_cast %get3A_248 : vector<1x1x32x128xf32> to vector<32x128xf32>
    %dot_general3A_250 = arith.constant dense<0.000000e+00> : vector<1000x128xf32>
    %dot_general3A_251 = tpu.matmul %mul3A_243, %get3A_249, %dot_general3A_250 {dimension_numbers = #tpu.dot_dimension_numbers<[1], [0], [0], [1], [0, 0, 1, 1], [], []>, transpose_lhs_hint = false} : vector<1000x32xf32>, vector<32x128xf32>, vector<1000x128xf32> -> vector<1000x128xf32>
    %add3A_252 = arith.addf %add3A_235, %dot_general3A_251 : vector<1000x128xf32>
    %get3A_253 = arith.constant 3 : index
    %get3A_254 = arith.constant 2 : index
    %get3A_255 = arith.constant 0 : index
    %get3A_256 = arith.constant 0 : index
    %get3A_257 = vector.load %arg1[%get3A_253, %get3A_254, %get3A_255, %get3A_256] : memref<4x4x1000x32xf32, #tpu.memory_space<vmem>>, vector<1x1x1000x32xf32>
    %get3A_258 = vector.shape_cast %get3A_257 : vector<1x1x1000x32xf32> to vector<1000x32xf32>
    %mul3A_259 = vector.broadcast %div3A_201 : vector<1000x1xf32> to vector<1000x32xf32>
    %mul3A_260 = arith.mulf %get3A_258, %mul3A_259 : vector<1000x32xf32>
    %get3A_261 = arith.constant 2 : index
    %get3A_262 = arith.constant 3 : index
    %get3A_263 = arith.constant 0 : index
    %get3A_264 = arith.constant 0 : index
    %get3A_265 = vector.load %arg4[%get3A_261, %get3A_262, %get3A_263, %get3A_264] : memref<4x4x32x128xf32, #tpu.memory_space<vmem>>, vector<1x1x32x128xf32>
    %get3A_266 = vector.shape_cast %get3A_265 : vector<1x1x32x128xf32> to vector<32x128xf32>
    %dot_general3A_267 = arith.constant dense<0.000000e+00> : vector<1000x128xf32>
    %dot_general3A_268 = tpu.matmul %mul3A_260, %get3A_266, %dot_general3A_267 {dimension_numbers = #tpu.dot_dimension_numbers<[1], [0], [0], [1], [0, 0, 1, 1], [], []>, transpose_lhs_hint = false} : vector<1000x32xf32>, vector<32x128xf32>, vector<1000x128xf32> -> vector<1000x128xf32>
    %add3A_269 = arith.addf %add3A_252, %dot_general3A_268 : vector<1000x128xf32>
    %get3A_270 = arith.constant 0 : index
    %get3A_271 = arith.constant 3 : index
    %get3A_272 = arith.constant 0 : index
    %get3A_273 = arith.constant 0 : index
    %get3A_274 = vector.load %arg2[%get3A_270, %get3A_271, %get3A_272, %get3A_273] : memref<2x4x1000x8xf32, #tpu.memory_space<vmem>>, vector<1x1x1000x1xf32>
    %get3A_275 = vector.shape_cast %get3A_274 : vector<1x1x1000x1xf32> to vector<1000x1xf32>
    %get3A_276 = arith.constant 1 : index
    %get3A_277 = arith.constant 3 : index
    %get3A_278 = arith.constant 0 : index
    %get3A_279 = arith.constant 0 : index
    %get3A_280 = vector.load %arg2[%get3A_276, %get3A_277, %get3A_278, %get3A_279] : memref<2x4x1000x8xf32, #tpu.memory_space<vmem>>, vector<1x1x1000x1xf32>
    %get3A_281 = vector.shape_cast %get3A_280 : vector<1x1x1000x1xf32> to vector<1000x1xf32>
    %add3A_282 = arith.addf %get3A_275, %get3A_281 : vector<1000x1xf32>
    %max3A_283 = arith.constant 1.000000e+00 : f32
    %max3A_284 = vector.broadcast %max3A_283 : f32 to vector<1000x1xf32>
    %max3A_285 = arith.maximumf %add3A_282, %max3A_284 : vector<1000x1xf32>
    %div3A_286 = arith.constant 1.000000e+00 : f32
    %div3A_287 = vector.broadcast %div3A_286 : f32 to vector<1000x1xf32>
    %div3A_288 = arith.divf %div3A_287, %max3A_285 : vector<1000x1xf32>
    %get3A_289 = arith.constant 0 : index
    %get3A_290 = arith.constant 3 : index
    %get3A_291 = arith.constant 0 : index
    %get3A_292 = arith.constant 0 : index
    %get3A_293 = vector.load %arg1[%get3A_289, %get3A_290, %get3A_291, %get3A_292] : memref<4x4x1000x32xf32, #tpu.memory_space<vmem>>, vector<1x1x1000x32xf32>
    %get3A_294 = vector.shape_cast %get3A_293 : vector<1x1x1000x32xf32> to vector<1000x32xf32>
    %mul3A_295 = vector.broadcast %div3A_288 : vector<1000x1xf32> to vector<1000x32xf32>
    %mul3A_296 = arith.mulf %get3A_294, %mul3A_295 : vector<1000x32xf32>
    %get3A_297 = arith.constant 3 : index
    %get3A_298 = arith.constant 0 : index
    %get3A_299 = arith.constant 0 : index
    %get3A_300 = arith.constant 0 : index
    %get3A_301 = vector.load %arg4[%get3A_297, %get3A_298, %get3A_299, %get3A_300] : memref<4x4x32x128xf32, #tpu.memory_space<vmem>>, vector<1x1x32x128xf32>
    %get3A_302 = vector.shape_cast %get3A_301 : vector<1x1x32x128xf32> to vector<32x128xf32>
    %dot_general3A_303 = arith.constant dense<0.000000e+00> : vector<1000x128xf32>
    %dot_general3A_304 = tpu.matmul %mul3A_296, %get3A_302, %dot_general3A_303 {dimension_numbers = #tpu.dot_dimension_numbers<[1], [0], [0], [1], [0, 0, 1, 1], [], []>, transpose_lhs_hint = false} : vector<1000x32xf32>, vector<32x128xf32>, vector<1000x128xf32> -> vector<1000x128xf32>
    %add3A_305 = arith.addf %add3A_269, %dot_general3A_304 : vector<1000x128xf32>
    %get3A_306 = arith.constant 1 : index
    %get3A_307 = arith.constant 3 : index
    %get3A_308 = arith.constant 0 : index
    %get3A_309 = arith.constant 0 : index
    %get3A_310 = vector.load %arg1[%get3A_306, %get3A_307, %get3A_308, %get3A_309] : memref<4x4x1000x32xf32, #tpu.memory_space<vmem>>, vector<1x1x1000x32xf32>
    %get3A_311 = vector.shape_cast %get3A_310 : vector<1x1x1000x32xf32> to vector<1000x32xf32>
    %mul3A_312 = vector.broadcast %div3A_288 : vector<1000x1xf32> to vector<1000x32xf32>
    %mul3A_313 = arith.mulf %get3A_311, %mul3A_312 : vector<1000x32xf32>
    %get3A_314 = arith.constant 3 : index
    %get3A_315 = arith.constant 1 : index
    %get3A_316 = arith.constant 0 : index
    %get3A_317 = arith.constant 0 : index
    %get3A_318 = vector.load %arg4[%get3A_314, %get3A_315, %get3A_316, %get3A_317] : memref<4x4x32x128xf32, #tpu.memory_space<vmem>>, vector<1x1x32x128xf32>
    %get3A_319 = vector.shape_cast %get3A_318 : vector<1x1x32x128xf32> to vector<32x128xf32>
    %dot_general3A_320 = arith.constant dense<0.000000e+00> : vector<1000x128xf32>
    %dot_general3A_321 = tpu.matmul %mul3A_313, %get3A_319, %dot_general3A_320 {dimension_numbers = #tpu.dot_dimension_numbers<[1], [0], [0], [1], [0, 0, 1, 1], [], []>, transpose_lhs_hint = false} : vector<1000x32xf32>, vector<32x128xf32>, vector<1000x128xf32> -> vector<1000x128xf32>
    %add3A_322 = arith.addf %add3A_305, %dot_general3A_321 : vector<1000x128xf32>
    %get3A_323 = arith.constant 2 : index
    %get3A_324 = arith.constant 3 : index
    %get3A_325 = arith.constant 0 : index
    %get3A_326 = arith.constant 0 : index
    %get3A_327 = vector.load %arg1[%get3A_323, %get3A_324, %get3A_325, %get3A_326] : memref<4x4x1000x32xf32, #tpu.memory_space<vmem>>, vector<1x1x1000x32xf32>
    %get3A_328 = vector.shape_cast %get3A_327 : vector<1x1x1000x32xf32> to vector<1000x32xf32>
    %mul3A_329 = vector.broadcast %div3A_288 : vector<1000x1xf32> to vector<1000x32xf32>
    %mul3A_330 = arith.mulf %get3A_328, %mul3A_329 : vector<1000x32xf32>
    %get3A_331 = arith.constant 3 : index
    %get3A_332 = arith.constant 2 : index
    %get3A_333 = arith.constant 0 : index
    %get3A_334 = arith.constant 0 : index
    %get3A_335 = vector.load %arg4[%get3A_331, %get3A_332, %get3A_333, %get3A_334] : memref<4x4x32x128xf32, #tpu.memory_space<vmem>>, vector<1x1x32x128xf32>
    %get3A_336 = vector.shape_cast %get3A_335 : vector<1x1x32x128xf32> to vector<32x128xf32>
    %dot_general3A_337 = arith.constant dense<0.000000e+00> : vector<1000x128xf32>
    %dot_general3A_338 = tpu.matmul %mul3A_330, %get3A_336, %dot_general3A_337 {dimension_numbers = #tpu.dot_dimension_numbers<[1], [0], [0], [1], [0, 0, 1, 1], [], []>, transpose_lhs_hint = false} : vector<1000x32xf32>, vector<32x128xf32>, vector<1000x128xf32> -> vector<1000x128xf32>
    %add3A_339 = arith.addf %add3A_322, %dot_general3A_338 : vector<1000x128xf32>
    %get3A_340 = arith.constant 3 : index
    %get3A_341 = arith.constant 3 : index
    %get3A_342 = arith.constant 0 : index
    %get3A_343 = arith.constant 0 : index
    %get3A_344 = vector.load %arg1[%get3A_340, %get3A_341, %get3A_342, %get3A_343] : memref<4x4x1000x32xf32, #tpu.memory_space<vmem>>, vector<1x1x1000x32xf32>
    %get3A_345 = vector.shape_cast %get3A_344 : vector<1x1x1000x32xf32> to vector<1000x32xf32>
    %mul3A_346 = vector.broadcast %div3A_288 : vector<1000x1xf32> to vector<1000x32xf32>
    %mul3A_347 = arith.mulf %get3A_345, %mul3A_346 : vector<1000x32xf32>
    %get3A_348 = arith.constant 3 : index
    %get3A_349 = arith.constant 3 : index
    %get3A_350 = arith.constant 0 : index
    %get3A_351 = arith.constant 0 : index
    %get3A_352 = vector.load %arg4[%get3A_348, %get3A_349, %get3A_350, %get3A_351] : memref<4x4x32x128xf32, #tpu.memory_space<vmem>>, vector<1x1x32x128xf32>
    %get3A_353 = vector.shape_cast %get3A_352 : vector<1x1x32x128xf32> to vector<32x128xf32>
    %dot_general3A_354 = arith.constant dense<0.000000e+00> : vector<1000x128xf32>
    %dot_general3A_355 = tpu.matmul %mul3A_347, %get3A_353, %dot_general3A_354 {dimension_numbers = #tpu.dot_dimension_numbers<[1], [0], [0], [1], [0, 0, 1, 1], [], []>, transpose_lhs_hint = false} : vector<1000x32xf32>, vector<32x128xf32>, vector<1000x128xf32> -> vector<1000x128xf32>
    %add3A_356 = arith.addf %add3A_339, %dot_general3A_355 : vector<1000x128xf32>
    %max3A_357 = arith.constant 0.000000e+00 : f32
    %max3A_358 = vector.broadcast %max3A_357 : f32 to vector<1000x128xf32>
    %max3A_359 = arith.maximumf %add3A_356, %max3A_358 : vector<1000x128xf32>
    %get3A_360 = arith.constant 0 : index
    %get3A_361 = arith.constant 0 : index
    %get3A_362 = vector.load %arg7[%get3A_360, %get3A_361] : memref<1000x1xi32, #tpu.memory_space<vmem>>, vector<1000x1xi32>
    %iota3A = tpu.iota {dimensions = array<i32: 1>} : vector<1x64xi32>
    %eq3A_363 = vector.broadcast %get3A_362 : vector<1000x1xi32> to vector<1000x64xi32>
    %eq3A_364 = vector.broadcast %iota3A : vector<1x64xi32> to vector<1000x64xi32>
    %eq3A_365 = arith.cmpi eq, %eq3A_363, %eq3A_364 : vector<1000x64xi32>
    %convert_element_type3A_366 = arith.extui %eq3A_365 : vector<1000x64xi1> to vector<1000x64xi32>
    %convert_element_type3A_367 = arith.sitofp %convert_element_type3A_366 : vector<1000x64xi32> to vector<1000x64xf32>
    %get3A_368 = arith.constant 0 : index
    %get3A_369 = arith.constant 0 : index
    %get3A_370 = vector.load %arg12[%get3A_368, %get3A_369] : memref<64x128xf32, #tpu.memory_space<vmem>>, vector<64x128xf32>
    %dot_general3A_371 = arith.constant dense<0.000000e+00> : vector<64x128xf32>
    %dot_general3A_372 = tpu.matmul %convert_element_type3A_367, %max3A_359, %dot_general3A_371 {dimension_numbers = #tpu.dot_dimension_numbers<[0], [0], [1], [1], [0, 1, 1, 1], [], []>, transpose_lhs_hint = false} : vector<1000x64xf32>, vector<1000x128xf32>, vector<64x128xf32> -> vector<64x128xf32>
    %add3A_373 = arith.addf %get3A_370, %dot_general3A_372 : vector<64x128xf32>
    %swap3A = arith.constant 0 : index
    %swap3A_374 = arith.constant 0 : index
    %swap3A_375 = vector.load %arg12[%swap3A, %swap3A_374] : memref<64x128xf32, #tpu.memory_space<vmem>>, vector<64x128xf32>
    tpu.vector_store %arg12[%swap3A, %swap3A_374], %add3A_373 {strides = array<i32>} : memref<64x128xf32, #tpu.memory_space<vmem>>, vector<64x128xf32>,
    %get3A_376 = arith.constant 0 : index
    %get3A_377 = arith.constant 0 : index
    %get3A_378 = vector.load %arg13[%get3A_376, %get3A_377] : memref<64x128xf32, #tpu.memory_space<vmem>>, vector<64x128xf32>
    %broadcast_in_dim3A = arith.constant 1.000000e+00 : f32
    %broadcast_in_dim3A_379 = vector.broadcast %broadcast_in_dim3A : f32 to vector<1000x128xf32>
    %dot_general3A_380 = arith.constant dense<0.000000e+00> : vector<64x128xf32>
    %dot_general3A_381 = tpu.matmul %convert_element_type3A_367, %broadcast_in_dim3A_379, %dot_general3A_380 {dimension_numbers = #tpu.dot_dimension_numbers<[0], [0], [1], [1], [0, 1, 1, 1], [], []>, transpose_lhs_hint = false} : vector<1000x64xf32>, vector<1000x128xf32>, vector<64x128xf32> -> vector<64x128xf32>
    %add3A_382 = arith.addf %get3A_378, %dot_general3A_381 : vector<64x128xf32>
    %swap3A_383 = arith.constant 0 : index
    %swap3A_384 = arith.constant 0 : index
    %swap3A_385 = vector.load %arg13[%swap3A_383, %swap3A_384] : memref<64x128xf32, #tpu.memory_space<vmem>>, vector<64x128xf32>
    tpu.vector_store %arg13[%swap3A_383, %swap3A_384], %add3A_382 {strides = array<i32>} : memref<64x128xf32, #tpu.memory_space<vmem>>, vector<64x128xf32>,
    %eq3A_386 = arith.constant 9 : i32
    %eq3A_387 = arith.cmpi eq, %arg0, %eq3A_386 : i32
    %convert_element_type3A_388 = arith.extui %eq3A_387 : i1 to i32
    %cond3A_389 = arith.constant 0 : i32
    %cond3A_390 = arith.cmpi ne, %convert_element_type3A_388, %cond3A_389 : i32
    scf.if %cond3A_390 {
      %get3A_391 = arith.constant 0 : index
      %get3A_392 = arith.constant 0 : index
      %get3A_393 = vector.load %arg12[%get3A_391, %get3A_392] : memref<64x128xf32, #tpu.memory_space<vmem>>, vector<64x128xf32>
      %get3A_394 = arith.constant 0 : index
      %get3A_395 = arith.constant 0 : index
      %get3A_396 = vector.load %arg13[%get3A_394, %get3A_395] : memref<64x128xf32, #tpu.memory_space<vmem>>, vector<64x128xf32>
      %max3A_397 = arith.constant 1.000000e+00 : f32
      %max3A_398 = vector.broadcast %max3A_397 : f32 to vector<64x128xf32>
      %max3A_399 = arith.maximumf %get3A_396, %max3A_398 : vector<64x128xf32>
      %div3A_400 = arith.divf %get3A_393, %max3A_399 : vector<64x128xf32>
      %swap3A_401 = arith.constant 0 : index
      %swap3A_402 = arith.constant 0 : index
      %swap3A_403 = vector.load %arg10[%swap3A_401, %swap3A_402] : memref<64x128xf32, #tpu.memory_space<vmem>>, vector<64x128xf32>
      tpu.vector_store %arg10[%swap3A_401, %swap3A_402], %div3A_400 {strides = array<i32>} : memref<64x128xf32, #tpu.memory_space<vmem>>, vector<64x128xf32>,
      %get3A_404 = arith.constant 0 : index
      %get3A_405 = arith.constant 0 : index
      %get3A_406 = vector.load %arg8[%get3A_404, %get3A_405] : memref<128x128xf32, #tpu.memory_space<vmem>>, vector<128x128xf32>
      %dot_general3A_407 = arith.constant dense<0.000000e+00> : vector<64x128xf32>
      %dot_general3A_408 = tpu.matmul %div3A_400, %get3A_406, %dot_general3A_407 {dimension_numbers = #tpu.dot_dimension_numbers<[1], [0], [0], [1], [0, 0, 1, 1], [], []>, transpose_lhs_hint = false} : vector<64x128xf32>, vector<128x128xf32>, vector<64x128xf32> -> vector<64x128xf32>
      %get3A_409 = arith.constant 0 : index
      %get3A_410 = arith.constant 0 : index
      %get3A_411 = vector.load %arg9[%get3A_409, %get3A_410] : memref<1x128xf32, #tpu.memory_space<vmem>>, vector<1x128xf32>
      %add3A_412 = vector.broadcast %get3A_411 : vector<1x128xf32> to vector<64x128xf32>
      %add3A_413 = arith.addf %dot_general3A_408, %add3A_412 : vector<64x128xf32>
      %swap3A_414 = arith.constant 0 : index
      %swap3A_415 = arith.constant 0 : index
      %swap3A_416 = vector.load %arg11[%swap3A_414, %swap3A_415] : memref<64x128xf32, #tpu.memory_space<vmem>>, vector<64x128xf32>
      tpu.vector_store %arg11[%swap3A_414, %swap3A_415], %add3A_413 {strides = array<i32>} : memref<64x128xf32, #tpu.memory_space<vmem>>, vector<64x128xf32>,
    } else {
    }
    return
  }
  func.func @transform_0(%arg0: i32) -> (i32, i32, i32, i32) {
    %c0_i32 = arith.constant 0 : i32
    %c0_i32_0 = arith.constant 0 : i32
    %c0_i32_1 = arith.constant 0 : i32
    %c0_i32_2 = arith.constant 0 : i32
    return %c0_i32, %c0_i32_0, %arg0, %c0_i32_1 : i32, i32, i32, i32
  }
  func.func @transform_1(%arg0: i32) -> (i32, i32, i32, i32) {
    %c0_i32 = arith.constant 0 : i32
    %c0_i32_0 = arith.constant 0 : i32
    %c0_i32_1 = arith.constant 0 : i32
    %c0_i32_2 = arith.constant 0 : i32
    return %c0_i32, %c0_i32_0, %arg0, %c0_i32_1 : i32, i32, i32, i32
  }
  func.func @transform_2(%arg0: i32) -> (i32, i32) {
    %c0_i32 = arith.constant 0 : i32
    %c0_i32_0 = arith.constant 0 : i32
    return %arg0, %c0_i32 : i32, i32
  }
  func.func @transform_3(%arg0: i32) -> (i32, i32, i32, i32) {
    %c0_i32 = arith.constant 0 : i32
    %c0_i32_0 = arith.constant 0 : i32
    %c0_i32_1 = arith.constant 0 : i32
    %c0_i32_2 = arith.constant 0 : i32
    %c0_i32_3 = arith.constant 0 : i32
    return %c0_i32, %c0_i32_0, %c0_i32_1, %c0_i32_2 : i32, i32, i32, i32
  }
  func.func @transform_4(%arg0: i32) -> (i32, i32) {
    %c0_i32 = arith.constant 0 : i32
    %c0_i32_0 = arith.constant 0 : i32
    %c0_i32_1 = arith.constant 0 : i32
    return %c0_i32, %c0_i32_0 : i32, i32
  }
  func.func @transform_5(%arg0: i32) -> (i32, i32) {
    %c0_i32 = arith.constant 0 : i32
    %c0_i32_0 = arith.constant 0 : i32
    %c0_i32_1 = arith.constant 0 : i32
    return %c0_i32, %c0_i32_0 : i32, i32
  }
  func.func @transform_6(%arg0: i32) -> (i32, i32) {
    %c0_i32 = arith.constant 0 : i32
    %c0_i32_0 = arith.constant 0 : i32
    return %arg0, %c0_i32 : i32, i32
  }
  func.func @transform_7(%arg0: i32) -> (i32, i32) {
    %c0_i32 = arith.constant 0 : i32
    %c0_i32_0 = arith.constant 0 : i32
    %c0_i32_1 = arith.constant 0 : i32
    return %c0_i32, %c0_i32_0 : i32, i32
  }
  func.func @transform_8(%arg0: i32) -> (i32, i32) {
    %c0_i32 = arith.constant 0 : i32
    %c0_i32_0 = arith.constant 0 : i32
    %c0_i32_1 = arith.constant 0 : i32
    return %c0_i32, %c0_i32_0 : i32, i32
  }
  func.func @transform_9(%arg0: i32) -> (i32, i32) {
    %c0_i32 = arith.constant 0 : i32
    %c0_i32_0 = arith.constant 0 : i32
    %c0_i32_1 = arith.constant 0 : i32
    return %c0_i32, %c0_i32_0 : i32, i32
  }
  func.func @transform_10(%arg0: i32) -> (i32, i32) {
    %c0_i32 = arith.constant 0 : i32
    %c0_i32_0 = arith.constant 0 : i32
    %c0_i32_1 = arith.constant 0 : i32
    return %c0_i32, %c0_i32_0 : i32, i32
  }
}

</mosaic_0001>

<sc_bundles>
// kernel: kernel.11.cloned.1.call-start
scs
__scs_entry_jumppad:
0x0: {  	(pc) =	sbr.rel $0x88, $3  }
0x1: {  	(tag) =	ssettag $0x0;
	lr =	simm.s32 $0x1  }
0x2: {  	[smem:$0x3F93] =	sst lr;
	_ =	strace $0xD0000000  }
0x3: {  	_ = 	snop  }
0x4: {  	_ = 	snop  }
0x5: {  	_ = 	snop  }
0x6: {  	_ = 	snop  }
0x7: {  	_ = 	snop  }
__scs_overlays_trampoline_lowered:
0x8: {  	[smem:$0x3FA2] =	sst s0  }
0x9: {  	[smem:$0x3FA3] =	sst s1  }
0xa: {  	[smem:$0x3FA4] =	sst s2  }
0xb: {  	[smem:$0x3FA5] =	sst s3  }
0xc: {  	[smem:$0x3FA6] =	sst s4  }
0xd: {  	[smem:$0x3FA7] =	sst s5  }
0xe: {  	[smem:$0x3FA8] =	sst s6  }
0xf: {  	[smem:$0x3FA9] =	sst s7  }
0x10: {  	[smem:$0x3FAA] =	sst s8  }
0x11: {  	[smem:$0x3FAB] =	sst s9;
	s0 =	simm.s32 @!p0 $0x0  }
0x12: {  	s1 =	sld [smem:$0x3F91];
	s0 =	simm.s32 @p0 $0x1  }
0x13: {  	[smem:$0x3FAC] =	sst s0;
	s0 =	simm.s32 @!p1 $0x0  }
0x14: {  	s2 =	sld [smem:$0x3F90];
	s0 =	simm.s32 @p1 $0x1  }
0x15: {  	[smem:$0x3FAD] =	sst s0;
	s0 =	simm.s32 @!p2 $0x0  }
0x16: {  	s3 =	sld [smem:$0x3FDB];
	s0 =	simm.s32 @p2 $0x1  }
0x17: {  	s4 =	simm.s32 $0x1BF5;
	[smem:$0x3FAF] =	sst s0  }
0x18: {  	s0 =	sld [smem:$0x3F92];
	_ =	swait.ge [sflag:s4], $0x0  }
0x19: {  	s7 =	sld [smem:$0x3F93]  }
0x1a: {  	s8 =	sadd.s32 $0xFFFFE003, lr  }
0x1b: {  	s9 =	sadd.s32 $0xFFFFFEF7, lr;
	s5 =	simm.s32 $0xFFFFFFFF;
	p2 =	slt.u32 s8, $0xFFFFF086  }
0x1c: {  	p1 =	slt.u32 s9, $0xF7A;
	s5 =	simm.s32 @!p2 $0x0  }
0x1d: {  	s5 =	simm.s32 @p1 $0x1;
	p0 =	seq.s32 s7, s2  }
0x1e: {  	s7 =	smul.u32 @!p0 $0xF7A, s2;
	p2 =	seq.s32 @!p0 s5, $0x0  }
0x1f: {  	s9 =	smul.u32 $0xF7A, s1;
	s8 =	simm.s32 @!p0 $0x1BF5;
	p2 =	por !p2, p0  }
0x20: {  	[sflag:s8] =	ssyncset.s32 @!p0 $0xFFFFF086;
	s6 =	sadd.s32 @!p0 s3, s7;
	s7 =	simm.s32 @!p0 $0x108  }
0x21: {  	s3 =	sadd.s32 s3, s9;
	s6 =	sadd.s32 @!p0 $0x88, s6;
	s7 =	simm.s32 @p2 $0x1082  }
0x22: {  	[simem:s7], [sflag:s8] =	dma.local @!p0 [hbm:s6], $0xF7A  }
0x23: {  	s9 =	sor.u32 $0xD0000000, s2;
	s6 =	simm.s32 $0x108;
	_ =	swait.ge @!p0 [sflag:s8], $0x0  }
0x24: {  	s3 =	sadd.s32 $0x88, s3;
	s6 =	simm.s32 @!p1 $0x1082;
	[sflag:s4] =	ssyncset.s32 $0xFFFFF086  }
0x25: {  	[simem:s6], [sflag:s4] =	dma.local [hbm:s3], $0xF7A  }
0x26: {  	[smem:$0x3F93] =	sst s1;
	(tag) =	ssettag s2;
	_ =	strace s9  }
0x27: {  	s1 =	sld [smem:$0x3FA3]  }
0x28: {  	s2 =	sld [smem:$0x3FA4]  }
0x29: {  	s4 =	sld [smem:$0x3FA6]  }
0x2a: {  	p0 =	seq.s32 s5, $0x0;
	s5 =	sld [smem:$0x3FA7]  }
0x2b: {  	s6 =	sld [smem:$0x3FA8]  }
0x2c: {  	s7 =	sld [smem:$0x3FA9]  }
0x2d: {  	s3 =	simm.s32 $0x108;
	s8 =	sld [smem:$0x3FAA]  }
0x2e: {  	s3 =	simm.s32 @!p0 $0x1082;
	s9 =	sld [smem:$0x3FAB]  }
0x2f: {  	lr =	sadd.s32 s0, s3;
	s0 =	sld [smem:$0x3FA2]  }
0x30: {  	s3 =	sld [smem:$0x3FA5]  }
0x31: {  	[smem:$0x3FAE] =	sst s10  }
0x32: {  	s10 =	sld [smem:$0x3FAC];
	_ =	sdelay $0x3  }
0x33: {  	p0 =	seq.s32 s10, $0x1;
	s10 =	sld [smem:$0x3FAE];
	_ =	sdelay $0x3  }
0x34: {  	[smem:$0x3FAE] =	sst s10  }
0x35: {  	s10 =	sld [smem:$0x3FAD];
	_ =	sdelay $0x3  }
0x36: {  	p1 =	seq.s32 s10, $0x1;
	s10 =	sld [smem:$0x3FAE];
	_ =	sdelay $0x3  }
0x37: {  	[smem:$0x3FAE] =	sst s10  }
0x38: {  	s10 =	sld [smem:$0x3FAF]  }
0x39: {  	_ = 	snop;
	(pc) =	sbr.ind lr, $3  }
0x3a: {  	_ = 	snop  }
0x3b: {  	_ = 	snop  }
0x3c: {  	p2 =	seq.s32 s10, $0x1;
	s10 =	sld [smem:$0x3FAE]  }
0x3d: {  	_ =	shalt  }
0x3e: {  	_ =	shalt  }
0x3f: {  	_ =	shalt  }
0x40: {  	_ =	shalt  }
0x41: {  	_ =	shalt  }
0x42: {  	_ =	shalt  }
0x43: {  	_ =	shalt  }
0x44: {  	_ =	shalt  }
0x45: {  	_ =	shalt  }
0x46: {  	_ =	shalt  }
0x47: {  	_ =	shalt  }
0x48: {  	_ =	shalt  }
0x49: {  	_ =	shalt  }
0x4a: {  	_ =	shalt  }
0x4b: {  	_ =	shalt  }
0x4c: {  	_ =	shalt  }
0x4d: {  	_ =	shalt  }
0x4e: {  	_ =	shalt  }
0x4f: {  	_ =	shalt  }
0x50: {  	_ =	shalt  }
0x51: {  	_ =	shalt  }
0x52: {  	_ =	shalt  }
0x53: {  	_ =	shalt  }
0x54: {  	_ =	shalt  }
0x55: {  	_ =	shalt  }
0x56: {  	_ =	shalt  }
0x57: {  	_ =	shalt  }
0x58: {  	_ =	shalt  }
0x59: {  	_ =	shalt  }
0x5a: {  	_ =	shalt  }
0x5b: {  	_ =	shalt  }
0x5c: {  	_ =	shalt  }
0x5d: {  	_ =	shalt  }
0x5e: {  	_ =	shalt  }
0x5f: {  	_ =	shalt  }
0x60: {  	_ =	shalt  }
0x61: {  	_ =	shalt  }
0x62: {  	_ =	shalt  }
0x63: {  	_ =	shalt  }
0x64: {  	_ =	shalt  }
0x65: {  	_ =	shalt  }
0x66: {  	_ =	shalt  }
0x67: {  	_ =	shalt  }
0x68: {  	_ =	shalt  }
0x69: {  	_ =	shalt  }
0x6a: {  	_ =	shalt  }
0x6b: {  	_ =	shalt  }
0x6c: {  	_ =	shalt  }
0x6d: {  	_ =	shalt  }
0x6e: {  	_ =	shalt  }
0x6f: {  	_ =	shalt  }
0x70: {  	_ =	shalt  }
0x71: {  	_ =	shalt  }
0x72: {  	_ =	shalt  }
0x73: {  	_ =	shalt  }
0x74: {  	_ =	shalt  }
0x75: {  	_ =	shalt  }
0x76: {  	_ =	shalt  }
0x77: {  	_ =	shalt  }
0x78: {  	_ =	shalt  }
0x79: {  	_ =	shalt  }
0x7a: {  	_ =	shalt  }
0x7b: {  	_ =	shalt  }
0x7c: {  	_ =	shalt  }
0x7d: {  	_ =	shalt  }
0x7e: {  	_ =	shalt  }
0x7f: {  	_ =	shalt  }
0x80: {  	_ =	shalt  }
0x81: {  	_ =	shalt  }
0x82: {  	_ =	shalt  }
0x83: {  	_ =	shalt  }
0x84: {  	_ =	shalt  }
0x85: {  	_ =	shalt  }
0x86: {  	_ =	shalt  }
0x87: {  	_ =	shalt  }
.Lfunc_end0:
.L_simem_size_0:
called_computation.1_lowered:
.L_overlay_start_0:
0x88: {  	s2 =	sld [smem:$0x3FD9]  }
0x89: {  	s3 =	sld [smem:$0x3FFE];
	_ =	sdelay $0x1  }
0x8a: {  	s1 =	srdreg.scid  }
0x8b: {  	s0 =	sand.u32 $0x1, s1  }
0x8c: {  	s14 =	sshll.u32 s0, $0xA;
	s2 =	sadd.s32 s3, s2  }
0x8d: {  	s2 =	sadd.s32 s2, s14  }
0x8e: {  	[smem:$0x3FBA] =	sst s2  }
0x8f: {  	_ = 	snop  }
0x90: {  	s2 =	sld [smem:$0x3FD0];
	_ =	sdelay $0x2  }
0x91: {  	s15 =	simm.s32 $0xB;
	s4 =	simm.s32 $0x10  }
0x92: {  	[smem:s4], [sflag:s15] =	dma.local [hbm:s2], $0x1  }
0x93: {  	_ =	swait.eq [sflag:s15], $0x1  }
0x94: {  	[sflag:s15] =	ssyncset.done $0x0  }
0x95: {  	[sflag:s15] =	ssyncadd.s32 $0xFFFFFFFF  }
0x96: {  	s16 =	sld [smem:$0x10];
	(tm) =	ssettm $0x1  }
0x97: {  	s17 =	sld [smem:$0x3FFB];
	_ =	sdelay $0x3  }
0x98: {  	_ =	strace s17  }
0x99: {  	s3 =	sld [smem:$0x3FFC];
	_ =	sdelay $0x3  }
0x9a: {  	_ =	strace s3  }
0x9b: {  	s3 =	sld [smem:$0x3FFD];
	_ =	sdelay $0x3  }
0x9c: {  	_ =	strace s3  }
0x9d: {  	_ =	strace $0x8FFFFFFF  }
0x9e: {  	s18 =	sld [smem:$0x3FDB];
	_ =	sdelay $0x1  }
0x9f: {  	s19 =	simm.s32 $_scs_section_size  }
0xa0: {  	s5 =	simm.s32 $_size__tile_overlayer_lowered;
	s6 =	simm.s32 $_tile_overlayer_lowered  }
0xa1: {  	s22 =	simm.s32 $0x1BFF;
	s21 =	sshll.u32 s6, $0x1;
	s3 =	sadd.s32 s19, s18  }
0xa2: {  	s7 =	simm.s32 $0x0;
	s20 =	sshll.u32 s5, $0x1;
	s5 =	sadd.s32 s21, s3  }
0xa3: {  	[timem:s7], [sflag:s22] =	dma.local [hbm:s5], s20  }
0xa4: {  	_ =	swait.ge [sflag:s22], s20  }
0xa5: {  	s4 =	ssub.s32 $0x0, s20;
	[sflag:s22] =	ssyncset.done $0x0  }
0xa6: {  	[sflag:s22] =	ssyncadd.s32 s4;
	_ =	sdelay $0x1  }
0xa7: {  	s23 =	simm.s32 $0x1B8B  }
0xa8: {  	_ =	swait.ge [sflag:s23], $0x1  }
0xa9: {  	[sflag:s23] =	ssyncset.done $0x0  }
0xaa: {  	s25 =	simm.s32 $0x1B8E;
	s24 =	sld [smem:$0x3FFE];
	[sflag:s23] =	ssyncadd.s32 $0xFFFFFFFF  }
0xab: {  	s26 =	simm.s32 $execute0_lowered;
	[smem:$0x3FD2] =	sst s25  }
0xac: {  	s5 =	sshll.u32 s26, $0x1;
	_ =	strace $0x80000046;
	[dreg:$0x1] =	wrdreg $0xFFFFFFFF  }
0xad: {  	s28 =	simm.s32 $_size_execute0_lowered;
	s3 =	sadd.s32 s3, s5;
	[dreg:$0x0] =	wrdreg $0x0  }
0xae: {  	s5 =	sshll.u32 s28, $0x1;
	[dreg:$0x2] =	wrdreg s3  }
0xaf: {  	[dreg:$0x3] =	wrdreg s5  }
0xb0: {  	[dreg:$0x4] =	wrdreg $0xC0  }
0xb1: {  	_ =	task [dreg:s7], $0x5FFFF  }
0xb2: {  	[dreg:$0x1] =	wrdreg $0xFFFFFFFF  }
0xb3: {  	[dreg:$0x0] =	wrdreg $0x60  }
0xb4: {  	[dreg:$0x2] =	wrdreg s24  }
0xb5: {  	[dreg:$0x3] =	wrdreg s16  }
0xb6: {  	[dreg:$0x4] =	wrdreg $0x60800  }
0xb7: {  	[dreg:$0x5] =	wrdreg $0xA  }
0xb8: {  	_ =	task.clear_ibuf [dreg:s7], $0x6FFFF;
	_ =	strace $0x90000046  }
0xb9: {  	s29 =	simm.s32 $0xA;
	_ =	strace $0x80000048  }
0xba: {  	_ =	swait.ge [sflag:s29], $0x1  }
0xbb: {  	[sflag:s29] =	ssyncadd.s32 $0xFFFFFFFF  }
0xbc: {  	_ =	strace $0x90000048  }
0xbd: {  	_ =	sfence  }
0xbe: {  	s30 =	sld [smem:$0x0];
	_ =	sdelay $0x2  }
0xbf: {  	s31 =	sshll.u32 s1, $0xD;
	s1 =	sshrl.u32 s1, $0x2  }
0xc0: {  	s3 =	sand.u32 $0x4000, s31;
	s1 =	sadd.s32 s1, s30  }
0xc1: {  	s0 =	sor.u32 s3, s0;
	s1 =	sshll.u32 s1, $0x11  }
0xc2: {  	s0 =	sor.u32 s1, s0  }
0xc3: {  	s0 =	sadd.s32 $0x8F2B, s0  }
0xc4: {  	[sflag:s0] =	ssyncadd.remote.s32 $0x1  }
0xc5: {  	_ =	sfence.sel $0xFFFF  }
0xc6: {  	[dreg:$0x0] =	wrdreg $0xFFFFFFFF;
	(pc) =	sbr.abs _section_cstart, $3  }
0xc7: {  	[dreg:$0x1] =	wrdreg $0xFFFFFFFF  }
0xc8: {  	_ =	task.clear_ibuf [dreg:s7], $0x2FFFF;
	_ =	strace $0x9FFFFFFF  }
0xc9: {  	(tm) =	ssettm $0x7FFFFFFF  }
tec
execute0_lowered:
.L_overlay_start_1:
0x0: {  	(tag) =	ssettag $0x1  }
0x1: {  	s0 =	srdreg.scid;
	s20 =	stileid.u32  }
0x2: {  	s1 =	simm.s32 $0x0;
	s2 =	sand.u32 $0x1, s0;
	s5 =	smul.u32 $0x9D00, s20  }
0x3: {  	s28 =	simm.s32 $0x4140;
	s29 =	simm.s32 $0x0;
	s4 =	smul.u32 $0x9D000, s2  }
0x4: {  	s3 =	ssub.s32 $0x2, s2;
	s16 =	smul.u32 $0x138800, s2;
	s6 =	sor.u32 $0x2, s2  }
0x5: {  	s0 =	rddreg [dreg:$0x0];
	s19 =	sshrl.u32 s3, $0x1;
	s7 =	smul.u32 $0x9D000, s6  }
0x6: {  	[smem:$0x7FF] =	sst s1;
	s2 =	ssub.s32 s3, s19;
	s3 =	smul.u32 $0x13880, s20  }
0x7: {  	s14 =	sadd.s32 $0xC6200, s0;
	s15 =	smul.u32 $0x138800, s6;
	s10 =	sadd.s32 s5, s4  }
0x8: {  	s13 =	sadd.s32 s5, s7;
	s2 =	smax.u32 s2, $0x1;
	s4 =	sadd.s32 $0x1F40, s3  }
0x9: {  	s5 =	sadd.s32 $0x3E80, s3;
	s6 =	sadd.s32 $0x5DC0, s3;
	s7 =	sadd.s32 $0x7D00, s3  }
0xa: {  	s8 =	sadd.s32 $0x9C40, s3;
	s9 =	sadd.s32 $0xBB80, s3;
	s17 =	sadd.s32 s16, s3  }
0xb: {  	s11 =	sadd.s32 $0xDAC0, s3;
	s12 =	sadd.s32 $0xFA00, s3;
	s17 =	sshrl.u32 s17, $0x3  }
0xc: {  	s18 =	sadd.s32 s16, s4;
	s19 =	sadd.s32 s16, s5;
	s24 =	sadd.s32 s16, s6  }
0xd: {  	s25 =	sadd.s32 s16, s7;
	s26 =	sadd.s32 s16, s8;
	s17 =	sadd.s32 s14, s17  }
0xe: {  	s21 =	sshrl.u32 s18, $0x3;
	s22 =	sshrl.u32 s19, $0x3;
	s30 =	sshrl.u32 s25, $0x3  }
0xf: {  	s31 =	sshrl.u32 s26, $0x3;
	[dreg:$0x4] =	wrdreg s17;
	s17 =	sadd.s32 s14, s21  }
0x10: {  	s23 =	sadd.s32 s14, s22;
	s19 =	sadd.s32 s14, s31;
	[dreg:$0x5] =	wrdreg s17  }
0x11: {  	s21 =	sadd.s32 s16, s9;
	s22 =	sadd.s32 s16, s11;
	[dreg:$0x6] =	wrdreg s23  }
0x12: {  	s31 =	sadd.s32 s15, s4;
	s17 =	sshrl.u32 s24, $0x3;
	[dreg:$0x9] =	wrdreg s19  }
0x13: {  	s23 =	sadd.s32 s16, s12;
	s24 =	sshrl.u32 s22, $0x3;
	s19 =	sshrl.u32 s31, $0x3  }
0x14: {  	s22 =	sadd.s32 s15, s6;
	s31 =	sadd.s32 s15, s11;
	s17 =	sadd.s32 s14, s17  }
0x15: {  	s25 =	sshrl.u32 s23, $0x3;
	s19 =	sadd.s32 s14, s19;
	s23 =	sadd.s32 s15, s7  }
0x16: {  	[dreg:$0x7] =	wrdreg s17;
	s17 =	sadd.s32 s14, s30;
	s26 =	sadd.s32 s14, s25  }
0x17: {  	s30 =	sadd.s32 s15, s3;
	[dreg:$0xf] =	wrdreg s19;
	s19 =	sshrl.u32 s23, $0x3  }
0x18: {  	s23 =	sadd.s32 s15, s12;
	[dreg:$0x8] =	wrdreg s17;
	s17 =	sshrl.u32 s21, $0x3  }
0x19: {  	[dreg:$0xc] =	wrdreg s26;
	s18 =	sshrl.u32 s30, $0x3;
	s21 =	sadd.s32 s15, s5  }
0x1a: {  	s25 =	sadd.s32 s14, s19;
	s26 =	sadd.s32 s15, s8;
	s30 =	sadd.s32 s15, s9  }
0x1b: {  	s19 =	sshrl.u32 s31, $0x3;
	s17 =	sadd.s32 s14, s17;
	[dreg:$0x12] =	wrdreg s25  }
0x1c: {  	s31 =	sshrl.u32 s10, $0x3;
	s18 =	sadd.s32 s14, s18;
	[dreg:$0xa] =	wrdreg s17  }
0x1d: {  	s25 =	sadd.s32 $0x9F000, s0;
	s17 =	sadd.s32 s14, s24;
	[dreg:$0xe] =	wrdreg s18  }
0x1e: {  	s18 =	sshrl.u32 s22, $0x3;
	s22 =	sadd.s32 s14, s19;
	[dreg:$0xb] =	wrdreg s17  }
0x1f: {  	s19 =	sadd.s32 $0x13A200, s10;
	s17 =	sadd.s32 $0x11940, s3;
	[dreg:$0x15] =	wrdreg s22  }
0x20: {  	s24 =	sadd.s32 s14, s18;
	s18 =	sshrl.u32 s30, $0x3;
	s22 =	rddreg [dreg:$0x2]  }
0x21: {  	s30 =	sshrl.u32 s13, $0x3;
	s16 =	sadd.s32 s16, s17;
	[dreg:$0x11] =	wrdreg s24  }
0x22: {  	s15 =	sadd.s32 s15, s17;
	s24 =	smul.u32 $0x4E200, s20;
	s16 =	sshrl.u32 s16, $0x3  }
0x23: {  	s3 =	sadd.s32 s3, s22;
	s20 =	sadd.s32 s4, s22;
	s16 =	sadd.s32 s14, s16  }
0x24: {  	s4 =	sadd.s32 s8, s22;
	[dreg:$0xd] =	wrdreg s16;
	s16 =	sshrl.u32 s21, $0x3  }
0x25: {  	s8 =	sadd.s32 s17, s22;
	s17 =	simm.s32 $0x100;
	s16 =	sadd.s32 s14, s16  }
0x26: {  	s21 =	sadd.s32 s14, s18;
	[dreg:$0x10] =	wrdreg s16;
	s16 =	sshrl.u32 s26, $0x3  }
0x27: {  	s15 =	sshrl.u32 s15, $0x3;
	[dreg:$0x14] =	wrdreg s21;
	s16 =	sadd.s32 s14, s16  }
0x28: {  	s21 =	sadd.s32 s5, s22;
	[dreg:$0x13] =	wrdreg s16;
	s16 =	sshrl.u32 s23, $0x3  }
0x29: {  	s5 =	sadd.s32 s9, s22;
	s26 =	sadd.s32 $0x2C00, s0;
	s16 =	sadd.s32 s14, s16  }
0x2a: {  	s13 =	sadd.s32 s26, s31;
	s14 =	sadd.s32 s14, s15;
	[dreg:$0x16] =	wrdreg s16  }
0x2b: {  	s0 =	sadd.s32 s26, s30;
	s30 =	sadd.s32 $0x13A100, s10;
	[dreg:$0x17] =	wrdreg s14  }
0x2c: {  	s23 =	sshrl.u32 s19, $0x3;
	_ =	strace $0x80000047;
	[dreg:$0x18] =	wrdreg s13  }
0x2d: {  	s31 =	sshrl.u32 s30, $0x3;
	s19 =	simm.s32 $0x1;
	[dreg:$0x19] =	wrdreg s0  }
0x2e: {  	s15 =	sshrl.u32 s24, $0x2;
	s24 =	sadd.s32 $0x200, s10;
	[dreg:$0x1a] =	wrdreg s3  }
0x2f: {  	s16 =	sadd.s32 $0x100, s10;
	s14 =	simm.s32 $0x3;
	[dreg:$0x1b] =	wrdreg s2  }
0x30: {  	s0 =	sadd.s32 s15, s22;
	s2 =	sadd.s32 s6, s22;
	s3 =	sadd.s32 s7, s22  }
0x31: {  	s6 =	sadd.s32 s11, s22;
	s7 =	sadd.s32 s12, s22;
	s18 =	sshrl.u32 s16, $0x3  }
0x32: {  	[dreg:$0x1e] =	wrdreg s24;
	s11 =	sadd.s32 s23, s26;
	s12 =	sadd.s32 s31, s26  }
0x33: {  	s13 =	simm.s32 $0x2200;
	s15 =	simm.s32 $0x80;
	s16 =	simm.s32 $0x200  }
0x34: {  	s23 =	simm.s32 $0x2;
	s24 =	simm.s32 $0x180;
	[dreg:$0x1d] =	wrdreg s20  }
0x35: {  	[dreg:$0x1c] =	wrdreg s0;
	s10 =	sadd.s32 s18, s26;
	s18 =	simm.s32 $0x1200  }
.LBB2_1:
0x36: {  	s0 =	rddreg [dreg:$0x1]  }
0x37: {  	[tilespmem:s13], [sflag:$0x3] =	stream.linear.gather [hbm4b:s0+s1], $0x1F40, $0x38;
	[tilespmem:$0x19980] =	vst v63  }
0x38: {  	_ =	swait.ge [sflag:s14], $0x1F40  }
0x39: {  	[sflag:s14] =	ssyncset.done $0x0  }
0x3a: {  	s9 =	rddreg [dreg:$0x1c];
	[sflag:s14] =	ssyncadd.s32 $0xFFFFE0C0  }
0x3b: {  	[spmem:s9] =	stream.linear.scatter [tilespmem:s13], [sflag:$0x3], $0x1F40, $0x38;
	[tilespmem:$0x19980] =	vst v63  }
0x3c: {  	_ =	swait.ge [sflag:s14], $0x1F40  }
0x3d: {  	[sflag:s14] =	ssyncset.done $0x0  }
0x3e: {  	[sflag:s14] =	ssyncadd.s32 $0xFFFFE0C0  }
0x3f: {  	[spmem:s20] =	stream.linear.scatter [tilespmem:s13], [sflag:$0x3], $0x1F40, $0x38;
	[tilespmem:$0x19980] =	vst v63  }
0x40: {  	_ =	swait.ge [sflag:s14], $0x1F40  }
0x41: {  	[sflag:s14] =	ssyncset.done $0x0  }
0x42: {  	[sflag:s14] =	ssyncadd.s32 $0xFFFFE0C0  }
0x43: {  	[spmem:s21] =	stream.linear.scatter [tilespmem:s13], [sflag:$0x3], $0x1F40, $0x38;
	[tilespmem:$0x19980] =	vst v63  }
0x44: {  	_ =	swait.ge [sflag:s14], $0x1F40  }
0x45: {  	[sflag:s14] =	ssyncset.done $0x0  }
0x46: {  	[sflag:s14] =	ssyncadd.s32 $0xFFFFE0C0  }
0x47: {  	[spmem:s2] =	stream.linear.scatter [tilespmem:s13], [sflag:$0x3], $0x1F40, $0x38;
	[tilespmem:$0x19980] =	vst v63  }
0x48: {  	_ =	swait.ge [sflag:s14], $0x1F40  }
0x49: {  	[sflag:s14] =	ssyncset.done $0x0  }
0x4a: {  	[sflag:s14] =	ssyncadd.s32 $0xFFFFE0C0  }
0x4b: {  	[spmem:s3] =	stream.linear.scatter [tilespmem:s13], [sflag:$0x3], $0x1F40, $0x38;
	[tilespmem:$0x19980] =	vst v63  }
0x4c: {  	_ =	swait.ge [sflag:s14], $0x1F40  }
0x4d: {  	[sflag:s14] =	ssyncset.done $0x0  }
0x4e: {  	[sflag:s14] =	ssyncadd.s32 $0xFFFFE0C0  }
0x4f: {  	[spmem:s4] =	stream.linear.scatter [tilespmem:s13], [sflag:$0x3], $0x1F40, $0x38;
	[tilespmem:$0x19980] =	vst v63  }
0x50: {  	_ =	swait.ge [sflag:s14], $0x1F40  }
0x51: {  	[sflag:s14] =	ssyncset.done $0x0  }
0x52: {  	[sflag:s14] =	ssyncadd.s32 $0xFFFFE0C0  }
0x53: {  	[spmem:s5] =	stream.linear.scatter [tilespmem:s13], [sflag:$0x3], $0x1F40, $0x38;
	[tilespmem:$0x19980] =	vst v63  }
0x54: {  	_ =	swait.ge [sflag:s14], $0x1F40  }
0x55: {  	[sflag:s14] =	ssyncset.done $0x0  }
0x56: {  	[sflag:s14] =	ssyncadd.s32 $0xFFFFE0C0  }
0x57: {  	[spmem:s6] =	stream.linear.scatter [tilespmem:s13], [sflag:$0x3], $0x1F40, $0x38;
	[tilespmem:$0x19980] =	vst v63  }
0x58: {  	_ =	swait.ge [sflag:s14], $0x1F40  }
0x59: {  	[sflag:s14] =	ssyncset.done $0x0  }
0x5a: {  	[sflag:s14] =	ssyncadd.s32 $0xFFFFE0C0  }
0x5b: {  	[spmem:s7] =	stream.linear.scatter [tilespmem:s13], [sflag:$0x3], $0x1F40, $0x38;
	[tilespmem:$0x19980] =	vst v63  }
0x5c: {  	_ =	swait.ge [sflag:s14], $0x1F40  }
0x5d: {  	[sflag:s14] =	ssyncset.done $0x0  }
0x5e: {  	[sflag:s14] =	ssyncadd.s32 $0xFFFFE0C0  }
0x5f: {  	[spmem:s8] =	stream.linear.scatter [tilespmem:s13], [sflag:$0x3], $0x1F40, $0x38;
	[tilespmem:$0x19980] =	vst v63  }
0x60: {  	_ =	swait.ge [sflag:s14], $0x1F40  }
0x61: {  	[sflag:s14] =	ssyncset.done $0x0  }
0x62: {  	[sflag:s14] =	ssyncadd.s32 $0xFFFFE0C0  }
0x63: {  	[bflag:$0x0] =	sbarrier.arrive $0xFFFF  }
0x64: {  	s20 =	rddreg [dreg:$0x18]  }
0x65: {  	[tilespmem:s1], [sflag:$0x3] =	stream.linear.gather [hbm4b:s20+s1], $0x100, $0x38;
	[tilespmem:$0x19980] =	vst v63  }
0x66: {  	_ =	swait.ge [sflag:s14], $0x100  }
0x67: {  	[sflag:s14] =	ssyncset.done $0x0  }
0x68: {  	[sflag:s14] =	ssyncadd.s32 $0xFFFFFF00  }
0x69: {  	[tilespmem:s16], [sflag:$0x1] =	stream.indirect.gather [hbm4b:s25+s15], $0x20, s1, s15, $0xb8;
	[tilespmem:$0x19980] =	vst v63  }
0x6a: {  	s0 =	sadd.s32 $0x0, s10  }
0x6b: {  	[tilespmem:s17], [sflag:$0x3] =	stream.linear.gather [hbm4b:s0+s1], $0x100, $0x38;
	[tilespmem:$0x19980] =	vst v63  }
0x6c: {  	_ =	swait.ge [sflag:s14], $0x100  }
0x6d: {  	[sflag:s14] =	ssyncset.done $0x0  }
0x6e: {  	[sflag:s14] =	ssyncadd.s32 $0xFFFFFF00  }
0x6f: {  	[tilespmem:s18], [sflag:$0x2] =	stream.indirect.gather [hbm4b:s25+s15], $0x20, s17, s15, $0xb8;
	[tilespmem:$0x19980] =	vst v63  }
0x70: {  	_ =	swait.ge [sflag:s19], $0x1000  }
0x71: {  	[sflag:s19] =	ssyncset.done $0x0  }
0x72: {  	[sflag:s19] =	ssyncadd.s32 $0xFFFFF000  }
0x73: {  	[spmem:s22] =	stream.indirect.scatter.add.f32 [tilespmem:s16], [sflag:$0x3], $0x20, s15, s15, $0xb8;
	[tilespmem:$0x19980] =	vst v63  }
0x74: {  	_ =	swait.ge [sflag:s14], $0x1000  }
0x75: {  	s0 =	rddreg [dreg:$0x1e]  }
0x76: {  	[sflag:s14] =	ssyncset.done $0x0;
	s9 =	sshrl.u32 s0, $0x3  }
0x77: {  	[sflag:s14] =	ssyncadd.s32 $0xFFFFF000;
	s20 =	sadd.s32 s26, s9  }
0x78: {  	[tilespmem:s1], [sflag:$0x3] =	stream.linear.gather [hbm4b:s20+s1], $0x100, $0x38;
	[tilespmem:$0x19980] =	vst v63  }
0x79: {  	_ =	swait.ge [sflag:s14], $0x100  }
0x7a: {  	[sflag:s14] =	ssyncset.done $0x0  }
0x7b: {  	[sflag:s14] =	ssyncadd.s32 $0xFFFFFF00  }
0x7c: {  	[tilespmem:s16], [sflag:$0x1] =	stream.indirect.gather [hbm4b:s25+s15], $0x20, s1, s15, $0xb8;
	[tilespmem:$0x19980] =	vst v63  }
0x7d: {  	_ =	swait.ge [sflag:s23], $0x1000  }
0x7e: {  	[sflag:s23] =	ssyncset.done $0x0  }
0x7f: {  	[sflag:s23] =	ssyncadd.s32 $0xFFFFF000  }
0x80: {  	[spmem:s22] =	stream.indirect.scatter.add.f32 [tilespmem:s18], [sflag:$0x3], $0x20, s24, s15, $0xb8;
	[tilespmem:$0x19980] =	vst v63  }
0x81: {  	s30 =	simm.s32 $0x40;
	_ =	swait.ge [sflag:s14], $0x1000  }
0x82: {  	s31 =	sadd.s32 $0x200, s0;
	s20 =	simm.s32 $0x80;
	[sflag:s14] =	ssyncset.done $0x0  }
.LBB2_2:
0x83: {  	s9 =	sadd.s32 s30, s10  }
0x84: {  	[sflag:s14] =	ssyncadd.s32 $0xFFFFF000;
	s30 =	smov.u32 s20;
	s0 =	sadd.s32 $0x40, s20  }
0x85: {  	[tilespmem:s17], [sflag:$0x3] =	stream.linear.gather [hbm4b:s9+s1], $0x100, $0x38;
	[tilespmem:$0x19980] =	vst v63  }
0x86: {  	p0 =	sne.s32 s20, $0x1340;
	_ =	swait.ge [sflag:s14], $0x100  }
0x87: {  	[sflag:s14] =	ssyncset.done $0x0  }
0x88: {  	[sflag:s14] =	ssyncadd.s32 $0xFFFFFF00  }
0x89: {  	[tilespmem:s18], [sflag:$0x2] =	stream.indirect.gather [hbm4b:s25+s15], $0x20, s17, s15, $0xb8;
	[tilespmem:$0x19980] =	vst v63  }
0x8a: {  	_ =	swait.ge [sflag:s19], $0x1000  }
0x8b: {  	[sflag:s19] =	ssyncset.done $0x0  }
0x8c: {  	[sflag:s19] =	ssyncadd.s32 $0xFFFFF000  }
0x8d: {  	[spmem:s22] =	stream.indirect.scatter.add.f32 [tilespmem:s16], [sflag:$0x3], $0x20, s15, s15, $0xb8;
	[tilespmem:$0x19980] =	vst v63  }
0x8e: {  	_ =	swait.ge [sflag:s14], $0x1000  }
0x8f: {  	s9 =	sshrl.u32 s31, $0x3;
	[sflag:s14] =	ssyncset.done $0x0  }
0x90: {  	s9 =	sadd.s32 s26, s9;
	[sflag:s14] =	ssyncadd.s32 $0xFFFFF000  }
0x91: {  	[tilespmem:s1], [sflag:$0x3] =	stream.linear.gather [hbm4b:s9+s1], $0x100, $0x38;
	[tilespmem:$0x19980] =	vst v63  }
0x92: {  	_ =	swait.ge [sflag:s14], $0x100  }
0x93: {  	[sflag:s14] =	ssyncset.done $0x0  }
0x94: {  	[sflag:s14] =	ssyncadd.s32 $0xFFFFFF00  }
0x95: {  	[tilespmem:s16], [sflag:$0x1] =	stream.indirect.gather [hbm4b:s25+s15], $0x20, s1, s15, $0xb8;
	[tilespmem:$0x19980] =	vst v63  }
0x96: {  	_ =	swait.ge [sflag:s23], $0x1000  }
.Ltmp0:
0x97: {  	[sflag:s23] =	ssyncset.done $0x0;
	(pc) =	sbr.rel @p0 .LBB2_2-.Ltmp0, $4  }
0x98: {  	[sflag:s23] =	ssyncadd.s32 $0xFFFFF000  }
0x99: {  	[spmem:s22] =	stream.indirect.scatter.add.f32 [tilespmem:s18], [sflag:$0x3], $0x20, s24, s15, $0xb8;
	[tilespmem:$0x19980] =	vst v63  }
0x9a: {  	_ =	swait.ge [sflag:s14], $0x1000  }
0x9b: {  	s31 =	sadd.s32 $0x200, s31;
	s20 =	smov.u32 s0;
	[sflag:s14] =	ssyncset.done $0x0  }
0x9c: {  	s0 =	sadd.s32 s30, s10;
	[sflag:s14] =	ssyncadd.s32 $0xFFFFF000  }
0x9d: {  	[tilespmem:s17], [sflag:$0x3] =	stream.linear.gather [hbm4b:s0+s1], $0x100, $0x38;
	[tilespmem:$0x19980] =	vst v63  }
0x9e: {  	_ =	swait.ge [sflag:s14], $0x100  }
0x9f: {  	[sflag:s14] =	ssyncset.done $0x0  }
0xa0: {  	[sflag:s14] =	ssyncadd.s32 $0xFFFFFF00  }
0xa1: {  	[tilespmem:s18], [sflag:$0x2] =	stream.indirect.gather [hbm4b:s25+s15], $0x20, s17, s15, $0xb8;
	[tilespmem:$0x19980] =	vst v63  }
0xa2: {  	_ =	swait.ge [sflag:s19], $0x1000  }
0xa3: {  	[sflag:s19] =	ssyncset.done $0x0  }
0xa4: {  	[sflag:s19] =	ssyncadd.s32 $0xFFFFF000  }
0xa5: {  	[spmem:s22] =	stream.indirect.scatter.add.f32 [tilespmem:s16], [sflag:$0x3], $0x20, s15, s15, $0xb8;
	[tilespmem:$0x19980] =	vst v63  }
0xa6: {  	_ =	swait.ge [sflag:s14], $0x1000  }
0xa7: {  	s20 =	sshrl.u32 s31, $0x3;
	[sflag:s14] =	ssyncset.done $0x0  }
0xa8: {  	s0 =	sadd.s32 s26, s20;
	[sflag:s14] =	ssyncadd.s32 $0xFFFFF000  }
0xa9: {  	[tilespmem:s1], [sflag:$0x3] =	stream.linear.gather [hbm4b:s0+s1], $0x100, $0x38;
	[tilespmem:$0x19980] =	vst v63  }
0xaa: {  	_ =	swait.ge [sflag:s14], $0x100  }
0xab: {  	[sflag:s14] =	ssyncset.done $0x0  }
0xac: {  	[sflag:s14] =	ssyncadd.s32 $0xFFFFFF00  }
0xad: {  	[tilespmem:s16], [sflag:$0x1] =	stream.indirect.gather [hbm4b:s25+s15], $0x20, s1, s15, $0xb8;
	[tilespmem:$0x19980] =	vst v63  }
0xae: {  	_ =	swait.ge [sflag:s23], $0x1000  }
0xaf: {  	[sflag:s23] =	ssyncset.done $0x0  }
0xb0: {  	[sflag:s23] =	ssyncadd.s32 $0xFFFFF000  }
0xb1: {  	[spmem:s22] =	stream.indirect.scatter.add.f32 [tilespmem:s18], [sflag:$0x3], $0x20, s24, s15, $0xb8;
	[tilespmem:$0x19980] =	vst v63  }
0xb2: {  	_ =	swait.ge [sflag:s14], $0x1000  }
0xb3: {  	[sflag:s14] =	ssyncset.done $0x0  }
0xb4: {  	[sflag:s14] =	ssyncadd.s32 $0xFFFFF000  }
0xb5: {  	_ =	swait.ge [sflag:s19], $0x1000  }
0xb6: {  	[sflag:s19] =	ssyncset.done $0x0  }
0xb7: {  	[sflag:s19] =	ssyncadd.s32 $0xFFFFF000  }
0xb8: {  	[spmem:s22] =	stream.indirect.scatter.add.f32 [tilespmem:s16], [sflag:$0x3], $0x20, s15, s15, $0xb8;
	[tilespmem:$0x19980] =	vst v63  }
0xb9: {  	_ =	swait.ge [sflag:s14], $0x1000  }
0xba: {  	[sflag:s14] =	ssyncset.done $0x0  }
0xbb: {  	[sflag:s14] =	ssyncadd.s32 $0xFFFFF000  }
0xbc: {  	[bflag:$0x0] =	sbarrier.arrive $0xFFFF  }
0xbd: {  	s30 =	rddreg [dreg:$0x1a]  }
0xbe: {  	[tilespmem:s28], [sflag:$0x3] =	stream.linear.gather [spmem:s30], $0x1F40, $0x38;
	[tilespmem:$0x19980] =	vst v63  }
0xbf: {  	_ =	swait.ge [sflag:s14], $0x1F40  }
0xc0: {  	[sflag:s14] =	ssyncset.done $0x0  }
0xc1: {  	s31 =	simm.s32 $0x0;
	s9 =	rddreg [dreg:$0x4];
	[sflag:s14] =	ssyncadd.s32 $0xFFFFE0C0  }
0xc2: {  	[hbm4b:s9+s31] =	stream.linear.scatter [tilespmem:s28], [sflag:$0x3], $0x1F40, $0x38;
	[tilespmem:$0x19980] =	vst v63  }
0xc3: {  	_ =	swait.ge [sflag:s14], $0x1F40  }
0xc4: {  	[sflag:s14] =	ssyncset.done $0x0  }
0xc5: {  	s9 =	rddreg [dreg:$0x1d];
	[sflag:s14] =	ssyncadd.s32 $0xFFFFE0C0  }
0xc6: {  	[tilespmem:s28], [sflag:$0x3] =	stream.linear.gather [spmem:s9], $0x1F40, $0x38;
	[tilespmem:$0x19980] =	vst v63  }
0xc7: {  	_ =	swait.ge [sflag:s14], $0x1F40  }
0xc8: {  	[sflag:s14] =	ssyncset.done $0x0  }
0xc9: {  	s20 =	rddreg [dreg:$0x5];
	[sflag:s14] =	ssyncadd.s32 $0xFFFFE0C0  }
0xca: {  	[hbm4b:s20+s31] =	stream.linear.scatter [tilespmem:s28], [sflag:$0x3], $0x1F40, $0x38;
	[tilespmem:$0x19980] =	vst v63  }
0xcb: {  	_ =	swait.ge [sflag:s14], $0x1F40  }
0xcc: {  	[sflag:s14] =	ssyncset.done $0x0  }
0xcd: {  	[sflag:s14] =	ssyncadd.s32 $0xFFFFE0C0  }
0xce: {  	[tilespmem:s28], [sflag:$0x3] =	stream.linear.gather [spmem:s21], $0x1F40, $0x38;
	[tilespmem:$0x19980] =	vst v63  }
0xcf: {  	_ =	swait.ge [sflag:s14], $0x1F40  }
0xd0: {  	[sflag:s14] =	ssyncset.done $0x0  }
0xd1: {  	s30 =	rddreg [dreg:$0x6];
	[sflag:s14] =	ssyncadd.s32 $0xFFFFE0C0  }
0xd2: {  	[hbm4b:s30+s31] =	stream.linear.scatter [tilespmem:s28], [sflag:$0x3], $0x1F40, $0x38;
	[tilespmem:$0x19980] =	vst v63  }
0xd3: {  	_ =	swait.ge [sflag:s14], $0x1F40  }
0xd4: {  	[sflag:s14] =	ssyncset.done $0x0  }
0xd5: {  	[sflag:s14] =	ssyncadd.s32 $0xFFFFE0C0  }
0xd6: {  	[tilespmem:s28], [sflag:$0x3] =	stream.linear.gather [spmem:s2], $0x1F40, $0x38;
	[tilespmem:$0x19980] =	vst v63  }
0xd7: {  	_ =	swait.ge [sflag:s14], $0x1F40  }
0xd8: {  	[sflag:s14] =	ssyncset.done $0x0  }
0xd9: {  	s20 =	rddreg [dreg:$0x7];
	[sflag:s14] =	ssyncadd.s32 $0xFFFFE0C0  }
0xda: {  	[hbm4b:s20+s31] =	stream.linear.scatter [tilespmem:s28], [sflag:$0x3], $0x1F40, $0x38;
	[tilespmem:$0x19980] =	vst v63  }
0xdb: {  	_ =	swait.ge [sflag:s14], $0x1F40  }
0xdc: {  	[sflag:s14] =	ssyncset.done $0x0  }
0xdd: {  	[sflag:s14] =	ssyncadd.s32 $0xFFFFE0C0  }
0xde: {  	[tilespmem:s28], [sflag:$0x3] =	stream.linear.gather [spmem:s3], $0x1F40, $0x38;
	[tilespmem:$0x19980] =	vst v63  }
0xdf: {  	_ =	swait.ge [sflag:s14], $0x1F40  }
0xe0: {  	[sflag:s14] =	ssyncset.done $0x0  }
0xe1: {  	s30 =	rddreg [dreg:$0x8];
	[sflag:s14] =	ssyncadd.s32 $0xFFFFE0C0  }
0xe2: {  	[hbm4b:s30+s31] =	stream.linear.scatter [tilespmem:s28], [sflag:$0x3], $0x1F40, $0x38;
	[tilespmem:$0x19980] =	vst v63  }
0xe3: {  	_ =	swait.ge [sflag:s14], $0x1F40  }
0xe4: {  	[sflag:s14] =	ssyncset.done $0x0  }
0xe5: {  	[sflag:s14] =	ssyncadd.s32 $0xFFFFE0C0  }
0xe6: {  	[tilespmem:s28], [sflag:$0x3] =	stream.linear.gather [spmem:s4], $0x1F40, $0x38;
	[tilespmem:$0x19980] =	vst v63  }
0xe7: {  	_ =	swait.ge [sflag:s14], $0x1F40  }
0xe8: {  	[sflag:s14] =	ssyncset.done $0x0  }
0xe9: {  	s20 =	rddreg [dreg:$0x9];
	[sflag:s14] =	ssyncadd.s32 $0xFFFFE0C0  }
0xea: {  	[hbm4b:s20+s31] =	stream.linear.scatter [tilespmem:s28], [sflag:$0x3], $0x1F40, $0x38;
	[tilespmem:$0x19980] =	vst v63  }
0xeb: {  	_ =	swait.ge [sflag:s14], $0x1F40  }
0xec: {  	[sflag:s14] =	ssyncset.done $0x0  }
0xed: {  	[sflag:s14] =	ssyncadd.s32 $0xFFFFE0C0  }
0xee: {  	[tilespmem:s28], [sflag:$0x3] =	stream.linear.gather [spmem:s5], $0x1F40, $0x38;
	[tilespmem:$0x19980] =	vst v63  }
0xef: {  	_ =	swait.ge [sflag:s14], $0x1F40  }
0xf0: {  	[sflag:s14] =	ssyncset.done $0x0  }
0xf1: {  	s30 =	rddreg [dreg:$0xa];
	[sflag:s14] =	ssyncadd.s32 $0xFFFFE0C0  }
0xf2: {  	[hbm4b:s30+s31] =	stream.linear.scatter [tilespmem:s28], [sflag:$0x3], $0x1F40, $0x38;
	[tilespmem:$0x19980] =	vst v63  }
0xf3: {  	_ =	swait.ge [sflag:s14], $0x1F40  }
0xf4: {  	[sflag:s14] =	ssyncset.done $0x0  }
0xf5: {  	[sflag:s14] =	ssyncadd.s32 $0xFFFFE0C0  }
0xf6: {  	[tilespmem:s28], [sflag:$0x3] =	stream.linear.gather [spmem:s6], $0x1F40, $0x38;
	[tilespmem:$0x19980] =	vst v63  }
0xf7: {  	_ =	swait.ge [sflag:s14], $0x1F40  }
0xf8: {  	[sflag:s14] =	ssyncset.done $0x0  }
0xf9: {  	s20 =	rddreg [dreg:$0xb];
	[sflag:s14] =	ssyncadd.s32 $0xFFFFE0C0  }
0xfa: {  	[hbm4b:s20+s31] =	stream.linear.scatter [tilespmem:s28], [sflag:$0x3], $0x1F40, $0x38;
	[tilespmem:$0x19980] =	vst v63  }
0xfb: {  	_ =	swait.ge [sflag:s14], $0x1F40  }
0xfc: {  	[sflag:s14] =	ssyncset.done $0x0  }
0xfd: {  	[sflag:s14] =	ssyncadd.s32 $0xFFFFE0C0  }
0xfe: {  	[tilespmem:s28], [sflag:$0x3] =	stream.linear.gather [spmem:s7], $0x1F40, $0x38;
	[tilespmem:$0x19980] =	vst v63  }
0xff: {  	_ =	swait.ge [sflag:s14], $0x1F40  }
0x100: {  	[sflag:s14] =	ssyncset.done $0x0  }
0x101: {  	s30 =	rddreg [dreg:$0xc];
	[sflag:s14] =	ssyncadd.s32 $0xFFFFE0C0  }
0x102: {  	[hbm4b:s30+s31] =	stream.linear.scatter [tilespmem:s28], [sflag:$0x3], $0x1F40, $0x38;
	[tilespmem:$0x19980] =	vst v63  }
0x103: {  	_ =	swait.ge [sflag:s14], $0x1F40  }
0x104: {  	[sflag:s14] =	ssyncset.done $0x0  }
0x105: {  	[sflag:s14] =	ssyncadd.s32 $0xFFFFE0C0  }
0x106: {  	[tilespmem:s28], [sflag:$0x3] =	stream.linear.gather [spmem:s8], $0x1F40, $0x38;
	[tilespmem:$0x19980] =	vst v63  }
0x107: {  	_ =	swait.ge [sflag:s14], $0x1F40  }
0x108: {  	[sflag:s14] =	ssyncset.done $0x0  }
0x109: {  	s20 =	rddreg [dreg:$0xd];
	[sflag:s14] =	ssyncadd.s32 $0xFFFFE0C0  }
0x10a: {  	[hbm4b:s20+s31] =	stream.linear.scatter [tilespmem:s28], [sflag:$0x3], $0x1F40, $0x38;
	[tilespmem:$0x19980] =	vst v63  }
0x10b: {  	_ =	swait.ge [sflag:s14], $0x1F40  }
0x10c: {  	[sflag:s14] =	ssyncset.done $0x0  }
0x10d: {  	s30 =	rddreg [dreg:$0x1c];
	[sflag:s14] =	ssyncadd.s32 $0xFFFFE0C0  }
0x10e: {  	[spmem:s30] =	stream.linear.scatter [tilespmem:s13], [sflag:$0x3], $0x1F40, $0x38;
	[tilespmem:$0x19980] =	vst v63  }
0x10f: {  	_ =	swait.ge [sflag:s14], $0x1F40  }
0x110: {  	[sflag:s14] =	ssyncset.done $0x0  }
0x111: {  	[sflag:s14] =	ssyncadd.s32 $0xFFFFE0C0  }
0x112: {  	[spmem:s9] =	stream.linear.scatter [tilespmem:s13], [sflag:$0x3], $0x1F40, $0x38;
	[tilespmem:$0x19980] =	vst v63  }
0x113: {  	_ =	swait.ge [sflag:s14], $0x1F40  }
0x114: {  	[sflag:s14] =	ssyncset.done $0x0  }
0x115: {  	[sflag:s14] =	ssyncadd.s32 $0xFFFFE0C0  }
0x116: {  	[spmem:s21] =	stream.linear.scatter [tilespmem:s13], [sflag:$0x3], $0x1F40, $0x38;
	[tilespmem:$0x19980] =	vst v63  }
0x117: {  	_ =	swait.ge [sflag:s14], $0x1F40  }
0x118: {  	[sflag:s14] =	ssyncset.done $0x0  }
0x119: {  	[sflag:s14] =	ssyncadd.s32 $0xFFFFE0C0  }
0x11a: {  	[spmem:s2] =	stream.linear.scatter [tilespmem:s13], [sflag:$0x3], $0x1F40, $0x38;
	[tilespmem:$0x19980] =	vst v63  }
0x11b: {  	_ =	swait.ge [sflag:s14], $0x1F40  }
0x11c: {  	[sflag:s14] =	ssyncset.done $0x0  }
0x11d: {  	[sflag:s14] =	ssyncadd.s32 $0xFFFFE0C0  }
0x11e: {  	[spmem:s3] =	stream.linear.scatter [tilespmem:s13], [sflag:$0x3], $0x1F40, $0x38;
	[tilespmem:$0x19980] =	vst v63  }
0x11f: {  	_ =	swait.ge [sflag:s14], $0x1F40  }
0x120: {  	[sflag:s14] =	ssyncset.done $0x0  }
0x121: {  	[sflag:s14] =	ssyncadd.s32 $0xFFFFE0C0  }
0x122: {  	[spmem:s4] =	stream.linear.scatter [tilespmem:s13], [sflag:$0x3], $0x1F40, $0x38;
	[tilespmem:$0x19980] =	vst v63  }
0x123: {  	_ =	swait.ge [sflag:s14], $0x1F40  }
0x124: {  	[sflag:s14] =	ssyncset.done $0x0  }
0x125: {  	[sflag:s14] =	ssyncadd.s32 $0xFFFFE0C0  }
0x126: {  	[spmem:s5] =	stream.linear.scatter [tilespmem:s13], [sflag:$0x3], $0x1F40, $0x38;
	[tilespmem:$0x19980] =	vst v63  }
0x127: {  	_ =	swait.ge [sflag:s14], $0x1F40  }
0x128: {  	[sflag:s14] =	ssyncset.done $0x0  }
0x129: {  	[sflag:s14] =	ssyncadd.s32 $0xFFFFE0C0  }
0x12a: {  	[spmem:s6] =	stream.linear.scatter [tilespmem:s13], [sflag:$0x3], $0x1F40, $0x38;
	[tilespmem:$0x19980] =	vst v63  }
0x12b: {  	_ =	swait.ge [sflag:s14], $0x1F40  }
0x12c: {  	[sflag:s14] =	ssyncset.done $0x0  }
0x12d: {  	[sflag:s14] =	ssyncadd.s32 $0xFFFFE0C0  }
0x12e: {  	[spmem:s7] =	stream.linear.scatter [tilespmem:s13], [sflag:$0x3], $0x1F40, $0x38;
	[tilespmem:$0x19980] =	vst v63  }
0x12f: {  	_ =	swait.ge [sflag:s14], $0x1F40  }
0x130: {  	[sflag:s14] =	ssyncset.done $0x0  }
0x131: {  	[sflag:s14] =	ssyncadd.s32 $0xFFFFE0C0  }
0x132: {  	[spmem:s8] =	stream.linear.scatter [tilespmem:s13], [sflag:$0x3], $0x1F40, $0x38;
	[tilespmem:$0x19980] =	vst v63  }
0x133: {  	_ =	swait.ge [sflag:s14], $0x1F40  }
0x134: {  	[sflag:s14] =	ssyncset.done $0x0  }
0x135: {  	[sflag:s14] =	ssyncadd.s32 $0xFFFFE0C0  }
0x136: {  	[bflag:$0x0] =	sbarrier.arrive $0xFFFF  }
0x137: {  	s9 =	rddreg [dreg:$0x19]  }
0x138: {  	[tilespmem:s31], [sflag:$0x3] =	stream.linear.gather [hbm4b:s9+s31], $0x100, $0x38;
	[tilespmem:$0x19980] =	vst v63  }
0x139: {  	_ =	swait.ge [sflag:s14], $0x100  }
0x13a: {  	[sflag:s14] =	ssyncset.done $0x0  }
0x13b: {  	[sflag:s14] =	ssyncadd.s32 $0xFFFFFF00  }
0x13c: {  	[tilespmem:s16], [sflag:$0x1] =	stream.indirect.gather [hbm4b:s25+s15], $0x20, s31, s15, $0xb8;
	[tilespmem:$0x19980] =	vst v63  }
0x13d: {  	s20 =	sadd.s32 $0x0, s12  }
0x13e: {  	[tilespmem:s17], [sflag:$0x3] =	stream.linear.gather [hbm4b:s20+s1], $0x100, $0x38;
	[tilespmem:$0x19980] =	vst v63  }
0x13f: {  	_ =	swait.ge [sflag:s14], $0x100  }
0x140: {  	[sflag:s14] =	ssyncset.done $0x0  }
0x141: {  	[sflag:s14] =	ssyncadd.s32 $0xFFFFFF00  }
0x142: {  	[tilespmem:s18], [sflag:$0x2] =	stream.indirect.gather [hbm4b:s25+s15], $0x20, s17, s15, $0xb8;
	[tilespmem:$0x19980] =	vst v63  }
0x143: {  	_ =	swait.ge [sflag:s19], $0x1000  }
0x144: {  	[sflag:s19] =	ssyncset.done $0x0  }
0x145: {  	[sflag:s19] =	ssyncadd.s32 $0xFFFFF000  }
0x146: {  	[spmem:s22] =	stream.indirect.scatter.add.f32 [tilespmem:s16], [sflag:$0x3], $0x20, s15, s15, $0xb8;
	[tilespmem:$0x19980] =	vst v63  }
0x147: {  	_ =	swait.ge [sflag:s14], $0x1000  }
0x148: {  	[sflag:s14] =	ssyncset.done $0x0  }
0x149: {  	s30 =	sadd.s32 $0x0, s11;
	[sflag:s14] =	ssyncadd.s32 $0xFFFFF000  }
0x14a: {  	[tilespmem:s1], [sflag:$0x3] =	stream.linear.gather [hbm4b:s30+s1], $0x100, $0x38;
	[tilespmem:$0x19980] =	vst v63  }
0x14b: {  	_ =	swait.ge [sflag:s14], $0x100  }
0x14c: {  	[sflag:s14] =	ssyncset.done $0x0  }
0x14d: {  	[sflag:s14] =	ssyncadd.s32 $0xFFFFFF00  }
0x14e: {  	[tilespmem:s16], [sflag:$0x1] =	stream.indirect.gather [hbm4b:s25+s15], $0x20, s1, s15, $0xb8;
	[tilespmem:$0x19980] =	vst v63  }
0x14f: {  	_ =	swait.ge [sflag:s23], $0x1000  }
0x150: {  	[sflag:s23] =	ssyncset.done $0x0  }
0x151: {  	[sflag:s23] =	ssyncadd.s32 $0xFFFFF000  }
0x152: {  	[spmem:s22] =	stream.indirect.scatter.add.f32 [tilespmem:s18], [sflag:$0x3], $0x20, s24, s15, $0xb8;
	[tilespmem:$0x19980] =	vst v63  }
0x153: {  	_ =	swait.ge [sflag:s14], $0x1000  }
0x154: {  	s31 =	simm.s32 $0x40;
	s20 =	simm.s32 $0x80;
	[sflag:s14] =	ssyncset.done $0x0  }
.LBB2_4:
0x155: {  	s0 =	sadd.s32 s31, s12  }
0x156: {  	[sflag:s14] =	ssyncadd.s32 $0xFFFFF000;
	s9 =	smov.u32 s20;
	s30 =	sadd.s32 $0x40, s20  }
0x157: {  	[tilespmem:s17], [sflag:$0x3] =	stream.linear.gather [hbm4b:s0+s1], $0x100, $0x38;
	[tilespmem:$0x19980] =	vst v63  }
0x158: {  	p0 =	sne.s32 s20, $0x1340;
	_ =	swait.ge [sflag:s14], $0x100  }
0x159: {  	[sflag:s14] =	ssyncset.done $0x0  }
0x15a: {  	[sflag:s14] =	ssyncadd.s32 $0xFFFFFF00  }
0x15b: {  	[tilespmem:s18], [sflag:$0x2] =	stream.indirect.gather [hbm4b:s25+s15], $0x20, s17, s15, $0xb8;
	[tilespmem:$0x19980] =	vst v63  }
0x15c: {  	_ =	swait.ge [sflag:s19], $0x1000  }
0x15d: {  	[sflag:s19] =	ssyncset.done $0x0  }
0x15e: {  	[sflag:s19] =	ssyncadd.s32 $0xFFFFF000  }
0x15f: {  	[spmem:s22] =	stream.indirect.scatter.add.f32 [tilespmem:s16], [sflag:$0x3], $0x20, s15, s15, $0xb8;
	[tilespmem:$0x19980] =	vst v63  }
0x160: {  	_ =	swait.ge [sflag:s14], $0x1000  }
0x161: {  	[sflag:s14] =	ssyncset.done $0x0  }
0x162: {  	s0 =	sadd.s32 s31, s11;
	s31 =	smov.u32 s9;
	[sflag:s14] =	ssyncadd.s32 $0xFFFFF000  }
0x163: {  	[tilespmem:s1], [sflag:$0x3] =	stream.linear.gather [hbm4b:s0+s1], $0x100, $0x38;
	[tilespmem:$0x19980] =	vst v63  }
0x164: {  	_ =	swait.ge [sflag:s14], $0x100  }
0x165: {  	[sflag:s14] =	ssyncset.done $0x0  }
0x166: {  	[sflag:s14] =	ssyncadd.s32 $0xFFFFFF00  }
0x167: {  	[tilespmem:s16], [sflag:$0x1] =	stream.indirect.gather [hbm4b:s25+s15], $0x20, s1, s15, $0xb8;
	[tilespmem:$0x19980] =	vst v63  }
0x168: {  	_ =	swait.ge [sflag:s23], $0x1000  }
.Ltmp1:
0x169: {  	[sflag:s23] =	ssyncset.done $0x0;
	(pc) =	sbr.rel @p0 .LBB2_4-.Ltmp1, $4  }
0x16a: {  	[sflag:s23] =	ssyncadd.s32 $0xFFFFF000  }
0x16b: {  	[spmem:s22] =	stream.indirect.scatter.add.f32 [tilespmem:s18], [sflag:$0x3], $0x20, s24, s15, $0xb8;
	[tilespmem:$0x19980] =	vst v63  }
0x16c: {  	_ =	swait.ge [sflag:s14], $0x1000  }
0x16d: {  	s20 =	smov.u32 s30;
	[sflag:s14] =	ssyncset.done $0x0  }
0x16e: {  	s0 =	sadd.s32 s31, s12;
	[sflag:s14] =	ssyncadd.s32 $0xFFFFF000  }
0x16f: {  	[tilespmem:s17], [sflag:$0x3] =	stream.linear.gather [hbm4b:s0+s1], $0x100, $0x38;
	[tilespmem:$0x19980] =	vst v63  }
0x170: {  	_ =	swait.ge [sflag:s14], $0x100  }
0x171: {  	[sflag:s14] =	ssyncset.done $0x0  }
0x172: {  	[sflag:s14] =	ssyncadd.s32 $0xFFFFFF00  }
0x173: {  	[tilespmem:s18], [sflag:$0x2] =	stream.indirect.gather [hbm4b:s25+s15], $0x20, s17, s15, $0xb8;
	[tilespmem:$0x19980] =	vst v63  }
0x174: {  	_ =	swait.ge [sflag:s19], $0x1000  }
0x175: {  	[sflag:s19] =	ssyncset.done $0x0  }
0x176: {  	[sflag:s19] =	ssyncadd.s32 $0xFFFFF000  }
0x177: {  	[spmem:s22] =	stream.indirect.scatter.add.f32 [tilespmem:s16], [sflag:$0x3], $0x20, s15, s15, $0xb8;
	[tilespmem:$0x19980] =	vst v63  }
0x178: {  	_ =	swait.ge [sflag:s14], $0x1000  }
0x179: {  	[sflag:s14] =	ssyncset.done $0x0  }
0x17a: {  	s9 =	sadd.s32 s31, s11;
	[sflag:s14] =	ssyncadd.s32 $0xFFFFF000  }
0x17b: {  	[tilespmem:s1], [sflag:$0x3] =	stream.linear.gather [hbm4b:s9+s1], $0x100, $0x38;
	[tilespmem:$0x19980] =	vst v63  }
0x17c: {  	_ =	swait.ge [sflag:s14], $0x100  }
0x17d: {  	[sflag:s14] =	ssyncset.done $0x0  }
0x17e: {  	[sflag:s14] =	ssyncadd.s32 $0xFFFFFF00  }
0x17f: {  	[tilespmem:s16], [sflag:$0x1] =	stream.indirect.gather [hbm4b:s25+s15], $0x20, s1, s15, $0xb8;
	[tilespmem:$0x19980] =	vst v63  }
0x180: {  	_ =	swait.ge [sflag:s23], $0x1000  }
0x181: {  	[sflag:s23] =	ssyncset.done $0x0  }
0x182: {  	[sflag:s23] =	ssyncadd.s32 $0xFFFFF000  }
0x183: {  	[spmem:s22] =	stream.indirect.scatter.add.f32 [tilespmem:s18], [sflag:$0x3], $0x20, s24, s15, $0xb8;
	[tilespmem:$0x19980] =	vst v63  }
0x184: {  	_ =	swait.ge [sflag:s14], $0x1000  }
0x185: {  	[sflag:s14] =	ssyncset.done $0x0  }
0x186: {  	[sflag:s14] =	ssyncadd.s32 $0xFFFFF000  }
0x187: {  	_ =	swait.ge [sflag:s19], $0x1000  }
0x188: {  	[sflag:s19] =	ssyncset.done $0x0  }
0x189: {  	[sflag:s19] =	ssyncadd.s32 $0xFFFFF000  }
0x18a: {  	[spmem:s22] =	stream.indirect.scatter.add.f32 [tilespmem:s16], [sflag:$0x3], $0x20, s15, s15, $0xb8;
	[tilespmem:$0x19980] =	vst v63  }
0x18b: {  	_ =	swait.ge [sflag:s14], $0x1000  }
0x18c: {  	[sflag:s14] =	ssyncset.done $0x0  }
0x18d: {  	[sflag:s14] =	ssyncadd.s32 $0xFFFFF000  }
0x18e: {  	[bflag:$0x0] =	sbarrier.arrive $0xFFFF  }
0x18f: {  	s20 =	rddreg [dreg:$0x1a]  }
0x190: {  	[tilespmem:s28], [sflag:$0x3] =	stream.linear.gather [spmem:s20], $0x1F40, $0x38;
	[tilespmem:$0x19980] =	vst v63  }
0x191: {  	_ =	swait.ge [sflag:s14], $0x1F40  }
0x192: {  	[sflag:s14] =	ssyncset.done $0x0  }
0x193: {  	s30 =	rddreg [dreg:$0xe];
	[sflag:s14] =	ssyncadd.s32 $0xFFFFE0C0  }
0x194: {  	[hbm4b:s30+s1] =	stream.linear.scatter [tilespmem:s28], [sflag:$0x3], $0x1F40, $0x38;
	[tilespmem:$0x19980] =	vst v63  }
0x195: {  	_ =	swait.ge [sflag:s14], $0x1F40  }
0x196: {  	[sflag:s14] =	ssyncset.done $0x0  }
0x197: {  	s20 =	rddreg [dreg:$0x1d];
	[sflag:s14] =	ssyncadd.s32 $0xFFFFE0C0  }
0x198: {  	[tilespmem:s28], [sflag:$0x3] =	stream.linear.gather [spmem:s20], $0x1F40, $0x38;
	[tilespmem:$0x19980] =	vst v63  }
0x199: {  	_ =	swait.ge [sflag:s14], $0x1F40  }
0x19a: {  	[sflag:s14] =	ssyncset.done $0x0  }
0x19b: {  	s31 =	rddreg [dreg:$0xf];
	[sflag:s14] =	ssyncadd.s32 $0xFFFFE0C0  }
0x19c: {  	[hbm4b:s31+s1] =	stream.linear.scatter [tilespmem:s28], [sflag:$0x3], $0x1F40, $0x38;
	[tilespmem:$0x19980] =	vst v63  }
0x19d: {  	_ =	swait.ge [sflag:s14], $0x1F40  }
0x19e: {  	[sflag:s14] =	ssyncset.done $0x0  }
0x19f: {  	[sflag:s14] =	ssyncadd.s32 $0xFFFFE0C0  }
0x1a0: {  	[tilespmem:s28], [sflag:$0x3] =	stream.linear.gather [spmem:s21], $0x1F40, $0x38;
	[tilespmem:$0x19980] =	vst v63  }
0x1a1: {  	_ =	swait.ge [sflag:s14], $0x1F40  }
0x1a2: {  	[sflag:s14] =	ssyncset.done $0x0  }
0x1a3: {  	s9 =	rddreg [dreg:$0x10];
	[sflag:s14] =	ssyncadd.s32 $0xFFFFE0C0  }
0x1a4: {  	[hbm4b:s9+s1] =	stream.linear.scatter [tilespmem:s28], [sflag:$0x3], $0x1F40, $0x38;
	[tilespmem:$0x19980] =	vst v63  }
0x1a5: {  	_ =	swait.ge [sflag:s14], $0x1F40  }
0x1a6: {  	[sflag:s14] =	ssyncset.done $0x0  }
0x1a7: {  	[sflag:s14] =	ssyncadd.s32 $0xFFFFE0C0  }
0x1a8: {  	[tilespmem:s28], [sflag:$0x3] =	stream.linear.gather [spmem:s2], $0x1F40, $0x38;
	[tilespmem:$0x19980] =	vst v63  }
0x1a9: {  	_ =	swait.ge [sflag:s14], $0x1F40  }
0x1aa: {  	[sflag:s14] =	ssyncset.done $0x0  }
0x1ab: {  	s30 =	rddreg [dreg:$0x11];
	[sflag:s14] =	ssyncadd.s32 $0xFFFFE0C0  }
0x1ac: {  	[hbm4b:s30+s1] =	stream.linear.scatter [tilespmem:s28], [sflag:$0x3], $0x1F40, $0x38;
	[tilespmem:$0x19980] =	vst v63  }
0x1ad: {  	_ =	swait.ge [sflag:s14], $0x1F40  }
0x1ae: {  	[sflag:s14] =	ssyncset.done $0x0  }
0x1af: {  	[sflag:s14] =	ssyncadd.s32 $0xFFFFE0C0  }
0x1b0: {  	[tilespmem:s28], [sflag:$0x3] =	stream.linear.gather [spmem:s3], $0x1F40, $0x38;
	[tilespmem:$0x19980] =	vst v63  }
0x1b1: {  	_ =	swait.ge [sflag:s14], $0x1F40  }
0x1b2: {  	[sflag:s14] =	ssyncset.done $0x0  }
0x1b3: {  	s31 =	rddreg [dreg:$0x12];
	[sflag:s14] =	ssyncadd.s32 $0xFFFFE0C0  }
0x1b4: {  	[hbm4b:s31+s1] =	stream.linear.scatter [tilespmem:s28], [sflag:$0x3], $0x1F40, $0x38;
	[tilespmem:$0x19980] =	vst v63  }
0x1b5: {  	_ =	swait.ge [sflag:s14], $0x1F40  }
0x1b6: {  	[sflag:s14] =	ssyncset.done $0x0  }
0x1b7: {  	[sflag:s14] =	ssyncadd.s32 $0xFFFFE0C0  }
0x1b8: {  	[tilespmem:s28], [sflag:$0x3] =	stream.linear.gather [spmem:s4], $0x1F40, $0x38;
	[tilespmem:$0x19980] =	vst v63  }
0x1b9: {  	_ =	swait.ge [sflag:s14], $0x1F40  }
0x1ba: {  	[sflag:s14] =	ssyncset.done $0x0  }
0x1bb: {  	s9 =	rddreg [dreg:$0x13];
	[sflag:s14] =	ssyncadd.s32 $0xFFFFE0C0  }
0x1bc: {  	[hbm4b:s9+s1] =	stream.linear.scatter [tilespmem:s28], [sflag:$0x3], $0x1F40, $0x38;
	[tilespmem:$0x19980] =	vst v63  }
0x1bd: {  	_ =	swait.ge [sflag:s14], $0x1F40  }
0x1be: {  	[sflag:s14] =	ssyncset.done $0x0  }
0x1bf: {  	[sflag:s14] =	ssyncadd.s32 $0xFFFFE0C0  }
0x1c0: {  	[tilespmem:s28], [sflag:$0x3] =	stream.linear.gather [spmem:s5], $0x1F40, $0x38;
	[tilespmem:$0x19980] =	vst v63  }
0x1c1: {  	_ =	swait.ge [sflag:s14], $0x1F40  }
0x1c2: {  	[sflag:s14] =	ssyncset.done $0x0  }
0x1c3: {  	s30 =	rddreg [dreg:$0x14];
	[sflag:s14] =	ssyncadd.s32 $0xFFFFE0C0  }
0x1c4: {  	[hbm4b:s30+s1] =	stream.linear.scatter [tilespmem:s28], [sflag:$0x3], $0x1F40, $0x38;
	[tilespmem:$0x19980] =	vst v63  }
0x1c5: {  	_ =	swait.ge [sflag:s14], $0x1F40  }
0x1c6: {  	[sflag:s14] =	ssyncset.done $0x0  }
0x1c7: {  	[sflag:s14] =	ssyncadd.s32 $0xFFFFE0C0  }
0x1c8: {  	[tilespmem:s28], [sflag:$0x3] =	stream.linear.gather [spmem:s6], $0x1F40, $0x38;
	[tilespmem:$0x19980] =	vst v63  }
0x1c9: {  	_ =	swait.ge [sflag:s14], $0x1F40  }
0x1ca: {  	[sflag:s14] =	ssyncset.done $0x0  }
0x1cb: {  	s31 =	rddreg [dreg:$0x15];
	[sflag:s14] =	ssyncadd.s32 $0xFFFFE0C0  }
0x1cc: {  	[hbm4b:s31+s1] =	stream.linear.scatter [tilespmem:s28], [sflag:$0x3], $0x1F40, $0x38;
	[tilespmem:$0x19980] =	vst v63  }
0x1cd: {  	_ =	swait.ge [sflag:s14], $0x1F40  }
0x1ce: {  	[sflag:s14] =	ssyncset.done $0x0  }
0x1cf: {  	[sflag:s14] =	ssyncadd.s32 $0xFFFFE0C0  }
0x1d0: {  	[tilespmem:s28], [sflag:$0x3] =	stream.linear.gather [spmem:s7], $0x1F40, $0x38;
	[tilespmem:$0x19980] =	vst v63  }
0x1d1: {  	_ =	swait.ge [sflag:s14], $0x1F40  }
0x1d2: {  	[sflag:s14] =	ssyncset.done $0x0  }
0x1d3: {  	s9 =	rddreg [dreg:$0x16];
	[sflag:s14] =	ssyncadd.s32 $0xFFFFE0C0  }
0x1d4: {  	[hbm4b:s9+s1] =	stream.linear.scatter [tilespmem:s28], [sflag:$0x3], $0x1F40, $0x38;
	[tilespmem:$0x19980] =	vst v63  }
0x1d5: {  	_ =	swait.ge [sflag:s14], $0x1F40  }
0x1d6: {  	[sflag:s14] =	ssyncset.done $0x0  }
0x1d7: {  	[sflag:s14] =	ssyncadd.s32 $0xFFFFE0C0  }
0x1d8: {  	[tilespmem:s28], [sflag:$0x3] =	stream.linear.gather [spmem:s8], $0x1F40, $0x38;
	[tilespmem:$0x19980] =	vst v63  }
0x1d9: {  	_ =	swait.ge [sflag:s14], $0x1F40  }
0x1da: {  	[sflag:s14] =	ssyncset.done $0x0  }
0x1db: {  	s30 =	rddreg [dreg:$0x17];
	[sflag:s14] =	ssyncadd.s32 $0xFFFFE0C0  }
0x1dc: {  	[hbm4b:s30+s1] =	stream.linear.scatter [tilespmem:s28], [sflag:$0x3], $0x1F40, $0x38;
	[tilespmem:$0x19980] =	vst v63  }
0x1dd: {  	_ =	swait.ge [sflag:s14], $0x1F40  }
0x1de: {  	s29 =	sadd.s32 $0x1, s29;
	s31 =	rddreg [dreg:$0x1b]  }
0x1df: {  	p0 =	sne.s32 s29, s31  }
.Ltmp2:
0x1e0: {  	_ = 	snop;
	(pc) =	sbr.rel @p0 .LBB2_1-.Ltmp2, $3  }
0x1e1: {  	_ =	sdelay $0x1  }
0x1e2: {  	[sflag:s14] =	ssyncset.done $0x0  }
0x1e3: {  	[sflag:s14] =	ssyncadd.s32 $0xFFFFE0C0  }
0x1e4: {  	_ =	sfence.sel $0x180000  }
0x1e5: {  	[bflag:$0x0] =	sbarrier.arrive $0xFFFF  }
0x1e6: {  	_ =	strace $0x90000047  }
0x1e7: {  	s0 =	stileid.u32;
	[bflag:$0x2] =	sbarrier.arrive $0xFFFF  }
0x1e8: {  	p0 =	sne.s32 s0, $0x0;
	s0 =	rddreg [dreg:$0x3]  }
0x1e9: {  	s0 =	sadd.s32 @!p0 $0x100000, s0  }
0x1ea: {  	[sflag:s0] =	ssyncadd.tile.s32 @!p0 $0x1;
	_ =	shalt  }
.Lfunc_end2:
_tile_overlayer_lowered:
.L_overlay_start_2:
0x1eb: {  	(tag) =	ssettag $0x2  }
0x1ec: {  	s0 =	rddreg [dreg:$0x0];
	s2 =	stileid.u32  }
0x1ed: {  	s1 =	rddreg [dreg:$0x1];
	p0 =	sne.s32 s2, $0x0  }
0x1ee: {  	s3 =	rddreg [dreg:$0x2];
	[bflag:$0x3] =	sbarrier.arrive $0xFFFF;
	s2 =	simm.s32 @!p0 $0x1C03  }
0x1ef: {  	[timem:s3], [sflag:s2] =	dma.local @!p0 [hbm:s0], s1  }
0x1f0: {  	s0 =	simm.s32 @!p0 $0x3  }
0x1f1: {  	_ =	swait.ge @!p0 [sflag:s0], s1  }
0x1f2: {  	s1 =	ssub.s32 @!p0 $0x0, s1;
	[sflag:s0] =	ssyncset.done @!p0 $0x0  }
0x1f3: {  	[sflag:s0] =	ssyncadd.s32 @!p0 s1  }
0x1f4: {  	[bflag:$0x3] =	sbarrier.arrive $0xFFFF  }
0x1f5: {  	_ =	shalt  }

// kernel: kernel.14.cloned.1.call-start
scs
__scs_entry_jumppad:
0x0: {  	(pc) =	sbr.rel $0x88, $3  }
0x1: {  	(tag) =	ssettag $0x0;
	lr =	simm.s32 $0x1  }
0x2: {  	[smem:$0x3F93] =	sst lr;
	_ =	strace $0xD0000000  }
0x3: {  	_ = 	snop  }
0x4: {  	_ = 	snop  }
0x5: {  	_ = 	snop  }
0x6: {  	_ = 	snop  }
0x7: {  	_ = 	snop  }
__scs_overlays_trampoline_lowered:
0x8: {  	[smem:$0x3FA2] =	sst s0  }
0x9: {  	[smem:$0x3FA3] =	sst s1  }
0xa: {  	[smem:$0x3FA4] =	sst s2  }
0xb: {  	[smem:$0x3FA5] =	sst s3  }
0xc: {  	[smem:$0x3FA6] =	sst s4  }
0xd: {  	[smem:$0x3FA7] =	sst s5  }
0xe: {  	[smem:$0x3FA8] =	sst s6  }
0xf: {  	[smem:$0x3FA9] =	sst s7  }
0x10: {  	[smem:$0x3FAA] =	sst s8  }
0x11: {  	[smem:$0x3FAB] =	sst s9;
	s0 =	simm.s32 @!p0 $0x0  }
0x12: {  	s1 =	sld [smem:$0x3F91];
	s0 =	simm.s32 @p0 $0x1  }
0x13: {  	[smem:$0x3FAC] =	sst s0;
	s0 =	simm.s32 @!p1 $0x0  }
0x14: {  	s2 =	sld [smem:$0x3F90];
	s0 =	simm.s32 @p1 $0x1  }
0x15: {  	[smem:$0x3FAD] =	sst s0;
	s0 =	simm.s32 @!p2 $0x0  }
0x16: {  	s3 =	sld [smem:$0x3FDB];
	s0 =	simm.s32 @p2 $0x1  }
0x17: {  	s4 =	simm.s32 $0x1BF5;
	[smem:$0x3FAF] =	sst s0  }
0x18: {  	s0 =	sld [smem:$0x3F92];
	_ =	swait.ge [sflag:s4], $0x0  }
0x19: {  	s7 =	sld [smem:$0x3F93]  }
0x1a: {  	s8 =	sadd.s32 $0xFFFFE003, lr  }
0x1b: {  	s9 =	sadd.s32 $0xFFFFFEF7, lr;
	s5 =	simm.s32 $0xFFFFFFFF;
	p2 =	slt.u32 s8, $0xFFFFF086  }
0x1c: {  	p1 =	slt.u32 s9, $0xF7A;
	s5 =	simm.s32 @!p2 $0x0  }
0x1d: {  	s5 =	simm.s32 @p1 $0x1;
	p0 =	seq.s32 s7, s2  }
0x1e: {  	s7 =	smul.u32 @!p0 $0xF7A, s2;
	p2 =	seq.s32 @!p0 s5, $0x0  }
0x1f: {  	s9 =	smul.u32 $0xF7A, s1;
	s8 =	simm.s32 @!p0 $0x1BF5;
	p2 =	por !p2, p0  }
0x20: {  	[sflag:s8] =	ssyncset.s32 @!p0 $0xFFFFF086;
	s6 =	sadd.s32 @!p0 s3, s7;
	s7 =	simm.s32 @!p0 $0x108  }
0x21: {  	s3 =	sadd.s32 s3, s9;
	s6 =	sadd.s32 @!p0 $0x88, s6;
	s7 =	simm.s32 @p2 $0x1082  }
0x22: {  	[simem:s7], [sflag:s8] =	dma.local @!p0 [hbm:s6], $0xF7A  }
0x23: {  	s9 =	sor.u32 $0xD0000000, s2;
	s6 =	simm.s32 $0x108;
	_ =	swait.ge @!p0 [sflag:s8], $0x0  }
0x24: {  	s3 =	sadd.s32 $0x88, s3;
	s6 =	simm.s32 @!p1 $0x1082;
	[sflag:s4] =	ssyncset.s32 $0xFFFFF086  }
0x25: {  	[simem:s6], [sflag:s4] =	dma.local [hbm:s3], $0xF7A  }
0x26: {  	[smem:$0x3F93] =	sst s1;
	(tag) =	ssettag s2;
	_ =	strace s9  }
0x27: {  	s1 =	sld [smem:$0x3FA3]  }
0x28: {  	s2 =	sld [smem:$0x3FA4]  }
0x29: {  	s4 =	sld [smem:$0x3FA6]  }
0x2a: {  	p0 =	seq.s32 s5, $0x0;
	s5 =	sld [smem:$0x3FA7]  }
0x2b: {  	s6 =	sld [smem:$0x3FA8]  }
0x2c: {  	s7 =	sld [smem:$0x3FA9]  }
0x2d: {  	s3 =	simm.s32 $0x108;
	s8 =	sld [smem:$0x3FAA]  }
0x2e: {  	s3 =	simm.s32 @!p0 $0x1082;
	s9 =	sld [smem:$0x3FAB]  }
0x2f: {  	lr =	sadd.s32 s0, s3;
	s0 =	sld [smem:$0x3FA2]  }
0x30: {  	s3 =	sld [smem:$0x3FA5]  }
0x31: {  	[smem:$0x3FAE] =	sst s10  }
0x32: {  	s10 =	sld [smem:$0x3FAC];
	_ =	sdelay $0x3  }
0x33: {  	p0 =	seq.s32 s10, $0x1;
	s10 =	sld [smem:$0x3FAE];
	_ =	sdelay $0x3  }
0x34: {  	[smem:$0x3FAE] =	sst s10  }
0x35: {  	s10 =	sld [smem:$0x3FAD];
	_ =	sdelay $0x3  }
0x36: {  	p1 =	seq.s32 s10, $0x1;
	s10 =	sld [smem:$0x3FAE];
	_ =	sdelay $0x3  }
0x37: {  	[smem:$0x3FAE] =	sst s10  }
0x38: {  	s10 =	sld [smem:$0x3FAF]  }
0x39: {  	_ = 	snop;
	(pc) =	sbr.ind lr, $3  }
0x3a: {  	_ = 	snop  }
0x3b: {  	_ = 	snop  }
0x3c: {  	p2 =	seq.s32 s10, $0x1;
	s10 =	sld [smem:$0x3FAE]  }
0x3d: {  	_ =	shalt  }
0x3e: {  	_ =	shalt  }
0x3f: {  	_ =	shalt  }
0x40: {  	_ =	shalt  }
0x41: {  	_ =	shalt  }
0x42: {  	_ =	shalt  }
0x43: {  	_ =	shalt  }
0x44: {  	_ =	shalt  }
0x45: {  	_ =	shalt  }
0x46: {  	_ =	shalt  }
0x47: {  	_ =	shalt  }
0x48: {  	_ =	shalt  }
0x49: {  	_ =	shalt  }
0x4a: {  	_ =	shalt  }
0x4b: {  	_ =	shalt  }
0x4c: {  	_ =	shalt  }
0x4d: {  	_ =	shalt  }
0x4e: {  	_ =	shalt  }
0x4f: {  	_ =	shalt  }
0x50: {  	_ =	shalt  }
0x51: {  	_ =	shalt  }
0x52: {  	_ =	shalt  }
0x53: {  	_ =	shalt  }
0x54: {  	_ =	shalt  }
0x55: {  	_ =	shalt  }
0x56: {  	_ =	shalt  }
0x57: {  	_ =	shalt  }
0x58: {  	_ =	shalt  }
0x59: {  	_ =	shalt  }
0x5a: {  	_ =	shalt  }
0x5b: {  	_ =	shalt  }
0x5c: {  	_ =	shalt  }
0x5d: {  	_ =	shalt  }
0x5e: {  	_ =	shalt  }
0x5f: {  	_ =	shalt  }
0x60: {  	_ =	shalt  }
0x61: {  	_ =	shalt  }
0x62: {  	_ =	shalt  }
0x63: {  	_ =	shalt  }
0x64: {  	_ =	shalt  }
0x65: {  	_ =	shalt  }
0x66: {  	_ =	shalt  }
0x67: {  	_ =	shalt  }
0x68: {  	_ =	shalt  }
0x69: {  	_ =	shalt  }
0x6a: {  	_ =	shalt  }
0x6b: {  	_ =	shalt  }
0x6c: {  	_ =	shalt  }
0x6d: {  	_ =	shalt  }
0x6e: {  	_ =	shalt  }
0x6f: {  	_ =	shalt  }
0x70: {  	_ =	shalt  }
0x71: {  	_ =	shalt  }
0x72: {  	_ =	shalt  }
0x73: {  	_ =	shalt  }
0x74: {  	_ =	shalt  }
0x75: {  	_ =	shalt  }
0x76: {  	_ =	shalt  }
0x77: {  	_ =	shalt  }
0x78: {  	_ =	shalt  }
0x79: {  	_ =	shalt  }
0x7a: {  	_ =	shalt  }
0x7b: {  	_ =	shalt  }
0x7c: {  	_ =	shalt  }
0x7d: {  	_ =	shalt  }
0x7e: {  	_ =	shalt  }
0x7f: {  	_ =	shalt  }
0x80: {  	_ =	shalt  }
0x81: {  	_ =	shalt  }
0x82: {  	_ =	shalt  }
0x83: {  	_ =	shalt  }
0x84: {  	_ =	shalt  }
0x85: {  	_ =	shalt  }
0x86: {  	_ =	shalt  }
0x87: {  	_ =	shalt  }
.Lfunc_end0:
.L_simem_size_0:
called_computation.2_lowered:
.L_overlay_start_0:
0x88: {  	s2 =	sld [smem:$0x3FD9]  }
0x89: {  	s3 =	sld [smem:$0x3FFE];
	_ =	sdelay $0x1  }
0x8a: {  	s1 =	srdreg.scid  }
0x8b: {  	s0 =	sand.u32 $0x1, s1  }
0x8c: {  	s14 =	sshll.u32 s0, $0xA;
	s2 =	sadd.s32 s3, s2  }
0x8d: {  	s2 =	sadd.s32 s2, s14  }
0x8e: {  	[smem:$0x3FBA] =	sst s2  }
0x8f: {  	_ = 	snop  }
0x90: {  	s2 =	sld [smem:$0x3FD0];
	_ =	sdelay $0x2  }
0x91: {  	s15 =	simm.s32 $0xB;
	s4 =	simm.s32 $0x10  }
0x92: {  	[smem:s4], [sflag:s15] =	dma.local [hbm:s2], $0x1  }
0x93: {  	_ =	swait.eq [sflag:s15], $0x1  }
0x94: {  	[sflag:s15] =	ssyncset.done $0x0  }
0x95: {  	[sflag:s15] =	ssyncadd.s32 $0xFFFFFFFF  }
0x96: {  	s16 =	sld [smem:$0x10];
	(tm) =	ssettm $0x1  }
0x97: {  	s17 =	sld [smem:$0x3FFB];
	_ =	sdelay $0x3  }
0x98: {  	_ =	strace s17  }
0x99: {  	s3 =	sld [smem:$0x3FFC];
	_ =	sdelay $0x3  }
0x9a: {  	_ =	strace s3  }
0x9b: {  	s3 =	sld [smem:$0x3FFD];
	_ =	sdelay $0x3  }
0x9c: {  	_ =	strace s3  }
0x9d: {  	_ =	strace $0x8FFFFFFF  }
0x9e: {  	s18 =	sld [smem:$0x3FDB];
	_ =	sdelay $0x1  }
0x9f: {  	s19 =	simm.s32 $_scs_section_size  }
0xa0: {  	s5 =	simm.s32 $_size__tile_overlayer_lowered;
	s6 =	simm.s32 $_tile_overlayer_lowered  }
0xa1: {  	s22 =	simm.s32 $0x1BFF;
	s21 =	sshll.u32 s6, $0x1;
	s3 =	sadd.s32 s19, s18  }
0xa2: {  	s7 =	simm.s32 $0x0;
	s20 =	sshll.u32 s5, $0x1;
	s5 =	sadd.s32 s21, s3  }
0xa3: {  	[timem:s7], [sflag:s22] =	dma.local [hbm:s5], s20  }
0xa4: {  	_ =	swait.ge [sflag:s22], s20  }
0xa5: {  	s4 =	ssub.s32 $0x0, s20;
	[sflag:s22] =	ssyncset.done $0x0  }
0xa6: {  	[sflag:s22] =	ssyncadd.s32 s4;
	_ =	sdelay $0x1  }
0xa7: {  	s23 =	simm.s32 $0x1B8B  }
0xa8: {  	_ =	swait.ge [sflag:s23], $0x1  }
0xa9: {  	[sflag:s23] =	ssyncset.done $0x0  }
0xaa: {  	s25 =	simm.s32 $0x1B8E;
	s24 =	sld [smem:$0x3FFE];
	[sflag:s23] =	ssyncadd.s32 $0xFFFFFFFF  }
0xab: {  	s26 =	simm.s32 $execute0_lowered;
	[smem:$0x3FD2] =	sst s25  }
0xac: {  	s5 =	sshll.u32 s26, $0x1;
	_ =	strace $0x8000004C;
	[dreg:$0x1] =	wrdreg $0xFFFFFFFF  }
0xad: {  	s28 =	simm.s32 $_size_execute0_lowered;
	s3 =	sadd.s32 s3, s5;
	[dreg:$0x0] =	wrdreg $0x0  }
0xae: {  	s5 =	sshll.u32 s28, $0x1;
	[dreg:$0x2] =	wrdreg s3  }
0xaf: {  	[dreg:$0x3] =	wrdreg s5  }
0xb0: {  	[dreg:$0x4] =	wrdreg $0xC0  }
0xb1: {  	_ =	task [dreg:s7], $0x5FFFF  }
0xb2: {  	[dreg:$0x1] =	wrdreg $0xFFFFFFFF  }
0xb3: {  	[dreg:$0x0] =	wrdreg $0x60  }
0xb4: {  	[dreg:$0x2] =	wrdreg s24  }
0xb5: {  	[dreg:$0x3] =	wrdreg s16  }
0xb6: {  	[dreg:$0x4] =	wrdreg $0x60800  }
0xb7: {  	[dreg:$0x5] =	wrdreg $0x9  }
0xb8: {  	_ =	task.clear_ibuf [dreg:s7], $0x6FFFF;
	_ =	strace $0x9000004C  }
0xb9: {  	s29 =	simm.s32 $0x9;
	_ =	strace $0x8000004E  }
0xba: {  	_ =	swait.ge [sflag:s29], $0x1  }
0xbb: {  	[sflag:s29] =	ssyncadd.s32 $0xFFFFFFFF  }
0xbc: {  	_ =	strace $0x9000004E  }
0xbd: {  	_ =	sfence  }
0xbe: {  	s30 =	sld [smem:$0x0];
	_ =	sdelay $0x2  }
0xbf: {  	s31 =	sshll.u32 s1, $0xD;
	s1 =	sshrl.u32 s1, $0x2  }
0xc0: {  	s3 =	sand.u32 $0x4000, s31;
	s1 =	sadd.s32 s1, s30  }
0xc1: {  	s0 =	sor.u32 s3, s0;
	s1 =	sshll.u32 s1, $0x11  }
0xc2: {  	s0 =	sor.u32 s1, s0  }
0xc3: {  	s0 =	sadd.s32 $0x8F2B, s0  }
0xc4: {  	[sflag:s0] =	ssyncadd.remote.s32 $0x1  }
0xc5: {  	_ =	sfence.sel $0xFFFF  }
0xc6: {  	[dreg:$0x0] =	wrdreg $0xFFFFFFFF;
	(pc) =	sbr.abs _section_cstart, $3  }
0xc7: {  	[dreg:$0x1] =	wrdreg $0xFFFFFFFF  }
0xc8: {  	_ =	task.clear_ibuf [dreg:s7], $0x2FFFF;
	_ =	strace $0x9FFFFFFF  }
0xc9: {  	(tm) =	ssettm $0x7FFFFFFF  }
tec
execute0_lowered:
.L_overlay_start_1:
0x0: {  	(tag) =	ssettag $0x1  }
0x1: {  	s0 =	srdreg.scid;
	s20 =	stileid.u32  }
0x2: {  	s1 =	simm.s32 $0x0;
	s2 =	sand.u32 $0x1, s0;
	s5 =	smul.u32 $0x9D00, s20  }
0x3: {  	s28 =	simm.s32 $0x4140;
	s29 =	simm.s32 $0x0;
	s4 =	smul.u32 $0x9D000, s2  }
0x4: {  	s3 =	ssub.s32 $0x2, s2;
	s16 =	smul.u32 $0x138800, s2;
	s6 =	sor.u32 $0x2, s2  }
0x5: {  	s0 =	rddreg [dreg:$0x0];
	s19 =	sshrl.u32 s3, $0x1;
	s7 =	smul.u32 $0x9D000, s6  }
0x6: {  	[smem:$0x7FF] =	sst s1;
	s2 =	ssub.s32 s3, s19;
	s3 =	smul.u32 $0x13880, s20  }
0x7: {  	s14 =	sadd.s32 $0x5BC00, s0;
	s15 =	smul.u32 $0x138800, s6;
	s10 =	sadd.s32 s5, s4  }
0x8: {  	s13 =	sadd.s32 s5, s7;
	s2 =	smax.u32 s2, $0x1;
	s4 =	sadd.s32 $0x1F40, s3  }
0x9: {  	s5 =	sadd.s32 $0x3E80, s3;
	s6 =	sadd.s32 $0x5DC0, s3;
	s7 =	sadd.s32 $0x7D00, s3  }
0xa: {  	s8 =	sadd.s32 $0x9C40, s3;
	s9 =	sadd.s32 $0xBB80, s3;
	s17 =	sadd.s32 s16, s3  }
0xb: {  	s11 =	sadd.s32 $0xDAC0, s3;
	s12 =	sadd.s32 $0xFA00, s3;
	s17 =	sshrl.u32 s17, $0x3  }
0xc: {  	s18 =	sadd.s32 s16, s4;
	s19 =	sadd.s32 s16, s5;
	s24 =	sadd.s32 s16, s6  }
0xd: {  	s25 =	sadd.s32 s16, s7;
	s26 =	sadd.s32 s16, s8;
	s17 =	sadd.s32 s14, s17  }
0xe: {  	s21 =	sshrl.u32 s18, $0x3;
	s22 =	sshrl.u32 s19, $0x3;
	s30 =	sshrl.u32 s25, $0x3  }
0xf: {  	s31 =	sshrl.u32 s26, $0x3;
	[dreg:$0x4] =	wrdreg s17;
	s17 =	sadd.s32 s14, s21  }
0x10: {  	s23 =	sadd.s32 s14, s22;
	s19 =	sadd.s32 s14, s31;
	[dreg:$0x5] =	wrdreg s17  }
0x11: {  	s21 =	sadd.s32 s16, s9;
	s22 =	sadd.s32 s16, s11;
	[dreg:$0x6] =	wrdreg s23  }
0x12: {  	s31 =	sadd.s32 s15, s4;
	s17 =	sshrl.u32 s24, $0x3;
	[dreg:$0x9] =	wrdreg s19  }
0x13: {  	s23 =	sadd.s32 s16, s12;
	s24 =	sshrl.u32 s22, $0x3;
	s19 =	sshrl.u32 s31, $0x3  }
0x14: {  	s22 =	sadd.s32 s15, s6;
	s31 =	sadd.s32 s15, s11;
	s17 =	sadd.s32 s14, s17  }
0x15: {  	s25 =	sshrl.u32 s23, $0x3;
	s19 =	sadd.s32 s14, s19;
	s23 =	sadd.s32 s15, s7  }
0x16: {  	[dreg:$0x7] =	wrdreg s17;
	s17 =	sadd.s32 s14, s30;
	s26 =	sadd.s32 s14, s25  }
0x17: {  	s30 =	sadd.s32 s15, s3;
	[dreg:$0xf] =	wrdreg s19;
	s19 =	sshrl.u32 s23, $0x3  }
0x18: {  	s23 =	sadd.s32 s15, s12;
	[dreg:$0x8] =	wrdreg s17;
	s17 =	sshrl.u32 s21, $0x3  }
0x19: {  	[dreg:$0xc] =	wrdreg s26;
	s18 =	sshrl.u32 s30, $0x3;
	s21 =	sadd.s32 s15, s5  }
0x1a: {  	s25 =	sadd.s32 s14, s19;
	s26 =	sadd.s32 s15, s8;
	s30 =	sadd.s32 s15, s9  }
0x1b: {  	s19 =	sshrl.u32 s31, $0x3;
	s17 =	sadd.s32 s14, s17;
	[dreg:$0x12] =	wrdreg s25  }
0x1c: {  	s31 =	sshrl.u32 s10, $0x3;
	s18 =	sadd.s32 s14, s18;
	[dreg:$0xa] =	wrdreg s17  }
0x1d: {  	s25 =	sadd.s32 $0xF8000, s0;
	s17 =	sadd.s32 s14, s24;
	[dreg:$0xe] =	wrdreg s18  }
0x1e: {  	s18 =	sshrl.u32 s22, $0x3;
	s22 =	sadd.s32 s14, s19;
	[dreg:$0xb] =	wrdreg s17  }
0x1f: {  	s19 =	sadd.s32 $0x13A200, s10;
	s17 =	sadd.s32 $0x11940, s3;
	[dreg:$0x15] =	wrdreg s22  }
0x20: {  	s24 =	sadd.s32 s14, s18;
	s18 =	sshrl.u32 s30, $0x3;
	s22 =	rddreg [dreg:$0x2]  }
0x21: {  	s30 =	sshrl.u32 s13, $0x3;
	s16 =	sadd.s32 s16, s17;
	[dreg:$0x11] =	wrdreg s24  }
0x22: {  	s15 =	sadd.s32 s15, s17;
	s24 =	smul.u32 $0x4E200, s20;
	s16 =	sshrl.u32 s16, $0x3  }
0x23: {  	s3 =	sadd.s32 s3, s22;
	s20 =	sadd.s32 s4, s22;
	s16 =	sadd.s32 s14, s16  }
0x24: {  	s4 =	sadd.s32 s8, s22;
	[dreg:$0xd] =	wrdreg s16;
	s16 =	sshrl.u32 s21, $0x3  }
0x25: {  	s8 =	sadd.s32 s17, s22;
	s17 =	simm.s32 $0x100;
	s16 =	sadd.s32 s14, s16  }
0x26: {  	s21 =	sadd.s32 s14, s18;
	[dreg:$0x10] =	wrdreg s16;
	s16 =	sshrl.u32 s26, $0x3  }
0x27: {  	s15 =	sshrl.u32 s15, $0x3;
	[dreg:$0x14] =	wrdreg s21;
	s16 =	sadd.s32 s14, s16  }
0x28: {  	s21 =	sadd.s32 s5, s22;
	[dreg:$0x13] =	wrdreg s16;
	s16 =	sshrl.u32 s23, $0x3  }
0x29: {  	s5 =	sadd.s32 s9, s22;
	s26 =	sadd.s32 $0x2C00, s0;
	s16 =	sadd.s32 s14, s16  }
0x2a: {  	s13 =	sadd.s32 s26, s31;
	s14 =	sadd.s32 s14, s15;
	[dreg:$0x16] =	wrdreg s16  }
0x2b: {  	s0 =	sadd.s32 s26, s30;
	s30 =	sadd.s32 $0x13A100, s10;
	[dreg:$0x17] =	wrdreg s14  }
0x2c: {  	s23 =	sshrl.u32 s19, $0x3;
	_ =	strace $0x8000004D;
	[dreg:$0x18] =	wrdreg s13  }
0x2d: {  	s31 =	sshrl.u32 s30, $0x3;
	s19 =	simm.s32 $0x1;
	[dreg:$0x19] =	wrdreg s0  }
0x2e: {  	s15 =	sshrl.u32 s24, $0x2;
	s24 =	sadd.s32 $0x200, s10;
	[dreg:$0x1a] =	wrdreg s3  }
0x2f: {  	s16 =	sadd.s32 $0x100, s10;
	s14 =	simm.s32 $0x3;
	[dreg:$0x1b] =	wrdreg s2  }
0x30: {  	s0 =	sadd.s32 s15, s22;
	s2 =	sadd.s32 s6, s22;
	s3 =	sadd.s32 s7, s22  }
0x31: {  	s6 =	sadd.s32 s11, s22;
	s7 =	sadd.s32 s12, s22;
	s18 =	sshrl.u32 s16, $0x3  }
0x32: {  	[dreg:$0x1e] =	wrdreg s24;
	s11 =	sadd.s32 s23, s26;
	s12 =	sadd.s32 s31, s26  }
0x33: {  	s13 =	simm.s32 $0x2200;
	s15 =	simm.s32 $0x80;
	s16 =	simm.s32 $0x200  }
0x34: {  	s23 =	simm.s32 $0x2;
	s24 =	simm.s32 $0x180;
	[dreg:$0x1d] =	wrdreg s20  }
0x35: {  	[dreg:$0x1c] =	wrdreg s0;
	s10 =	sadd.s32 s18, s26;
	s18 =	simm.s32 $0x1200  }
.LBB2_1:
0x36: {  	s0 =	rddreg [dreg:$0x1]  }
0x37: {  	[tilespmem:s13], [sflag:$0x3] =	stream.linear.gather [hbm4b:s0+s1], $0x1F40, $0x38;
	[tilespmem:$0x19980] =	vst v63  }
0x38: {  	_ =	swait.ge [sflag:s14], $0x1F40  }
0x39: {  	[sflag:s14] =	ssyncset.done $0x0  }
0x3a: {  	s9 =	rddreg [dreg:$0x1c];
	[sflag:s14] =	ssyncadd.s32 $0xFFFFE0C0  }
0x3b: {  	[spmem:s9] =	stream.linear.scatter [tilespmem:s13], [sflag:$0x3], $0x1F40, $0x38;
	[tilespmem:$0x19980] =	vst v63  }
0x3c: {  	_ =	swait.ge [sflag:s14], $0x1F40  }
0x3d: {  	[sflag:s14] =	ssyncset.done $0x0  }
0x3e: {  	[sflag:s14] =	ssyncadd.s32 $0xFFFFE0C0  }
0x3f: {  	[spmem:s20] =	stream.linear.scatter [tilespmem:s13], [sflag:$0x3], $0x1F40, $0x38;
	[tilespmem:$0x19980] =	vst v63  }
0x40: {  	_ =	swait.ge [sflag:s14], $0x1F40  }
0x41: {  	[sflag:s14] =	ssyncset.done $0x0  }
0x42: {  	[sflag:s14] =	ssyncadd.s32 $0xFFFFE0C0  }
0x43: {  	[spmem:s21] =	stream.linear.scatter [tilespmem:s13], [sflag:$0x3], $0x1F40, $0x38;
	[tilespmem:$0x19980] =	vst v63  }
0x44: {  	_ =	swait.ge [sflag:s14], $0x1F40  }
0x45: {  	[sflag:s14] =	ssyncset.done $0x0  }
0x46: {  	[sflag:s14] =	ssyncadd.s32 $0xFFFFE0C0  }
0x47: {  	[spmem:s2] =	stream.linear.scatter [tilespmem:s13], [sflag:$0x3], $0x1F40, $0x38;
	[tilespmem:$0x19980] =	vst v63  }
0x48: {  	_ =	swait.ge [sflag:s14], $0x1F40  }
0x49: {  	[sflag:s14] =	ssyncset.done $0x0  }
0x4a: {  	[sflag:s14] =	ssyncadd.s32 $0xFFFFE0C0  }
0x4b: {  	[spmem:s3] =	stream.linear.scatter [tilespmem:s13], [sflag:$0x3], $0x1F40, $0x38;
	[tilespmem:$0x19980] =	vst v63  }
0x4c: {  	_ =	swait.ge [sflag:s14], $0x1F40  }
0x4d: {  	[sflag:s14] =	ssyncset.done $0x0  }
0x4e: {  	[sflag:s14] =	ssyncadd.s32 $0xFFFFE0C0  }
0x4f: {  	[spmem:s4] =	stream.linear.scatter [tilespmem:s13], [sflag:$0x3], $0x1F40, $0x38;
	[tilespmem:$0x19980] =	vst v63  }
0x50: {  	_ =	swait.ge [sflag:s14], $0x1F40  }
0x51: {  	[sflag:s14] =	ssyncset.done $0x0  }
0x52: {  	[sflag:s14] =	ssyncadd.s32 $0xFFFFE0C0  }
0x53: {  	[spmem:s5] =	stream.linear.scatter [tilespmem:s13], [sflag:$0x3], $0x1F40, $0x38;
	[tilespmem:$0x19980] =	vst v63  }
0x54: {  	_ =	swait.ge [sflag:s14], $0x1F40  }
0x55: {  	[sflag:s14] =	ssyncset.done $0x0  }
0x56: {  	[sflag:s14] =	ssyncadd.s32 $0xFFFFE0C0  }
0x57: {  	[spmem:s6] =	stream.linear.scatter [tilespmem:s13], [sflag:$0x3], $0x1F40, $0x38;
	[tilespmem:$0x19980] =	vst v63  }
0x58: {  	_ =	swait.ge [sflag:s14], $0x1F40  }
0x59: {  	[sflag:s14] =	ssyncset.done $0x0  }
0x5a: {  	[sflag:s14] =	ssyncadd.s32 $0xFFFFE0C0  }
0x5b: {  	[spmem:s7] =	stream.linear.scatter [tilespmem:s13], [sflag:$0x3], $0x1F40, $0x38;
	[tilespmem:$0x19980] =	vst v63  }
0x5c: {  	_ =	swait.ge [sflag:s14], $0x1F40  }
0x5d: {  	[sflag:s14] =	ssyncset.done $0x0  }
0x5e: {  	[sflag:s14] =	ssyncadd.s32 $0xFFFFE0C0  }
0x5f: {  	[spmem:s8] =	stream.linear.scatter [tilespmem:s13], [sflag:$0x3], $0x1F40, $0x38;
	[tilespmem:$0x19980] =	vst v63  }
0x60: {  	_ =	swait.ge [sflag:s14], $0x1F40  }
0x61: {  	[sflag:s14] =	ssyncset.done $0x0  }
0x62: {  	[sflag:s14] =	ssyncadd.s32 $0xFFFFE0C0  }
0x63: {  	[bflag:$0x0] =	sbarrier.arrive $0xFFFF  }
0x64: {  	s20 =	rddreg [dreg:$0x18]  }
0x65: {  	[tilespmem:s1], [sflag:$0x3] =	stream.linear.gather [hbm4b:s20+s1], $0x100, $0x38;
	[tilespmem:$0x19980] =	vst v63  }
0x66: {  	_ =	swait.ge [sflag:s14], $0x100  }
0x67: {  	[sflag:s14] =	ssyncset.done $0x0  }
0x68: {  	[sflag:s14] =	ssyncadd.s32 $0xFFFFFF00  }
0x69: {  	[tilespmem:s16], [sflag:$0x1] =	stream.indirect.gather [hbm4b:s25+s15], $0x20, s1, s15, $0xb8;
	[tilespmem:$0x19980] =	vst v63  }
0x6a: {  	s0 =	sadd.s32 $0x0, s10  }
0x6b: {  	[tilespmem:s17], [sflag:$0x3] =	stream.linear.gather [hbm4b:s0+s1], $0x100, $0x38;
	[tilespmem:$0x19980] =	vst v63  }
0x6c: {  	_ =	swait.ge [sflag:s14], $0x100  }
0x6d: {  	[sflag:s14] =	ssyncset.done $0x0  }
0x6e: {  	[sflag:s14] =	ssyncadd.s32 $0xFFFFFF00  }
0x6f: {  	[tilespmem:s18], [sflag:$0x2] =	stream.indirect.gather [hbm4b:s25+s15], $0x20, s17, s15, $0xb8;
	[tilespmem:$0x19980] =	vst v63  }
0x70: {  	_ =	swait.ge [sflag:s19], $0x1000  }
0x71: {  	[sflag:s19] =	ssyncset.done $0x0  }
0x72: {  	[sflag:s19] =	ssyncadd.s32 $0xFFFFF000  }
0x73: {  	[spmem:s22] =	stream.indirect.scatter.add.f32 [tilespmem:s16], [sflag:$0x3], $0x20, s15, s15, $0xb8;
	[tilespmem:$0x19980] =	vst v63  }
0x74: {  	_ =	swait.ge [sflag:s14], $0x1000  }
0x75: {  	s0 =	rddreg [dreg:$0x1e]  }
0x76: {  	[sflag:s14] =	ssyncset.done $0x0;
	s9 =	sshrl.u32 s0, $0x3  }
0x77: {  	[sflag:s14] =	ssyncadd.s32 $0xFFFFF000;
	s20 =	sadd.s32 s26, s9  }
0x78: {  	[tilespmem:s1], [sflag:$0x3] =	stream.linear.gather [hbm4b:s20+s1], $0x100, $0x38;
	[tilespmem:$0x19980] =	vst v63  }
0x79: {  	_ =	swait.ge [sflag:s14], $0x100  }
0x7a: {  	[sflag:s14] =	ssyncset.done $0x0  }
0x7b: {  	[sflag:s14] =	ssyncadd.s32 $0xFFFFFF00  }
0x7c: {  	[tilespmem:s16], [sflag:$0x1] =	stream.indirect.gather [hbm4b:s25+s15], $0x20, s1, s15, $0xb8;
	[tilespmem:$0x19980] =	vst v63  }
0x7d: {  	_ =	swait.ge [sflag:s23], $0x1000  }
0x7e: {  	[sflag:s23] =	ssyncset.done $0x0  }
0x7f: {  	[sflag:s23] =	ssyncadd.s32 $0xFFFFF000  }
0x80: {  	[spmem:s22] =	stream.indirect.scatter.add.f32 [tilespmem:s18], [sflag:$0x3], $0x20, s24, s15, $0xb8;
	[tilespmem:$0x19980] =	vst v63  }
0x81: {  	s30 =	simm.s32 $0x40;
	_ =	swait.ge [sflag:s14], $0x1000  }
0x82: {  	s31 =	sadd.s32 $0x200, s0;
	s20 =	simm.s32 $0x80;
	[sflag:s14] =	ssyncset.done $0x0  }
.LBB2_2:
0x83: {  	s9 =	sadd.s32 s30, s10  }
0x84: {  	[sflag:s14] =	ssyncadd.s32 $0xFFFFF000;
	s30 =	smov.u32 s20;
	s0 =	sadd.s32 $0x40, s20  }
0x85: {  	[tilespmem:s17], [sflag:$0x3] =	stream.linear.gather [hbm4b:s9+s1], $0x100, $0x38;
	[tilespmem:$0x19980] =	vst v63  }
0x86: {  	p0 =	sne.s32 s20, $0x1340;
	_ =	swait.ge [sflag:s14], $0x100  }
0x87: {  	[sflag:s14] =	ssyncset.done $0x0  }
0x88: {  	[sflag:s14] =	ssyncadd.s32 $0xFFFFFF00  }
0x89: {  	[tilespmem:s18], [sflag:$0x2] =	stream.indirect.gather [hbm4b:s25+s15], $0x20, s17, s15, $0xb8;
	[tilespmem:$0x19980] =	vst v63  }
0x8a: {  	_ =	swait.ge [sflag:s19], $0x1000  }
0x8b: {  	[sflag:s19] =	ssyncset.done $0x0  }
0x8c: {  	[sflag:s19] =	ssyncadd.s32 $0xFFFFF000  }
0x8d: {  	[spmem:s22] =	stream.indirect.scatter.add.f32 [tilespmem:s16], [sflag:$0x3], $0x20, s15, s15, $0xb8;
	[tilespmem:$0x19980] =	vst v63  }
0x8e: {  	_ =	swait.ge [sflag:s14], $0x1000  }
0x8f: {  	s9 =	sshrl.u32 s31, $0x3;
	[sflag:s14] =	ssyncset.done $0x0  }
0x90: {  	s9 =	sadd.s32 s26, s9;
	[sflag:s14] =	ssyncadd.s32 $0xFFFFF000  }
0x91: {  	[tilespmem:s1], [sflag:$0x3] =	stream.linear.gather [hbm4b:s9+s1], $0x100, $0x38;
	[tilespmem:$0x19980] =	vst v63  }
0x92: {  	_ =	swait.ge [sflag:s14], $0x100  }
0x93: {  	[sflag:s14] =	ssyncset.done $0x0  }
0x94: {  	[sflag:s14] =	ssyncadd.s32 $0xFFFFFF00  }
0x95: {  	[tilespmem:s16], [sflag:$0x1] =	stream.indirect.gather [hbm4b:s25+s15], $0x20, s1, s15, $0xb8;
	[tilespmem:$0x19980] =	vst v63  }
0x96: {  	_ =	swait.ge [sflag:s23], $0x1000  }
.Ltmp0:
0x97: {  	[sflag:s23] =	ssyncset.done $0x0;
	(pc) =	sbr.rel @p0 .LBB2_2-.Ltmp0, $4  }
0x98: {  	[sflag:s23] =	ssyncadd.s32 $0xFFFFF000  }
0x99: {  	[spmem:s22] =	stream.indirect.scatter.add.f32 [tilespmem:s18], [sflag:$0x3], $0x20, s24, s15, $0xb8;
	[tilespmem:$0x19980] =	vst v63  }
0x9a: {  	_ =	swait.ge [sflag:s14], $0x1000  }
0x9b: {  	s31 =	sadd.s32 $0x200, s31;
	s20 =	smov.u32 s0;
	[sflag:s14] =	ssyncset.done $0x0  }
0x9c: {  	s0 =	sadd.s32 s30, s10;
	[sflag:s14] =	ssyncadd.s32 $0xFFFFF000  }
0x9d: {  	[tilespmem:s17], [sflag:$0x3] =	stream.linear.gather [hbm4b:s0+s1], $0x100, $0x38;
	[tilespmem:$0x19980] =	vst v63  }
0x9e: {  	_ =	swait.ge [sflag:s14], $0x100  }
0x9f: {  	[sflag:s14] =	ssyncset.done $0x0  }
0xa0: {  	[sflag:s14] =	ssyncadd.s32 $0xFFFFFF00  }
0xa1: {  	[tilespmem:s18], [sflag:$0x2] =	stream.indirect.gather [hbm4b:s25+s15], $0x20, s17, s15, $0xb8;
	[tilespmem:$0x19980] =	vst v63  }
0xa2: {  	_ =	swait.ge [sflag:s19], $0x1000  }
0xa3: {  	[sflag:s19] =	ssyncset.done $0x0  }
0xa4: {  	[sflag:s19] =	ssyncadd.s32 $0xFFFFF000  }
0xa5: {  	[spmem:s22] =	stream.indirect.scatter.add.f32 [tilespmem:s16], [sflag:$0x3], $0x20, s15, s15, $0xb8;
	[tilespmem:$0x19980] =	vst v63  }
0xa6: {  	_ =	swait.ge [sflag:s14], $0x1000  }
0xa7: {  	s20 =	sshrl.u32 s31, $0x3;
	[sflag:s14] =	ssyncset.done $0x0  }
0xa8: {  	s0 =	sadd.s32 s26, s20;
	[sflag:s14] =	ssyncadd.s32 $0xFFFFF000  }
0xa9: {  	[tilespmem:s1], [sflag:$0x3] =	stream.linear.gather [hbm4b:s0+s1], $0x100, $0x38;
	[tilespmem:$0x19980] =	vst v63  }
0xaa: {  	_ =	swait.ge [sflag:s14], $0x100  }
0xab: {  	[sflag:s14] =	ssyncset.done $0x0  }
0xac: {  	[sflag:s14] =	ssyncadd.s32 $0xFFFFFF00  }
0xad: {  	[tilespmem:s16], [sflag:$0x1] =	stream.indirect.gather [hbm4b:s25+s15], $0x20, s1, s15, $0xb8;
	[tilespmem:$0x19980] =	vst v63  }
0xae: {  	_ =	swait.ge [sflag:s23], $0x1000  }
0xaf: {  	[sflag:s23] =	ssyncset.done $0x0  }
0xb0: {  	[sflag:s23] =	ssyncadd.s32 $0xFFFFF000  }
0xb1: {  	[spmem:s22] =	stream.indirect.scatter.add.f32 [tilespmem:s18], [sflag:$0x3], $0x20, s24, s15, $0xb8;
	[tilespmem:$0x19980] =	vst v63  }
0xb2: {  	_ =	swait.ge [sflag:s14], $0x1000  }
0xb3: {  	[sflag:s14] =	ssyncset.done $0x0  }
0xb4: {  	[sflag:s14] =	ssyncadd.s32 $0xFFFFF000  }
0xb5: {  	_ =	swait.ge [sflag:s19], $0x1000  }
0xb6: {  	[sflag:s19] =	ssyncset.done $0x0  }
0xb7: {  	[sflag:s19] =	ssyncadd.s32 $0xFFFFF000  }
0xb8: {  	[spmem:s22] =	stream.indirect.scatter.add.f32 [tilespmem:s16], [sflag:$0x3], $0x20, s15, s15, $0xb8;
	[tilespmem:$0x19980] =	vst v63  }
0xb9: {  	_ =	swait.ge [sflag:s14], $0x1000  }
0xba: {  	[sflag:s14] =	ssyncset.done $0x0  }
0xbb: {  	[sflag:s14] =	ssyncadd.s32 $0xFFFFF000  }
0xbc: {  	[bflag:$0x0] =	sbarrier.arrive $0xFFFF  }
0xbd: {  	s30 =	rddreg [dreg:$0x1a]  }
0xbe: {  	[tilespmem:s28], [sflag:$0x3] =	stream.linear.gather [spmem:s30], $0x1F40, $0x38;
	[tilespmem:$0x19980] =	vst v63  }
0xbf: {  	_ =	swait.ge [sflag:s14], $0x1F40  }
0xc0: {  	[sflag:s14] =	ssyncset.done $0x0  }
0xc1: {  	s31 =	simm.s32 $0x0;
	s9 =	rddreg [dreg:$0x4];
	[sflag:s14] =	ssyncadd.s32 $0xFFFFE0C0  }
0xc2: {  	[hbm4b:s9+s31] =	stream.linear.scatter [tilespmem:s28], [sflag:$0x3], $0x1F40, $0x38;
	[tilespmem:$0x19980] =	vst v63  }
0xc3: {  	_ =	swait.ge [sflag:s14], $0x1F40  }
0xc4: {  	[sflag:s14] =	ssyncset.done $0x0  }
0xc5: {  	s9 =	rddreg [dreg:$0x1d];
	[sflag:s14] =	ssyncadd.s32 $0xFFFFE0C0  }
0xc6: {  	[tilespmem:s28], [sflag:$0x3] =	stream.linear.gather [spmem:s9], $0x1F40, $0x38;
	[tilespmem:$0x19980] =	vst v63  }
0xc7: {  	_ =	swait.ge [sflag:s14], $0x1F40  }
0xc8: {  	[sflag:s14] =	ssyncset.done $0x0  }
0xc9: {  	s20 =	rddreg [dreg:$0x5];
	[sflag:s14] =	ssyncadd.s32 $0xFFFFE0C0  }
0xca: {  	[hbm4b:s20+s31] =	stream.linear.scatter [tilespmem:s28], [sflag:$0x3], $0x1F40, $0x38;
	[tilespmem:$0x19980] =	vst v63  }
0xcb: {  	_ =	swait.ge [sflag:s14], $0x1F40  }
0xcc: {  	[sflag:s14] =	ssyncset.done $0x0  }
0xcd: {  	[sflag:s14] =	ssyncadd.s32 $0xFFFFE0C0  }
0xce: {  	[tilespmem:s28], [sflag:$0x3] =	stream.linear.gather [spmem:s21], $0x1F40, $0x38;
	[tilespmem:$0x19980] =	vst v63  }
0xcf: {  	_ =	swait.ge [sflag:s14], $0x1F40  }
0xd0: {  	[sflag:s14] =	ssyncset.done $0x0  }
0xd1: {  	s30 =	rddreg [dreg:$0x6];
	[sflag:s14] =	ssyncadd.s32 $0xFFFFE0C0  }
0xd2: {  	[hbm4b:s30+s31] =	stream.linear.scatter [tilespmem:s28], [sflag:$0x3], $0x1F40, $0x38;
	[tilespmem:$0x19980] =	vst v63  }
0xd3: {  	_ =	swait.ge [sflag:s14], $0x1F40  }
0xd4: {  	[sflag:s14] =	ssyncset.done $0x0  }
0xd5: {  	[sflag:s14] =	ssyncadd.s32 $0xFFFFE0C0  }
0xd6: {  	[tilespmem:s28], [sflag:$0x3] =	stream.linear.gather [spmem:s2], $0x1F40, $0x38;
	[tilespmem:$0x19980] =	vst v63  }
0xd7: {  	_ =	swait.ge [sflag:s14], $0x1F40  }
0xd8: {  	[sflag:s14] =	ssyncset.done $0x0  }
0xd9: {  	s20 =	rddreg [dreg:$0x7];
	[sflag:s14] =	ssyncadd.s32 $0xFFFFE0C0  }
0xda: {  	[hbm4b:s20+s31] =	stream.linear.scatter [tilespmem:s28], [sflag:$0x3], $0x1F40, $0x38;
	[tilespmem:$0x19980] =	vst v63  }
0xdb: {  	_ =	swait.ge [sflag:s14], $0x1F40  }
0xdc: {  	[sflag:s14] =	ssyncset.done $0x0  }
0xdd: {  	[sflag:s14] =	ssyncadd.s32 $0xFFFFE0C0  }
0xde: {  	[tilespmem:s28], [sflag:$0x3] =	stream.linear.gather [spmem:s3], $0x1F40, $0x38;
	[tilespmem:$0x19980] =	vst v63  }
0xdf: {  	_ =	swait.ge [sflag:s14], $0x1F40  }
0xe0: {  	[sflag:s14] =	ssyncset.done $0x0  }
0xe1: {  	s30 =	rddreg [dreg:$0x8];
	[sflag:s14] =	ssyncadd.s32 $0xFFFFE0C0  }
0xe2: {  	[hbm4b:s30+s31] =	stream.linear.scatter [tilespmem:s28], [sflag:$0x3], $0x1F40, $0x38;
	[tilespmem:$0x19980] =	vst v63  }
0xe3: {  	_ =	swait.ge [sflag:s14], $0x1F40  }
0xe4: {  	[sflag:s14] =	ssyncset.done $0x0  }
0xe5: {  	[sflag:s14] =	ssyncadd.s32 $0xFFFFE0C0  }
0xe6: {  	[tilespmem:s28], [sflag:$0x3] =	stream.linear.gather [spmem:s4], $0x1F40, $0x38;
	[tilespmem:$0x19980] =	vst v63  }
0xe7: {  	_ =	swait.ge [sflag:s14], $0x1F40  }
0xe8: {  	[sflag:s14] =	ssyncset.done $0x0  }
0xe9: {  	s20 =	rddreg [dreg:$0x9];
	[sflag:s14] =	ssyncadd.s32 $0xFFFFE0C0  }
0xea: {  	[hbm4b:s20+s31] =	stream.linear.scatter [tilespmem:s28], [sflag:$0x3], $0x1F40, $0x38;
	[tilespmem:$0x19980] =	vst v63  }
0xeb: {  	_ =	swait.ge [sflag:s14], $0x1F40  }
0xec: {  	[sflag:s14] =	ssyncset.done $0x0  }
0xed: {  	[sflag:s14] =	ssyncadd.s32 $0xFFFFE0C0  }
0xee: {  	[tilespmem:s28], [sflag:$0x3] =	stream.linear.gather [spmem:s5], $0x1F40, $0x38;
	[tilespmem:$0x19980] =	vst v63  }
0xef: {  	_ =	swait.ge [sflag:s14], $0x1F40  }
0xf0: {  	[sflag:s14] =	ssyncset.done $0x0  }
0xf1: {  	s30 =	rddreg [dreg:$0xa];
	[sflag:s14] =	ssyncadd.s32 $0xFFFFE0C0  }
0xf2: {  	[hbm4b:s30+s31] =	stream.linear.scatter [tilespmem:s28], [sflag:$0x3], $0x1F40, $0x38;
	[tilespmem:$0x19980] =	vst v63  }
0xf3: {  	_ =	swait.ge [sflag:s14], $0x1F40  }
0xf4: {  	[sflag:s14] =	ssyncset.done $0x0  }
0xf5: {  	[sflag:s14] =	ssyncadd.s32 $0xFFFFE0C0  }
0xf6: {  	[tilespmem:s28], [sflag:$0x3] =	stream.linear.gather [spmem:s6], $0x1F40, $0x38;
	[tilespmem:$0x19980] =	vst v63  }
0xf7: {  	_ =	swait.ge [sflag:s14], $0x1F40  }
0xf8: {  	[sflag:s14] =	ssyncset.done $0x0  }
0xf9: {  	s20 =	rddreg [dreg:$0xb];
	[sflag:s14] =	ssyncadd.s32 $0xFFFFE0C0  }
0xfa: {  	[hbm4b:s20+s31] =	stream.linear.scatter [tilespmem:s28], [sflag:$0x3], $0x1F40, $0x38;
	[tilespmem:$0x19980] =	vst v63  }
0xfb: {  	_ =	swait.ge [sflag:s14], $0x1F40  }
0xfc: {  	[sflag:s14] =	ssyncset.done $0x0  }
0xfd: {  	[sflag:s14] =	ssyncadd.s32 $0xFFFFE0C0  }
0xfe: {  	[tilespmem:s28], [sflag:$0x3] =	stream.linear.gather [spmem:s7], $0x1F40, $0x38;
	[tilespmem:$0x19980] =	vst v63  }
0xff: {  	_ =	swait.ge [sflag:s14], $0x1F40  }
0x100: {  	[sflag:s14] =	ssyncset.done $0x0  }
0x101: {  	s30 =	rddreg [dreg:$0xc];
	[sflag:s14] =	ssyncadd.s32 $0xFFFFE0C0  }
0x102: {  	[hbm4b:s30+s31] =	stream.linear.scatter [tilespmem:s28], [sflag:$0x3], $0x1F40, $0x38;
	[tilespmem:$0x19980] =	vst v63  }
0x103: {  	_ =	swait.ge [sflag:s14], $0x1F40  }
0x104: {  	[sflag:s14] =	ssyncset.done $0x0  }
0x105: {  	[sflag:s14] =	ssyncadd.s32 $0xFFFFE0C0  }
0x106: {  	[tilespmem:s28], [sflag:$0x3] =	stream.linear.gather [spmem:s8], $0x1F40, $0x38;
	[tilespmem:$0x19980] =	vst v63  }
0x107: {  	_ =	swait.ge [sflag:s14], $0x1F40  }
0x108: {  	[sflag:s14] =	ssyncset.done $0x0  }
0x109: {  	s20 =	rddreg [dreg:$0xd];
	[sflag:s14] =	ssyncadd.s32 $0xFFFFE0C0  }
0x10a: {  	[hbm4b:s20+s31] =	stream.linear.scatter [tilespmem:s28], [sflag:$0x3], $0x1F40, $0x38;
	[tilespmem:$0x19980] =	vst v63  }
0x10b: {  	_ =	swait.ge [sflag:s14], $0x1F40  }
0x10c: {  	[sflag:s14] =	ssyncset.done $0x0  }
0x10d: {  	s30 =	rddreg [dreg:$0x1c];
	[sflag:s14] =	ssyncadd.s32 $0xFFFFE0C0  }
0x10e: {  	[spmem:s30] =	stream.linear.scatter [tilespmem:s13], [sflag:$0x3], $0x1F40, $0x38;
	[tilespmem:$0x19980] =	vst v63  }
0x10f: {  	_ =	swait.ge [sflag:s14], $0x1F40  }
0x110: {  	[sflag:s14] =	ssyncset.done $0x0  }
0x111: {  	[sflag:s14] =	ssyncadd.s32 $0xFFFFE0C0  }
0x112: {  	[spmem:s9] =	stream.linear.scatter [tilespmem:s13], [sflag:$0x3], $0x1F40, $0x38;
	[tilespmem:$0x19980] =	vst v63  }
0x113: {  	_ =	swait.ge [sflag:s14], $0x1F40  }
0x114: {  	[sflag:s14] =	ssyncset.done $0x0  }
0x115: {  	[sflag:s14] =	ssyncadd.s32 $0xFFFFE0C0  }
0x116: {  	[spmem:s21] =	stream.linear.scatter [tilespmem:s13], [sflag:$0x3], $0x1F40, $0x38;
	[tilespmem:$0x19980] =	vst v63  }
0x117: {  	_ =	swait.ge [sflag:s14], $0x1F40  }
0x118: {  	[sflag:s14] =	ssyncset.done $0x0  }
0x119: {  	[sflag:s14] =	ssyncadd.s32 $0xFFFFE0C0  }
0x11a: {  	[spmem:s2] =	stream.linear.scatter [tilespmem:s13], [sflag:$0x3], $0x1F40, $0x38;
	[tilespmem:$0x19980] =	vst v63  }
0x11b: {  	_ =	swait.ge [sflag:s14], $0x1F40  }
0x11c: {  	[sflag:s14] =	ssyncset.done $0x0  }
0x11d: {  	[sflag:s14] =	ssyncadd.s32 $0xFFFFE0C0  }
0x11e: {  	[spmem:s3] =	stream.linear.scatter [tilespmem:s13], [sflag:$0x3], $0x1F40, $0x38;
	[tilespmem:$0x19980] =	vst v63  }
0x11f: {  	_ =	swait.ge [sflag:s14], $0x1F40  }
0x120: {  	[sflag:s14] =	ssyncset.done $0x0  }
0x121: {  	[sflag:s14] =	ssyncadd.s32 $0xFFFFE0C0  }
0x122: {  	[spmem:s4] =	stream.linear.scatter [tilespmem:s13], [sflag:$0x3], $0x1F40, $0x38;
	[tilespmem:$0x19980] =	vst v63  }
0x123: {  	_ =	swait.ge [sflag:s14], $0x1F40  }
0x124: {  	[sflag:s14] =	ssyncset.done $0x0  }
0x125: {  	[sflag:s14] =	ssyncadd.s32 $0xFFFFE0C0  }
0x126: {  	[spmem:s5] =	stream.linear.scatter [tilespmem:s13], [sflag:$0x3], $0x1F40, $0x38;
	[tilespmem:$0x19980] =	vst v63  }
0x127: {  	_ =	swait.ge [sflag:s14], $0x1F40  }
0x128: {  	[sflag:s14] =	ssyncset.done $0x0  }
0x129: {  	[sflag:s14] =	ssyncadd.s32 $0xFFFFE0C0  }
0x12a: {  	[spmem:s6] =	stream.linear.scatter [tilespmem:s13], [sflag:$0x3], $0x1F40, $0x38;
	[tilespmem:$0x19980] =	vst v63  }
0x12b: {  	_ =	swait.ge [sflag:s14], $0x1F40  }
0x12c: {  	[sflag:s14] =	ssyncset.done $0x0  }
0x12d: {  	[sflag:s14] =	ssyncadd.s32 $0xFFFFE0C0  }
0x12e: {  	[spmem:s7] =	stream.linear.scatter [tilespmem:s13], [sflag:$0x3], $0x1F40, $0x38;
	[tilespmem:$0x19980] =	vst v63  }
0x12f: {  	_ =	swait.ge [sflag:s14], $0x1F40  }
0x130: {  	[sflag:s14] =	ssyncset.done $0x0  }
0x131: {  	[sflag:s14] =	ssyncadd.s32 $0xFFFFE0C0  }
0x132: {  	[spmem:s8] =	stream.linear.scatter [tilespmem:s13], [sflag:$0x3], $0x1F40, $0x38;
	[tilespmem:$0x19980] =	vst v63  }
0x133: {  	_ =	swait.ge [sflag:s14], $0x1F40  }
0x134: {  	[sflag:s14] =	ssyncset.done $0x0  }
0x135: {  	[sflag:s14] =	ssyncadd.s32 $0xFFFFE0C0  }
0x136: {  	[bflag:$0x0] =	sbarrier.arrive $0xFFFF  }
0x137: {  	s9 =	rddreg [dreg:$0x19]  }
0x138: {  	[tilespmem:s31], [sflag:$0x3] =	stream.linear.gather [hbm4b:s9+s31], $0x100, $0x38;
	[tilespmem:$0x19980] =	vst v63  }
0x139: {  	_ =	swait.ge [sflag:s14], $0x100  }
0x13a: {  	[sflag:s14] =	ssyncset.done $0x0  }
0x13b: {  	[sflag:s14] =	ssyncadd.s32 $0xFFFFFF00  }
0x13c: {  	[tilespmem:s16], [sflag:$0x1] =	stream.indirect.gather [hbm4b:s25+s15], $0x20, s31, s15, $0xb8;
	[tilespmem:$0x19980] =	vst v63  }
0x13d: {  	s20 =	sadd.s32 $0x0, s12  }
0x13e: {  	[tilespmem:s17], [sflag:$0x3] =	stream.linear.gather [hbm4b:s20+s1], $0x100, $0x38;
	[tilespmem:$0x19980] =	vst v63  }
0x13f: {  	_ =	swait.ge [sflag:s14], $0x100  }
0x140: {  	[sflag:s14] =	ssyncset.done $0x0  }
0x141: {  	[sflag:s14] =	ssyncadd.s32 $0xFFFFFF00  }
0x142: {  	[tilespmem:s18], [sflag:$0x2] =	stream.indirect.gather [hbm4b:s25+s15], $0x20, s17, s15, $0xb8;
	[tilespmem:$0x19980] =	vst v63  }
0x143: {  	_ =	swait.ge [sflag:s19], $0x1000  }
0x144: {  	[sflag:s19] =	ssyncset.done $0x0  }
0x145: {  	[sflag:s19] =	ssyncadd.s32 $0xFFFFF000  }
0x146: {  	[spmem:s22] =	stream.indirect.scatter.add.f32 [tilespmem:s16], [sflag:$0x3], $0x20, s15, s15, $0xb8;
	[tilespmem:$0x19980] =	vst v63  }
0x147: {  	_ =	swait.ge [sflag:s14], $0x1000  }
0x148: {  	[sflag:s14] =	ssyncset.done $0x0  }
0x149: {  	s30 =	sadd.s32 $0x0, s11;
	[sflag:s14] =	ssyncadd.s32 $0xFFFFF000  }
0x14a: {  	[tilespmem:s1], [sflag:$0x3] =	stream.linear.gather [hbm4b:s30+s1], $0x100, $0x38;
	[tilespmem:$0x19980] =	vst v63  }
0x14b: {  	_ =	swait.ge [sflag:s14], $0x100  }
0x14c: {  	[sflag:s14] =	ssyncset.done $0x0  }
0x14d: {  	[sflag:s14] =	ssyncadd.s32 $0xFFFFFF00  }
0x14e: {  	[tilespmem:s16], [sflag:$0x1] =	stream.indirect.gather [hbm4b:s25+s15], $0x20, s1, s15, $0xb8;
	[tilespmem:$0x19980] =	vst v63  }
0x14f: {  	_ =	swait.ge [sflag:s23], $0x1000  }
0x150: {  	[sflag:s23] =	ssyncset.done $0x0  }
0x151: {  	[sflag:s23] =	ssyncadd.s32 $0xFFFFF000  }
0x152: {  	[spmem:s22] =	stream.indirect.scatter.add.f32 [tilespmem:s18], [sflag:$0x3], $0x20, s24, s15, $0xb8;
	[tilespmem:$0x19980] =	vst v63  }
0x153: {  	_ =	swait.ge [sflag:s14], $0x1000  }
0x154: {  	s31 =	simm.s32 $0x40;
	s20 =	simm.s32 $0x80;
	[sflag:s14] =	ssyncset.done $0x0  }
.LBB2_4:
0x155: {  	s0 =	sadd.s32 s31, s12  }
0x156: {  	[sflag:s14] =	ssyncadd.s32 $0xFFFFF000;
	s9 =	smov.u32 s20;
	s30 =	sadd.s32 $0x40, s20  }
0x157: {  	[tilespmem:s17], [sflag:$0x3] =	stream.linear.gather [hbm4b:s0+s1], $0x100, $0x38;
	[tilespmem:$0x19980] =	vst v63  }
0x158: {  	p0 =	sne.s32 s20, $0x1340;
	_ =	swait.ge [sflag:s14], $0x100  }
0x159: {  	[sflag:s14] =	ssyncset.done $0x0  }
0x15a: {  	[sflag:s14] =	ssyncadd.s32 $0xFFFFFF00  }
0x15b: {  	[tilespmem:s18], [sflag:$0x2] =	stream.indirect.gather [hbm4b:s25+s15], $0x20, s17, s15, $0xb8;
	[tilespmem:$0x19980] =	vst v63  }
0x15c: {  	_ =	swait.ge [sflag:s19], $0x1000  }
0x15d: {  	[sflag:s19] =	ssyncset.done $0x0  }
0x15e: {  	[sflag:s19] =	ssyncadd.s32 $0xFFFFF000  }
0x15f: {  	[spmem:s22] =	stream.indirect.scatter.add.f32 [tilespmem:s16], [sflag:$0x3], $0x20, s15, s15, $0xb8;
	[tilespmem:$0x19980] =	vst v63  }
0x160: {  	_ =	swait.ge [sflag:s14], $0x1000  }
0x161: {  	[sflag:s14] =	ssyncset.done $0x0  }
0x162: {  	s0 =	sadd.s32 s31, s11;
	s31 =	smov.u32 s9;
	[sflag:s14] =	ssyncadd.s32 $0xFFFFF000  }
0x163: {  	[tilespmem:s1], [sflag:$0x3] =	stream.linear.gather [hbm4b:s0+s1], $0x100, $0x38;
	[tilespmem:$0x19980] =	vst v63  }
0x164: {  	_ =	swait.ge [sflag:s14], $0x100  }
0x165: {  	[sflag:s14] =	ssyncset.done $0x0  }
0x166: {  	[sflag:s14] =	ssyncadd.s32 $0xFFFFFF00  }
0x167: {  	[tilespmem:s16], [sflag:$0x1] =	stream.indirect.gather [hbm4b:s25+s15], $0x20, s1, s15, $0xb8;
	[tilespmem:$0x19980] =	vst v63  }
0x168: {  	_ =	swait.ge [sflag:s23], $0x1000  }
.Ltmp1:
0x169: {  	[sflag:s23] =	ssyncset.done $0x0;
	(pc) =	sbr.rel @p0 .LBB2_4-.Ltmp1, $4  }
0x16a: {  	[sflag:s23] =	ssyncadd.s32 $0xFFFFF000  }
0x16b: {  	[spmem:s22] =	stream.indirect.scatter.add.f32 [tilespmem:s18], [sflag:$0x3], $0x20, s24, s15, $0xb8;
	[tilespmem:$0x19980] =	vst v63  }
0x16c: {  	_ =	swait.ge [sflag:s14], $0x1000  }
0x16d: {  	s20 =	smov.u32 s30;
	[sflag:s14] =	ssyncset.done $0x0  }
0x16e: {  	s0 =	sadd.s32 s31, s12;
	[sflag:s14] =	ssyncadd.s32 $0xFFFFF000  }
0x16f: {  	[tilespmem:s17], [sflag:$0x3] =	stream.linear.gather [hbm4b:s0+s1], $0x100, $0x38;
	[tilespmem:$0x19980] =	vst v63  }
0x170: {  	_ =	swait.ge [sflag:s14], $0x100  }
0x171: {  	[sflag:s14] =	ssyncset.done $0x0  }
0x172: {  	[sflag:s14] =	ssyncadd.s32 $0xFFFFFF00  }
0x173: {  	[tilespmem:s18], [sflag:$0x2] =	stream.indirect.gather [hbm4b:s25+s15], $0x20, s17, s15, $0xb8;
	[tilespmem:$0x19980] =	vst v63  }
0x174: {  	_ =	swait.ge [sflag:s19], $0x1000  }
0x175: {  	[sflag:s19] =	ssyncset.done $0x0  }
0x176: {  	[sflag:s19] =	ssyncadd.s32 $0xFFFFF000  }
0x177: {  	[spmem:s22] =	stream.indirect.scatter.add.f32 [tilespmem:s16], [sflag:$0x3], $0x20, s15, s15, $0xb8;
	[tilespmem:$0x19980] =	vst v63  }
0x178: {  	_ =	swait.ge [sflag:s14], $0x1000  }
0x179: {  	[sflag:s14] =	ssyncset.done $0x0  }
0x17a: {  	s9 =	sadd.s32 s31, s11;
	[sflag:s14] =	ssyncadd.s32 $0xFFFFF000  }
0x17b: {  	[tilespmem:s1], [sflag:$0x3] =	stream.linear.gather [hbm4b:s9+s1], $0x100, $0x38;
	[tilespmem:$0x19980] =	vst v63  }
0x17c: {  	_ =	swait.ge [sflag:s14], $0x100  }
0x17d: {  	[sflag:s14] =	ssyncset.done $0x0  }
0x17e: {  	[sflag:s14] =	ssyncadd.s32 $0xFFFFFF00  }
0x17f: {  	[tilespmem:s16], [sflag:$0x1] =	stream.indirect.gather [hbm4b:s25+s15], $0x20, s1, s15, $0xb8;
	[tilespmem:$0x19980] =	vst v63  }
0x180: {  	_ =	swait.ge [sflag:s23], $0x1000  }
0x181: {  	[sflag:s23] =	ssyncset.done $0x0  }
0x182: {  	[sflag:s23] =	ssyncadd.s32 $0xFFFFF000  }
0x183: {  	[spmem:s22] =	stream.indirect.scatter.add.f32 [tilespmem:s18], [sflag:$0x3], $0x20, s24, s15, $0xb8;
	[tilespmem:$0x19980] =	vst v63  }
0x184: {  	_ =	swait.ge [sflag:s14], $0x1000  }
0x185: {  	[sflag:s14] =	ssyncset.done $0x0  }
0x186: {  	[sflag:s14] =	ssyncadd.s32 $0xFFFFF000  }
0x187: {  	_ =	swait.ge [sflag:s19], $0x1000  }
0x188: {  	[sflag:s19] =	ssyncset.done $0x0  }
0x189: {  	[sflag:s19] =	ssyncadd.s32 $0xFFFFF000  }
0x18a: {  	[spmem:s22] =	stream.indirect.scatter.add.f32 [tilespmem:s16], [sflag:$0x3], $0x20, s15, s15, $0xb8;
	[tilespmem:$0x19980] =	vst v63  }
0x18b: {  	_ =	swait.ge [sflag:s14], $0x1000  }
0x18c: {  	[sflag:s14] =	ssyncset.done $0x0  }
0x18d: {  	[sflag:s14] =	ssyncadd.s32 $0xFFFFF000  }
0x18e: {  	[bflag:$0x0] =	sbarrier.arrive $0xFFFF  }
0x18f: {  	s20 =	rddreg [dreg:$0x1a]  }
0x190: {  	[tilespmem:s28], [sflag:$0x3] =	stream.linear.gather [spmem:s20], $0x1F40, $0x38;
	[tilespmem:$0x19980] =	vst v63  }
0x191: {  	_ =	swait.ge [sflag:s14], $0x1F40  }
0x192: {  	[sflag:s14] =	ssyncset.done $0x0  }
0x193: {  	s30 =	rddreg [dreg:$0xe];
	[sflag:s14] =	ssyncadd.s32 $0xFFFFE0C0  }
0x194: {  	[hbm4b:s30+s1] =	stream.linear.scatter [tilespmem:s28], [sflag:$0x3], $0x1F40, $0x38;
	[tilespmem:$0x19980] =	vst v63  }
0x195: {  	_ =	swait.ge [sflag:s14], $0x1F40  }
0x196: {  	[sflag:s14] =	ssyncset.done $0x0  }
0x197: {  	s20 =	rddreg [dreg:$0x1d];
	[sflag:s14] =	ssyncadd.s32 $0xFFFFE0C0  }
0x198: {  	[tilespmem:s28], [sflag:$0x3] =	stream.linear.gather [spmem:s20], $0x1F40, $0x38;
	[tilespmem:$0x19980] =	vst v63  }
0x199: {  	_ =	swait.ge [sflag:s14], $0x1F40  }
0x19a: {  	[sflag:s14] =	ssyncset.done $0x0  }
0x19b: {  	s31 =	rddreg [dreg:$0xf];
	[sflag:s14] =	ssyncadd.s32 $0xFFFFE0C0  }
0x19c: {  	[hbm4b:s31+s1] =	stream.linear.scatter [tilespmem:s28], [sflag:$0x3], $0x1F40, $0x38;
	[tilespmem:$0x19980] =	vst v63  }
0x19d: {  	_ =	swait.ge [sflag:s14], $0x1F40  }
0x19e: {  	[sflag:s14] =	ssyncset.done $0x0  }
0x19f: {  	[sflag:s14] =	ssyncadd.s32 $0xFFFFE0C0  }
0x1a0: {  	[tilespmem:s28], [sflag:$0x3] =	stream.linear.gather [spmem:s21], $0x1F40, $0x38;
	[tilespmem:$0x19980] =	vst v63  }
0x1a1: {  	_ =	swait.ge [sflag:s14], $0x1F40  }
0x1a2: {  	[sflag:s14] =	ssyncset.done $0x0  }
0x1a3: {  	s9 =	rddreg [dreg:$0x10];
	[sflag:s14] =	ssyncadd.s32 $0xFFFFE0C0  }
0x1a4: {  	[hbm4b:s9+s1] =	stream.linear.scatter [tilespmem:s28], [sflag:$0x3], $0x1F40, $0x38;
	[tilespmem:$0x19980] =	vst v63  }
0x1a5: {  	_ =	swait.ge [sflag:s14], $0x1F40  }
0x1a6: {  	[sflag:s14] =	ssyncset.done $0x0  }
0x1a7: {  	[sflag:s14] =	ssyncadd.s32 $0xFFFFE0C0  }
0x1a8: {  	[tilespmem:s28], [sflag:$0x3] =	stream.linear.gather [spmem:s2], $0x1F40, $0x38;
	[tilespmem:$0x19980] =	vst v63  }
0x1a9: {  	_ =	swait.ge [sflag:s14], $0x1F40  }
0x1aa: {  	[sflag:s14] =	ssyncset.done $0x0  }
0x1ab: {  	s30 =	rddreg [dreg:$0x11];
	[sflag:s14] =	ssyncadd.s32 $0xFFFFE0C0  }
0x1ac: {  	[hbm4b:s30+s1] =	stream.linear.scatter [tilespmem:s28], [sflag:$0x3], $0x1F40, $0x38;
	[tilespmem:$0x19980] =	vst v63  }
0x1ad: {  	_ =	swait.ge [sflag:s14], $0x1F40  }
0x1ae: {  	[sflag:s14] =	ssyncset.done $0x0  }
0x1af: {  	[sflag:s14] =	ssyncadd.s32 $0xFFFFE0C0  }
0x1b0: {  	[tilespmem:s28], [sflag:$0x3] =	stream.linear.gather [spmem:s3], $0x1F40, $0x38;
	[tilespmem:$0x19980] =	vst v63  }
0x1b1: {  	_ =	swait.ge [sflag:s14], $0x1F40  }
0x1b2: {  	[sflag:s14] =	ssyncset.done $0x0  }
0x1b3: {  	s31 =	rddreg [dreg:$0x12];
	[sflag:s14] =	ssyncadd.s32 $0xFFFFE0C0  }
0x1b4: {  	[hbm4b:s31+s1] =	stream.linear.scatter [tilespmem:s28], [sflag:$0x3], $0x1F40, $0x38;
	[tilespmem:$0x19980] =	vst v63  }
0x1b5: {  	_ =	swait.ge [sflag:s14], $0x1F40  }
0x1b6: {  	[sflag:s14] =	ssyncset.done $0x0  }
0x1b7: {  	[sflag:s14] =	ssyncadd.s32 $0xFFFFE0C0  }
0x1b8: {  	[tilespmem:s28], [sflag:$0x3] =	stream.linear.gather [spmem:s4], $0x1F40, $0x38;
	[tilespmem:$0x19980] =	vst v63  }
0x1b9: {  	_ =	swait.ge [sflag:s14], $0x1F40  }
0x1ba: {  	[sflag:s14] =	ssyncset.done $0x0  }
0x1bb: {  	s9 =	rddreg [dreg:$0x13];
	[sflag:s14] =	ssyncadd.s32 $0xFFFFE0C0  }
0x1bc: {  	[hbm4b:s9+s1] =	stream.linear.scatter [tilespmem:s28], [sflag:$0x3], $0x1F40, $0x38;
	[tilespmem:$0x19980] =	vst v63  }
0x1bd: {  	_ =	swait.ge [sflag:s14], $0x1F40  }
0x1be: {  	[sflag:s14] =	ssyncset.done $0x0  }
0x1bf: {  	[sflag:s14] =	ssyncadd.s32 $0xFFFFE0C0  }
0x1c0: {  	[tilespmem:s28], [sflag:$0x3] =	stream.linear.gather [spmem:s5], $0x1F40, $0x38;
	[tilespmem:$0x19980] =	vst v63  }
0x1c1: {  	_ =	swait.ge [sflag:s14], $0x1F40  }
0x1c2: {  	[sflag:s14] =	ssyncset.done $0x0  }
0x1c3: {  	s30 =	rddreg [dreg:$0x14];
	[sflag:s14] =	ssyncadd.s32 $0xFFFFE0C0  }
0x1c4: {  	[hbm4b:s30+s1] =	stream.linear.scatter [tilespmem:s28], [sflag:$0x3], $0x1F40, $0x38;
	[tilespmem:$0x19980] =	vst v63  }
0x1c5: {  	_ =	swait.ge [sflag:s14], $0x1F40  }
0x1c6: {  	[sflag:s14] =	ssyncset.done $0x0  }
0x1c7: {  	[sflag:s14] =	ssyncadd.s32 $0xFFFFE0C0  }
0x1c8: {  	[tilespmem:s28], [sflag:$0x3] =	stream.linear.gather [spmem:s6], $0x1F40, $0x38;
	[tilespmem:$0x19980] =	vst v63  }
0x1c9: {  	_ =	swait.ge [sflag:s14], $0x1F40  }
0x1ca: {  	[sflag:s14] =	ssyncset.done $0x0  }
0x1cb: {  	s31 =	rddreg [dreg:$0x15];
	[sflag:s14] =	ssyncadd.s32 $0xFFFFE0C0  }
0x1cc: {  	[hbm4b:s31+s1] =	stream.linear.scatter [tilespmem:s28], [sflag:$0x3], $0x1F40, $0x38;
	[tilespmem:$0x19980] =	vst v63  }
0x1cd: {  	_ =	swait.ge [sflag:s14], $0x1F40  }
0x1ce: {  	[sflag:s14] =	ssyncset.done $0x0  }
0x1cf: {  	[sflag:s14] =	ssyncadd.s32 $0xFFFFE0C0  }
0x1d0: {  	[tilespmem:s28], [sflag:$0x3] =	stream.linear.gather [spmem:s7], $0x1F40, $0x38;
	[tilespmem:$0x19980] =	vst v63  }
0x1d1: {  	_ =	swait.ge [sflag:s14], $0x1F40  }
0x1d2: {  	[sflag:s14] =	ssyncset.done $0x0  }
0x1d3: {  	s9 =	rddreg [dreg:$0x16];
	[sflag:s14] =	ssyncadd.s32 $0xFFFFE0C0  }
0x1d4: {  	[hbm4b:s9+s1] =	stream.linear.scatter [tilespmem:s28], [sflag:$0x3], $0x1F40, $0x38;
	[tilespmem:$0x19980] =	vst v63  }
0x1d5: {  	_ =	swait.ge [sflag:s14], $0x1F40  }
0x1d6: {  	[sflag:s14] =	ssyncset.done $0x0  }
0x1d7: {  	[sflag:s14] =	ssyncadd.s32 $0xFFFFE0C0  }
0x1d8: {  	[tilespmem:s28], [sflag:$0x3] =	stream.linear.gather [spmem:s8], $0x1F40, $0x38;
	[tilespmem:$0x19980] =	vst v63  }
0x1d9: {  	_ =	swait.ge [sflag:s14], $0x1F40  }
0x1da: {  	[sflag:s14] =	ssyncset.done $0x0  }
0x1db: {  	s30 =	rddreg [dreg:$0x17];
	[sflag:s14] =	ssyncadd.s32 $0xFFFFE0C0  }
0x1dc: {  	[hbm4b:s30+s1] =	stream.linear.scatter [tilespmem:s28], [sflag:$0x3], $0x1F40, $0x38;
	[tilespmem:$0x19980] =	vst v63  }
0x1dd: {  	_ =	swait.ge [sflag:s14], $0x1F40  }
0x1de: {  	s29 =	sadd.s32 $0x1, s29;
	s31 =	rddreg [dreg:$0x1b]  }
0x1df: {  	p0 =	sne.s32 s29, s31  }
.Ltmp2:
0x1e0: {  	_ = 	snop;
	(pc) =	sbr.rel @p0 .LBB2_1-.Ltmp2, $3  }
0x1e1: {  	_ =	sdelay $0x1  }
0x1e2: {  	[sflag:s14] =	ssyncset.done $0x0  }
0x1e3: {  	[sflag:s14] =	ssyncadd.s32 $0xFFFFE0C0  }
0x1e4: {  	_ =	sfence.sel $0x180000  }
0x1e5: {  	[bflag:$0x0] =	sbarrier.arrive $0xFFFF  }
0x1e6: {  	_ =	strace $0x9000004D  }
0x1e7: {  	s0 =	stileid.u32;
	[bflag:$0x2] =	sbarrier.arrive $0xFFFF  }
0x1e8: {  	p0 =	sne.s32 s0, $0x0;
	s0 =	rddreg [dreg:$0x3]  }
0x1e9: {  	s0 =	sadd.s32 @!p0 $0x100000, s0  }
0x1ea: {  	[sflag:s0] =	ssyncadd.tile.s32 @!p0 $0x1;
	_ =	shalt  }
.Lfunc_end2:
_tile_overlayer_lowered:
.L_overlay_start_2:
0x1eb: {  	(tag) =	ssettag $0x2  }
0x1ec: {  	s0 =	rddreg [dreg:$0x0];
	s2 =	stileid.u32  }
0x1ed: {  	s1 =	rddreg [dreg:$0x1];
	p0 =	sne.s32 s2, $0x0  }
0x1ee: {  	s3 =	rddreg [dreg:$0x2];
	[bflag:$0x3] =	sbarrier.arrive $0xFFFF;
	s2 =	simm.s32 @!p0 $0x1C03  }
0x1ef: {  	[timem:s3], [sflag:s2] =	dma.local @!p0 [hbm:s0], s1  }
0x1f0: {  	s0 =	simm.s32 @!p0 $0x3  }
0x1f1: {  	_ =	swait.ge @!p0 [sflag:s0], s1  }
0x1f2: {  	s1 =	ssub.s32 @!p0 $0x0, s1;
	[sflag:s0] =	ssyncset.done @!p0 $0x0  }
0x1f3: {  	[sflag:s0] =	ssyncadd.s32 @!p0 s1  }
0x1f4: {  	[bflag:$0x3] =	sbarrier.arrive $0xFFFF  }
0x1f5: {  	_ =	shalt  }

// kernel: kernel.8.cloned.1.call-start
scs
__scs_entry_jumppad:
0x0: {  	(pc) =	sbr.rel $0x88, $3  }
0x1: {  	(tag) =	ssettag $0x0;
	lr =	simm.s32 $0x1  }
0x2: {  	[smem:$0x3F93] =	sst lr;
	_ =	strace $0xD0000000  }
0x3: {  	_ = 	snop  }
0x4: {  	_ = 	snop  }
0x5: {  	_ = 	snop  }
0x6: {  	_ = 	snop  }
0x7: {  	_ = 	snop  }
__scs_overlays_trampoline_lowered:
0x8: {  	[smem:$0x3FA2] =	sst s0  }
0x9: {  	[smem:$0x3FA3] =	sst s1  }
0xa: {  	[smem:$0x3FA4] =	sst s2  }
0xb: {  	[smem:$0x3FA5] =	sst s3  }
0xc: {  	[smem:$0x3FA6] =	sst s4  }
0xd: {  	[smem:$0x3FA7] =	sst s5  }
0xe: {  	[smem:$0x3FA8] =	sst s6  }
0xf: {  	[smem:$0x3FA9] =	sst s7  }
0x10: {  	[smem:$0x3FAA] =	sst s8  }
0x11: {  	[smem:$0x3FAB] =	sst s9;
	s0 =	simm.s32 @!p0 $0x0  }
0x12: {  	s1 =	sld [smem:$0x3F91];
	s0 =	simm.s32 @p0 $0x1  }
0x13: {  	[smem:$0x3FAC] =	sst s0;
	s0 =	simm.s32 @!p1 $0x0  }
0x14: {  	s2 =	sld [smem:$0x3F90];
	s0 =	simm.s32 @p1 $0x1  }
0x15: {  	[smem:$0x3FAD] =	sst s0;
	s0 =	simm.s32 @!p2 $0x0  }
0x16: {  	s3 =	sld [smem:$0x3FDB];
	s0 =	simm.s32 @p2 $0x1  }
0x17: {  	s4 =	simm.s32 $0x1BF5;
	[smem:$0x3FAF] =	sst s0  }
0x18: {  	s0 =	sld [smem:$0x3F92];
	_ =	swait.ge [sflag:s4], $0x0  }
0x19: {  	s7 =	sld [smem:$0x3F93]  }
0x1a: {  	s8 =	sadd.s32 $0xFFFFE003, lr  }
0x1b: {  	s9 =	sadd.s32 $0xFFFFFEF7, lr;
	s5 =	simm.s32 $0xFFFFFFFF;
	p2 =	slt.u32 s8, $0xFFFFF086  }
0x1c: {  	p1 =	slt.u32 s9, $0xF7A;
	s5 =	simm.s32 @!p2 $0x0  }
0x1d: {  	s5 =	simm.s32 @p1 $0x1;
	p0 =	seq.s32 s7, s2  }
0x1e: {  	s7 =	smul.u32 @!p0 $0xF7A, s2;
	p2 =	seq.s32 @!p0 s5, $0x0  }
0x1f: {  	s9 =	smul.u32 $0xF7A, s1;
	s8 =	simm.s32 @!p0 $0x1BF5;
	p2 =	por !p2, p0  }
0x20: {  	[sflag:s8] =	ssyncset.s32 @!p0 $0xFFFFF086;
	s6 =	sadd.s32 @!p0 s3, s7;
	s7 =	simm.s32 @!p0 $0x108  }
0x21: {  	s3 =	sadd.s32 s3, s9;
	s6 =	sadd.s32 @!p0 $0x88, s6;
	s7 =	simm.s32 @p2 $0x1082  }
0x22: {  	[simem:s7], [sflag:s8] =	dma.local @!p0 [hbm:s6], $0xF7A  }
0x23: {  	s9 =	sor.u32 $0xD0000000, s2;
	s6 =	simm.s32 $0x108;
	_ =	swait.ge @!p0 [sflag:s8], $0x0  }
0x24: {  	s3 =	sadd.s32 $0x88, s3;
	s6 =	simm.s32 @!p1 $0x1082;
	[sflag:s4] =	ssyncset.s32 $0xFFFFF086  }
0x25: {  	[simem:s6], [sflag:s4] =	dma.local [hbm:s3], $0xF7A  }
0x26: {  	[smem:$0x3F93] =	sst s1;
	(tag) =	ssettag s2;
	_ =	strace s9  }
0x27: {  	s1 =	sld [smem:$0x3FA3]  }
0x28: {  	s2 =	sld [smem:$0x3FA4]  }
0x29: {  	s4 =	sld [smem:$0x3FA6]  }
0x2a: {  	p0 =	seq.s32 s5, $0x0;
	s5 =	sld [smem:$0x3FA7]  }
0x2b: {  	s6 =	sld [smem:$0x3FA8]  }
0x2c: {  	s7 =	sld [smem:$0x3FA9]  }
0x2d: {  	s3 =	simm.s32 $0x108;
	s8 =	sld [smem:$0x3FAA]  }
0x2e: {  	s3 =	simm.s32 @!p0 $0x1082;
	s9 =	sld [smem:$0x3FAB]  }
0x2f: {  	lr =	sadd.s32 s0, s3;
	s0 =	sld [smem:$0x3FA2]  }
0x30: {  	s3 =	sld [smem:$0x3FA5]  }
0x31: {  	[smem:$0x3FAE] =	sst s10  }
0x32: {  	s10 =	sld [smem:$0x3FAC];
	_ =	sdelay $0x3  }
0x33: {  	p0 =	seq.s32 s10, $0x1;
	s10 =	sld [smem:$0x3FAE];
	_ =	sdelay $0x3  }
0x34: {  	[smem:$0x3FAE] =	sst s10  }
0x35: {  	s10 =	sld [smem:$0x3FAD];
	_ =	sdelay $0x3  }
0x36: {  	p1 =	seq.s32 s10, $0x1;
	s10 =	sld [smem:$0x3FAE];
	_ =	sdelay $0x3  }
0x37: {  	[smem:$0x3FAE] =	sst s10  }
0x38: {  	s10 =	sld [smem:$0x3FAF]  }
0x39: {  	_ = 	snop;
	(pc) =	sbr.ind lr, $3  }
0x3a: {  	_ = 	snop  }
0x3b: {  	_ = 	snop  }
0x3c: {  	p2 =	seq.s32 s10, $0x1;
	s10 =	sld [smem:$0x3FAE]  }
0x3d: {  	_ =	shalt  }
0x3e: {  	_ =	shalt  }
0x3f: {  	_ =	shalt  }
0x40: {  	_ =	shalt  }
0x41: {  	_ =	shalt  }
0x42: {  	_ =	shalt  }
0x43: {  	_ =	shalt  }
0x44: {  	_ =	shalt  }
0x45: {  	_ =	shalt  }
0x46: {  	_ =	shalt  }
0x47: {  	_ =	shalt  }
0x48: {  	_ =	shalt  }
0x49: {  	_ =	shalt  }
0x4a: {  	_ =	shalt  }
0x4b: {  	_ =	shalt  }
0x4c: {  	_ =	shalt  }
0x4d: {  	_ =	shalt  }
0x4e: {  	_ =	shalt  }
0x4f: {  	_ =	shalt  }
0x50: {  	_ =	shalt  }
0x51: {  	_ =	shalt  }
0x52: {  	_ =	shalt  }
0x53: {  	_ =	shalt  }
0x54: {  	_ =	shalt  }
0x55: {  	_ =	shalt  }
0x56: {  	_ =	shalt  }
0x57: {  	_ =	shalt  }
0x58: {  	_ =	shalt  }
0x59: {  	_ =	shalt  }
0x5a: {  	_ =	shalt  }
0x5b: {  	_ =	shalt  }
0x5c: {  	_ =	shalt  }
0x5d: {  	_ =	shalt  }
0x5e: {  	_ =	shalt  }
0x5f: {  	_ =	shalt  }
0x60: {  	_ =	shalt  }
0x61: {  	_ =	shalt  }
0x62: {  	_ =	shalt  }
0x63: {  	_ =	shalt  }
0x64: {  	_ =	shalt  }
0x65: {  	_ =	shalt  }
0x66: {  	_ =	shalt  }
0x67: {  	_ =	shalt  }
0x68: {  	_ =	shalt  }
0x69: {  	_ =	shalt  }
0x6a: {  	_ =	shalt  }
0x6b: {  	_ =	shalt  }
0x6c: {  	_ =	shalt  }
0x6d: {  	_ =	shalt  }
0x6e: {  	_ =	shalt  }
0x6f: {  	_ =	shalt  }
0x70: {  	_ =	shalt  }
0x71: {  	_ =	shalt  }
0x72: {  	_ =	shalt  }
0x73: {  	_ =	shalt  }
0x74: {  	_ =	shalt  }
0x75: {  	_ =	shalt  }
0x76: {  	_ =	shalt  }
0x77: {  	_ =	shalt  }
0x78: {  	_ =	shalt  }
0x79: {  	_ =	shalt  }
0x7a: {  	_ =	shalt  }
0x7b: {  	_ =	shalt  }
0x7c: {  	_ =	shalt  }
0x7d: {  	_ =	shalt  }
0x7e: {  	_ =	shalt  }
0x7f: {  	_ =	shalt  }
0x80: {  	_ =	shalt  }
0x81: {  	_ =	shalt  }
0x82: {  	_ =	shalt  }
0x83: {  	_ =	shalt  }
0x84: {  	_ =	shalt  }
0x85: {  	_ =	shalt  }
0x86: {  	_ =	shalt  }
0x87: {  	_ =	shalt  }
.Lfunc_end0:
.L_simem_size_0:
called_computation_lowered:
.L_overlay_start_0:
0x88: {  	s2 =	sld [smem:$0x3FD9]  }
0x89: {  	s3 =	sld [smem:$0x3FFE];
	_ =	sdelay $0x1  }
0x8a: {  	s1 =	srdreg.scid  }
0x8b: {  	s0 =	sand.u32 $0x1, s1  }
0x8c: {  	s15 =	sshll.u32 s0, $0xA;
	s2 =	sadd.s32 s3, s2  }
0x8d: {  	s2 =	sadd.s32 s2, s15  }
0x8e: {  	[smem:$0x3FBA] =	sst s2  }
0x8f: {  	_ = 	snop  }
0x90: {  	s2 =	sld [smem:$0x3FD0];
	_ =	sdelay $0x2  }
0x91: {  	s16 =	simm.s32 $0xB;
	s4 =	simm.s32 $0x10  }
0x92: {  	[smem:s4], [sflag:s16] =	dma.local [hbm:s2], $0x1  }
0x93: {  	_ =	swait.eq [sflag:s16], $0x1  }
0x94: {  	[sflag:s16] =	ssyncset.done $0x0  }
0x95: {  	[sflag:s16] =	ssyncadd.s32 $0xFFFFFFFF  }
0x96: {  	s17 =	sld [smem:$0x10];
	(tm) =	ssettm $0x1  }
0x97: {  	s18 =	sld [smem:$0x3FFB];
	_ =	sdelay $0x3  }
0x98: {  	_ =	strace s18  }
0x99: {  	s2 =	sld [smem:$0x3FFC];
	_ =	sdelay $0x3  }
0x9a: {  	_ =	strace s2  }
0x9b: {  	s2 =	sld [smem:$0x3FFD];
	_ =	sdelay $0x3  }
0x9c: {  	_ =	strace s2  }
0x9d: {  	_ =	strace $0x8FFFFFFF  }
0x9e: {  	s19 =	sld [smem:$0x3FDB];
	_ =	sdelay $0x1  }
0x9f: {  	s20 =	simm.s32 $_scs_section_size  }
0xa0: {  	s5 =	simm.s32 $_size__tile_overlayer_lowered;
	s6 =	simm.s32 $_tile_overlayer_lowered  }
0xa1: {  	s7 =	simm.s32 $0x1BFF;
	s21 =	sshll.u32 s6, $0x1;
	s4 =	sadd.s32 s20, s19  }
0xa2: {  	s22 =	simm.s32 $0x0;
	s5 =	sshll.u32 s5, $0x1;
	s6 =	sadd.s32 s21, s4  }
0xa3: {  	[timem:s22], [sflag:s7] =	dma.local [hbm:s6], s5  }
0xa4: {  	_ =	swait.ge [sflag:s7], s5  }
0xa5: {  	s5 =	ssub.s32 $0x0, s5;
	[sflag:s7] =	ssyncset.done $0x0  }
0xa6: {  	[sflag:s7] =	ssyncadd.s32 s5;
	_ =	sdelay $0x1  }
0xa7: {  	s23 =	simm.s32 $0x1B8B  }
0xa8: {  	_ =	swait.ge [sflag:s23], $0x1  }
0xa9: {  	[sflag:s23] =	ssyncset.done $0x0  }
0xaa: {  	[sflag:s23] =	ssyncadd.s32 $0xFFFFFFFF  }
0xab: {  	s5 =	sld [smem:$0x0]  }
0xac: {  	s6 =	sand.u32 $0xFFFFFFFE, s1  }
0xad: {  	p0 =	sne.s32 s1, s6  }
0xae: {  	s6 =	sshll.u32 @p0 s6, $0xE  }
0xaf: {  	s6 =	sadd.s32 @p0 $0x11B8D, s6;
	s7 =	sshll.u32 @p0 s5, $0x11  }
0xb0: {  	s6 =	sor.u32 @p0 s7, s6  }
0xb1: {  	[sflag:s6] =	ssyncadd.remote.s32 @p0 $0x1;
	_ =	sdelay $0x1  }
0xb2: {  	s6 =	simm.s32 @p0 $0x1B8D  }
0xb3: {  	_ =	swait.eq @p0 [sflag:s6], $0x1  }
0xb4: {  	[sflag:s6] =	ssyncadd.s32 @p0 $0xFFFFFFFF  }
0xb5: {  	s7 =	sshll.u32 @!p0 s1, $0xE  }
0xb6: {  	s7 =	sor.u32 @!p0 $0x4000, s7;
	s6 =	simm.s32 @!p0 $0x1B8D  }
0xb7: {  	s5 =	sshll.u32 @!p0 s5, $0x11;
	s7 =	sadd.s32 @!p0 $0x11B8D, s7;
	_ =	swait.eq @!p0 [sflag:s6], $0x1  }
0xb8: {  	s5 =	sor.u32 @!p0 s5, s7;
	[sflag:s6] =	ssyncadd.s32 @!p0 $0xFFFFFFFF  }
0xb9: {  	s25 =	simm.s32 $0x1B8E;
	s24 =	sld [smem:$0x3FFE];
	[sflag:s5] =	ssyncadd.remote.s32 @!p0 $0x1  }
0xba: {  	s26 =	simm.s32 $execute0_lowered;
	[smem:$0x3FD2] =	sst s25  }
0xbb: {  	s6 =	sshll.u32 s26, $0x1;
	_ =	strace $0x80000049;
	[dreg:$0x1] =	wrdreg $0xFFFFFFFF  }
0xbc: {  	s28 =	simm.s32 $_size_execute0_lowered;
	s4 =	sadd.s32 s4, s6;
	[dreg:$0x0] =	wrdreg $0x0  }
0xbd: {  	s6 =	sshll.u32 s28, $0x1;
	[dreg:$0x2] =	wrdreg s4  }
0xbe: {  	[dreg:$0x3] =	wrdreg s6  }
0xbf: {  	[dreg:$0x4] =	wrdreg $0xC0  }
0xc0: {  	_ =	task [dreg:s22], $0x5FFFF  }
0xc1: {  	[dreg:$0x1] =	wrdreg $0xFFFFFFFF  }
0xc2: {  	[dreg:$0x0] =	wrdreg $0x60  }
0xc3: {  	[dreg:$0x2] =	wrdreg s24  }
0xc4: {  	[dreg:$0x3] =	wrdreg s17  }
0xc5: {  	[dreg:$0x4] =	wrdreg $0x30400  }
0xc6: {  	[dreg:$0x5] =	wrdreg $0x9  }
0xc7: {  	_ =	task.clear_ibuf [dreg:s22], $0x6FFFF;
	_ =	strace $0x90000049  }
0xc8: {  	s29 =	simm.s32 $0x9;
	_ =	strace $0x8000004B  }
0xc9: {  	_ =	swait.ge [sflag:s29], $0x1  }
0xca: {  	[sflag:s29] =	ssyncadd.s32 $0xFFFFFFFF  }
0xcb: {  	_ =	strace $0x9000004B  }
0xcc: {  	_ =	sfence  }
0xcd: {  	s30 =	sld [smem:$0x0];
	_ =	sdelay $0x2  }
0xce: {  	s31 =	sshll.u32 s1, $0xD;
	s1 =	sshrl.u32 s1, $0x2  }
0xcf: {  	s4 =	sand.u32 $0x4000, s31;
	s1 =	sadd.s32 s1, s30  }
0xd0: {  	s0 =	sor.u32 s4, s0;
	s1 =	sshll.u32 s1, $0x11  }
0xd1: {  	s0 =	sor.u32 s1, s0  }
0xd2: {  	s0 =	sadd.s32 $0x8F2B, s0  }
0xd3: {  	[sflag:s0] =	ssyncadd.remote.s32 $0x1  }
0xd4: {  	_ =	sfence.sel $0xFFFF  }
0xd5: {  	[dreg:$0x0] =	wrdreg $0xFFFFFFFF;
	(pc) =	sbr.abs _section_cstart, $3  }
0xd6: {  	[dreg:$0x1] =	wrdreg $0xFFFFFFFF  }
0xd7: {  	_ =	task.clear_ibuf [dreg:s22], $0x2FFFF;
	_ =	strace $0x9FFFFFFF  }
0xd8: {  	(tm) =	ssettm $0x7FFFFFFF  }
0xd9: {  	_ =	shalt  }
tec
execute0_lowered:
.L_overlay_start_1:
0x0: {  	(tag) =	ssettag $0x1  }
0x1: {  	s0 =	srdreg.scid  }
0x2: {  	s16 =	stileid.u32;
	s4 =	rddreg [dreg:$0x0];
	s1 =	simm.s32 $0x0  }
0x3: {  	s2 =	sand.u32 $0x1, s0;
	s0 =	smul.u32 $0x13880, s16;
	[smem:$0x7FF] =	sst s1  }
0x4: {  	s5 =	sadd.s32 $0x162600, s4;
	s3 =	smul.u32 $0x138800, s2;
	s6 =	ssub.s32 $0x2, s2  }
0x5: {  	s7 =	sshll.u32 s2, $0x4;
	s2 =	smul.u32 $0x27800, s2;
	s9 =	sshrl.u32 s6, $0x1  }
0x6: {  	s7 =	sor.u32 s16, s7;
	s11 =	sadd.s32 $0x3E80, s0;
	s12 =	sadd.s32 $0x5DC0, s0  }
0x7: {  	s23 =	sadd.s32 $0x7D00, s0;
	s24 =	sadd.s32 $0x9C40, s0;
	s25 =	sadd.s32 $0xBB80, s0  }
0x8: {  	s26 =	sadd.s32 $0xDAC0, s0;
	s28 =	sadd.s32 $0xFA00, s0;
	s29 =	sadd.s32 $0x11940, s0  }
0x9: {  	s8 =	sadd.s32 s3, s0;
	s6 =	ssub.s32 s6, s9;
	s7 =	smul.u32 $0x2780, s7  }
0xa: {  	s10 =	sadd.s32 s3, s11;
	s21 =	sadd.s32 s3, s12;
	s22 =	sadd.s32 s3, s23  }
0xb: {  	s13 =	sadd.s32 s3, s24;
	s17 =	sadd.s32 s3, s25;
	s18 =	sadd.s32 s3, s26  }
0xc: {  	s8 =	sshrl.u32 s8, $0x3;
	s10 =	sshrl.u32 s10, $0x3;
	s14 =	sshrl.u32 s13, $0x3  }
0xd: {  	s13 =	rddreg [dreg:$0x2];
	s8 =	sadd.s32 s5, s8;
	s20 =	sadd.s32 s5, s10  }
0xe: {  	s10 =	sshrl.u32 s22, $0x3;
	s15 =	sadd.s32 s5, s14;
	s23 =	sadd.s32 s23, s13  }
0xf: {  	s24 =	sadd.s32 s24, s13;
	s25 =	sadd.s32 s25, s13;
	[dreg:$0x4] =	wrdreg s8  }
0x10: {  	s26 =	sadd.s32 s26, s13;
	s8 =	sadd.s32 $0x1F40, s0;
	[dreg:$0x6] =	wrdreg s20  }
0x11: {  	[dreg:$0x9] =	wrdreg s15;
	s20 =	sshrl.u32 s18, $0x3;
	s15 =	smul.u32 $0x2780, s16  }
0x12: {  	s18 =	smax.u32 s6, $0x1;
	s0 =	sadd.s32 s0, s13;
	s19 =	sadd.s32 s3, s8  }
0x13: {  	s9 =	sshrl.u32 s19, $0x3;
	s19 =	sadd.s32 s3, s28;
	s3 =	sadd.s32 s3, s29  }
0x14: {  	s2 =	sadd.s32 s15, s2;
	s15 =	sadd.s32 $0x51400, s4;
	s28 =	sadd.s32 s28, s13  }
0x15: {  	s29 =	sadd.s32 s29, s13;
	s9 =	sadd.s32 s5, s9;
	s3 =	sshrl.u32 s3, $0x3  }
0x16: {  	s30 =	sadd.s32 $0x100, s2;
	[dreg:$0x5] =	wrdreg s9;
	s9 =	sshrl.u32 s21, $0x3  }
0x17: {  	s21 =	sshrl.u32 s19, $0x3;
	s14 =	sadd.s32 s5, s3;
	s9 =	sadd.s32 s5, s9  }
0x18: {  	s22 =	sadd.s32 s5, s21;
	s21 =	sadd.s32 s11, s13;
	[dreg:$0x7] =	wrdreg s9  }
0x19: {  	s11 =	sshrl.u32 s0, $0x3;
	s9 =	sadd.s32 s5, s10;
	[dreg:$0xc] =	wrdreg s22  }
0x1a: {  	s0 =	simm.s32 $0x100;
	[dreg:$0x8] =	wrdreg s9;
	s9 =	sshrl.u32 s17, $0x3  }
0x1b: {  	s10 =	sshrl.u32 s7, $0x3;
	s22 =	sadd.s32 s12, s13;
	s9 =	sadd.s32 s5, s9  }
0x1c: {  	s12 =	sadd.s32 $0x80, s2;
	[dreg:$0xa] =	wrdreg s9;
	s9 =	sadd.s32 s5, s20  }
0x1d: {  	s2 =	simm.s32 $0x1100;
	[dreg:$0xb] =	wrdreg s9;
	s9 =	smul.u32 $0x4E200, s16  }
0x1e: {  	s17 =	sadd.s32 s15, s10;
	s20 =	sadd.s32 s8, s13;
	s5 =	simm.s32 $0x0  }
0x1f: {  	s16 =	sadd.s32 $0x5B200, s4;
	s4 =	simm.s32 $0x1;
	s3 =	sshrl.u32 s9, $0x2  }
0x20: {  	_ =	strace $0x8000004A;
	s19 =	sadd.s32 s3, s13;
	s3 =	sshrl.u32 s12, $0x3  }
0x21: {  	s12 =	simm.s32 $0x2;
	s31 =	sadd.s32 s3, s15;
	s3 =	simm.s32 $0x80  }
.LBB2_1:
0x22: {  	[tilespmem:s0], [sflag:$0x2] =	stream.linear.gather [hbm4b:s16+s1], $0x1000, $0x38;
	[tilespmem:$0x16940] =	vst v63  }
0x23: {  	_ =	swait.ge [sflag:s12], $0x1000  }
0x24: {  	[sflag:s12] =	ssyncset.done $0x0  }
0x25: {  	[sflag:s12] =	ssyncadd.s32 $0xFFFFF000  }
0x26: {  	s6 =	rddreg [dreg:$0x1]  }
0x27: {  	[tilespmem:s2], [sflag:$0x2] =	stream.linear.gather [hbm4b:s6+s1], $0x1F40, $0x38;
	[tilespmem:$0x16940] =	vst v63  }
0x28: {  	_ =	swait.ge [sflag:s12], $0x1F40  }
0x29: {  	[sflag:s12] =	ssyncset.done $0x0  }
0x2a: {  	[sflag:s12] =	ssyncadd.s32 $0xFFFFE0C0  }
0x2b: {  	[spmem:s19] =	stream.linear.scatter [tilespmem:s2], [sflag:$0x2], $0x1F40, $0x38;
	[tilespmem:$0x16940] =	vst v63  }
0x2c: {  	_ =	swait.ge [sflag:s12], $0x1F40  }
0x2d: {  	[sflag:s12] =	ssyncset.done $0x0  }
0x2e: {  	[sflag:s12] =	ssyncadd.s32 $0xFFFFE0C0  }
0x2f: {  	[spmem:s20] =	stream.linear.scatter [tilespmem:s2], [sflag:$0x2], $0x1F40, $0x38;
	[tilespmem:$0x16940] =	vst v63  }
0x30: {  	_ =	swait.ge [sflag:s12], $0x1F40  }
0x31: {  	[sflag:s12] =	ssyncset.done $0x0  }
0x32: {  	[sflag:s12] =	ssyncadd.s32 $0xFFFFE0C0  }
0x33: {  	[spmem:s21] =	stream.linear.scatter [tilespmem:s2], [sflag:$0x2], $0x1F40, $0x38;
	[tilespmem:$0x16940] =	vst v63  }
0x34: {  	_ =	swait.ge [sflag:s12], $0x1F40  }
0x35: {  	[sflag:s12] =	ssyncset.done $0x0  }
0x36: {  	[sflag:s12] =	ssyncadd.s32 $0xFFFFE0C0  }
0x37: {  	[spmem:s22] =	stream.linear.scatter [tilespmem:s2], [sflag:$0x2], $0x1F40, $0x38;
	[tilespmem:$0x16940] =	vst v63  }
0x38: {  	_ =	swait.ge [sflag:s12], $0x1F40  }
0x39: {  	[sflag:s12] =	ssyncset.done $0x0  }
0x3a: {  	[sflag:s12] =	ssyncadd.s32 $0xFFFFE0C0  }
0x3b: {  	[spmem:s23] =	stream.linear.scatter [tilespmem:s2], [sflag:$0x2], $0x1F40, $0x38;
	[tilespmem:$0x16940] =	vst v63  }
0x3c: {  	_ =	swait.ge [sflag:s12], $0x1F40  }
0x3d: {  	[sflag:s12] =	ssyncset.done $0x0  }
0x3e: {  	[sflag:s12] =	ssyncadd.s32 $0xFFFFE0C0  }
0x3f: {  	[spmem:s24] =	stream.linear.scatter [tilespmem:s2], [sflag:$0x2], $0x1F40, $0x38;
	[tilespmem:$0x16940] =	vst v63  }
0x40: {  	_ =	swait.ge [sflag:s12], $0x1F40  }
0x41: {  	[sflag:s12] =	ssyncset.done $0x0  }
0x42: {  	[sflag:s12] =	ssyncadd.s32 $0xFFFFE0C0  }
0x43: {  	[spmem:s25] =	stream.linear.scatter [tilespmem:s2], [sflag:$0x2], $0x1F40, $0x38;
	[tilespmem:$0x16940] =	vst v63  }
0x44: {  	_ =	swait.ge [sflag:s12], $0x1F40  }
0x45: {  	[sflag:s12] =	ssyncset.done $0x0  }
0x46: {  	[sflag:s12] =	ssyncadd.s32 $0xFFFFE0C0  }
0x47: {  	[spmem:s26] =	stream.linear.scatter [tilespmem:s2], [sflag:$0x2], $0x1F40, $0x38;
	[tilespmem:$0x16940] =	vst v63  }
0x48: {  	_ =	swait.ge [sflag:s12], $0x1F40  }
0x49: {  	[sflag:s12] =	ssyncset.done $0x0  }
0x4a: {  	[sflag:s12] =	ssyncadd.s32 $0xFFFFE0C0  }
0x4b: {  	[spmem:s28] =	stream.linear.scatter [tilespmem:s2], [sflag:$0x2], $0x1F40, $0x38;
	[tilespmem:$0x16940] =	vst v63  }
0x4c: {  	_ =	swait.ge [sflag:s12], $0x1F40  }
0x4d: {  	[sflag:s12] =	ssyncset.done $0x0  }
0x4e: {  	[sflag:s12] =	ssyncadd.s32 $0xFFFFE0C0  }
0x4f: {  	[spmem:s29] =	stream.linear.scatter [tilespmem:s2], [sflag:$0x2], $0x1F40, $0x38;
	[tilespmem:$0x16940] =	vst v63  }
0x50: {  	_ =	swait.ge [sflag:s12], $0x1F40  }
0x51: {  	[sflag:s12] =	ssyncset.done $0x0  }
0x52: {  	[sflag:s12] =	ssyncadd.s32 $0xFFFFE0C0  }
0x53: {  	[bflag:$0x0] =	sbarrier.arrive $0xFFFF  }
0x54: {  	[tilespmem:s1], [sflag:$0x2] =	stream.linear.gather [hbm4b:s17+s1], $0x80, $0x38;
	[tilespmem:$0x16940] =	vst v63  }
0x55: {  	_ =	swait.ge [sflag:s12], $0x80  }
0x56: {  	[sflag:s12] =	ssyncset.done $0x0  }
0x57: {  	s9 =	sadd.s32 $0x0, s31;
	[sflag:s12] =	ssyncadd.s32 $0xFFFFFF80  }
0x58: {  	[tilespmem:s3], [sflag:$0x1] =	stream.linear.gather [hbm4b:s9+s1], $0x80, $0x38;
	[tilespmem:$0x16940] =	vst v63  }
0x59: {  	_ = 	snop  }
0x5a: {  	[spmem:s13] =	stream.indirect.scatter.add.f32 [tilespmem:s0], [sflag:$0x2], $0x20, s1, s3, $0xb8;
	[tilespmem:$0x16940] =	vst v63  }
0x5b: {  	_ =	swait.ge [sflag:s12], $0x1000  }
0x5c: {  	[sflag:s12] =	ssyncset.done $0x0  }
0x5d: {  	[sflag:s12] =	ssyncadd.s32 $0xFFFFF000  }
0x5e: {  	_ =	swait.ge [sflag:s4], $0x80  }
0x5f: {  	s10 =	sshrl.u32 s30, $0x3;
	[sflag:s4] =	ssyncset.done $0x0  }
0x60: {  	s6 =	sadd.s32 s15, s10;
	[sflag:s4] =	ssyncadd.s32 $0xFFFFFF80  }
0x61: {  	[tilespmem:s1], [sflag:$0x1] =	stream.linear.gather [hbm4b:s6+s1], $0x80, $0x38;
	[tilespmem:$0x16940] =	vst v63  }
0x62: {  	_ = 	snop  }
0x63: {  	[spmem:s13] =	stream.indirect.scatter.add.f32 [tilespmem:s0], [sflag:$0x2], $0x20, s3, s3, $0xb8;
	[tilespmem:$0x16940] =	vst v63  }
0x64: {  	_ =	swait.ge [sflag:s12], $0x1000  }
0x65: {  	[sflag:s12] =	ssyncset.done $0x0  }
0x66: {  	[sflag:s12] =	ssyncadd.s32 $0xFFFFF000  }
0x67: {  	s7 =	simm.s32 $0x20;
	_ =	swait.ge [sflag:s4], $0x80  }
0x68: {  	s8 =	simm.s32 $0x40;
	s6 =	sadd.s32 $0x100, s30;
	[sflag:s4] =	ssyncset.done $0x0  }
.LBB2_2:
0x69: {  	s9 =	sadd.s32 s7, s31  }
0x6a: {  	[sflag:s4] =	ssyncadd.s32 $0xFFFFFF80;
	s7 =	smov.u32 s8;
	s10 =	sadd.s32 $0x20, s8  }
0x6b: {  	[tilespmem:s3], [sflag:$0x1] =	stream.linear.gather [hbm4b:s9+s1], $0x80, $0x38;
	[tilespmem:$0x16940] =	vst v63  }
0x6c: {  	p0 =	sne.s32 s8, $0x4C0  }
0x6d: {  	[spmem:s13] =	stream.indirect.scatter.add.f32 [tilespmem:s0], [sflag:$0x2], $0x20, s1, s3, $0xb8;
	[tilespmem:$0x16940] =	vst v63  }
0x6e: {  	_ =	swait.ge [sflag:s12], $0x1000  }
0x6f: {  	[sflag:s12] =	ssyncset.done $0x0  }
0x70: {  	[sflag:s12] =	ssyncadd.s32 $0xFFFFF000  }
0x71: {  	_ =	swait.ge [sflag:s4], $0x80  }
0x72: {  	s8 =	sshrl.u32 s6, $0x3;
	[sflag:s4] =	ssyncset.done $0x0  }
0x73: {  	s8 =	sadd.s32 s15, s8;
	[sflag:s4] =	ssyncadd.s32 $0xFFFFFF80  }
0x74: {  	[tilespmem:s1], [sflag:$0x1] =	stream.linear.gather [hbm4b:s8+s1], $0x80, $0x38;
	[tilespmem:$0x16940] =	vst v63  }
0x75: {  	_ = 	snop  }
0x76: {  	[spmem:s13] =	stream.indirect.scatter.add.f32 [tilespmem:s0], [sflag:$0x2], $0x20, s3, s3, $0xb8;
	[tilespmem:$0x16940] =	vst v63  }
.Ltmp0:
0x77: {  	_ =	swait.ge [sflag:s12], $0x1000;
	(pc) =	sbr.rel @p0 .LBB2_2-.Ltmp0, $4  }
0x78: {  	[sflag:s12] =	ssyncset.done $0x0  }
0x79: {  	[sflag:s12] =	ssyncadd.s32 $0xFFFFF000  }
0x7a: {  	_ =	swait.ge [sflag:s4], $0x80  }
0x7b: {  	s6 =	sadd.s32 $0x100, s6;
	s8 =	smov.u32 s10;
	[sflag:s4] =	ssyncset.done $0x0  }
0x7c: {  	s7 =	sadd.s32 s7, s31;
	[sflag:s4] =	ssyncadd.s32 $0xFFFFFF80  }
0x7d: {  	[tilespmem:s3], [sflag:$0x1] =	stream.linear.gather [hbm4b:s7+s1], $0x80, $0x38;
	[tilespmem:$0x16940] =	vst v63  }
0x7e: {  	_ = 	snop  }
0x7f: {  	[spmem:s13] =	stream.indirect.scatter.add.f32 [tilespmem:s0], [sflag:$0x2], $0x20, s1, s3, $0xb8;
	[tilespmem:$0x16940] =	vst v63  }
0x80: {  	_ =	swait.ge [sflag:s12], $0x1000  }
0x81: {  	[sflag:s12] =	ssyncset.done $0x0  }
0x82: {  	[sflag:s12] =	ssyncadd.s32 $0xFFFFF000  }
0x83: {  	_ =	swait.ge [sflag:s4], $0x80  }
0x84: {  	s6 =	sshrl.u32 s6, $0x3;
	[sflag:s4] =	ssyncset.done $0x0  }
0x85: {  	s6 =	sadd.s32 s15, s6;
	[sflag:s4] =	ssyncadd.s32 $0xFFFFFF80  }
0x86: {  	[tilespmem:s1], [sflag:$0x1] =	stream.linear.gather [hbm4b:s6+s1], $0x80, $0x38;
	[tilespmem:$0x16940] =	vst v63  }
0x87: {  	_ = 	snop  }
0x88: {  	[spmem:s13] =	stream.indirect.scatter.add.f32 [tilespmem:s0], [sflag:$0x2], $0x20, s3, s3, $0xb8;
	[tilespmem:$0x16940] =	vst v63  }
0x89: {  	_ =	swait.ge [sflag:s12], $0x1000  }
0x8a: {  	[sflag:s12] =	ssyncset.done $0x0  }
0x8b: {  	[sflag:s12] =	ssyncadd.s32 $0xFFFFF000  }
0x8c: {  	_ =	swait.ge [sflag:s4], $0x80  }
0x8d: {  	[sflag:s4] =	ssyncset.done $0x0  }
0x8e: {  	[sflag:s4] =	ssyncadd.s32 $0xFFFFFF80  }
0x8f: {  	[spmem:s13] =	stream.indirect.scatter.add.f32 [tilespmem:s0], [sflag:$0x2], $0x20, s1, s3, $0xb8;
	[tilespmem:$0x16940] =	vst v63  }
0x90: {  	_ =	swait.ge [sflag:s12], $0x1000  }
0x91: {  	[sflag:s12] =	ssyncset.done $0x0  }
0x92: {  	s8 =	stileid.u32;
	[sflag:s12] =	ssyncadd.s32 $0xFFFFF000  }
0x93: {  	s6 =	sshll.u32 s8, $0x6;
	[bflag:$0x0] =	sbarrier.arrive $0xFFFF  }
0x94: {  	s6 =	sor.u32 $0x1C02, s6;
	s9 =	rddreg [dreg:$0x4]  }
0x95: {  	[hbm:s9], [sflag:s6] =	dma.local [spmem:s11], $0x3E8  }
0x96: {  	_ =	swait.ge [sflag:s12], $0x3E8  }
0x97: {  	[sflag:s12] =	ssyncset.done $0x0  }
0x98: {  	s10 =	sshrl.u32 s20, $0x3;
	s8 =	rddreg [dreg:$0x5];
	[sflag:s12] =	ssyncadd.s32 $0xFFFFFC18  }
0x99: {  	[hbm:s8], [sflag:s6] =	dma.local [spmem:s10], $0x3E8  }
0x9a: {  	_ =	swait.ge [sflag:s12], $0x3E8  }
0x9b: {  	[sflag:s12] =	ssyncset.done $0x0  }
0x9c: {  	s9 =	sshrl.u32 s21, $0x3;
	s10 =	rddreg [dreg:$0x6];
	[sflag:s12] =	ssyncadd.s32 $0xFFFFFC18  }
0x9d: {  	[hbm:s10], [sflag:s6] =	dma.local [spmem:s9], $0x3E8  }
0x9e: {  	_ =	swait.ge [sflag:s12], $0x3E8  }
0x9f: {  	[sflag:s12] =	ssyncset.done $0x0  }
0xa0: {  	s9 =	sshrl.u32 s22, $0x3;
	s10 =	rddreg [dreg:$0x7];
	[sflag:s12] =	ssyncadd.s32 $0xFFFFFC18  }
0xa1: {  	[hbm:s10], [sflag:s6] =	dma.local [spmem:s9], $0x3E8  }
0xa2: {  	_ =	swait.ge [sflag:s12], $0x3E8  }
0xa3: {  	[sflag:s12] =	ssyncset.done $0x0  }
0xa4: {  	s9 =	sshrl.u32 s23, $0x3;
	s10 =	rddreg [dreg:$0x8];
	[sflag:s12] =	ssyncadd.s32 $0xFFFFFC18  }
0xa5: {  	[hbm:s10], [sflag:s6] =	dma.local [spmem:s9], $0x3E8  }
0xa6: {  	_ =	swait.ge [sflag:s12], $0x3E8  }
0xa7: {  	[sflag:s12] =	ssyncset.done $0x0  }
0xa8: {  	s9 =	sshrl.u32 s24, $0x3;
	s10 =	rddreg [dreg:$0x9];
	[sflag:s12] =	ssyncadd.s32 $0xFFFFFC18  }
0xa9: {  	[hbm:s10], [sflag:s6] =	dma.local [spmem:s9], $0x3E8  }
0xaa: {  	_ =	swait.ge [sflag:s12], $0x3E8  }
0xab: {  	[sflag:s12] =	ssyncset.done $0x0  }
0xac: {  	s9 =	sshrl.u32 s25, $0x3;
	s10 =	rddreg [dreg:$0xa];
	[sflag:s12] =	ssyncadd.s32 $0xFFFFFC18  }
0xad: {  	[hbm:s10], [sflag:s6] =	dma.local [spmem:s9], $0x3E8  }
0xae: {  	_ =	swait.ge [sflag:s12], $0x3E8  }
0xaf: {  	[sflag:s12] =	ssyncset.done $0x0  }
0xb0: {  	s9 =	sshrl.u32 s26, $0x3;
	s10 =	rddreg [dreg:$0xb];
	[sflag:s12] =	ssyncadd.s32 $0xFFFFFC18  }
0xb1: {  	[hbm:s10], [sflag:s6] =	dma.local [spmem:s9], $0x3E8  }
0xb2: {  	_ =	swait.ge [sflag:s12], $0x3E8  }
0xb3: {  	[sflag:s12] =	ssyncset.done $0x0  }
0xb4: {  	s8 =	sshrl.u32 s28, $0x3;
	s9 =	rddreg [dreg:$0xc];
	[sflag:s12] =	ssyncadd.s32 $0xFFFFFC18  }
0xb5: {  	[hbm:s9], [sflag:s6] =	dma.local [spmem:s8], $0x3E8  }
0xb6: {  	s5 =	sadd.s32 $0x1, s5;
	_ =	swait.ge [sflag:s12], $0x3E8  }
0xb7: {  	p0 =	sne.s32 s5, s18;
	[sflag:s12] =	ssyncset.done $0x0  }
.Ltmp1:
0xb8: {  	s10 =	sshrl.u32 s29, $0x3;
	[sflag:s12] =	ssyncadd.s32 $0xFFFFFC18;
	(pc) =	sbr.rel @p0 .LBB2_1-.Ltmp1, $4  }
0xb9: {  	[hbm:s14], [sflag:s6] =	dma.local [spmem:s10], $0x3E8  }
0xba: {  	_ =	swait.ge [sflag:s12], $0x3E8  }
0xbb: {  	[sflag:s12] =	ssyncset.done $0x0  }
0xbc: {  	[sflag:s12] =	ssyncadd.s32 $0xFFFFFC18  }
0xbd: {  	_ =	sfence.sel $0x180000  }
0xbe: {  	[bflag:$0x0] =	sbarrier.arrive $0xFFFF  }
0xbf: {  	_ =	strace $0x9000004A  }
0xc0: {  	s0 =	stileid.u32;
	[bflag:$0x2] =	sbarrier.arrive $0xFFFF  }
0xc1: {  	p0 =	sne.s32 s0, $0x0;
	s0 =	rddreg [dreg:$0x3]  }
0xc2: {  	s0 =	sadd.s32 @!p0 $0x100000, s0  }
0xc3: {  	[sflag:s0] =	ssyncadd.tile.s32 @!p0 $0x1;
	_ =	shalt  }
.Lfunc_end2:
_tile_overlayer_lowered:
.L_overlay_start_2:
0xc4: {  	(tag) =	ssettag $0x2  }
0xc5: {  	s0 =	rddreg [dreg:$0x0];
	s2 =	stileid.u32  }
0xc6: {  	s1 =	rddreg [dreg:$0x1];
	p0 =	sne.s32 s2, $0x0  }
0xc7: {  	s3 =	rddreg [dreg:$0x2];
	[bflag:$0x3] =	sbarrier.arrive $0xFFFF;
	s2 =	simm.s32 @!p0 $0x1C02  }
0xc8: {  	[timem:s3], [sflag:s2] =	dma.local @!p0 [hbm:s0], s1  }
0xc9: {  	s0 =	simm.s32 @!p0 $0x2  }
0xca: {  	_ =	swait.ge @!p0 [sflag:s0], s1  }
0xcb: {  	s1 =	ssub.s32 @!p0 $0x0, s1;
	[sflag:s0] =	ssyncset.done @!p0 $0x0  }
0xcc: {  	[sflag:s0] =	ssyncadd.s32 @!p0 s1  }
0xcd: {  	[bflag:$0x3] =	sbarrier.arrive $0xFFFF  }
0xce: {  	_ =	shalt  }

</sc_bundles>
